<compile_context>
chip_gen: v7x
topology: tpu7x:2x2x1
jax: 0.10.2.dev20260603
libtpu: 0.0.44.dev20260713+nightly
codegen_flags: <defaults>
</compile_context>

<pallas_src>
import functools

import jax
import jax.numpy as jnp
from jax import lax
from jax.experimental import pallas as pl
from jax.experimental.pallas import tpu as pltpu
from jax.experimental.pallas import tpu_sc as plsc

N_NODES = 10000
N_EDGES = 160000
D_FEAT = 256
D_EDGE = 16
D_HID = 512
D_OUT = 256

NC = 2
NS = 16
NW = NC * NS
B_PER_W = N_EDGES // NW
CHUNK = 40
NCHUNK = B_PER_W // CHUNK

FMIN = float(jnp.finfo(jnp.float32).min)


def _sc_gather(table, idx3, n_edges):
    D = table.shape[1]
    b_per_w = n_edges // NW
    nchunk = b_per_w // CHUNK
    mesh = plsc.VectorSubcoreMesh(core_axis_name="c", subcore_axis_name="s")

    NBUF = 4
    NGRP = (nchunk + NBUF - 1) // NBUF

    @functools.partial(
        pl.kernel,
        mesh=mesh,
        out_type=jax.ShapeDtypeStruct((n_edges, D), jnp.float32),
        scratch_types=[
            pltpu.VMEM((nchunk, CHUNK), jnp.int32),
            pltpu.VMEM((CHUNK, D), jnp.float32),
            pltpu.VMEM((CHUNK, D), jnp.float32),
            pltpu.VMEM((CHUNK, D), jnp.float32),
            pltpu.VMEM((CHUNK, D), jnp.float32),
            pltpu.SemaphoreType.DMA,
            pltpu.SemaphoreType.DMA,
            pltpu.SemaphoreType.DMA,
            pltpu.SemaphoreType.DMA,
        ],
    )
    def gather_k(table_hbm, idx_hbm, out_hbm, idx_v,
                 buf0, buf1, buf2, buf3, sem0, sem1, sem2, sem3):
        bufs = (buf0, buf1, buf2, buf3)
        sems = (sem0, sem1, sem2, sem3)
        wid = lax.axis_index("s") * NC + lax.axis_index("c")
        base = wid * b_per_w
        pltpu.sync_copy(idx_hbm.at[wid], idx_v)

        for b in range(NBUF):
            pltpu.async_copy(table_hbm.at[idx_v.at[b]], bufs[b], sems[b])

        def body(g, carry):
            for b in range(NBUF):
                c = g * NBUF + b

                @pl.when(c < nchunk)
                def _():
                    pltpu.make_async_copy(
                        out_hbm.at[pl.ds(0, CHUNK)], bufs[b], sems[b]).wait()
                    pltpu.sync_copy(
                        bufs[b], out_hbm.at[pl.ds(base + c * CHUNK, CHUNK)])

                @pl.when(c + NBUF < nchunk)
                def _():
                    pltpu.async_copy(
                        table_hbm.at[idx_v.at[c + NBUF]], bufs[b], sems[b])
            return carry

        lax.fori_loop(0, NGRP, body, 0)

    return gather_k(table, idx3)


def _mlp_body(g_ref, e_ref, w1a_ref, w1b_ref, b1_ref, w2_ref, b2_ref, o_ref):
    g16 = g_ref[...].astype(jnp.bfloat16)
    w1a16 = w1a_ref[...].astype(jnp.bfloat16)
    h = jnp.dot(g16, w1a16, preferred_element_type=jnp.float32)
    h = h + jnp.dot(e_ref[...], w1b_ref[...], preferred_element_type=jnp.float32)
    h = jnp.maximum(h + b1_ref[...], 0.0)
    o_ref[...] = jnp.dot(h.astype(jnp.bfloat16), w2_ref[...].astype(jnp.bfloat16),
                         preferred_element_type=jnp.float32) + b2_ref[...]


def _edge_mlp(gathered, edges, W1a, W1b, b1, W2, b2, n_edges):
    BLK = 640
    grid = (n_edges // BLK,)
    return pl.pallas_call(
        _mlp_body,
        grid=grid,
        in_specs=[
            pl.BlockSpec((BLK, D_FEAT), lambda i: (i, 0)),
            pl.BlockSpec((BLK, D_EDGE), lambda i: (i, 0)),
            pl.BlockSpec((D_FEAT, D_HID), lambda i: (0, 0)),
            pl.BlockSpec((D_EDGE, D_HID), lambda i: (0, 0)),
            pl.BlockSpec((1, D_HID), lambda i: (0, 0)),
            pl.BlockSpec((D_HID, D_OUT), lambda i: (0, 0)),
            pl.BlockSpec((1, D_OUT), lambda i: (0, 0)),
        ],
        out_specs=pl.BlockSpec((BLK, D_OUT), lambda i: (i, 0)),
        out_shape=jax.ShapeDtypeStruct((n_edges, D_OUT), jnp.float32),
    )(gathered, edges, W1a, W1b, b1, W2, b2)


def _smax_body(rec_ref, rows_ref, o_ref):
    EB = rows_ref.shape[0]
    U = 8

    @pl.when(pl.program_id(0) == 0)
    def _():
        o_ref[...] = jnp.full_like(o_ref[...], FMIN)

    def body(jj, carry):
        j = jj * U
        rows = [rows_ref[pl.ds(j + u, 1), :] for u in range(U)]
        for u in range(U):
            r = rec_ref[0, 0, j + u]
            o_ref[pl.ds(r, 1), :] = jnp.maximum(o_ref[pl.ds(r, 1), :], rows[u])
        return carry

    lax.fori_loop(0, EB // U, body, 0)


def _segment_max_tc(new_edges, receivers):
    EB = 256
    grid = (N_EDGES // EB,)
    rec3 = receivers.reshape(N_EDGES // EB, 1, EB)
    return pl.pallas_call(
        _smax_body,
        grid=grid,
        in_specs=[
            pl.BlockSpec((1, 1, EB), lambda i: (i, 0, 0), memory_space=pltpu.SMEM),
            pl.BlockSpec((EB, D_OUT), lambda i: (i, 0)),
        ],
        out_specs=pl.BlockSpec((N_NODES, D_OUT), lambda i: (0, 0)),
        out_shape=jax.ShapeDtypeStruct((N_NODES, D_OUT), jnp.float32),
    )(rec3, new_edges)


SPLIT = 5
EC = N_EDGES // SPLIT


def kernel(nodes, edges, senders, receivers, W1, b1, W2, b2):
    W1a, W1b = W1[:D_FEAT], W1[D_FEAT:]
    b1r, b2r = b1.reshape(1, D_HID), b2.reshape(1, D_OUT)
    outs = []
    for s in range(SPLIT):
        sl = slice(s * EC, (s + 1) * EC)
        idx3 = senders[sl].reshape(NW, EC // NW // CHUNK, CHUNK)
        g = _sc_gather(nodes, idx3, EC)
        outs.append(_edge_mlp(g, edges[sl], W1a, W1b, b1r, W2, b2r, EC))
    new_edges = jnp.concatenate(outs, axis=0)
    return _segment_max_tc(new_edges, receivers)

# --- scband reference (transcript-rebuilt; emitter-appended) ---
"""Pipeline reference for scband-point-net-29789893165641 (READ-ONLY COPY).

The authoritative reference and input builder live on the scoring server;
editing this copy changes nothing except your own understanding.
"""

import jax, jax.numpy as jnp
import numpy as np

N_NODES = 10000
N_EDGES = 160000
D_FEAT = 256
D_EDGE = 16
D_IN = D_FEAT + D_EDGE  # 272
D_HID = 512
D_OUT = 256


def setup_inputs(seed: int = 0) -> dict:
    key = jax.random.key(seed)
    k1, k2, k3, k4, k5, k6 = jax.random.split(key, 6)
    nodes = jax.random.normal(k1, (N_NODES, D_FEAT), dtype=jnp.float32)
    edges = jax.random.normal(k2, (N_EDGES, D_EDGE), dtype=jnp.float32)
    senders = jax.random.randint(k3, (N_EDGES,), 0, N_NODES, dtype=jnp.int32)
    receivers = jax.random.randint(k4, (N_EDGES,), 0, N_NODES, dtype=jnp.int32)
    # learned MLP parameters (2-layer MLP: Dense(512) + relu + Dense(256))
    W1 = jax.random.normal(k5, (D_IN, D_HID), dtype=jnp.float32) * (1.0 / np.sqrt(D_IN))
    b1 = jnp.zeros((D_HID,), dtype=jnp.float32)
    W2 = jax.random.normal(k6, (D_HID, D_OUT), dtype=jnp.float32) * (1.0 / np.sqrt(D_HID))
    b2 = jnp.zeros((D_OUT,), dtype=jnp.float32)
    return {"nodes": nodes, "edges": edges, "senders": senders, "receivers": receivers,
            "W1": W1, "b1": b1, "W2": W2, "b2": b2}


def reference(nodes, edges, senders, receivers, W1, b1, W2, b2):
    # jraph.GraphNetwork semantics:
    # update_edge_fn: edges' = mlp(concat([sent_attributes, edges], -1))  (no globals)
    sent_attributes = jnp.take(nodes, senders, axis=0)
    feat = jnp.concatenate([sent_attributes, edges], axis=-1)
    h = jax.nn.relu(feat @ W1 + b1)
    new_edges = h @ W2 + b2
    # aggregate_edges_for_nodes_fn = jraph.segment_max over receivers
    received = jax.ops.segment_max(new_edges, receivers, num_segments=nodes.shape[0])
    # update_node_fn: nodes' = nan_to_num(received_attributes)
    new_nodes = jnp.nan_to_num(received)
    return new_nodes

if __name__ == "__main__":
    import jax
    _d = setup_inputs()
    print(jax.jit(kernel)(*tuple(_d.values())))

</pallas_src>

<mosaic_0001>
#map = affine_map<(d0, d1) -> (0, 0)>
#map1 = affine_map<(d0, d1) -> (0, 0, 0)>
module attributes {stable_mosaic.version = 14 : i64} {
  func.func @gather_k(%arg0: i32, %arg1: i32, %arg2: memref<10000x256xf32, #tpu.memory_space<hbm>>, %arg3: memref<32x25x40xi32, #tpu.memory_space<hbm>>, %arg4: memref<32000x256xf32, #tpu.memory_space<hbm>>, %arg5: memref<25x40xi32, #tpu.memory_space<vmem>>, %arg6: memref<40x256xf32, #tpu.memory_space<vmem>>, %arg7: memref<40x256xf32, #tpu.memory_space<vmem>>, %arg8: memref<40x256xf32, #tpu.memory_space<vmem>>, %arg9: memref<40x256xf32, #tpu.memory_space<vmem>>, %arg10: memref<!tpu.dma_semaphore, #tpu.memory_space<semaphore_mem>>, %arg11: memref<!tpu.dma_semaphore, #tpu.memory_space<semaphore_mem>>, %arg12: memref<!tpu.dma_semaphore, #tpu.memory_space<semaphore_mem>>, %arg13: memref<!tpu.dma_semaphore, #tpu.memory_space<semaphore_mem>>) attributes {dimension_semantics = [#tpu.dimension_semantics<core_parallel>, #tpu.dimension_semantics<subcore_parallel>], iteration_bounds = array<i64: 2, 16>, scalar_prefetch = 0 : i64, scratch_operands = 9 : i64, tpu.core_type = #tpu.core_type<sc_vector_subcore>, window_params = [{transform_indices = #map}, {transform_indices = #map1}, {transform_indices = #map}]} {
    %mul3A = arith.constant 2 : i32
    %mul3A_0 = arith.muli %arg1, %mul3A : i32
    %add3A = arith.addi %mul3A_0, %arg0 : i32
    %mul3A_1 = arith.constant 1000 : i32
    %mul3A_2 = arith.muli %add3A, %mul3A_1 : i32
    "tpu.region"() ({
      %run_scoped3A = tpu.sem_alloc : memref<!tpu.dma_semaphore, #tpu.memory_space<semaphore_mem>>
      %dma_start3A_35 = arith.constant 0 : i32
      %dma_start3A_36 = arith.constant 0 : i32
      %dma_start3A_37 = tpu.memref_slice %arg3[%add3A, %dma_start3A_35, %dma_start3A_36] : memref<32x25x40xi32, #tpu.memory_space<hbm>> -> memref<1x25x40xi32, #tpu.memory_space<hbm>>
      %dma_start3A_38 = tpu.memref_squeeze %dma_start3A_37 : memref<1x25x40xi32, #tpu.memory_space<hbm>> -> memref<25x40xi32, #tpu.memory_space<hbm>>
      %dma_start3A_39 = arith.constant 0 : i32
      %dma_start3A_40 = arith.constant 0 : i32
      %dma_start3A_41 = tpu.memref_slice %arg3[%add3A, %dma_start3A_39, %dma_start3A_40] : memref<32x25x40xi32, #tpu.memory_space<hbm>> -> memref<1x25x40xi32, #tpu.memory_space<hbm>>
      %dma_start3A_42 = tpu.memref_squeeze %dma_start3A_41 : memref<1x25x40xi32, #tpu.memory_space<hbm>> -> memref<25x40xi32, #tpu.memory_space<hbm>>
      tpu.enqueue_dma source(%dma_start3A_42 : memref<25x40xi32, #tpu.memory_space<hbm>>) target(%arg5 : memref<25x40xi32, #tpu.memory_space<vmem>>) target_semaphore(%run_scoped3A : memref<!tpu.dma_semaphore, #tpu.memory_space<semaphore_mem>>)
      %dma_wait3A = arith.constant 0 : i32
      %dma_wait3A_43 = arith.constant 0 : i32
      %dma_wait3A_44 = tpu.memref_slice %arg3[%add3A, %dma_wait3A, %dma_wait3A_43] : memref<32x25x40xi32, #tpu.memory_space<hbm>> -> memref<1x25x40xi32, #tpu.memory_space<hbm>>
      %dma_wait3A_45 = tpu.memref_squeeze %dma_wait3A_44 : memref<1x25x40xi32, #tpu.memory_space<hbm>> -> memref<25x40xi32, #tpu.memory_space<hbm>>
      %dma_wait3A_46 = arith.constant 0 : i32
      %dma_wait3A_47 = arith.constant 0 : i32
      %dma_wait3A_48 = tpu.memref_slice %arg3[%add3A, %dma_wait3A_46, %dma_wait3A_47] : memref<32x25x40xi32, #tpu.memory_space<hbm>> -> memref<1x25x40xi32, #tpu.memory_space<hbm>>
      %dma_wait3A_49 = tpu.memref_squeeze %dma_wait3A_48 : memref<1x25x40xi32, #tpu.memory_space<hbm>> -> memref<25x40xi32, #tpu.memory_space<hbm>>
      tpu.wait_dma2 semaphore(%run_scoped3A : memref<!tpu.dma_semaphore, #tpu.memory_space<semaphore_mem>>) src(%dma_wait3A_49 : memref<25x40xi32, #tpu.memory_space<hbm>>) dst(%arg5 : memref<25x40xi32, #tpu.memory_space<vmem>>)
      tpu.yield
    }) : () -> ()
    %dma_start3A = arith.constant 0 : i32
    %dma_start3A_3 = arith.constant 0 : i32
    %dma_start3A_4 = tpu.memref_slice %arg5[%dma_start3A, %dma_start3A_3] : memref<25x40xi32, #tpu.memory_space<vmem>> -> memref<1x40xi32, #tpu.memory_space<vmem>>
    %dma_start3A_5 = tpu.memref_squeeze %dma_start3A_4 : memref<1x40xi32, #tpu.memory_space<vmem>> -> memref<40xi32, #tpu.memory_space<vmem>>
    %dma_start3A_6 = arith.constant 0 : i32
    %dma_start3A_7 = arith.constant 0 : i32
    %dma_start3A_8 = tpu.memref_slice %arg2[%dma_start3A_6, %dma_start3A_7] : memref<10000x256xf32, #tpu.memory_space<hbm>> -> memref<10000x256xf32, #tpu.memory_space<hbm>>
    tpu.enqueue_indirect_dma source(%dma_start3A_8 : memref<10000x256xf32, #tpu.memory_space<hbm>>) target(%arg6 : memref<40x256xf32, #tpu.memory_space<vmem>>) offsets(%dma_start3A_5 : memref<40xi32, #tpu.memory_space<vmem>>) semaphore(%arg10 : memref<!tpu.dma_semaphore, #tpu.memory_space<semaphore_mem>>)
    %dma_start3A_9 = arith.constant 1 : i32
    %dma_start3A_10 = arith.constant 0 : i32
    %dma_start3A_11 = tpu.memref_slice %arg5[%dma_start3A_9, %dma_start3A_10] : memref<25x40xi32, #tpu.memory_space<vmem>> -> memref<1x40xi32, #tpu.memory_space<vmem>>
    %dma_start3A_12 = tpu.memref_squeeze %dma_start3A_11 : memref<1x40xi32, #tpu.memory_space<vmem>> -> memref<40xi32, #tpu.memory_space<vmem>>
    %dma_start3A_13 = arith.constant 0 : i32
    %dma_start3A_14 = arith.constant 0 : i32
    %dma_start3A_15 = tpu.memref_slice %arg2[%dma_start3A_13, %dma_start3A_14] : memref<10000x256xf32, #tpu.memory_space<hbm>> -> memref<10000x256xf32, #tpu.memory_space<hbm>>
    tpu.enqueue_indirect_dma source(%dma_start3A_15 : memref<10000x256xf32, #tpu.memory_space<hbm>>) target(%arg7 : memref<40x256xf32, #tpu.memory_space<vmem>>) offsets(%dma_start3A_12 : memref<40xi32, #tpu.memory_space<vmem>>) semaphore(%arg11 : memref<!tpu.dma_semaphore, #tpu.memory_space<semaphore_mem>>)
    %dma_start3A_16 = arith.constant 2 : i32
    %dma_start3A_17 = arith.constant 0 : i32
    %dma_start3A_18 = tpu.memref_slice %arg5[%dma_start3A_16, %dma_start3A_17] : memref<25x40xi32, #tpu.memory_space<vmem>> -> memref<1x40xi32, #tpu.memory_space<vmem>>
    %dma_start3A_19 = tpu.memref_squeeze %dma_start3A_18 : memref<1x40xi32, #tpu.memory_space<vmem>> -> memref<40xi32, #tpu.memory_space<vmem>>
    %dma_start3A_20 = arith.constant 0 : i32
    %dma_start3A_21 = arith.constant 0 : i32
    %dma_start3A_22 = tpu.memref_slice %arg2[%dma_start3A_20, %dma_start3A_21] : memref<10000x256xf32, #tpu.memory_space<hbm>> -> memref<10000x256xf32, #tpu.memory_space<hbm>>
    tpu.enqueue_indirect_dma source(%dma_start3A_22 : memref<10000x256xf32, #tpu.memory_space<hbm>>) target(%arg8 : memref<40x256xf32, #tpu.memory_space<vmem>>) offsets(%dma_start3A_19 : memref<40xi32, #tpu.memory_space<vmem>>) semaphore(%arg12 : memref<!tpu.dma_semaphore, #tpu.memory_space<semaphore_mem>>)
    %dma_start3A_23 = arith.constant 3 : i32
    %dma_start3A_24 = arith.constant 0 : i32
    %dma_start3A_25 = tpu.memref_slice %arg5[%dma_start3A_23, %dma_start3A_24] : memref<25x40xi32, #tpu.memory_space<vmem>> -> memref<1x40xi32, #tpu.memory_space<vmem>>
    %dma_start3A_26 = tpu.memref_squeeze %dma_start3A_25 : memref<1x40xi32, #tpu.memory_space<vmem>> -> memref<40xi32, #tpu.memory_space<vmem>>
    %dma_start3A_27 = arith.constant 0 : i32
    %dma_start3A_28 = arith.constant 0 : i32
    %dma_start3A_29 = tpu.memref_slice %arg2[%dma_start3A_27, %dma_start3A_28] : memref<10000x256xf32, #tpu.memory_space<hbm>> -> memref<10000x256xf32, #tpu.memory_space<hbm>>
    tpu.enqueue_indirect_dma source(%dma_start3A_29 : memref<10000x256xf32, #tpu.memory_space<hbm>>) target(%arg9 : memref<40x256xf32, #tpu.memory_space<vmem>>) offsets(%dma_start3A_26 : memref<40xi32, #tpu.memory_space<vmem>>) semaphore(%arg13 : memref<!tpu.dma_semaphore, #tpu.memory_space<semaphore_mem>>)
    %scan3A = arith.constant 0 : i32
    %scan3A_30 = arith.constant 0 : i32
    %scan3A_31 = arith.constant 7 : i32
    %scan3A_32 = arith.addi %scan3A_30, %scan3A_31 : i32
    %scan3A_33 = arith.constant 1 : i32
    scf.for %scan3A_35 = %scan3A_30 to %scan3A_32 step %scan3A_33  : i32 {
      %mul3A_36 = arith.constant 4 : i32
      %mul3A_37 = arith.muli %scan3A_35, %mul3A_36 : i32
      %add3A_38 = arith.constant 0 : i32
      %add3A_39 = arith.addi %mul3A_37, %add3A_38 : i32
      %lt3A = arith.constant 25 : i32
      %lt3A_40 = arith.cmpi slt, %add3A_39, %lt3A : i32
      %convert_element_type3A = arith.extui %lt3A_40 : i1 to i32
      %cond3A = arith.constant 0 : i32
      %cond3A_41 = arith.cmpi ne, %convert_element_type3A, %cond3A : i32
      scf.if %cond3A_41 {
        %dma_wait3A = arith.constant 0 : i32
        %dma_wait3A_97 = arith.constant 0 : i32
        %dma_wait3A_98 = tpu.memref_slice %arg4[%dma_wait3A, %dma_wait3A_97] : memref<32000x256xf32, #tpu.memory_space<hbm>> -> memref<40x256xf32, #tpu.memory_space<hbm>>
        %dma_wait3A_99 = arith.constant 0 : i32
        %dma_wait3A_100 = arith.constant 0 : i32
        %dma_wait3A_101 = tpu.memref_slice %arg4[%dma_wait3A_99, %dma_wait3A_100] : memref<32000x256xf32, #tpu.memory_space<hbm>> -> memref<40x256xf32, #tpu.memory_space<hbm>>
        tpu.wait_dma2 semaphore(%arg10 : memref<!tpu.dma_semaphore, #tpu.memory_space<semaphore_mem>>) src(%dma_wait3A_101 : memref<40x256xf32, #tpu.memory_space<hbm>>) dst(%arg6 : memref<40x256xf32, #tpu.memory_space<vmem>>)
        %mul3A_102 = arith.constant 40 : i32
        %mul3A_103 = arith.muli %add3A_39, %mul3A_102 : i32
        %add3A_104 = arith.addi %mul3A_2, %mul3A_103 : i32
        "tpu.region"() ({
          %run_scoped3A = tpu.sem_alloc : memref<!tpu.dma_semaphore, #tpu.memory_space<semaphore_mem>>
          %dma_start3A_105 = arith.constant 0 : i32
          %dma_start3A_106 = tpu.memref_slice %arg4[%add3A_104, %dma_start3A_105] : memref<32000x256xf32, #tpu.memory_space<hbm>> -> memref<40x256xf32, #tpu.memory_space<hbm>>
          %dma_start3A_107 = arith.constant 0 : i32
          %dma_start3A_108 = tpu.memref_slice %arg4[%add3A_104, %dma_start3A_107] : memref<32000x256xf32, #tpu.memory_space<hbm>> -> memref<40x256xf32, #tpu.memory_space<hbm>>
          tpu.enqueue_dma source(%arg6 : memref<40x256xf32, #tpu.memory_space<vmem>>) target(%dma_start3A_108 : memref<40x256xf32, #tpu.memory_space<hbm>>) target_semaphore(%run_scoped3A : memref<!tpu.dma_semaphore, #tpu.memory_space<semaphore_mem>>)
          %dma_wait3A_109 = arith.constant 0 : i32
          %dma_wait3A_110 = tpu.memref_slice %arg4[%add3A_104, %dma_wait3A_109] : memref<32000x256xf32, #tpu.memory_space<hbm>> -> memref<40x256xf32, #tpu.memory_space<hbm>>
          %dma_wait3A_111 = arith.constant 0 : i32
          %dma_wait3A_112 = tpu.memref_slice %arg4[%add3A_104, %dma_wait3A_111] : memref<32000x256xf32, #tpu.memory_space<hbm>> -> memref<40x256xf32, #tpu.memory_space<hbm>>
          tpu.wait_dma2 semaphore(%run_scoped3A : memref<!tpu.dma_semaphore, #tpu.memory_space<semaphore_mem>>) src(%arg6 : memref<40x256xf32, #tpu.memory_space<vmem>>) dst(%dma_wait3A_112 : memref<40x256xf32, #tpu.memory_space<hbm>>)
          tpu.yield
        }) : () -> ()
      } else {
      }
      %add3A_42 = arith.constant 4 : i32
      %add3A_43 = arith.addi %add3A_39, %add3A_42 : i32
      %lt3A_44 = arith.constant 25 : i32
      %lt3A_45 = arith.cmpi slt, %add3A_43, %lt3A_44 : i32
      %convert_element_type3A_46 = arith.extui %lt3A_45 : i1 to i32
      %cond3A_47 = arith.constant 0 : i32
      %cond3A_48 = arith.cmpi ne, %convert_element_type3A_46, %cond3A_47 : i32
      scf.if %cond3A_48 {
        %add3A_97 = arith.constant 4 : i32
        %add3A_98 = arith.addi %add3A_39, %add3A_97 : i32
        %dma_start3A_99 = arith.constant 0 : i32
        %dma_start3A_100 = tpu.memref_slice %arg5[%add3A_98, %dma_start3A_99] : memref<25x40xi32, #tpu.memory_space<vmem>> -> memref<1x40xi32, #tpu.memory_space<vmem>>
        %dma_start3A_101 = tpu.memref_squeeze %dma_start3A_100 : memref<1x40xi32, #tpu.memory_space<vmem>> -> memref<40xi32, #tpu.memory_space<vmem>>
        %dma_start3A_102 = arith.constant 0 : i32
        %dma_start3A_103 = arith.constant 0 : i32
        %dma_start3A_104 = tpu.memref_slice %arg2[%dma_start3A_102, %dma_start3A_103] : memref<10000x256xf32, #tpu.memory_space<hbm>> -> memref<10000x256xf32, #tpu.memory_space<hbm>>
        tpu.enqueue_indirect_dma source(%dma_start3A_104 : memref<10000x256xf32, #tpu.memory_space<hbm>>) target(%arg6 : memref<40x256xf32, #tpu.memory_space<vmem>>) offsets(%dma_start3A_101 : memref<40xi32, #tpu.memory_space<vmem>>) semaphore(%arg10 : memref<!tpu.dma_semaphore, #tpu.memory_space<semaphore_mem>>)
      } else {
      }
      %mul3A_49 = arith.constant 4 : i32
      %mul3A_50 = arith.muli %scan3A_35, %mul3A_49 : i32
      %add3A_51 = arith.constant 1 : i32
      %add3A_52 = arith.addi %mul3A_50, %add3A_51 : i32
      %lt3A_53 = arith.constant 25 : i32
      %lt3A_54 = arith.cmpi slt, %add3A_52, %lt3A_53 : i32
      %convert_element_type3A_55 = arith.extui %lt3A_54 : i1 to i32
      %cond3A_56 = arith.constant 0 : i32
      %cond3A_57 = arith.cmpi ne, %convert_element_type3A_55, %cond3A_56 : i32
      scf.if %cond3A_57 {
        %dma_wait3A = arith.constant 0 : i32
        %dma_wait3A_97 = arith.constant 0 : i32
        %dma_wait3A_98 = tpu.memref_slice %arg4[%dma_wait3A, %dma_wait3A_97] : memref<32000x256xf32, #tpu.memory_space<hbm>> -> memref<40x256xf32, #tpu.memory_space<hbm>>
        %dma_wait3A_99 = arith.constant 0 : i32
        %dma_wait3A_100 = arith.constant 0 : i32
        %dma_wait3A_101 = tpu.memref_slice %arg4[%dma_wait3A_99, %dma_wait3A_100] : memref<32000x256xf32, #tpu.memory_space<hbm>> -> memref<40x256xf32, #tpu.memory_space<hbm>>
        tpu.wait_dma2 semaphore(%arg11 : memref<!tpu.dma_semaphore, #tpu.memory_space<semaphore_mem>>) src(%dma_wait3A_101 : memref<40x256xf32, #tpu.memory_space<hbm>>) dst(%arg7 : memref<40x256xf32, #tpu.memory_space<vmem>>)
        %mul3A_102 = arith.constant 40 : i32
        %mul3A_103 = arith.muli %add3A_52, %mul3A_102 : i32
        %add3A_104 = arith.addi %mul3A_2, %mul3A_103 : i32
        "tpu.region"() ({
          %run_scoped3A = tpu.sem_alloc : memref<!tpu.dma_semaphore, #tpu.memory_space<semaphore_mem>>
          %dma_start3A_105 = arith.constant 0 : i32
          %dma_start3A_106 = tpu.memref_slice %arg4[%add3A_104, %dma_start3A_105] : memref<32000x256xf32, #tpu.memory_space<hbm>> -> memref<40x256xf32, #tpu.memory_space<hbm>>
          %dma_start3A_107 = arith.constant 0 : i32
          %dma_start3A_108 = tpu.memref_slice %arg4[%add3A_104, %dma_start3A_107] : memref<32000x256xf32, #tpu.memory_space<hbm>> -> memref<40x256xf32, #tpu.memory_space<hbm>>
          tpu.enqueue_dma source(%arg7 : memref<40x256xf32, #tpu.memory_space<vmem>>) target(%dma_start3A_108 : memref<40x256xf32, #tpu.memory_space<hbm>>) target_semaphore(%run_scoped3A : memref<!tpu.dma_semaphore, #tpu.memory_space<semaphore_mem>>)
          %dma_wait3A_109 = arith.constant 0 : i32
          %dma_wait3A_110 = tpu.memref_slice %arg4[%add3A_104, %dma_wait3A_109] : memref<32000x256xf32, #tpu.memory_space<hbm>> -> memref<40x256xf32, #tpu.memory_space<hbm>>
          %dma_wait3A_111 = arith.constant 0 : i32
          %dma_wait3A_112 = tpu.memref_slice %arg4[%add3A_104, %dma_wait3A_111] : memref<32000x256xf32, #tpu.memory_space<hbm>> -> memref<40x256xf32, #tpu.memory_space<hbm>>
          tpu.wait_dma2 semaphore(%run_scoped3A : memref<!tpu.dma_semaphore, #tpu.memory_space<semaphore_mem>>) src(%arg7 : memref<40x256xf32, #tpu.memory_space<vmem>>) dst(%dma_wait3A_112 : memref<40x256xf32, #tpu.memory_space<hbm>>)
          tpu.yield
        }) : () -> ()
      } else {
      }
      %add3A_58 = arith.constant 4 : i32
      %add3A_59 = arith.addi %add3A_52, %add3A_58 : i32
      %lt3A_60 = arith.constant 25 : i32
      %lt3A_61 = arith.cmpi slt, %add3A_59, %lt3A_60 : i32
      %convert_element_type3A_62 = arith.extui %lt3A_61 : i1 to i32
      %cond3A_63 = arith.constant 0 : i32
      %cond3A_64 = arith.cmpi ne, %convert_element_type3A_62, %cond3A_63 : i32
      scf.if %cond3A_64 {
        %add3A_97 = arith.constant 4 : i32
        %add3A_98 = arith.addi %add3A_52, %add3A_97 : i32
        %dma_start3A_99 = arith.constant 0 : i32
        %dma_start3A_100 = tpu.memref_slice %arg5[%add3A_98, %dma_start3A_99] : memref<25x40xi32, #tpu.memory_space<vmem>> -> memref<1x40xi32, #tpu.memory_space<vmem>>
        %dma_start3A_101 = tpu.memref_squeeze %dma_start3A_100 : memref<1x40xi32, #tpu.memory_space<vmem>> -> memref<40xi32, #tpu.memory_space<vmem>>
        %dma_start3A_102 = arith.constant 0 : i32
        %dma_start3A_103 = arith.constant 0 : i32
        %dma_start3A_104 = tpu.memref_slice %arg2[%dma_start3A_102, %dma_start3A_103] : memref<10000x256xf32, #tpu.memory_space<hbm>> -> memref<10000x256xf32, #tpu.memory_space<hbm>>
        tpu.enqueue_indirect_dma source(%dma_start3A_104 : memref<10000x256xf32, #tpu.memory_space<hbm>>) target(%arg7 : memref<40x256xf32, #tpu.memory_space<vmem>>) offsets(%dma_start3A_101 : memref<40xi32, #tpu.memory_space<vmem>>) semaphore(%arg11 : memref<!tpu.dma_semaphore, #tpu.memory_space<semaphore_mem>>)
      } else {
      }
      %mul3A_65 = arith.constant 4 : i32
      %mul3A_66 = arith.muli %scan3A_35, %mul3A_65 : i32
      %add3A_67 = arith.constant 2 : i32
      %add3A_68 = arith.addi %mul3A_66, %add3A_67 : i32
      %lt3A_69 = arith.constant 25 : i32
      %lt3A_70 = arith.cmpi slt, %add3A_68, %lt3A_69 : i32
      %convert_element_type3A_71 = arith.extui %lt3A_70 : i1 to i32
      %cond3A_72 = arith.constant 0 : i32
      %cond3A_73 = arith.cmpi ne, %convert_element_type3A_71, %cond3A_72 : i32
      scf.if %cond3A_73 {
        %dma_wait3A = arith.constant 0 : i32
        %dma_wait3A_97 = arith.constant 0 : i32
        %dma_wait3A_98 = tpu.memref_slice %arg4[%dma_wait3A, %dma_wait3A_97] : memref<32000x256xf32, #tpu.memory_space<hbm>> -> memref<40x256xf32, #tpu.memory_space<hbm>>
        %dma_wait3A_99 = arith.constant 0 : i32
        %dma_wait3A_100 = arith.constant 0 : i32
        %dma_wait3A_101 = tpu.memref_slice %arg4[%dma_wait3A_99, %dma_wait3A_100] : memref<32000x256xf32, #tpu.memory_space<hbm>> -> memref<40x256xf32, #tpu.memory_space<hbm>>
        tpu.wait_dma2 semaphore(%arg12 : memref<!tpu.dma_semaphore, #tpu.memory_space<semaphore_mem>>) src(%dma_wait3A_101 : memref<40x256xf32, #tpu.memory_space<hbm>>) dst(%arg8 : memref<40x256xf32, #tpu.memory_space<vmem>>)
        %mul3A_102 = arith.constant 40 : i32
        %mul3A_103 = arith.muli %add3A_68, %mul3A_102 : i32
        %add3A_104 = arith.addi %mul3A_2, %mul3A_103 : i32
        "tpu.region"() ({
          %run_scoped3A = tpu.sem_alloc : memref<!tpu.dma_semaphore, #tpu.memory_space<semaphore_mem>>
          %dma_start3A_105 = arith.constant 0 : i32
          %dma_start3A_106 = tpu.memref_slice %arg4[%add3A_104, %dma_start3A_105] : memref<32000x256xf32, #tpu.memory_space<hbm>> -> memref<40x256xf32, #tpu.memory_space<hbm>>
          %dma_start3A_107 = arith.constant 0 : i32
          %dma_start3A_108 = tpu.memref_slice %arg4[%add3A_104, %dma_start3A_107] : memref<32000x256xf32, #tpu.memory_space<hbm>> -> memref<40x256xf32, #tpu.memory_space<hbm>>
          tpu.enqueue_dma source(%arg8 : memref<40x256xf32, #tpu.memory_space<vmem>>) target(%dma_start3A_108 : memref<40x256xf32, #tpu.memory_space<hbm>>) target_semaphore(%run_scoped3A : memref<!tpu.dma_semaphore, #tpu.memory_space<semaphore_mem>>)
          %dma_wait3A_109 = arith.constant 0 : i32
          %dma_wait3A_110 = tpu.memref_slice %arg4[%add3A_104, %dma_wait3A_109] : memref<32000x256xf32, #tpu.memory_space<hbm>> -> memref<40x256xf32, #tpu.memory_space<hbm>>
          %dma_wait3A_111 = arith.constant 0 : i32
          %dma_wait3A_112 = tpu.memref_slice %arg4[%add3A_104, %dma_wait3A_111] : memref<32000x256xf32, #tpu.memory_space<hbm>> -> memref<40x256xf32, #tpu.memory_space<hbm>>
          tpu.wait_dma2 semaphore(%run_scoped3A : memref<!tpu.dma_semaphore, #tpu.memory_space<semaphore_mem>>) src(%arg8 : memref<40x256xf32, #tpu.memory_space<vmem>>) dst(%dma_wait3A_112 : memref<40x256xf32, #tpu.memory_space<hbm>>)
          tpu.yield
        }) : () -> ()
      } else {
      }
      %add3A_74 = arith.constant 4 : i32
      %add3A_75 = arith.addi %add3A_68, %add3A_74 : i32
      %lt3A_76 = arith.constant 25 : i32
      %lt3A_77 = arith.cmpi slt, %add3A_75, %lt3A_76 : i32
      %convert_element_type3A_78 = arith.extui %lt3A_77 : i1 to i32
      %cond3A_79 = arith.constant 0 : i32
      %cond3A_80 = arith.cmpi ne, %convert_element_type3A_78, %cond3A_79 : i32
      scf.if %cond3A_80 {
        %add3A_97 = arith.constant 4 : i32
        %add3A_98 = arith.addi %add3A_68, %add3A_97 : i32
        %dma_start3A_99 = arith.constant 0 : i32
        %dma_start3A_100 = tpu.memref_slice %arg5[%add3A_98, %dma_start3A_99] : memref<25x40xi32, #tpu.memory_space<vmem>> -> memref<1x40xi32, #tpu.memory_space<vmem>>
        %dma_start3A_101 = tpu.memref_squeeze %dma_start3A_100 : memref<1x40xi32, #tpu.memory_space<vmem>> -> memref<40xi32, #tpu.memory_space<vmem>>
        %dma_start3A_102 = arith.constant 0 : i32
        %dma_start3A_103 = arith.constant 0 : i32
        %dma_start3A_104 = tpu.memref_slice %arg2[%dma_start3A_102, %dma_start3A_103] : memref<10000x256xf32, #tpu.memory_space<hbm>> -> memref<10000x256xf32, #tpu.memory_space<hbm>>
        tpu.enqueue_indirect_dma source(%dma_start3A_104 : memref<10000x256xf32, #tpu.memory_space<hbm>>) target(%arg8 : memref<40x256xf32, #tpu.memory_space<vmem>>) offsets(%dma_start3A_101 : memref<40xi32, #tpu.memory_space<vmem>>) semaphore(%arg12 : memref<!tpu.dma_semaphore, #tpu.memory_space<semaphore_mem>>)
      } else {
      }
      %mul3A_81 = arith.constant 4 : i32
      %mul3A_82 = arith.muli %scan3A_35, %mul3A_81 : i32
      %add3A_83 = arith.constant 3 : i32
      %add3A_84 = arith.addi %mul3A_82, %add3A_83 : i32
      %lt3A_85 = arith.constant 25 : i32
      %lt3A_86 = arith.cmpi slt, %add3A_84, %lt3A_85 : i32
      %convert_element_type3A_87 = arith.extui %lt3A_86 : i1 to i32
      %cond3A_88 = arith.constant 0 : i32
      %cond3A_89 = arith.cmpi ne, %convert_element_type3A_87, %cond3A_88 : i32
      scf.if %cond3A_89 {
        %dma_wait3A = arith.constant 0 : i32
        %dma_wait3A_97 = arith.constant 0 : i32
        %dma_wait3A_98 = tpu.memref_slice %arg4[%dma_wait3A, %dma_wait3A_97] : memref<32000x256xf32, #tpu.memory_space<hbm>> -> memref<40x256xf32, #tpu.memory_space<hbm>>
        %dma_wait3A_99 = arith.constant 0 : i32
        %dma_wait3A_100 = arith.constant 0 : i32
        %dma_wait3A_101 = tpu.memref_slice %arg4[%dma_wait3A_99, %dma_wait3A_100] : memref<32000x256xf32, #tpu.memory_space<hbm>> -> memref<40x256xf32, #tpu.memory_space<hbm>>
        tpu.wait_dma2 semaphore(%arg13 : memref<!tpu.dma_semaphore, #tpu.memory_space<semaphore_mem>>) src(%dma_wait3A_101 : memref<40x256xf32, #tpu.memory_space<hbm>>) dst(%arg9 : memref<40x256xf32, #tpu.memory_space<vmem>>)
        %mul3A_102 = arith.constant 40 : i32
        %mul3A_103 = arith.muli %add3A_84, %mul3A_102 : i32
        %add3A_104 = arith.addi %mul3A_2, %mul3A_103 : i32
        "tpu.region"() ({
          %run_scoped3A = tpu.sem_alloc : memref<!tpu.dma_semaphore, #tpu.memory_space<semaphore_mem>>
          %dma_start3A_105 = arith.constant 0 : i32
          %dma_start3A_106 = tpu.memref_slice %arg4[%add3A_104, %dma_start3A_105] : memref<32000x256xf32, #tpu.memory_space<hbm>> -> memref<40x256xf32, #tpu.memory_space<hbm>>
          %dma_start3A_107 = arith.constant 0 : i32
          %dma_start3A_108 = tpu.memref_slice %arg4[%add3A_104, %dma_start3A_107] : memref<32000x256xf32, #tpu.memory_space<hbm>> -> memref<40x256xf32, #tpu.memory_space<hbm>>
          tpu.enqueue_dma source(%arg9 : memref<40x256xf32, #tpu.memory_space<vmem>>) target(%dma_start3A_108 : memref<40x256xf32, #tpu.memory_space<hbm>>) target_semaphore(%run_scoped3A : memref<!tpu.dma_semaphore, #tpu.memory_space<semaphore_mem>>)
          %dma_wait3A_109 = arith.constant 0 : i32
          %dma_wait3A_110 = tpu.memref_slice %arg4[%add3A_104, %dma_wait3A_109] : memref<32000x256xf32, #tpu.memory_space<hbm>> -> memref<40x256xf32, #tpu.memory_space<hbm>>
          %dma_wait3A_111 = arith.constant 0 : i32
          %dma_wait3A_112 = tpu.memref_slice %arg4[%add3A_104, %dma_wait3A_111] : memref<32000x256xf32, #tpu.memory_space<hbm>> -> memref<40x256xf32, #tpu.memory_space<hbm>>
          tpu.wait_dma2 semaphore(%run_scoped3A : memref<!tpu.dma_semaphore, #tpu.memory_space<semaphore_mem>>) src(%arg9 : memref<40x256xf32, #tpu.memory_space<vmem>>) dst(%dma_wait3A_112 : memref<40x256xf32, #tpu.memory_space<hbm>>)
          tpu.yield
        }) : () -> ()
      } else {
      }
      %add3A_90 = arith.constant 4 : i32
      %add3A_91 = arith.addi %add3A_84, %add3A_90 : i32
      %lt3A_92 = arith.constant 25 : i32
      %lt3A_93 = arith.cmpi slt, %add3A_91, %lt3A_92 : i32
      %convert_element_type3A_94 = arith.extui %lt3A_93 : i1 to i32
      %cond3A_95 = arith.constant 0 : i32
      %cond3A_96 = arith.cmpi ne, %convert_element_type3A_94, %cond3A_95 : i32
      scf.if %cond3A_96 {
        %add3A_97 = arith.constant 4 : i32
        %add3A_98 = arith.addi %add3A_84, %add3A_97 : i32
        %dma_start3A_99 = arith.constant 0 : i32
        %dma_start3A_100 = tpu.memref_slice %arg5[%add3A_98, %dma_start3A_99] : memref<25x40xi32, #tpu.memory_space<vmem>> -> memref<1x40xi32, #tpu.memory_space<vmem>>
        %dma_start3A_101 = tpu.memref_squeeze %dma_start3A_100 : memref<1x40xi32, #tpu.memory_space<vmem>> -> memref<40xi32, #tpu.memory_space<vmem>>
        %dma_start3A_102 = arith.constant 0 : i32
        %dma_start3A_103 = arith.constant 0 : i32
        %dma_start3A_104 = tpu.memref_slice %arg2[%dma_start3A_102, %dma_start3A_103] : memref<10000x256xf32, #tpu.memory_space<hbm>> -> memref<10000x256xf32, #tpu.memory_space<hbm>>
        tpu.enqueue_indirect_dma source(%dma_start3A_104 : memref<10000x256xf32, #tpu.memory_space<hbm>>) target(%arg9 : memref<40x256xf32, #tpu.memory_space<vmem>>) offsets(%dma_start3A_101 : memref<40xi32, #tpu.memory_space<vmem>>) semaphore(%arg13 : memref<!tpu.dma_semaphore, #tpu.memory_space<semaphore_mem>>)
      } else {
      }
    }
    %scan3A_34 = arith.constant 7 : i32
    return
  }
}

#map = affine_map<(d0, d1) -> (0, 0)>
#map1 = affine_map<(d0, d1) -> (0, 0, 0)>
module attributes {stable_mosaic.version = 14 : i64} {
  func.func @gather_k(%arg0: i32, %arg1: i32, %arg2: memref<10000x256xf32, #tpu.memory_space<hbm>>, %arg3: memref<32x25x40xi32, #tpu.memory_space<hbm>>, %arg4: memref<32000x256xf32, #tpu.memory_space<hbm>>, %arg5: memref<25x40xi32, #tpu.memory_space<vmem>>, %arg6: memref<40x256xf32, #tpu.memory_space<vmem>>, %arg7: memref<40x256xf32, #tpu.memory_space<vmem>>, %arg8: memref<40x256xf32, #tpu.memory_space<vmem>>, %arg9: memref<40x256xf32, #tpu.memory_space<vmem>>, %arg10: memref<!tpu.dma_semaphore, #tpu.memory_space<semaphore_mem>>, %arg11: memref<!tpu.dma_semaphore, #tpu.memory_space<semaphore_mem>>, %arg12: memref<!tpu.dma_semaphore, #tpu.memory_space<semaphore_mem>>, %arg13: memref<!tpu.dma_semaphore, #tpu.memory_space<semaphore_mem>>) attributes {dimension_semantics = [#tpu.dimension_semantics<core_parallel>, #tpu.dimension_semantics<subcore_parallel>], iteration_bounds = array<i64: 2, 16>, scalar_prefetch = 0 : i64, scratch_operands = 9 : i64, tpu.core_type = #tpu.core_type<sc_vector_subcore>, window_params = [{transform_indices = #map}, {transform_indices = #map1}, {transform_indices = #map}]} {
    %mul3A = arith.constant 2 : i32
    %mul3A_0 = arith.muli %arg1, %mul3A : i32
    %add3A = arith.addi %mul3A_0, %arg0 : i32
    %mul3A_1 = arith.constant 1000 : i32
    %mul3A_2 = arith.muli %add3A, %mul3A_1 : i32
    "tpu.region"() ({
      %run_scoped3A = tpu.sem_alloc : memref<!tpu.dma_semaphore, #tpu.memory_space<semaphore_mem>>
      %dma_start3A_35 = arith.constant 0 : i32
      %dma_start3A_36 = arith.constant 0 : i32
      %dma_start3A_37 = tpu.memref_slice %arg3[%add3A, %dma_start3A_35, %dma_start3A_36] : memref<32x25x40xi32, #tpu.memory_space<hbm>> -> memref<1x25x40xi32, #tpu.memory_space<hbm>>
      %dma_start3A_38 = tpu.memref_squeeze %dma_start3A_37 : memref<1x25x40xi32, #tpu.memory_space<hbm>> -> memref<25x40xi32, #tpu.memory_space<hbm>>
      %dma_start3A_39 = arith.constant 0 : i32
      %dma_start3A_40 = arith.constant 0 : i32
      %dma_start3A_41 = tpu.memref_slice %arg3[%add3A, %dma_start3A_39, %dma_start3A_40] : memref<32x25x40xi32, #tpu.memory_space<hbm>> -> memref<1x25x40xi32, #tpu.memory_space<hbm>>
      %dma_start3A_42 = tpu.memref_squeeze %dma_start3A_41 : memref<1x25x40xi32, #tpu.memory_space<hbm>> -> memref<25x40xi32, #tpu.memory_space<hbm>>
      tpu.enqueue_dma source(%dma_start3A_42 : memref<25x40xi32, #tpu.memory_space<hbm>>) target(%arg5 : memref<25x40xi32, #tpu.memory_space<vmem>>) target_semaphore(%run_scoped3A : memref<!tpu.dma_semaphore, #tpu.memory_space<semaphore_mem>>)
      %dma_wait3A = arith.constant 0 : i32
      %dma_wait3A_43 = arith.constant 0 : i32
      %dma_wait3A_44 = tpu.memref_slice %arg3[%add3A, %dma_wait3A, %dma_wait3A_43] : memref<32x25x40xi32, #tpu.memory_space<hbm>> -> memref<1x25x40xi32, #tpu.memory_space<hbm>>
      %dma_wait3A_45 = tpu.memref_squeeze %dma_wait3A_44 : memref<1x25x40xi32, #tpu.memory_space<hbm>> -> memref<25x40xi32, #tpu.memory_space<hbm>>
      %dma_wait3A_46 = arith.constant 0 : i32
      %dma_wait3A_47 = arith.constant 0 : i32
      %dma_wait3A_48 = tpu.memref_slice %arg3[%add3A, %dma_wait3A_46, %dma_wait3A_47] : memref<32x25x40xi32, #tpu.memory_space<hbm>> -> memref<1x25x40xi32, #tpu.memory_space<hbm>>
      %dma_wait3A_49 = tpu.memref_squeeze %dma_wait3A_48 : memref<1x25x40xi32, #tpu.memory_space<hbm>> -> memref<25x40xi32, #tpu.memory_space<hbm>>
      tpu.wait_dma2 semaphore(%run_scoped3A : memref<!tpu.dma_semaphore, #tpu.memory_space<semaphore_mem>>) src(%dma_wait3A_49 : memref<25x40xi32, #tpu.memory_space<hbm>>) dst(%arg5 : memref<25x40xi32, #tpu.memory_space<vmem>>)
      tpu.yield
    }) : () -> ()
    %dma_start3A = arith.constant 0 : i32
    %dma_start3A_3 = arith.constant 0 : i32
    %dma_start3A_4 = tpu.memref_slice %arg5[%dma_start3A, %dma_start3A_3] : memref<25x40xi32, #tpu.memory_space<vmem>> -> memref<1x40xi32, #tpu.memory_space<vmem>>
    %dma_start3A_5 = tpu.memref_squeeze %dma_start3A_4 : memref<1x40xi32, #tpu.memory_space<vmem>> -> memref<40xi32, #tpu.memory_space<vmem>>
    %dma_start3A_6 = arith.constant 0 : i32
    %dma_start3A_7 = arith.constant 0 : i32
    %dma_start3A_8 = tpu.memref_slice %arg2[%dma_start3A_6, %dma_start3A_7] : memref<10000x256xf32, #tpu.memory_space<hbm>> -> memref<10000x256xf32, #tpu.memory_space<hbm>>
    tpu.enqueue_indirect_dma source(%dma_start3A_8 : memref<10000x256xf32, #tpu.memory_space<hbm>>) target(%arg6 : memref<40x256xf32, #tpu.memory_space<vmem>>) offsets(%dma_start3A_5 : memref<40xi32, #tpu.memory_space<vmem>>) semaphore(%arg10 : memref<!tpu.dma_semaphore, #tpu.memory_space<semaphore_mem>>)
    %dma_start3A_9 = arith.constant 1 : i32
    %dma_start3A_10 = arith.constant 0 : i32
    %dma_start3A_11 = tpu.memref_slice %arg5[%dma_start3A_9, %dma_start3A_10] : memref<25x40xi32, #tpu.memory_space<vmem>> -> memref<1x40xi32, #tpu.memory_space<vmem>>
    %dma_start3A_12 = tpu.memref_squeeze %dma_start3A_11 : memref<1x40xi32, #tpu.memory_space<vmem>> -> memref<40xi32, #tpu.memory_space<vmem>>
    %dma_start3A_13 = arith.constant 0 : i32
    %dma_start3A_14 = arith.constant 0 : i32
    %dma_start3A_15 = tpu.memref_slice %arg2[%dma_start3A_13, %dma_start3A_14] : memref<10000x256xf32, #tpu.memory_space<hbm>> -> memref<10000x256xf32, #tpu.memory_space<hbm>>
    tpu.enqueue_indirect_dma source(%dma_start3A_15 : memref<10000x256xf32, #tpu.memory_space<hbm>>) target(%arg7 : memref<40x256xf32, #tpu.memory_space<vmem>>) offsets(%dma_start3A_12 : memref<40xi32, #tpu.memory_space<vmem>>) semaphore(%arg11 : memref<!tpu.dma_semaphore, #tpu.memory_space<semaphore_mem>>)
    %dma_start3A_16 = arith.constant 2 : i32
    %dma_start3A_17 = arith.constant 0 : i32
    %dma_start3A_18 = tpu.memref_slice %arg5[%dma_start3A_16, %dma_start3A_17] : memref<25x40xi32, #tpu.memory_space<vmem>> -> memref<1x40xi32, #tpu.memory_space<vmem>>
    %dma_start3A_19 = tpu.memref_squeeze %dma_start3A_18 : memref<1x40xi32, #tpu.memory_space<vmem>> -> memref<40xi32, #tpu.memory_space<vmem>>
    %dma_start3A_20 = arith.constant 0 : i32
    %dma_start3A_21 = arith.constant 0 : i32
    %dma_start3A_22 = tpu.memref_slice %arg2[%dma_start3A_20, %dma_start3A_21] : memref<10000x256xf32, #tpu.memory_space<hbm>> -> memref<10000x256xf32, #tpu.memory_space<hbm>>
    tpu.enqueue_indirect_dma source(%dma_start3A_22 : memref<10000x256xf32, #tpu.memory_space<hbm>>) target(%arg8 : memref<40x256xf32, #tpu.memory_space<vmem>>) offsets(%dma_start3A_19 : memref<40xi32, #tpu.memory_space<vmem>>) semaphore(%arg12 : memref<!tpu.dma_semaphore, #tpu.memory_space<semaphore_mem>>)
    %dma_start3A_23 = arith.constant 3 : i32
    %dma_start3A_24 = arith.constant 0 : i32
    %dma_start3A_25 = tpu.memref_slice %arg5[%dma_start3A_23, %dma_start3A_24] : memref<25x40xi32, #tpu.memory_space<vmem>> -> memref<1x40xi32, #tpu.memory_space<vmem>>
    %dma_start3A_26 = tpu.memref_squeeze %dma_start3A_25 : memref<1x40xi32, #tpu.memory_space<vmem>> -> memref<40xi32, #tpu.memory_space<vmem>>
    %dma_start3A_27 = arith.constant 0 : i32
    %dma_start3A_28 = arith.constant 0 : i32
    %dma_start3A_29 = tpu.memref_slice %arg2[%dma_start3A_27, %dma_start3A_28] : memref<10000x256xf32, #tpu.memory_space<hbm>> -> memref<10000x256xf32, #tpu.memory_space<hbm>>
    tpu.enqueue_indirect_dma source(%dma_start3A_29 : memref<10000x256xf32, #tpu.memory_space<hbm>>) target(%arg9 : memref<40x256xf32, #tpu.memory_space<vmem>>) offsets(%dma_start3A_26 : memref<40xi32, #tpu.memory_space<vmem>>) semaphore(%arg13 : memref<!tpu.dma_semaphore, #tpu.memory_space<semaphore_mem>>)
    %scan3A = arith.constant 0 : i32
    %scan3A_30 = arith.constant 0 : i32
    %scan3A_31 = arith.constant 7 : i32
    %scan3A_32 = arith.addi %scan3A_30, %scan3A_31 : i32
    %scan3A_33 = arith.constant 1 : i32
    scf.for %scan3A_35 = %scan3A_30 to %scan3A_32 step %scan3A_33  : i32 {
      %mul3A_36 = arith.constant 4 : i32
      %mul3A_37 = arith.muli %scan3A_35, %mul3A_36 : i32
      %add3A_38 = arith.constant 0 : i32
      %add3A_39 = arith.addi %mul3A_37, %add3A_38 : i32
      %lt3A = arith.constant 25 : i32
      %lt3A_40 = arith.cmpi slt, %add3A_39, %lt3A : i32
      %convert_element_type3A = arith.extui %lt3A_40 : i1 to i32
      %cond3A = arith.constant 0 : i32
      %cond3A_41 = arith.cmpi ne, %convert_element_type3A, %cond3A : i32
      scf.if %cond3A_41 {
        %dma_wait3A = arith.constant 0 : i32
        %dma_wait3A_97 = arith.constant 0 : i32
        %dma_wait3A_98 = tpu.memref_slice %arg4[%dma_wait3A, %dma_wait3A_97] : memref<32000x256xf32, #tpu.memory_space<hbm>> -> memref<40x256xf32, #tpu.memory_space<hbm>>
        %dma_wait3A_99 = arith.constant 0 : i32
        %dma_wait3A_100 = arith.constant 0 : i32
        %dma_wait3A_101 = tpu.memref_slice %arg4[%dma_wait3A_99, %dma_wait3A_100] : memref<32000x256xf32, #tpu.memory_space<hbm>> -> memref<40x256xf32, #tpu.memory_space<hbm>>
        tpu.wait_dma2 semaphore(%arg10 : memref<!tpu.dma_semaphore, #tpu.memory_space<semaphore_mem>>) src(%dma_wait3A_101 : memref<40x256xf32, #tpu.memory_space<hbm>>) dst(%arg6 : memref<40x256xf32, #tpu.memory_space<vmem>>)
        %mul3A_102 = arith.constant 40 : i32
        %mul3A_103 = arith.muli %add3A_39, %mul3A_102 : i32
        %add3A_104 = arith.addi %mul3A_2, %mul3A_103 : i32
        "tpu.region"() ({
          %run_scoped3A = tpu.sem_alloc : memref<!tpu.dma_semaphore, #tpu.memory_space<semaphore_mem>>
          %dma_start3A_105 = arith.constant 0 : i32
          %dma_start3A_106 = tpu.memref_slice %arg4[%add3A_104, %dma_start3A_105] : memref<32000x256xf32, #tpu.memory_space<hbm>> -> memref<40x256xf32, #tpu.memory_space<hbm>>
          %dma_start3A_107 = arith.constant 0 : i32
          %dma_start3A_108 = tpu.memref_slice %arg4[%add3A_104, %dma_start3A_107] : memref<32000x256xf32, #tpu.memory_space<hbm>> -> memref<40x256xf32, #tpu.memory_space<hbm>>
          tpu.enqueue_dma source(%arg6 : memref<40x256xf32, #tpu.memory_space<vmem>>) target(%dma_start3A_108 : memref<40x256xf32, #tpu.memory_space<hbm>>) target_semaphore(%run_scoped3A : memref<!tpu.dma_semaphore, #tpu.memory_space<semaphore_mem>>)
          %dma_wait3A_109 = arith.constant 0 : i32
          %dma_wait3A_110 = tpu.memref_slice %arg4[%add3A_104, %dma_wait3A_109] : memref<32000x256xf32, #tpu.memory_space<hbm>> -> memref<40x256xf32, #tpu.memory_space<hbm>>
          %dma_wait3A_111 = arith.constant 0 : i32
          %dma_wait3A_112 = tpu.memref_slice %arg4[%add3A_104, %dma_wait3A_111] : memref<32000x256xf32, #tpu.memory_space<hbm>> -> memref<40x256xf32, #tpu.memory_space<hbm>>
          tpu.wait_dma2 semaphore(%run_scoped3A : memref<!tpu.dma_semaphore, #tpu.memory_space<semaphore_mem>>) src(%arg6 : memref<40x256xf32, #tpu.memory_space<vmem>>) dst(%dma_wait3A_112 : memref<40x256xf32, #tpu.memory_space<hbm>>)
          tpu.yield
        }) : () -> ()
      } else {
      }
      %add3A_42 = arith.constant 4 : i32
      %add3A_43 = arith.addi %add3A_39, %add3A_42 : i32
      %lt3A_44 = arith.constant 25 : i32
      %lt3A_45 = arith.cmpi slt, %add3A_43, %lt3A_44 : i32
      %convert_element_type3A_46 = arith.extui %lt3A_45 : i1 to i32
      %cond3A_47 = arith.constant 0 : i32
      %cond3A_48 = arith.cmpi ne, %convert_element_type3A_46, %cond3A_47 : i32
      scf.if %cond3A_48 {
        %add3A_97 = arith.constant 4 : i32
        %add3A_98 = arith.addi %add3A_39, %add3A_97 : i32
        %dma_start3A_99 = arith.constant 0 : i32
        %dma_start3A_100 = tpu.memref_slice %arg5[%add3A_98, %dma_start3A_99] : memref<25x40xi32, #tpu.memory_space<vmem>> -> memref<1x40xi32, #tpu.memory_space<vmem>>
        %dma_start3A_101 = tpu.memref_squeeze %dma_start3A_100 : memref<1x40xi32, #tpu.memory_space<vmem>> -> memref<40xi32, #tpu.memory_space<vmem>>
        %dma_start3A_102 = arith.constant 0 : i32
        %dma_start3A_103 = arith.constant 0 : i32
        %dma_start3A_104 = tpu.memref_slice %arg2[%dma_start3A_102, %dma_start3A_103] : memref<10000x256xf32, #tpu.memory_space<hbm>> -> memref<10000x256xf32, #tpu.memory_space<hbm>>
        tpu.enqueue_indirect_dma source(%dma_start3A_104 : memref<10000x256xf32, #tpu.memory_space<hbm>>) target(%arg6 : memref<40x256xf32, #tpu.memory_space<vmem>>) offsets(%dma_start3A_101 : memref<40xi32, #tpu.memory_space<vmem>>) semaphore(%arg10 : memref<!tpu.dma_semaphore, #tpu.memory_space<semaphore_mem>>)
      } else {
      }
      %mul3A_49 = arith.constant 4 : i32
      %mul3A_50 = arith.muli %scan3A_35, %mul3A_49 : i32
      %add3A_51 = arith.constant 1 : i32
      %add3A_52 = arith.addi %mul3A_50, %add3A_51 : i32
      %lt3A_53 = arith.constant 25 : i32
      %lt3A_54 = arith.cmpi slt, %add3A_52, %lt3A_53 : i32
      %convert_element_type3A_55 = arith.extui %lt3A_54 : i1 to i32
      %cond3A_56 = arith.constant 0 : i32
      %cond3A_57 = arith.cmpi ne, %convert_element_type3A_55, %cond3A_56 : i32
      scf.if %cond3A_57 {
        %dma_wait3A = arith.constant 0 : i32
        %dma_wait3A_97 = arith.constant 0 : i32
        %dma_wait3A_98 = tpu.memref_slice %arg4[%dma_wait3A, %dma_wait3A_97] : memref<32000x256xf32, #tpu.memory_space<hbm>> -> memref<40x256xf32, #tpu.memory_space<hbm>>
        %dma_wait3A_99 = arith.constant 0 : i32
        %dma_wait3A_100 = arith.constant 0 : i32
        %dma_wait3A_101 = tpu.memref_slice %arg4[%dma_wait3A_99, %dma_wait3A_100] : memref<32000x256xf32, #tpu.memory_space<hbm>> -> memref<40x256xf32, #tpu.memory_space<hbm>>
        tpu.wait_dma2 semaphore(%arg11 : memref<!tpu.dma_semaphore, #tpu.memory_space<semaphore_mem>>) src(%dma_wait3A_101 : memref<40x256xf32, #tpu.memory_space<hbm>>) dst(%arg7 : memref<40x256xf32, #tpu.memory_space<vmem>>)
        %mul3A_102 = arith.constant 40 : i32
        %mul3A_103 = arith.muli %add3A_52, %mul3A_102 : i32
        %add3A_104 = arith.addi %mul3A_2, %mul3A_103 : i32
        "tpu.region"() ({
          %run_scoped3A = tpu.sem_alloc : memref<!tpu.dma_semaphore, #tpu.memory_space<semaphore_mem>>
          %dma_start3A_105 = arith.constant 0 : i32
          %dma_start3A_106 = tpu.memref_slice %arg4[%add3A_104, %dma_start3A_105] : memref<32000x256xf32, #tpu.memory_space<hbm>> -> memref<40x256xf32, #tpu.memory_space<hbm>>
          %dma_start3A_107 = arith.constant 0 : i32
          %dma_start3A_108 = tpu.memref_slice %arg4[%add3A_104, %dma_start3A_107] : memref<32000x256xf32, #tpu.memory_space<hbm>> -> memref<40x256xf32, #tpu.memory_space<hbm>>
          tpu.enqueue_dma source(%arg7 : memref<40x256xf32, #tpu.memory_space<vmem>>) target(%dma_start3A_108 : memref<40x256xf32, #tpu.memory_space<hbm>>) target_semaphore(%run_scoped3A : memref<!tpu.dma_semaphore, #tpu.memory_space<semaphore_mem>>)
          %dma_wait3A_109 = arith.constant 0 : i32
          %dma_wait3A_110 = tpu.memref_slice %arg4[%add3A_104, %dma_wait3A_109] : memref<32000x256xf32, #tpu.memory_space<hbm>> -> memref<40x256xf32, #tpu.memory_space<hbm>>
          %dma_wait3A_111 = arith.constant 0 : i32
          %dma_wait3A_112 = tpu.memref_slice %arg4[%add3A_104, %dma_wait3A_111] : memref<32000x256xf32, #tpu.memory_space<hbm>> -> memref<40x256xf32, #tpu.memory_space<hbm>>
          tpu.wait_dma2 semaphore(%run_scoped3A : memref<!tpu.dma_semaphore, #tpu.memory_space<semaphore_mem>>) src(%arg7 : memref<40x256xf32, #tpu.memory_space<vmem>>) dst(%dma_wait3A_112 : memref<40x256xf32, #tpu.memory_space<hbm>>)
          tpu.yield
        }) : () -> ()
      } else {
      }
      %add3A_58 = arith.constant 4 : i32
      %add3A_59 = arith.addi %add3A_52, %add3A_58 : i32
      %lt3A_60 = arith.constant 25 : i32
      %lt3A_61 = arith.cmpi slt, %add3A_59, %lt3A_60 : i32
      %convert_element_type3A_62 = arith.extui %lt3A_61 : i1 to i32
      %cond3A_63 = arith.constant 0 : i32
      %cond3A_64 = arith.cmpi ne, %convert_element_type3A_62, %cond3A_63 : i32
      scf.if %cond3A_64 {
        %add3A_97 = arith.constant 4 : i32
        %add3A_98 = arith.addi %add3A_52, %add3A_97 : i32
        %dma_start3A_99 = arith.constant 0 : i32
        %dma_start3A_100 = tpu.memref_slice %arg5[%add3A_98, %dma_start3A_99] : memref<25x40xi32, #tpu.memory_space<vmem>> -> memref<1x40xi32, #tpu.memory_space<vmem>>
        %dma_start3A_101 = tpu.memref_squeeze %dma_start3A_100 : memref<1x40xi32, #tpu.memory_space<vmem>> -> memref<40xi32, #tpu.memory_space<vmem>>
        %dma_start3A_102 = arith.constant 0 : i32
        %dma_start3A_103 = arith.constant 0 : i32
        %dma_start3A_104 = tpu.memref_slice %arg2[%dma_start3A_102, %dma_start3A_103] : memref<10000x256xf32, #tpu.memory_space<hbm>> -> memref<10000x256xf32, #tpu.memory_space<hbm>>
        tpu.enqueue_indirect_dma source(%dma_start3A_104 : memref<10000x256xf32, #tpu.memory_space<hbm>>) target(%arg7 : memref<40x256xf32, #tpu.memory_space<vmem>>) offsets(%dma_start3A_101 : memref<40xi32, #tpu.memory_space<vmem>>) semaphore(%arg11 : memref<!tpu.dma_semaphore, #tpu.memory_space<semaphore_mem>>)
      } else {
      }
      %mul3A_65 = arith.constant 4 : i32
      %mul3A_66 = arith.muli %scan3A_35, %mul3A_65 : i32
      %add3A_67 = arith.constant 2 : i32
      %add3A_68 = arith.addi %mul3A_66, %add3A_67 : i32
      %lt3A_69 = arith.constant 25 : i32
      %lt3A_70 = arith.cmpi slt, %add3A_68, %lt3A_69 : i32
      %convert_element_type3A_71 = arith.extui %lt3A_70 : i1 to i32
      %cond3A_72 = arith.constant 0 : i32
      %cond3A_73 = arith.cmpi ne, %convert_element_type3A_71, %cond3A_72 : i32
      scf.if %cond3A_73 {
        %dma_wait3A = arith.constant 0 : i32
        %dma_wait3A_97 = arith.constant 0 : i32
        %dma_wait3A_98 = tpu.memref_slice %arg4[%dma_wait3A, %dma_wait3A_97] : memref<32000x256xf32, #tpu.memory_space<hbm>> -> memref<40x256xf32, #tpu.memory_space<hbm>>
        %dma_wait3A_99 = arith.constant 0 : i32
        %dma_wait3A_100 = arith.constant 0 : i32
        %dma_wait3A_101 = tpu.memref_slice %arg4[%dma_wait3A_99, %dma_wait3A_100] : memref<32000x256xf32, #tpu.memory_space<hbm>> -> memref<40x256xf32, #tpu.memory_space<hbm>>
        tpu.wait_dma2 semaphore(%arg12 : memref<!tpu.dma_semaphore, #tpu.memory_space<semaphore_mem>>) src(%dma_wait3A_101 : memref<40x256xf32, #tpu.memory_space<hbm>>) dst(%arg8 : memref<40x256xf32, #tpu.memory_space<vmem>>)
        %mul3A_102 = arith.constant 40 : i32
        %mul3A_103 = arith.muli %add3A_68, %mul3A_102 : i32
        %add3A_104 = arith.addi %mul3A_2, %mul3A_103 : i32
        "tpu.region"() ({
          %run_scoped3A = tpu.sem_alloc : memref<!tpu.dma_semaphore, #tpu.memory_space<semaphore_mem>>
          %dma_start3A_105 = arith.constant 0 : i32
          %dma_start3A_106 = tpu.memref_slice %arg4[%add3A_104, %dma_start3A_105] : memref<32000x256xf32, #tpu.memory_space<hbm>> -> memref<40x256xf32, #tpu.memory_space<hbm>>
          %dma_start3A_107 = arith.constant 0 : i32
          %dma_start3A_108 = tpu.memref_slice %arg4[%add3A_104, %dma_start3A_107] : memref<32000x256xf32, #tpu.memory_space<hbm>> -> memref<40x256xf32, #tpu.memory_space<hbm>>
          tpu.enqueue_dma source(%arg8 : memref<40x256xf32, #tpu.memory_space<vmem>>) target(%dma_start3A_108 : memref<40x256xf32, #tpu.memory_space<hbm>>) target_semaphore(%run_scoped3A : memref<!tpu.dma_semaphore, #tpu.memory_space<semaphore_mem>>)
          %dma_wait3A_109 = arith.constant 0 : i32
          %dma_wait3A_110 = tpu.memref_slice %arg4[%add3A_104, %dma_wait3A_109] : memref<32000x256xf32, #tpu.memory_space<hbm>> -> memref<40x256xf32, #tpu.memory_space<hbm>>
          %dma_wait3A_111 = arith.constant 0 : i32
          %dma_wait3A_112 = tpu.memref_slice %arg4[%add3A_104, %dma_wait3A_111] : memref<32000x256xf32, #tpu.memory_space<hbm>> -> memref<40x256xf32, #tpu.memory_space<hbm>>
          tpu.wait_dma2 semaphore(%run_scoped3A : memref<!tpu.dma_semaphore, #tpu.memory_space<semaphore_mem>>) src(%arg8 : memref<40x256xf32, #tpu.memory_space<vmem>>) dst(%dma_wait3A_112 : memref<40x256xf32, #tpu.memory_space<hbm>>)
          tpu.yield
        }) : () -> ()
      } else {
      }
      %add3A_74 = arith.constant 4 : i32
      %add3A_75 = arith.addi %add3A_68, %add3A_74 : i32
      %lt3A_76 = arith.constant 25 : i32
      %lt3A_77 = arith.cmpi slt, %add3A_75, %lt3A_76 : i32
      %convert_element_type3A_78 = arith.extui %lt3A_77 : i1 to i32
      %cond3A_79 = arith.constant 0 : i32
      %cond3A_80 = arith.cmpi ne, %convert_element_type3A_78, %cond3A_79 : i32
      scf.if %cond3A_80 {
        %add3A_97 = arith.constant 4 : i32
        %add3A_98 = arith.addi %add3A_68, %add3A_97 : i32
        %dma_start3A_99 = arith.constant 0 : i32
        %dma_start3A_100 = tpu.memref_slice %arg5[%add3A_98, %dma_start3A_99] : memref<25x40xi32, #tpu.memory_space<vmem>> -> memref<1x40xi32, #tpu.memory_space<vmem>>
        %dma_start3A_101 = tpu.memref_squeeze %dma_start3A_100 : memref<1x40xi32, #tpu.memory_space<vmem>> -> memref<40xi32, #tpu.memory_space<vmem>>
        %dma_start3A_102 = arith.constant 0 : i32
        %dma_start3A_103 = arith.constant 0 : i32
        %dma_start3A_104 = tpu.memref_slice %arg2[%dma_start3A_102, %dma_start3A_103] : memref<10000x256xf32, #tpu.memory_space<hbm>> -> memref<10000x256xf32, #tpu.memory_space<hbm>>
        tpu.enqueue_indirect_dma source(%dma_start3A_104 : memref<10000x256xf32, #tpu.memory_space<hbm>>) target(%arg8 : memref<40x256xf32, #tpu.memory_space<vmem>>) offsets(%dma_start3A_101 : memref<40xi32, #tpu.memory_space<vmem>>) semaphore(%arg12 : memref<!tpu.dma_semaphore, #tpu.memory_space<semaphore_mem>>)
      } else {
      }
      %mul3A_81 = arith.constant 4 : i32
      %mul3A_82 = arith.muli %scan3A_35, %mul3A_81 : i32
      %add3A_83 = arith.constant 3 : i32
      %add3A_84 = arith.addi %mul3A_82, %add3A_83 : i32
      %lt3A_85 = arith.constant 25 : i32
      %lt3A_86 = arith.cmpi slt, %add3A_84, %lt3A_85 : i32
      %convert_element_type3A_87 = arith.extui %lt3A_86 : i1 to i32
      %cond3A_88 = arith.constant 0 : i32
      %cond3A_89 = arith.cmpi ne, %convert_element_type3A_87, %cond3A_88 : i32
      scf.if %cond3A_89 {
        %dma_wait3A = arith.constant 0 : i32
        %dma_wait3A_97 = arith.constant 0 : i32
        %dma_wait3A_98 = tpu.memref_slice %arg4[%dma_wait3A, %dma_wait3A_97] : memref<32000x256xf32, #tpu.memory_space<hbm>> -> memref<40x256xf32, #tpu.memory_space<hbm>>
        %dma_wait3A_99 = arith.constant 0 : i32
        %dma_wait3A_100 = arith.constant 0 : i32
        %dma_wait3A_101 = tpu.memref_slice %arg4[%dma_wait3A_99, %dma_wait3A_100] : memref<32000x256xf32, #tpu.memory_space<hbm>> -> memref<40x256xf32, #tpu.memory_space<hbm>>
        tpu.wait_dma2 semaphore(%arg13 : memref<!tpu.dma_semaphore, #tpu.memory_space<semaphore_mem>>) src(%dma_wait3A_101 : memref<40x256xf32, #tpu.memory_space<hbm>>) dst(%arg9 : memref<40x256xf32, #tpu.memory_space<vmem>>)
        %mul3A_102 = arith.constant 40 : i32
        %mul3A_103 = arith.muli %add3A_84, %mul3A_102 : i32
        %add3A_104 = arith.addi %mul3A_2, %mul3A_103 : i32
        "tpu.region"() ({
          %run_scoped3A = tpu.sem_alloc : memref<!tpu.dma_semaphore, #tpu.memory_space<semaphore_mem>>
          %dma_start3A_105 = arith.constant 0 : i32
          %dma_start3A_106 = tpu.memref_slice %arg4[%add3A_104, %dma_start3A_105] : memref<32000x256xf32, #tpu.memory_space<hbm>> -> memref<40x256xf32, #tpu.memory_space<hbm>>
          %dma_start3A_107 = arith.constant 0 : i32
          %dma_start3A_108 = tpu.memref_slice %arg4[%add3A_104, %dma_start3A_107] : memref<32000x256xf32, #tpu.memory_space<hbm>> -> memref<40x256xf32, #tpu.memory_space<hbm>>
          tpu.enqueue_dma source(%arg9 : memref<40x256xf32, #tpu.memory_space<vmem>>) target(%dma_start3A_108 : memref<40x256xf32, #tpu.memory_space<hbm>>) target_semaphore(%run_scoped3A : memref<!tpu.dma_semaphore, #tpu.memory_space<semaphore_mem>>)
          %dma_wait3A_109 = arith.constant 0 : i32
          %dma_wait3A_110 = tpu.memref_slice %arg4[%add3A_104, %dma_wait3A_109] : memref<32000x256xf32, #tpu.memory_space<hbm>> -> memref<40x256xf32, #tpu.memory_space<hbm>>
          %dma_wait3A_111 = arith.constant 0 : i32
          %dma_wait3A_112 = tpu.memref_slice %arg4[%add3A_104, %dma_wait3A_111] : memref<32000x256xf32, #tpu.memory_space<hbm>> -> memref<40x256xf32, #tpu.memory_space<hbm>>
          tpu.wait_dma2 semaphore(%run_scoped3A : memref<!tpu.dma_semaphore, #tpu.memory_space<semaphore_mem>>) src(%arg9 : memref<40x256xf32, #tpu.memory_space<vmem>>) dst(%dma_wait3A_112 : memref<40x256xf32, #tpu.memory_space<hbm>>)
          tpu.yield
        }) : () -> ()
      } else {
      }
      %add3A_90 = arith.constant 4 : i32
      %add3A_91 = arith.addi %add3A_84, %add3A_90 : i32
      %lt3A_92 = arith.constant 25 : i32
      %lt3A_93 = arith.cmpi slt, %add3A_91, %lt3A_92 : i32
      %convert_element_type3A_94 = arith.extui %lt3A_93 : i1 to i32
      %cond3A_95 = arith.constant 0 : i32
      %cond3A_96 = arith.cmpi ne, %convert_element_type3A_94, %cond3A_95 : i32
      scf.if %cond3A_96 {
        %add3A_97 = arith.constant 4 : i32
        %add3A_98 = arith.addi %add3A_84, %add3A_97 : i32
        %dma_start3A_99 = arith.constant 0 : i32
        %dma_start3A_100 = tpu.memref_slice %arg5[%add3A_98, %dma_start3A_99] : memref<25x40xi32, #tpu.memory_space<vmem>> -> memref<1x40xi32, #tpu.memory_space<vmem>>
        %dma_start3A_101 = tpu.memref_squeeze %dma_start3A_100 : memref<1x40xi32, #tpu.memory_space<vmem>> -> memref<40xi32, #tpu.memory_space<vmem>>
        %dma_start3A_102 = arith.constant 0 : i32
        %dma_start3A_103 = arith.constant 0 : i32
        %dma_start3A_104 = tpu.memref_slice %arg2[%dma_start3A_102, %dma_start3A_103] : memref<10000x256xf32, #tpu.memory_space<hbm>> -> memref<10000x256xf32, #tpu.memory_space<hbm>>
        tpu.enqueue_indirect_dma source(%dma_start3A_104 : memref<10000x256xf32, #tpu.memory_space<hbm>>) target(%arg9 : memref<40x256xf32, #tpu.memory_space<vmem>>) offsets(%dma_start3A_101 : memref<40xi32, #tpu.memory_space<vmem>>) semaphore(%arg13 : memref<!tpu.dma_semaphore, #tpu.memory_space<semaphore_mem>>)
      } else {
      }
    }
    %scan3A_34 = arith.constant 7 : i32
    return
  }
}

#map = affine_map<(d0, d1) -> (0, 0)>
#map1 = affine_map<(d0, d1) -> (0, 0, 0)>
module attributes {stable_mosaic.version = 14 : i64} {
  func.func @gather_k(%arg0: i32, %arg1: i32, %arg2: memref<10000x256xf32, #tpu.memory_space<hbm>>, %arg3: memref<32x25x40xi32, #tpu.memory_space<hbm>>, %arg4: memref<32000x256xf32, #tpu.memory_space<hbm>>, %arg5: memref<25x40xi32, #tpu.memory_space<vmem>>, %arg6: memref<40x256xf32, #tpu.memory_space<vmem>>, %arg7: memref<40x256xf32, #tpu.memory_space<vmem>>, %arg8: memref<40x256xf32, #tpu.memory_space<vmem>>, %arg9: memref<40x256xf32, #tpu.memory_space<vmem>>, %arg10: memref<!tpu.dma_semaphore, #tpu.memory_space<semaphore_mem>>, %arg11: memref<!tpu.dma_semaphore, #tpu.memory_space<semaphore_mem>>, %arg12: memref<!tpu.dma_semaphore, #tpu.memory_space<semaphore_mem>>, %arg13: memref<!tpu.dma_semaphore, #tpu.memory_space<semaphore_mem>>) attributes {dimension_semantics = [#tpu.dimension_semantics<core_parallel>, #tpu.dimension_semantics<subcore_parallel>], iteration_bounds = array<i64: 2, 16>, scalar_prefetch = 0 : i64, scratch_operands = 9 : i64, tpu.core_type = #tpu.core_type<sc_vector_subcore>, window_params = [{transform_indices = #map}, {transform_indices = #map1}, {transform_indices = #map}]} {
    %mul3A = arith.constant 2 : i32
    %mul3A_0 = arith.muli %arg1, %mul3A : i32
    %add3A = arith.addi %mul3A_0, %arg0 : i32
    %mul3A_1 = arith.constant 1000 : i32
    %mul3A_2 = arith.muli %add3A, %mul3A_1 : i32
    "tpu.region"() ({
      %run_scoped3A = tpu.sem_alloc : memref<!tpu.dma_semaphore, #tpu.memory_space<semaphore_mem>>
      %dma_start3A_35 = arith.constant 0 : i32
      %dma_start3A_36 = arith.constant 0 : i32
      %dma_start3A_37 = tpu.memref_slice %arg3[%add3A, %dma_start3A_35, %dma_start3A_36] : memref<32x25x40xi32, #tpu.memory_space<hbm>> -> memref<1x25x40xi32, #tpu.memory_space<hbm>>
      %dma_start3A_38 = tpu.memref_squeeze %dma_start3A_37 : memref<1x25x40xi32, #tpu.memory_space<hbm>> -> memref<25x40xi32, #tpu.memory_space<hbm>>
      %dma_start3A_39 = arith.constant 0 : i32
      %dma_start3A_40 = arith.constant 0 : i32
      %dma_start3A_41 = tpu.memref_slice %arg3[%add3A, %dma_start3A_39, %dma_start3A_40] : memref<32x25x40xi32, #tpu.memory_space<hbm>> -> memref<1x25x40xi32, #tpu.memory_space<hbm>>
      %dma_start3A_42 = tpu.memref_squeeze %dma_start3A_41 : memref<1x25x40xi32, #tpu.memory_space<hbm>> -> memref<25x40xi32, #tpu.memory_space<hbm>>
      tpu.enqueue_dma source(%dma_start3A_42 : memref<25x40xi32, #tpu.memory_space<hbm>>) target(%arg5 : memref<25x40xi32, #tpu.memory_space<vmem>>) target_semaphore(%run_scoped3A : memref<!tpu.dma_semaphore, #tpu.memory_space<semaphore_mem>>)
      %dma_wait3A = arith.constant 0 : i32
      %dma_wait3A_43 = arith.constant 0 : i32
      %dma_wait3A_44 = tpu.memref_slice %arg3[%add3A, %dma_wait3A, %dma_wait3A_43] : memref<32x25x40xi32, #tpu.memory_space<hbm>> -> memref<1x25x40xi32, #tpu.memory_space<hbm>>
      %dma_wait3A_45 = tpu.memref_squeeze %dma_wait3A_44 : memref<1x25x40xi32, #tpu.memory_space<hbm>> -> memref<25x40xi32, #tpu.memory_space<hbm>>
      %dma_wait3A_46 = arith.constant 0 : i32
      %dma_wait3A_47 = arith.constant 0 : i32
      %dma_wait3A_48 = tpu.memref_slice %arg3[%add3A, %dma_wait3A_46, %dma_wait3A_47] : memref<32x25x40xi32, #tpu.memory_space<hbm>> -> memref<1x25x40xi32, #tpu.memory_space<hbm>>
      %dma_wait3A_49 = tpu.memref_squeeze %dma_wait3A_48 : memref<1x25x40xi32, #tpu.memory_space<hbm>> -> memref<25x40xi32, #tpu.memory_space<hbm>>
      tpu.wait_dma2 semaphore(%run_scoped3A : memref<!tpu.dma_semaphore, #tpu.memory_space<semaphore_mem>>) src(%dma_wait3A_49 : memref<25x40xi32, #tpu.memory_space<hbm>>) dst(%arg5 : memref<25x40xi32, #tpu.memory_space<vmem>>)
      tpu.yield
    }) : () -> ()
    %dma_start3A = arith.constant 0 : i32
    %dma_start3A_3 = arith.constant 0 : i32
    %dma_start3A_4 = tpu.memref_slice %arg5[%dma_start3A, %dma_start3A_3] : memref<25x40xi32, #tpu.memory_space<vmem>> -> memref<1x40xi32, #tpu.memory_space<vmem>>
    %dma_start3A_5 = tpu.memref_squeeze %dma_start3A_4 : memref<1x40xi32, #tpu.memory_space<vmem>> -> memref<40xi32, #tpu.memory_space<vmem>>
    %dma_start3A_6 = arith.constant 0 : i32
    %dma_start3A_7 = arith.constant 0 : i32
    %dma_start3A_8 = tpu.memref_slice %arg2[%dma_start3A_6, %dma_start3A_7] : memref<10000x256xf32, #tpu.memory_space<hbm>> -> memref<10000x256xf32, #tpu.memory_space<hbm>>
    tpu.enqueue_indirect_dma source(%dma_start3A_8 : memref<10000x256xf32, #tpu.memory_space<hbm>>) target(%arg6 : memref<40x256xf32, #tpu.memory_space<vmem>>) offsets(%dma_start3A_5 : memref<40xi32, #tpu.memory_space<vmem>>) semaphore(%arg10 : memref<!tpu.dma_semaphore, #tpu.memory_space<semaphore_mem>>)
    %dma_start3A_9 = arith.constant 1 : i32
    %dma_start3A_10 = arith.constant 0 : i32
    %dma_start3A_11 = tpu.memref_slice %arg5[%dma_start3A_9, %dma_start3A_10] : memref<25x40xi32, #tpu.memory_space<vmem>> -> memref<1x40xi32, #tpu.memory_space<vmem>>
    %dma_start3A_12 = tpu.memref_squeeze %dma_start3A_11 : memref<1x40xi32, #tpu.memory_space<vmem>> -> memref<40xi32, #tpu.memory_space<vmem>>
    %dma_start3A_13 = arith.constant 0 : i32
    %dma_start3A_14 = arith.constant 0 : i32
    %dma_start3A_15 = tpu.memref_slice %arg2[%dma_start3A_13, %dma_start3A_14] : memref<10000x256xf32, #tpu.memory_space<hbm>> -> memref<10000x256xf32, #tpu.memory_space<hbm>>
    tpu.enqueue_indirect_dma source(%dma_start3A_15 : memref<10000x256xf32, #tpu.memory_space<hbm>>) target(%arg7 : memref<40x256xf32, #tpu.memory_space<vmem>>) offsets(%dma_start3A_12 : memref<40xi32, #tpu.memory_space<vmem>>) semaphore(%arg11 : memref<!tpu.dma_semaphore, #tpu.memory_space<semaphore_mem>>)
    %dma_start3A_16 = arith.constant 2 : i32
    %dma_start3A_17 = arith.constant 0 : i32
    %dma_start3A_18 = tpu.memref_slice %arg5[%dma_start3A_16, %dma_start3A_17] : memref<25x40xi32, #tpu.memory_space<vmem>> -> memref<1x40xi32, #tpu.memory_space<vmem>>
    %dma_start3A_19 = tpu.memref_squeeze %dma_start3A_18 : memref<1x40xi32, #tpu.memory_space<vmem>> -> memref<40xi32, #tpu.memory_space<vmem>>
    %dma_start3A_20 = arith.constant 0 : i32
    %dma_start3A_21 = arith.constant 0 : i32
    %dma_start3A_22 = tpu.memref_slice %arg2[%dma_start3A_20, %dma_start3A_21] : memref<10000x256xf32, #tpu.memory_space<hbm>> -> memref<10000x256xf32, #tpu.memory_space<hbm>>
    tpu.enqueue_indirect_dma source(%dma_start3A_22 : memref<10000x256xf32, #tpu.memory_space<hbm>>) target(%arg8 : memref<40x256xf32, #tpu.memory_space<vmem>>) offsets(%dma_start3A_19 : memref<40xi32, #tpu.memory_space<vmem>>) semaphore(%arg12 : memref<!tpu.dma_semaphore, #tpu.memory_space<semaphore_mem>>)
    %dma_start3A_23 = arith.constant 3 : i32
    %dma_start3A_24 = arith.constant 0 : i32
    %dma_start3A_25 = tpu.memref_slice %arg5[%dma_start3A_23, %dma_start3A_24] : memref<25x40xi32, #tpu.memory_space<vmem>> -> memref<1x40xi32, #tpu.memory_space<vmem>>
    %dma_start3A_26 = tpu.memref_squeeze %dma_start3A_25 : memref<1x40xi32, #tpu.memory_space<vmem>> -> memref<40xi32, #tpu.memory_space<vmem>>
    %dma_start3A_27 = arith.constant 0 : i32
    %dma_start3A_28 = arith.constant 0 : i32
    %dma_start3A_29 = tpu.memref_slice %arg2[%dma_start3A_27, %dma_start3A_28] : memref<10000x256xf32, #tpu.memory_space<hbm>> -> memref<10000x256xf32, #tpu.memory_space<hbm>>
    tpu.enqueue_indirect_dma source(%dma_start3A_29 : memref<10000x256xf32, #tpu.memory_space<hbm>>) target(%arg9 : memref<40x256xf32, #tpu.memory_space<vmem>>) offsets(%dma_start3A_26 : memref<40xi32, #tpu.memory_space<vmem>>) semaphore(%arg13 : memref<!tpu.dma_semaphore, #tpu.memory_space<semaphore_mem>>)
    %scan3A = arith.constant 0 : i32
    %scan3A_30 = arith.constant 0 : i32
    %scan3A_31 = arith.constant 7 : i32
    %scan3A_32 = arith.addi %scan3A_30, %scan3A_31 : i32
    %scan3A_33 = arith.constant 1 : i32
    scf.for %scan3A_35 = %scan3A_30 to %scan3A_32 step %scan3A_33  : i32 {
      %mul3A_36 = arith.constant 4 : i32
      %mul3A_37 = arith.muli %scan3A_35, %mul3A_36 : i32
      %add3A_38 = arith.constant 0 : i32
      %add3A_39 = arith.addi %mul3A_37, %add3A_38 : i32
      %lt3A = arith.constant 25 : i32
      %lt3A_40 = arith.cmpi slt, %add3A_39, %lt3A : i32
      %convert_element_type3A = arith.extui %lt3A_40 : i1 to i32
      %cond3A = arith.constant 0 : i32
      %cond3A_41 = arith.cmpi ne, %convert_element_type3A, %cond3A : i32
      scf.if %cond3A_41 {
        %dma_wait3A = arith.constant 0 : i32
        %dma_wait3A_97 = arith.constant 0 : i32
        %dma_wait3A_98 = tpu.memref_slice %arg4[%dma_wait3A, %dma_wait3A_97] : memref<32000x256xf32, #tpu.memory_space<hbm>> -> memref<40x256xf32, #tpu.memory_space<hbm>>
        %dma_wait3A_99 = arith.constant 0 : i32
        %dma_wait3A_100 = arith.constant 0 : i32
        %dma_wait3A_101 = tpu.memref_slice %arg4[%dma_wait3A_99, %dma_wait3A_100] : memref<32000x256xf32, #tpu.memory_space<hbm>> -> memref<40x256xf32, #tpu.memory_space<hbm>>
        tpu.wait_dma2 semaphore(%arg10 : memref<!tpu.dma_semaphore, #tpu.memory_space<semaphore_mem>>) src(%dma_wait3A_101 : memref<40x256xf32, #tpu.memory_space<hbm>>) dst(%arg6 : memref<40x256xf32, #tpu.memory_space<vmem>>)
        %mul3A_102 = arith.constant 40 : i32
        %mul3A_103 = arith.muli %add3A_39, %mul3A_102 : i32
        %add3A_104 = arith.addi %mul3A_2, %mul3A_103 : i32
        "tpu.region"() ({
          %run_scoped3A = tpu.sem_alloc : memref<!tpu.dma_semaphore, #tpu.memory_space<semaphore_mem>>
          %dma_start3A_105 = arith.constant 0 : i32
          %dma_start3A_106 = tpu.memref_slice %arg4[%add3A_104, %dma_start3A_105] : memref<32000x256xf32, #tpu.memory_space<hbm>> -> memref<40x256xf32, #tpu.memory_space<hbm>>
          %dma_start3A_107 = arith.constant 0 : i32
          %dma_start3A_108 = tpu.memref_slice %arg4[%add3A_104, %dma_start3A_107] : memref<32000x256xf32, #tpu.memory_space<hbm>> -> memref<40x256xf32, #tpu.memory_space<hbm>>
          tpu.enqueue_dma source(%arg6 : memref<40x256xf32, #tpu.memory_space<vmem>>) target(%dma_start3A_108 : memref<40x256xf32, #tpu.memory_space<hbm>>) target_semaphore(%run_scoped3A : memref<!tpu.dma_semaphore, #tpu.memory_space<semaphore_mem>>)
          %dma_wait3A_109 = arith.constant 0 : i32
          %dma_wait3A_110 = tpu.memref_slice %arg4[%add3A_104, %dma_wait3A_109] : memref<32000x256xf32, #tpu.memory_space<hbm>> -> memref<40x256xf32, #tpu.memory_space<hbm>>
          %dma_wait3A_111 = arith.constant 0 : i32
          %dma_wait3A_112 = tpu.memref_slice %arg4[%add3A_104, %dma_wait3A_111] : memref<32000x256xf32, #tpu.memory_space<hbm>> -> memref<40x256xf32, #tpu.memory_space<hbm>>
          tpu.wait_dma2 semaphore(%run_scoped3A : memref<!tpu.dma_semaphore, #tpu.memory_space<semaphore_mem>>) src(%arg6 : memref<40x256xf32, #tpu.memory_space<vmem>>) dst(%dma_wait3A_112 : memref<40x256xf32, #tpu.memory_space<hbm>>)
          tpu.yield
        }) : () -> ()
      } else {
      }
      %add3A_42 = arith.constant 4 : i32
      %add3A_43 = arith.addi %add3A_39, %add3A_42 : i32
      %lt3A_44 = arith.constant 25 : i32
      %lt3A_45 = arith.cmpi slt, %add3A_43, %lt3A_44 : i32
      %convert_element_type3A_46 = arith.extui %lt3A_45 : i1 to i32
      %cond3A_47 = arith.constant 0 : i32
      %cond3A_48 = arith.cmpi ne, %convert_element_type3A_46, %cond3A_47 : i32
      scf.if %cond3A_48 {
        %add3A_97 = arith.constant 4 : i32
        %add3A_98 = arith.addi %add3A_39, %add3A_97 : i32
        %dma_start3A_99 = arith.constant 0 : i32
        %dma_start3A_100 = tpu.memref_slice %arg5[%add3A_98, %dma_start3A_99] : memref<25x40xi32, #tpu.memory_space<vmem>> -> memref<1x40xi32, #tpu.memory_space<vmem>>
        %dma_start3A_101 = tpu.memref_squeeze %dma_start3A_100 : memref<1x40xi32, #tpu.memory_space<vmem>> -> memref<40xi32, #tpu.memory_space<vmem>>
        %dma_start3A_102 = arith.constant 0 : i32
        %dma_start3A_103 = arith.constant 0 : i32
        %dma_start3A_104 = tpu.memref_slice %arg2[%dma_start3A_102, %dma_start3A_103] : memref<10000x256xf32, #tpu.memory_space<hbm>> -> memref<10000x256xf32, #tpu.memory_space<hbm>>
        tpu.enqueue_indirect_dma source(%dma_start3A_104 : memref<10000x256xf32, #tpu.memory_space<hbm>>) target(%arg6 : memref<40x256xf32, #tpu.memory_space<vmem>>) offsets(%dma_start3A_101 : memref<40xi32, #tpu.memory_space<vmem>>) semaphore(%arg10 : memref<!tpu.dma_semaphore, #tpu.memory_space<semaphore_mem>>)
      } else {
      }
      %mul3A_49 = arith.constant 4 : i32
      %mul3A_50 = arith.muli %scan3A_35, %mul3A_49 : i32
      %add3A_51 = arith.constant 1 : i32
      %add3A_52 = arith.addi %mul3A_50, %add3A_51 : i32
      %lt3A_53 = arith.constant 25 : i32
      %lt3A_54 = arith.cmpi slt, %add3A_52, %lt3A_53 : i32
      %convert_element_type3A_55 = arith.extui %lt3A_54 : i1 to i32
      %cond3A_56 = arith.constant 0 : i32
      %cond3A_57 = arith.cmpi ne, %convert_element_type3A_55, %cond3A_56 : i32
      scf.if %cond3A_57 {
        %dma_wait3A = arith.constant 0 : i32
        %dma_wait3A_97 = arith.constant 0 : i32
        %dma_wait3A_98 = tpu.memref_slice %arg4[%dma_wait3A, %dma_wait3A_97] : memref<32000x256xf32, #tpu.memory_space<hbm>> -> memref<40x256xf32, #tpu.memory_space<hbm>>
        %dma_wait3A_99 = arith.constant 0 : i32
        %dma_wait3A_100 = arith.constant 0 : i32
        %dma_wait3A_101 = tpu.memref_slice %arg4[%dma_wait3A_99, %dma_wait3A_100] : memref<32000x256xf32, #tpu.memory_space<hbm>> -> memref<40x256xf32, #tpu.memory_space<hbm>>
        tpu.wait_dma2 semaphore(%arg11 : memref<!tpu.dma_semaphore, #tpu.memory_space<semaphore_mem>>) src(%dma_wait3A_101 : memref<40x256xf32, #tpu.memory_space<hbm>>) dst(%arg7 : memref<40x256xf32, #tpu.memory_space<vmem>>)
        %mul3A_102 = arith.constant 40 : i32
        %mul3A_103 = arith.muli %add3A_52, %mul3A_102 : i32
        %add3A_104 = arith.addi %mul3A_2, %mul3A_103 : i32
        "tpu.region"() ({
          %run_scoped3A = tpu.sem_alloc : memref<!tpu.dma_semaphore, #tpu.memory_space<semaphore_mem>>
          %dma_start3A_105 = arith.constant 0 : i32
          %dma_start3A_106 = tpu.memref_slice %arg4[%add3A_104, %dma_start3A_105] : memref<32000x256xf32, #tpu.memory_space<hbm>> -> memref<40x256xf32, #tpu.memory_space<hbm>>
          %dma_start3A_107 = arith.constant 0 : i32
          %dma_start3A_108 = tpu.memref_slice %arg4[%add3A_104, %dma_start3A_107] : memref<32000x256xf32, #tpu.memory_space<hbm>> -> memref<40x256xf32, #tpu.memory_space<hbm>>
          tpu.enqueue_dma source(%arg7 : memref<40x256xf32, #tpu.memory_space<vmem>>) target(%dma_start3A_108 : memref<40x256xf32, #tpu.memory_space<hbm>>) target_semaphore(%run_scoped3A : memref<!tpu.dma_semaphore, #tpu.memory_space<semaphore_mem>>)
          %dma_wait3A_109 = arith.constant 0 : i32
          %dma_wait3A_110 = tpu.memref_slice %arg4[%add3A_104, %dma_wait3A_109] : memref<32000x256xf32, #tpu.memory_space<hbm>> -> memref<40x256xf32, #tpu.memory_space<hbm>>
          %dma_wait3A_111 = arith.constant 0 : i32
          %dma_wait3A_112 = tpu.memref_slice %arg4[%add3A_104, %dma_wait3A_111] : memref<32000x256xf32, #tpu.memory_space<hbm>> -> memref<40x256xf32, #tpu.memory_space<hbm>>
          tpu.wait_dma2 semaphore(%run_scoped3A : memref<!tpu.dma_semaphore, #tpu.memory_space<semaphore_mem>>) src(%arg7 : memref<40x256xf32, #tpu.memory_space<vmem>>) dst(%dma_wait3A_112 : memref<40x256xf32, #tpu.memory_space<hbm>>)
          tpu.yield
        }) : () -> ()
      } else {
      }
      %add3A_58 = arith.constant 4 : i32
      %add3A_59 = arith.addi %add3A_52, %add3A_58 : i32
      %lt3A_60 = arith.constant 25 : i32
      %lt3A_61 = arith.cmpi slt, %add3A_59, %lt3A_60 : i32
      %convert_element_type3A_62 = arith.extui %lt3A_61 : i1 to i32
      %cond3A_63 = arith.constant 0 : i32
      %cond3A_64 = arith.cmpi ne, %convert_element_type3A_62, %cond3A_63 : i32
      scf.if %cond3A_64 {
        %add3A_97 = arith.constant 4 : i32
        %add3A_98 = arith.addi %add3A_52, %add3A_97 : i32
        %dma_start3A_99 = arith.constant 0 : i32
        %dma_start3A_100 = tpu.memref_slice %arg5[%add3A_98, %dma_start3A_99] : memref<25x40xi32, #tpu.memory_space<vmem>> -> memref<1x40xi32, #tpu.memory_space<vmem>>
        %dma_start3A_101 = tpu.memref_squeeze %dma_start3A_100 : memref<1x40xi32, #tpu.memory_space<vmem>> -> memref<40xi32, #tpu.memory_space<vmem>>
        %dma_start3A_102 = arith.constant 0 : i32
        %dma_start3A_103 = arith.constant 0 : i32
        %dma_start3A_104 = tpu.memref_slice %arg2[%dma_start3A_102, %dma_start3A_103] : memref<10000x256xf32, #tpu.memory_space<hbm>> -> memref<10000x256xf32, #tpu.memory_space<hbm>>
        tpu.enqueue_indirect_dma source(%dma_start3A_104 : memref<10000x256xf32, #tpu.memory_space<hbm>>) target(%arg7 : memref<40x256xf32, #tpu.memory_space<vmem>>) offsets(%dma_start3A_101 : memref<40xi32, #tpu.memory_space<vmem>>) semaphore(%arg11 : memref<!tpu.dma_semaphore, #tpu.memory_space<semaphore_mem>>)
      } else {
      }
      %mul3A_65 = arith.constant 4 : i32
      %mul3A_66 = arith.muli %scan3A_35, %mul3A_65 : i32
      %add3A_67 = arith.constant 2 : i32
      %add3A_68 = arith.addi %mul3A_66, %add3A_67 : i32
      %lt3A_69 = arith.constant 25 : i32
      %lt3A_70 = arith.cmpi slt, %add3A_68, %lt3A_69 : i32
      %convert_element_type3A_71 = arith.extui %lt3A_70 : i1 to i32
      %cond3A_72 = arith.constant 0 : i32
      %cond3A_73 = arith.cmpi ne, %convert_element_type3A_71, %cond3A_72 : i32
      scf.if %cond3A_73 {
        %dma_wait3A = arith.constant 0 : i32
        %dma_wait3A_97 = arith.constant 0 : i32
        %dma_wait3A_98 = tpu.memref_slice %arg4[%dma_wait3A, %dma_wait3A_97] : memref<32000x256xf32, #tpu.memory_space<hbm>> -> memref<40x256xf32, #tpu.memory_space<hbm>>
        %dma_wait3A_99 = arith.constant 0 : i32
        %dma_wait3A_100 = arith.constant 0 : i32
        %dma_wait3A_101 = tpu.memref_slice %arg4[%dma_wait3A_99, %dma_wait3A_100] : memref<32000x256xf32, #tpu.memory_space<hbm>> -> memref<40x256xf32, #tpu.memory_space<hbm>>
        tpu.wait_dma2 semaphore(%arg12 : memref<!tpu.dma_semaphore, #tpu.memory_space<semaphore_mem>>) src(%dma_wait3A_101 : memref<40x256xf32, #tpu.memory_space<hbm>>) dst(%arg8 : memref<40x256xf32, #tpu.memory_space<vmem>>)
        %mul3A_102 = arith.constant 40 : i32
        %mul3A_103 = arith.muli %add3A_68, %mul3A_102 : i32
        %add3A_104 = arith.addi %mul3A_2, %mul3A_103 : i32
        "tpu.region"() ({
          %run_scoped3A = tpu.sem_alloc : memref<!tpu.dma_semaphore, #tpu.memory_space<semaphore_mem>>
          %dma_start3A_105 = arith.constant 0 : i32
          %dma_start3A_106 = tpu.memref_slice %arg4[%add3A_104, %dma_start3A_105] : memref<32000x256xf32, #tpu.memory_space<hbm>> -> memref<40x256xf32, #tpu.memory_space<hbm>>
          %dma_start3A_107 = arith.constant 0 : i32
          %dma_start3A_108 = tpu.memref_slice %arg4[%add3A_104, %dma_start3A_107] : memref<32000x256xf32, #tpu.memory_space<hbm>> -> memref<40x256xf32, #tpu.memory_space<hbm>>
          tpu.enqueue_dma source(%arg8 : memref<40x256xf32, #tpu.memory_space<vmem>>) target(%dma_start3A_108 : memref<40x256xf32, #tpu.memory_space<hbm>>) target_semaphore(%run_scoped3A : memref<!tpu.dma_semaphore, #tpu.memory_space<semaphore_mem>>)
          %dma_wait3A_109 = arith.constant 0 : i32
          %dma_wait3A_110 = tpu.memref_slice %arg4[%add3A_104, %dma_wait3A_109] : memref<32000x256xf32, #tpu.memory_space<hbm>> -> memref<40x256xf32, #tpu.memory_space<hbm>>
          %dma_wait3A_111 = arith.constant 0 : i32
          %dma_wait3A_112 = tpu.memref_slice %arg4[%add3A_104, %dma_wait3A_111] : memref<32000x256xf32, #tpu.memory_space<hbm>> -> memref<40x256xf32, #tpu.memory_space<hbm>>
          tpu.wait_dma2 semaphore(%run_scoped3A : memref<!tpu.dma_semaphore, #tpu.memory_space<semaphore_mem>>) src(%arg8 : memref<40x256xf32, #tpu.memory_space<vmem>>) dst(%dma_wait3A_112 : memref<40x256xf32, #tpu.memory_space<hbm>>)
          tpu.yield
        }) : () -> ()
      } else {
      }
      %add3A_74 = arith.constant 4 : i32
      %add3A_75 = arith.addi %add3A_68, %add3A_74 : i32
      %lt3A_76 = arith.constant 25 : i32
      %lt3A_77 = arith.cmpi slt, %add3A_75, %lt3A_76 : i32
      %convert_element_type3A_78 = arith.extui %lt3A_77 : i1 to i32
      %cond3A_79 = arith.constant 0 : i32
      %cond3A_80 = arith.cmpi ne, %convert_element_type3A_78, %cond3A_79 : i32
      scf.if %cond3A_80 {
        %add3A_97 = arith.constant 4 : i32
        %add3A_98 = arith.addi %add3A_68, %add3A_97 : i32
        %dma_start3A_99 = arith.constant 0 : i32
        %dma_start3A_100 = tpu.memref_slice %arg5[%add3A_98, %dma_start3A_99] : memref<25x40xi32, #tpu.memory_space<vmem>> -> memref<1x40xi32, #tpu.memory_space<vmem>>
        %dma_start3A_101 = tpu.memref_squeeze %dma_start3A_100 : memref<1x40xi32, #tpu.memory_space<vmem>> -> memref<40xi32, #tpu.memory_space<vmem>>
        %dma_start3A_102 = arith.constant 0 : i32
        %dma_start3A_103 = arith.constant 0 : i32
        %dma_start3A_104 = tpu.memref_slice %arg2[%dma_start3A_102, %dma_start3A_103] : memref<10000x256xf32, #tpu.memory_space<hbm>> -> memref<10000x256xf32, #tpu.memory_space<hbm>>
        tpu.enqueue_indirect_dma source(%dma_start3A_104 : memref<10000x256xf32, #tpu.memory_space<hbm>>) target(%arg8 : memref<40x256xf32, #tpu.memory_space<vmem>>) offsets(%dma_start3A_101 : memref<40xi32, #tpu.memory_space<vmem>>) semaphore(%arg12 : memref<!tpu.dma_semaphore, #tpu.memory_space<semaphore_mem>>)
      } else {
      }
      %mul3A_81 = arith.constant 4 : i32
      %mul3A_82 = arith.muli %scan3A_35, %mul3A_81 : i32
      %add3A_83 = arith.constant 3 : i32
      %add3A_84 = arith.addi %mul3A_82, %add3A_83 : i32
      %lt3A_85 = arith.constant 25 : i32
      %lt3A_86 = arith.cmpi slt, %add3A_84, %lt3A_85 : i32
      %convert_element_type3A_87 = arith.extui %lt3A_86 : i1 to i32
      %cond3A_88 = arith.constant 0 : i32
      %cond3A_89 = arith.cmpi ne, %convert_element_type3A_87, %cond3A_88 : i32
      scf.if %cond3A_89 {
        %dma_wait3A = arith.constant 0 : i32
        %dma_wait3A_97 = arith.constant 0 : i32
        %dma_wait3A_98 = tpu.memref_slice %arg4[%dma_wait3A, %dma_wait3A_97] : memref<32000x256xf32, #tpu.memory_space<hbm>> -> memref<40x256xf32, #tpu.memory_space<hbm>>
        %dma_wait3A_99 = arith.constant 0 : i32
        %dma_wait3A_100 = arith.constant 0 : i32
        %dma_wait3A_101 = tpu.memref_slice %arg4[%dma_wait3A_99, %dma_wait3A_100] : memref<32000x256xf32, #tpu.memory_space<hbm>> -> memref<40x256xf32, #tpu.memory_space<hbm>>
        tpu.wait_dma2 semaphore(%arg13 : memref<!tpu.dma_semaphore, #tpu.memory_space<semaphore_mem>>) src(%dma_wait3A_101 : memref<40x256xf32, #tpu.memory_space<hbm>>) dst(%arg9 : memref<40x256xf32, #tpu.memory_space<vmem>>)
        %mul3A_102 = arith.constant 40 : i32
        %mul3A_103 = arith.muli %add3A_84, %mul3A_102 : i32
        %add3A_104 = arith.addi %mul3A_2, %mul3A_103 : i32
        "tpu.region"() ({
          %run_scoped3A = tpu.sem_alloc : memref<!tpu.dma_semaphore, #tpu.memory_space<semaphore_mem>>
          %dma_start3A_105 = arith.constant 0 : i32
          %dma_start3A_106 = tpu.memref_slice %arg4[%add3A_104, %dma_start3A_105] : memref<32000x256xf32, #tpu.memory_space<hbm>> -> memref<40x256xf32, #tpu.memory_space<hbm>>
          %dma_start3A_107 = arith.constant 0 : i32
          %dma_start3A_108 = tpu.memref_slice %arg4[%add3A_104, %dma_start3A_107] : memref<32000x256xf32, #tpu.memory_space<hbm>> -> memref<40x256xf32, #tpu.memory_space<hbm>>
          tpu.enqueue_dma source(%arg9 : memref<40x256xf32, #tpu.memory_space<vmem>>) target(%dma_start3A_108 : memref<40x256xf32, #tpu.memory_space<hbm>>) target_semaphore(%run_scoped3A : memref<!tpu.dma_semaphore, #tpu.memory_space<semaphore_mem>>)
          %dma_wait3A_109 = arith.constant 0 : i32
          %dma_wait3A_110 = tpu.memref_slice %arg4[%add3A_104, %dma_wait3A_109] : memref<32000x256xf32, #tpu.memory_space<hbm>> -> memref<40x256xf32, #tpu.memory_space<hbm>>
          %dma_wait3A_111 = arith.constant 0 : i32
          %dma_wait3A_112 = tpu.memref_slice %arg4[%add3A_104, %dma_wait3A_111] : memref<32000x256xf32, #tpu.memory_space<hbm>> -> memref<40x256xf32, #tpu.memory_space<hbm>>
          tpu.wait_dma2 semaphore(%run_scoped3A : memref<!tpu.dma_semaphore, #tpu.memory_space<semaphore_mem>>) src(%arg9 : memref<40x256xf32, #tpu.memory_space<vmem>>) dst(%dma_wait3A_112 : memref<40x256xf32, #tpu.memory_space<hbm>>)
          tpu.yield
        }) : () -> ()
      } else {
      }
      %add3A_90 = arith.constant 4 : i32
      %add3A_91 = arith.addi %add3A_84, %add3A_90 : i32
      %lt3A_92 = arith.constant 25 : i32
      %lt3A_93 = arith.cmpi slt, %add3A_91, %lt3A_92 : i32
      %convert_element_type3A_94 = arith.extui %lt3A_93 : i1 to i32
      %cond3A_95 = arith.constant 0 : i32
      %cond3A_96 = arith.cmpi ne, %convert_element_type3A_94, %cond3A_95 : i32
      scf.if %cond3A_96 {
        %add3A_97 = arith.constant 4 : i32
        %add3A_98 = arith.addi %add3A_84, %add3A_97 : i32
        %dma_start3A_99 = arith.constant 0 : i32
        %dma_start3A_100 = tpu.memref_slice %arg5[%add3A_98, %dma_start3A_99] : memref<25x40xi32, #tpu.memory_space<vmem>> -> memref<1x40xi32, #tpu.memory_space<vmem>>
        %dma_start3A_101 = tpu.memref_squeeze %dma_start3A_100 : memref<1x40xi32, #tpu.memory_space<vmem>> -> memref<40xi32, #tpu.memory_space<vmem>>
        %dma_start3A_102 = arith.constant 0 : i32
        %dma_start3A_103 = arith.constant 0 : i32
        %dma_start3A_104 = tpu.memref_slice %arg2[%dma_start3A_102, %dma_start3A_103] : memref<10000x256xf32, #tpu.memory_space<hbm>> -> memref<10000x256xf32, #tpu.memory_space<hbm>>
        tpu.enqueue_indirect_dma source(%dma_start3A_104 : memref<10000x256xf32, #tpu.memory_space<hbm>>) target(%arg9 : memref<40x256xf32, #tpu.memory_space<vmem>>) offsets(%dma_start3A_101 : memref<40xi32, #tpu.memory_space<vmem>>) semaphore(%arg13 : memref<!tpu.dma_semaphore, #tpu.memory_space<semaphore_mem>>)
      } else {
      }
    }
    %scan3A_34 = arith.constant 7 : i32
    return
  }
}

#map = affine_map<(d0, d1) -> (0, 0)>
#map1 = affine_map<(d0, d1) -> (0, 0, 0)>
module attributes {stable_mosaic.version = 14 : i64} {
  func.func @gather_k(%arg0: i32, %arg1: i32, %arg2: memref<10000x256xf32, #tpu.memory_space<hbm>>, %arg3: memref<32x25x40xi32, #tpu.memory_space<hbm>>, %arg4: memref<32000x256xf32, #tpu.memory_space<hbm>>, %arg5: memref<25x40xi32, #tpu.memory_space<vmem>>, %arg6: memref<40x256xf32, #tpu.memory_space<vmem>>, %arg7: memref<40x256xf32, #tpu.memory_space<vmem>>, %arg8: memref<40x256xf32, #tpu.memory_space<vmem>>, %arg9: memref<40x256xf32, #tpu.memory_space<vmem>>, %arg10: memref<!tpu.dma_semaphore, #tpu.memory_space<semaphore_mem>>, %arg11: memref<!tpu.dma_semaphore, #tpu.memory_space<semaphore_mem>>, %arg12: memref<!tpu.dma_semaphore, #tpu.memory_space<semaphore_mem>>, %arg13: memref<!tpu.dma_semaphore, #tpu.memory_space<semaphore_mem>>) attributes {dimension_semantics = [#tpu.dimension_semantics<core_parallel>, #tpu.dimension_semantics<subcore_parallel>], iteration_bounds = array<i64: 2, 16>, scalar_prefetch = 0 : i64, scratch_operands = 9 : i64, tpu.core_type = #tpu.core_type<sc_vector_subcore>, window_params = [{transform_indices = #map}, {transform_indices = #map1}, {transform_indices = #map}]} {
    %mul3A = arith.constant 2 : i32
    %mul3A_0 = arith.muli %arg1, %mul3A : i32
    %add3A = arith.addi %mul3A_0, %arg0 : i32
    %mul3A_1 = arith.constant 1000 : i32
    %mul3A_2 = arith.muli %add3A, %mul3A_1 : i32
    "tpu.region"() ({
      %run_scoped3A = tpu.sem_alloc : memref<!tpu.dma_semaphore, #tpu.memory_space<semaphore_mem>>
      %dma_start3A_35 = arith.constant 0 : i32
      %dma_start3A_36 = arith.constant 0 : i32
      %dma_start3A_37 = tpu.memref_slice %arg3[%add3A, %dma_start3A_35, %dma_start3A_36] : memref<32x25x40xi32, #tpu.memory_space<hbm>> -> memref<1x25x40xi32, #tpu.memory_space<hbm>>
      %dma_start3A_38 = tpu.memref_squeeze %dma_start3A_37 : memref<1x25x40xi32, #tpu.memory_space<hbm>> -> memref<25x40xi32, #tpu.memory_space<hbm>>
      %dma_start3A_39 = arith.constant 0 : i32
      %dma_start3A_40 = arith.constant 0 : i32
      %dma_start3A_41 = tpu.memref_slice %arg3[%add3A, %dma_start3A_39, %dma_start3A_40] : memref<32x25x40xi32, #tpu.memory_space<hbm>> -> memref<1x25x40xi32, #tpu.memory_space<hbm>>
      %dma_start3A_42 = tpu.memref_squeeze %dma_start3A_41 : memref<1x25x40xi32, #tpu.memory_space<hbm>> -> memref<25x40xi32, #tpu.memory_space<hbm>>
      tpu.enqueue_dma source(%dma_start3A_42 : memref<25x40xi32, #tpu.memory_space<hbm>>) target(%arg5 : memref<25x40xi32, #tpu.memory_space<vmem>>) target_semaphore(%run_scoped3A : memref<!tpu.dma_semaphore, #tpu.memory_space<semaphore_mem>>)
      %dma_wait3A = arith.constant 0 : i32
      %dma_wait3A_43 = arith.constant 0 : i32
      %dma_wait3A_44 = tpu.memref_slice %arg3[%add3A, %dma_wait3A, %dma_wait3A_43] : memref<32x25x40xi32, #tpu.memory_space<hbm>> -> memref<1x25x40xi32, #tpu.memory_space<hbm>>
      %dma_wait3A_45 = tpu.memref_squeeze %dma_wait3A_44 : memref<1x25x40xi32, #tpu.memory_space<hbm>> -> memref<25x40xi32, #tpu.memory_space<hbm>>
      %dma_wait3A_46 = arith.constant 0 : i32
      %dma_wait3A_47 = arith.constant 0 : i32
      %dma_wait3A_48 = tpu.memref_slice %arg3[%add3A, %dma_wait3A_46, %dma_wait3A_47] : memref<32x25x40xi32, #tpu.memory_space<hbm>> -> memref<1x25x40xi32, #tpu.memory_space<hbm>>
      %dma_wait3A_49 = tpu.memref_squeeze %dma_wait3A_48 : memref<1x25x40xi32, #tpu.memory_space<hbm>> -> memref<25x40xi32, #tpu.memory_space<hbm>>
      tpu.wait_dma2 semaphore(%run_scoped3A : memref<!tpu.dma_semaphore, #tpu.memory_space<semaphore_mem>>) src(%dma_wait3A_49 : memref<25x40xi32, #tpu.memory_space<hbm>>) dst(%arg5 : memref<25x40xi32, #tpu.memory_space<vmem>>)
      tpu.yield
    }) : () -> ()
    %dma_start3A = arith.constant 0 : i32
    %dma_start3A_3 = arith.constant 0 : i32
    %dma_start3A_4 = tpu.memref_slice %arg5[%dma_start3A, %dma_start3A_3] : memref<25x40xi32, #tpu.memory_space<vmem>> -> memref<1x40xi32, #tpu.memory_space<vmem>>
    %dma_start3A_5 = tpu.memref_squeeze %dma_start3A_4 : memref<1x40xi32, #tpu.memory_space<vmem>> -> memref<40xi32, #tpu.memory_space<vmem>>
    %dma_start3A_6 = arith.constant 0 : i32
    %dma_start3A_7 = arith.constant 0 : i32
    %dma_start3A_8 = tpu.memref_slice %arg2[%dma_start3A_6, %dma_start3A_7] : memref<10000x256xf32, #tpu.memory_space<hbm>> -> memref<10000x256xf32, #tpu.memory_space<hbm>>
    tpu.enqueue_indirect_dma source(%dma_start3A_8 : memref<10000x256xf32, #tpu.memory_space<hbm>>) target(%arg6 : memref<40x256xf32, #tpu.memory_space<vmem>>) offsets(%dma_start3A_5 : memref<40xi32, #tpu.memory_space<vmem>>) semaphore(%arg10 : memref<!tpu.dma_semaphore, #tpu.memory_space<semaphore_mem>>)
    %dma_start3A_9 = arith.constant 1 : i32
    %dma_start3A_10 = arith.constant 0 : i32
    %dma_start3A_11 = tpu.memref_slice %arg5[%dma_start3A_9, %dma_start3A_10] : memref<25x40xi32, #tpu.memory_space<vmem>> -> memref<1x40xi32, #tpu.memory_space<vmem>>
    %dma_start3A_12 = tpu.memref_squeeze %dma_start3A_11 : memref<1x40xi32, #tpu.memory_space<vmem>> -> memref<40xi32, #tpu.memory_space<vmem>>
    %dma_start3A_13 = arith.constant 0 : i32
    %dma_start3A_14 = arith.constant 0 : i32
    %dma_start3A_15 = tpu.memref_slice %arg2[%dma_start3A_13, %dma_start3A_14] : memref<10000x256xf32, #tpu.memory_space<hbm>> -> memref<10000x256xf32, #tpu.memory_space<hbm>>
    tpu.enqueue_indirect_dma source(%dma_start3A_15 : memref<10000x256xf32, #tpu.memory_space<hbm>>) target(%arg7 : memref<40x256xf32, #tpu.memory_space<vmem>>) offsets(%dma_start3A_12 : memref<40xi32, #tpu.memory_space<vmem>>) semaphore(%arg11 : memref<!tpu.dma_semaphore, #tpu.memory_space<semaphore_mem>>)
    %dma_start3A_16 = arith.constant 2 : i32
    %dma_start3A_17 = arith.constant 0 : i32
    %dma_start3A_18 = tpu.memref_slice %arg5[%dma_start3A_16, %dma_start3A_17] : memref<25x40xi32, #tpu.memory_space<vmem>> -> memref<1x40xi32, #tpu.memory_space<vmem>>
    %dma_start3A_19 = tpu.memref_squeeze %dma_start3A_18 : memref<1x40xi32, #tpu.memory_space<vmem>> -> memref<40xi32, #tpu.memory_space<vmem>>
    %dma_start3A_20 = arith.constant 0 : i32
    %dma_start3A_21 = arith.constant 0 : i32
    %dma_start3A_22 = tpu.memref_slice %arg2[%dma_start3A_20, %dma_start3A_21] : memref<10000x256xf32, #tpu.memory_space<hbm>> -> memref<10000x256xf32, #tpu.memory_space<hbm>>
    tpu.enqueue_indirect_dma source(%dma_start3A_22 : memref<10000x256xf32, #tpu.memory_space<hbm>>) target(%arg8 : memref<40x256xf32, #tpu.memory_space<vmem>>) offsets(%dma_start3A_19 : memref<40xi32, #tpu.memory_space<vmem>>) semaphore(%arg12 : memref<!tpu.dma_semaphore, #tpu.memory_space<semaphore_mem>>)
    %dma_start3A_23 = arith.constant 3 : i32
    %dma_start3A_24 = arith.constant 0 : i32
    %dma_start3A_25 = tpu.memref_slice %arg5[%dma_start3A_23, %dma_start3A_24] : memref<25x40xi32, #tpu.memory_space<vmem>> -> memref<1x40xi32, #tpu.memory_space<vmem>>
    %dma_start3A_26 = tpu.memref_squeeze %dma_start3A_25 : memref<1x40xi32, #tpu.memory_space<vmem>> -> memref<40xi32, #tpu.memory_space<vmem>>
    %dma_start3A_27 = arith.constant 0 : i32
    %dma_start3A_28 = arith.constant 0 : i32
    %dma_start3A_29 = tpu.memref_slice %arg2[%dma_start3A_27, %dma_start3A_28] : memref<10000x256xf32, #tpu.memory_space<hbm>> -> memref<10000x256xf32, #tpu.memory_space<hbm>>
    tpu.enqueue_indirect_dma source(%dma_start3A_29 : memref<10000x256xf32, #tpu.memory_space<hbm>>) target(%arg9 : memref<40x256xf32, #tpu.memory_space<vmem>>) offsets(%dma_start3A_26 : memref<40xi32, #tpu.memory_space<vmem>>) semaphore(%arg13 : memref<!tpu.dma_semaphore, #tpu.memory_space<semaphore_mem>>)
    %scan3A = arith.constant 0 : i32
    %scan3A_30 = arith.constant 0 : i32
    %scan3A_31 = arith.constant 7 : i32
    %scan3A_32 = arith.addi %scan3A_30, %scan3A_31 : i32
    %scan3A_33 = arith.constant 1 : i32
    scf.for %scan3A_35 = %scan3A_30 to %scan3A_32 step %scan3A_33  : i32 {
      %mul3A_36 = arith.constant 4 : i32
      %mul3A_37 = arith.muli %scan3A_35, %mul3A_36 : i32
      %add3A_38 = arith.constant 0 : i32
      %add3A_39 = arith.addi %mul3A_37, %add3A_38 : i32
      %lt3A = arith.constant 25 : i32
      %lt3A_40 = arith.cmpi slt, %add3A_39, %lt3A : i32
      %convert_element_type3A = arith.extui %lt3A_40 : i1 to i32
      %cond3A = arith.constant 0 : i32
      %cond3A_41 = arith.cmpi ne, %convert_element_type3A, %cond3A : i32
      scf.if %cond3A_41 {
        %dma_wait3A = arith.constant 0 : i32
        %dma_wait3A_97 = arith.constant 0 : i32
        %dma_wait3A_98 = tpu.memref_slice %arg4[%dma_wait3A, %dma_wait3A_97] : memref<32000x256xf32, #tpu.memory_space<hbm>> -> memref<40x256xf32, #tpu.memory_space<hbm>>
        %dma_wait3A_99 = arith.constant 0 : i32
        %dma_wait3A_100 = arith.constant 0 : i32
        %dma_wait3A_101 = tpu.memref_slice %arg4[%dma_wait3A_99, %dma_wait3A_100] : memref<32000x256xf32, #tpu.memory_space<hbm>> -> memref<40x256xf32, #tpu.memory_space<hbm>>
        tpu.wait_dma2 semaphore(%arg10 : memref<!tpu.dma_semaphore, #tpu.memory_space<semaphore_mem>>) src(%dma_wait3A_101 : memref<40x256xf32, #tpu.memory_space<hbm>>) dst(%arg6 : memref<40x256xf32, #tpu.memory_space<vmem>>)
        %mul3A_102 = arith.constant 40 : i32
        %mul3A_103 = arith.muli %add3A_39, %mul3A_102 : i32
        %add3A_104 = arith.addi %mul3A_2, %mul3A_103 : i32
        "tpu.region"() ({
          %run_scoped3A = tpu.sem_alloc : memref<!tpu.dma_semaphore, #tpu.memory_space<semaphore_mem>>
          %dma_start3A_105 = arith.constant 0 : i32
          %dma_start3A_106 = tpu.memref_slice %arg4[%add3A_104, %dma_start3A_105] : memref<32000x256xf32, #tpu.memory_space<hbm>> -> memref<40x256xf32, #tpu.memory_space<hbm>>
          %dma_start3A_107 = arith.constant 0 : i32
          %dma_start3A_108 = tpu.memref_slice %arg4[%add3A_104, %dma_start3A_107] : memref<32000x256xf32, #tpu.memory_space<hbm>> -> memref<40x256xf32, #tpu.memory_space<hbm>>
          tpu.enqueue_dma source(%arg6 : memref<40x256xf32, #tpu.memory_space<vmem>>) target(%dma_start3A_108 : memref<40x256xf32, #tpu.memory_space<hbm>>) target_semaphore(%run_scoped3A : memref<!tpu.dma_semaphore, #tpu.memory_space<semaphore_mem>>)
          %dma_wait3A_109 = arith.constant 0 : i32
          %dma_wait3A_110 = tpu.memref_slice %arg4[%add3A_104, %dma_wait3A_109] : memref<32000x256xf32, #tpu.memory_space<hbm>> -> memref<40x256xf32, #tpu.memory_space<hbm>>
          %dma_wait3A_111 = arith.constant 0 : i32
          %dma_wait3A_112 = tpu.memref_slice %arg4[%add3A_104, %dma_wait3A_111] : memref<32000x256xf32, #tpu.memory_space<hbm>> -> memref<40x256xf32, #tpu.memory_space<hbm>>
          tpu.wait_dma2 semaphore(%run_scoped3A : memref<!tpu.dma_semaphore, #tpu.memory_space<semaphore_mem>>) src(%arg6 : memref<40x256xf32, #tpu.memory_space<vmem>>) dst(%dma_wait3A_112 : memref<40x256xf32, #tpu.memory_space<hbm>>)
          tpu.yield
        }) : () -> ()
      } else {
      }
      %add3A_42 = arith.constant 4 : i32
      %add3A_43 = arith.addi %add3A_39, %add3A_42 : i32
      %lt3A_44 = arith.constant 25 : i32
      %lt3A_45 = arith.cmpi slt, %add3A_43, %lt3A_44 : i32
      %convert_element_type3A_46 = arith.extui %lt3A_45 : i1 to i32
      %cond3A_47 = arith.constant 0 : i32
      %cond3A_48 = arith.cmpi ne, %convert_element_type3A_46, %cond3A_47 : i32
      scf.if %cond3A_48 {
        %add3A_97 = arith.constant 4 : i32
        %add3A_98 = arith.addi %add3A_39, %add3A_97 : i32
        %dma_start3A_99 = arith.constant 0 : i32
        %dma_start3A_100 = tpu.memref_slice %arg5[%add3A_98, %dma_start3A_99] : memref<25x40xi32, #tpu.memory_space<vmem>> -> memref<1x40xi32, #tpu.memory_space<vmem>>
        %dma_start3A_101 = tpu.memref_squeeze %dma_start3A_100 : memref<1x40xi32, #tpu.memory_space<vmem>> -> memref<40xi32, #tpu.memory_space<vmem>>
        %dma_start3A_102 = arith.constant 0 : i32
        %dma_start3A_103 = arith.constant 0 : i32
        %dma_start3A_104 = tpu.memref_slice %arg2[%dma_start3A_102, %dma_start3A_103] : memref<10000x256xf32, #tpu.memory_space<hbm>> -> memref<10000x256xf32, #tpu.memory_space<hbm>>
        tpu.enqueue_indirect_dma source(%dma_start3A_104 : memref<10000x256xf32, #tpu.memory_space<hbm>>) target(%arg6 : memref<40x256xf32, #tpu.memory_space<vmem>>) offsets(%dma_start3A_101 : memref<40xi32, #tpu.memory_space<vmem>>) semaphore(%arg10 : memref<!tpu.dma_semaphore, #tpu.memory_space<semaphore_mem>>)
      } else {
      }
      %mul3A_49 = arith.constant 4 : i32
      %mul3A_50 = arith.muli %scan3A_35, %mul3A_49 : i32
      %add3A_51 = arith.constant 1 : i32
      %add3A_52 = arith.addi %mul3A_50, %add3A_51 : i32
      %lt3A_53 = arith.constant 25 : i32
      %lt3A_54 = arith.cmpi slt, %add3A_52, %lt3A_53 : i32
      %convert_element_type3A_55 = arith.extui %lt3A_54 : i1 to i32
      %cond3A_56 = arith.constant 0 : i32
      %cond3A_57 = arith.cmpi ne, %convert_element_type3A_55, %cond3A_56 : i32
      scf.if %cond3A_57 {
        %dma_wait3A = arith.constant 0 : i32
        %dma_wait3A_97 = arith.constant 0 : i32
        %dma_wait3A_98 = tpu.memref_slice %arg4[%dma_wait3A, %dma_wait3A_97] : memref<32000x256xf32, #tpu.memory_space<hbm>> -> memref<40x256xf32, #tpu.memory_space<hbm>>
        %dma_wait3A_99 = arith.constant 0 : i32
        %dma_wait3A_100 = arith.constant 0 : i32
        %dma_wait3A_101 = tpu.memref_slice %arg4[%dma_wait3A_99, %dma_wait3A_100] : memref<32000x256xf32, #tpu.memory_space<hbm>> -> memref<40x256xf32, #tpu.memory_space<hbm>>
        tpu.wait_dma2 semaphore(%arg11 : memref<!tpu.dma_semaphore, #tpu.memory_space<semaphore_mem>>) src(%dma_wait3A_101 : memref<40x256xf32, #tpu.memory_space<hbm>>) dst(%arg7 : memref<40x256xf32, #tpu.memory_space<vmem>>)
        %mul3A_102 = arith.constant 40 : i32
        %mul3A_103 = arith.muli %add3A_52, %mul3A_102 : i32
        %add3A_104 = arith.addi %mul3A_2, %mul3A_103 : i32
        "tpu.region"() ({
          %run_scoped3A = tpu.sem_alloc : memref<!tpu.dma_semaphore, #tpu.memory_space<semaphore_mem>>
          %dma_start3A_105 = arith.constant 0 : i32
          %dma_start3A_106 = tpu.memref_slice %arg4[%add3A_104, %dma_start3A_105] : memref<32000x256xf32, #tpu.memory_space<hbm>> -> memref<40x256xf32, #tpu.memory_space<hbm>>
          %dma_start3A_107 = arith.constant 0 : i32
          %dma_start3A_108 = tpu.memref_slice %arg4[%add3A_104, %dma_start3A_107] : memref<32000x256xf32, #tpu.memory_space<hbm>> -> memref<40x256xf32, #tpu.memory_space<hbm>>
          tpu.enqueue_dma source(%arg7 : memref<40x256xf32, #tpu.memory_space<vmem>>) target(%dma_start3A_108 : memref<40x256xf32, #tpu.memory_space<hbm>>) target_semaphore(%run_scoped3A : memref<!tpu.dma_semaphore, #tpu.memory_space<semaphore_mem>>)
          %dma_wait3A_109 = arith.constant 0 : i32
          %dma_wait3A_110 = tpu.memref_slice %arg4[%add3A_104, %dma_wait3A_109] : memref<32000x256xf32, #tpu.memory_space<hbm>> -> memref<40x256xf32, #tpu.memory_space<hbm>>
          %dma_wait3A_111 = arith.constant 0 : i32
          %dma_wait3A_112 = tpu.memref_slice %arg4[%add3A_104, %dma_wait3A_111] : memref<32000x256xf32, #tpu.memory_space<hbm>> -> memref<40x256xf32, #tpu.memory_space<hbm>>
          tpu.wait_dma2 semaphore(%run_scoped3A : memref<!tpu.dma_semaphore, #tpu.memory_space<semaphore_mem>>) src(%arg7 : memref<40x256xf32, #tpu.memory_space<vmem>>) dst(%dma_wait3A_112 : memref<40x256xf32, #tpu.memory_space<hbm>>)
          tpu.yield
        }) : () -> ()
      } else {
      }
      %add3A_58 = arith.constant 4 : i32
      %add3A_59 = arith.addi %add3A_52, %add3A_58 : i32
      %lt3A_60 = arith.constant 25 : i32
      %lt3A_61 = arith.cmpi slt, %add3A_59, %lt3A_60 : i32
      %convert_element_type3A_62 = arith.extui %lt3A_61 : i1 to i32
      %cond3A_63 = arith.constant 0 : i32
      %cond3A_64 = arith.cmpi ne, %convert_element_type3A_62, %cond3A_63 : i32
      scf.if %cond3A_64 {
        %add3A_97 = arith.constant 4 : i32
        %add3A_98 = arith.addi %add3A_52, %add3A_97 : i32
        %dma_start3A_99 = arith.constant 0 : i32
        %dma_start3A_100 = tpu.memref_slice %arg5[%add3A_98, %dma_start3A_99] : memref<25x40xi32, #tpu.memory_space<vmem>> -> memref<1x40xi32, #tpu.memory_space<vmem>>
        %dma_start3A_101 = tpu.memref_squeeze %dma_start3A_100 : memref<1x40xi32, #tpu.memory_space<vmem>> -> memref<40xi32, #tpu.memory_space<vmem>>
        %dma_start3A_102 = arith.constant 0 : i32
        %dma_start3A_103 = arith.constant 0 : i32
        %dma_start3A_104 = tpu.memref_slice %arg2[%dma_start3A_102, %dma_start3A_103] : memref<10000x256xf32, #tpu.memory_space<hbm>> -> memref<10000x256xf32, #tpu.memory_space<hbm>>
        tpu.enqueue_indirect_dma source(%dma_start3A_104 : memref<10000x256xf32, #tpu.memory_space<hbm>>) target(%arg7 : memref<40x256xf32, #tpu.memory_space<vmem>>) offsets(%dma_start3A_101 : memref<40xi32, #tpu.memory_space<vmem>>) semaphore(%arg11 : memref<!tpu.dma_semaphore, #tpu.memory_space<semaphore_mem>>)
      } else {
      }
      %mul3A_65 = arith.constant 4 : i32
      %mul3A_66 = arith.muli %scan3A_35, %mul3A_65 : i32
      %add3A_67 = arith.constant 2 : i32
      %add3A_68 = arith.addi %mul3A_66, %add3A_67 : i32
      %lt3A_69 = arith.constant 25 : i32
      %lt3A_70 = arith.cmpi slt, %add3A_68, %lt3A_69 : i32
      %convert_element_type3A_71 = arith.extui %lt3A_70 : i1 to i32
      %cond3A_72 = arith.constant 0 : i32
      %cond3A_73 = arith.cmpi ne, %convert_element_type3A_71, %cond3A_72 : i32
      scf.if %cond3A_73 {
        %dma_wait3A = arith.constant 0 : i32
        %dma_wait3A_97 = arith.constant 0 : i32
        %dma_wait3A_98 = tpu.memref_slice %arg4[%dma_wait3A, %dma_wait3A_97] : memref<32000x256xf32, #tpu.memory_space<hbm>> -> memref<40x256xf32, #tpu.memory_space<hbm>>
        %dma_wait3A_99 = arith.constant 0 : i32
        %dma_wait3A_100 = arith.constant 0 : i32
        %dma_wait3A_101 = tpu.memref_slice %arg4[%dma_wait3A_99, %dma_wait3A_100] : memref<32000x256xf32, #tpu.memory_space<hbm>> -> memref<40x256xf32, #tpu.memory_space<hbm>>
        tpu.wait_dma2 semaphore(%arg12 : memref<!tpu.dma_semaphore, #tpu.memory_space<semaphore_mem>>) src(%dma_wait3A_101 : memref<40x256xf32, #tpu.memory_space<hbm>>) dst(%arg8 : memref<40x256xf32, #tpu.memory_space<vmem>>)
        %mul3A_102 = arith.constant 40 : i32
        %mul3A_103 = arith.muli %add3A_68, %mul3A_102 : i32
        %add3A_104 = arith.addi %mul3A_2, %mul3A_103 : i32
        "tpu.region"() ({
          %run_scoped3A = tpu.sem_alloc : memref<!tpu.dma_semaphore, #tpu.memory_space<semaphore_mem>>
          %dma_start3A_105 = arith.constant 0 : i32
          %dma_start3A_106 = tpu.memref_slice %arg4[%add3A_104, %dma_start3A_105] : memref<32000x256xf32, #tpu.memory_space<hbm>> -> memref<40x256xf32, #tpu.memory_space<hbm>>
          %dma_start3A_107 = arith.constant 0 : i32
          %dma_start3A_108 = tpu.memref_slice %arg4[%add3A_104, %dma_start3A_107] : memref<32000x256xf32, #tpu.memory_space<hbm>> -> memref<40x256xf32, #tpu.memory_space<hbm>>
          tpu.enqueue_dma source(%arg8 : memref<40x256xf32, #tpu.memory_space<vmem>>) target(%dma_start3A_108 : memref<40x256xf32, #tpu.memory_space<hbm>>) target_semaphore(%run_scoped3A : memref<!tpu.dma_semaphore, #tpu.memory_space<semaphore_mem>>)
          %dma_wait3A_109 = arith.constant 0 : i32
          %dma_wait3A_110 = tpu.memref_slice %arg4[%add3A_104, %dma_wait3A_109] : memref<32000x256xf32, #tpu.memory_space<hbm>> -> memref<40x256xf32, #tpu.memory_space<hbm>>
          %dma_wait3A_111 = arith.constant 0 : i32
          %dma_wait3A_112 = tpu.memref_slice %arg4[%add3A_104, %dma_wait3A_111] : memref<32000x256xf32, #tpu.memory_space<hbm>> -> memref<40x256xf32, #tpu.memory_space<hbm>>
          tpu.wait_dma2 semaphore(%run_scoped3A : memref<!tpu.dma_semaphore, #tpu.memory_space<semaphore_mem>>) src(%arg8 : memref<40x256xf32, #tpu.memory_space<vmem>>) dst(%dma_wait3A_112 : memref<40x256xf32, #tpu.memory_space<hbm>>)
          tpu.yield
        }) : () -> ()
      } else {
      }
      %add3A_74 = arith.constant 4 : i32
      %add3A_75 = arith.addi %add3A_68, %add3A_74 : i32
      %lt3A_76 = arith.constant 25 : i32
      %lt3A_77 = arith.cmpi slt, %add3A_75, %lt3A_76 : i32
      %convert_element_type3A_78 = arith.extui %lt3A_77 : i1 to i32
      %cond3A_79 = arith.constant 0 : i32
      %cond3A_80 = arith.cmpi ne, %convert_element_type3A_78, %cond3A_79 : i32
      scf.if %cond3A_80 {
        %add3A_97 = arith.constant 4 : i32
        %add3A_98 = arith.addi %add3A_68, %add3A_97 : i32
        %dma_start3A_99 = arith.constant 0 : i32
        %dma_start3A_100 = tpu.memref_slice %arg5[%add3A_98, %dma_start3A_99] : memref<25x40xi32, #tpu.memory_space<vmem>> -> memref<1x40xi32, #tpu.memory_space<vmem>>
        %dma_start3A_101 = tpu.memref_squeeze %dma_start3A_100 : memref<1x40xi32, #tpu.memory_space<vmem>> -> memref<40xi32, #tpu.memory_space<vmem>>
        %dma_start3A_102 = arith.constant 0 : i32
        %dma_start3A_103 = arith.constant 0 : i32
        %dma_start3A_104 = tpu.memref_slice %arg2[%dma_start3A_102, %dma_start3A_103] : memref<10000x256xf32, #tpu.memory_space<hbm>> -> memref<10000x256xf32, #tpu.memory_space<hbm>>
        tpu.enqueue_indirect_dma source(%dma_start3A_104 : memref<10000x256xf32, #tpu.memory_space<hbm>>) target(%arg8 : memref<40x256xf32, #tpu.memory_space<vmem>>) offsets(%dma_start3A_101 : memref<40xi32, #tpu.memory_space<vmem>>) semaphore(%arg12 : memref<!tpu.dma_semaphore, #tpu.memory_space<semaphore_mem>>)
      } else {
      }
      %mul3A_81 = arith.constant 4 : i32
      %mul3A_82 = arith.muli %scan3A_35, %mul3A_81 : i32
      %add3A_83 = arith.constant 3 : i32
      %add3A_84 = arith.addi %mul3A_82, %add3A_83 : i32
      %lt3A_85 = arith.constant 25 : i32
      %lt3A_86 = arith.cmpi slt, %add3A_84, %lt3A_85 : i32
      %convert_element_type3A_87 = arith.extui %lt3A_86 : i1 to i32
      %cond3A_88 = arith.constant 0 : i32
      %cond3A_89 = arith.cmpi ne, %convert_element_type3A_87, %cond3A_88 : i32
      scf.if %cond3A_89 {
        %dma_wait3A = arith.constant 0 : i32
        %dma_wait3A_97 = arith.constant 0 : i32
        %dma_wait3A_98 = tpu.memref_slice %arg4[%dma_wait3A, %dma_wait3A_97] : memref<32000x256xf32, #tpu.memory_space<hbm>> -> memref<40x256xf32, #tpu.memory_space<hbm>>
        %dma_wait3A_99 = arith.constant 0 : i32
        %dma_wait3A_100 = arith.constant 0 : i32
        %dma_wait3A_101 = tpu.memref_slice %arg4[%dma_wait3A_99, %dma_wait3A_100] : memref<32000x256xf32, #tpu.memory_space<hbm>> -> memref<40x256xf32, #tpu.memory_space<hbm>>
        tpu.wait_dma2 semaphore(%arg13 : memref<!tpu.dma_semaphore, #tpu.memory_space<semaphore_mem>>) src(%dma_wait3A_101 : memref<40x256xf32, #tpu.memory_space<hbm>>) dst(%arg9 : memref<40x256xf32, #tpu.memory_space<vmem>>)
        %mul3A_102 = arith.constant 40 : i32
        %mul3A_103 = arith.muli %add3A_84, %mul3A_102 : i32
        %add3A_104 = arith.addi %mul3A_2, %mul3A_103 : i32
        "tpu.region"() ({
          %run_scoped3A = tpu.sem_alloc : memref<!tpu.dma_semaphore, #tpu.memory_space<semaphore_mem>>
          %dma_start3A_105 = arith.constant 0 : i32
          %dma_start3A_106 = tpu.memref_slice %arg4[%add3A_104, %dma_start3A_105] : memref<32000x256xf32, #tpu.memory_space<hbm>> -> memref<40x256xf32, #tpu.memory_space<hbm>>
          %dma_start3A_107 = arith.constant 0 : i32
          %dma_start3A_108 = tpu.memref_slice %arg4[%add3A_104, %dma_start3A_107] : memref<32000x256xf32, #tpu.memory_space<hbm>> -> memref<40x256xf32, #tpu.memory_space<hbm>>
          tpu.enqueue_dma source(%arg9 : memref<40x256xf32, #tpu.memory_space<vmem>>) target(%dma_start3A_108 : memref<40x256xf32, #tpu.memory_space<hbm>>) target_semaphore(%run_scoped3A : memref<!tpu.dma_semaphore, #tpu.memory_space<semaphore_mem>>)
          %dma_wait3A_109 = arith.constant 0 : i32
          %dma_wait3A_110 = tpu.memref_slice %arg4[%add3A_104, %dma_wait3A_109] : memref<32000x256xf32, #tpu.memory_space<hbm>> -> memref<40x256xf32, #tpu.memory_space<hbm>>
          %dma_wait3A_111 = arith.constant 0 : i32
          %dma_wait3A_112 = tpu.memref_slice %arg4[%add3A_104, %dma_wait3A_111] : memref<32000x256xf32, #tpu.memory_space<hbm>> -> memref<40x256xf32, #tpu.memory_space<hbm>>
          tpu.wait_dma2 semaphore(%run_scoped3A : memref<!tpu.dma_semaphore, #tpu.memory_space<semaphore_mem>>) src(%arg9 : memref<40x256xf32, #tpu.memory_space<vmem>>) dst(%dma_wait3A_112 : memref<40x256xf32, #tpu.memory_space<hbm>>)
          tpu.yield
        }) : () -> ()
      } else {
      }
      %add3A_90 = arith.constant 4 : i32
      %add3A_91 = arith.addi %add3A_84, %add3A_90 : i32
      %lt3A_92 = arith.constant 25 : i32
      %lt3A_93 = arith.cmpi slt, %add3A_91, %lt3A_92 : i32
      %convert_element_type3A_94 = arith.extui %lt3A_93 : i1 to i32
      %cond3A_95 = arith.constant 0 : i32
      %cond3A_96 = arith.cmpi ne, %convert_element_type3A_94, %cond3A_95 : i32
      scf.if %cond3A_96 {
        %add3A_97 = arith.constant 4 : i32
        %add3A_98 = arith.addi %add3A_84, %add3A_97 : i32
        %dma_start3A_99 = arith.constant 0 : i32
        %dma_start3A_100 = tpu.memref_slice %arg5[%add3A_98, %dma_start3A_99] : memref<25x40xi32, #tpu.memory_space<vmem>> -> memref<1x40xi32, #tpu.memory_space<vmem>>
        %dma_start3A_101 = tpu.memref_squeeze %dma_start3A_100 : memref<1x40xi32, #tpu.memory_space<vmem>> -> memref<40xi32, #tpu.memory_space<vmem>>
        %dma_start3A_102 = arith.constant 0 : i32
        %dma_start3A_103 = arith.constant 0 : i32
        %dma_start3A_104 = tpu.memref_slice %arg2[%dma_start3A_102, %dma_start3A_103] : memref<10000x256xf32, #tpu.memory_space<hbm>> -> memref<10000x256xf32, #tpu.memory_space<hbm>>
        tpu.enqueue_indirect_dma source(%dma_start3A_104 : memref<10000x256xf32, #tpu.memory_space<hbm>>) target(%arg9 : memref<40x256xf32, #tpu.memory_space<vmem>>) offsets(%dma_start3A_101 : memref<40xi32, #tpu.memory_space<vmem>>) semaphore(%arg13 : memref<!tpu.dma_semaphore, #tpu.memory_space<semaphore_mem>>)
      } else {
      }
    }
    %scan3A_34 = arith.constant 7 : i32
    return
  }
}

#map = affine_map<(d0, d1) -> (0, 0)>
#map1 = affine_map<(d0, d1) -> (0, 0, 0)>
module attributes {stable_mosaic.version = 14 : i64} {
  func.func @gather_k(%arg0: i32, %arg1: i32, %arg2: memref<10000x256xf32, #tpu.memory_space<hbm>>, %arg3: memref<32x25x40xi32, #tpu.memory_space<hbm>>, %arg4: memref<32000x256xf32, #tpu.memory_space<hbm>>, %arg5: memref<25x40xi32, #tpu.memory_space<vmem>>, %arg6: memref<40x256xf32, #tpu.memory_space<vmem>>, %arg7: memref<40x256xf32, #tpu.memory_space<vmem>>, %arg8: memref<40x256xf32, #tpu.memory_space<vmem>>, %arg9: memref<40x256xf32, #tpu.memory_space<vmem>>, %arg10: memref<!tpu.dma_semaphore, #tpu.memory_space<semaphore_mem>>, %arg11: memref<!tpu.dma_semaphore, #tpu.memory_space<semaphore_mem>>, %arg12: memref<!tpu.dma_semaphore, #tpu.memory_space<semaphore_mem>>, %arg13: memref<!tpu.dma_semaphore, #tpu.memory_space<semaphore_mem>>) attributes {dimension_semantics = [#tpu.dimension_semantics<core_parallel>, #tpu.dimension_semantics<subcore_parallel>], iteration_bounds = array<i64: 2, 16>, scalar_prefetch = 0 : i64, scratch_operands = 9 : i64, tpu.core_type = #tpu.core_type<sc_vector_subcore>, window_params = [{transform_indices = #map}, {transform_indices = #map1}, {transform_indices = #map}]} {
    %mul3A = arith.constant 2 : i32
    %mul3A_0 = arith.muli %arg1, %mul3A : i32
    %add3A = arith.addi %mul3A_0, %arg0 : i32
    %mul3A_1 = arith.constant 1000 : i32
    %mul3A_2 = arith.muli %add3A, %mul3A_1 : i32
    "tpu.region"() ({
      %run_scoped3A = tpu.sem_alloc : memref<!tpu.dma_semaphore, #tpu.memory_space<semaphore_mem>>
      %dma_start3A_35 = arith.constant 0 : i32
      %dma_start3A_36 = arith.constant 0 : i32
      %dma_start3A_37 = tpu.memref_slice %arg3[%add3A, %dma_start3A_35, %dma_start3A_36] : memref<32x25x40xi32, #tpu.memory_space<hbm>> -> memref<1x25x40xi32, #tpu.memory_space<hbm>>
      %dma_start3A_38 = tpu.memref_squeeze %dma_start3A_37 : memref<1x25x40xi32, #tpu.memory_space<hbm>> -> memref<25x40xi32, #tpu.memory_space<hbm>>
      %dma_start3A_39 = arith.constant 0 : i32
      %dma_start3A_40 = arith.constant 0 : i32
      %dma_start3A_41 = tpu.memref_slice %arg3[%add3A, %dma_start3A_39, %dma_start3A_40] : memref<32x25x40xi32, #tpu.memory_space<hbm>> -> memref<1x25x40xi32, #tpu.memory_space<hbm>>
      %dma_start3A_42 = tpu.memref_squeeze %dma_start3A_41 : memref<1x25x40xi32, #tpu.memory_space<hbm>> -> memref<25x40xi32, #tpu.memory_space<hbm>>
      tpu.enqueue_dma source(%dma_start3A_42 : memref<25x40xi32, #tpu.memory_space<hbm>>) target(%arg5 : memref<25x40xi32, #tpu.memory_space<vmem>>) target_semaphore(%run_scoped3A : memref<!tpu.dma_semaphore, #tpu.memory_space<semaphore_mem>>)
      %dma_wait3A = arith.constant 0 : i32
      %dma_wait3A_43 = arith.constant 0 : i32
      %dma_wait3A_44 = tpu.memref_slice %arg3[%add3A, %dma_wait3A, %dma_wait3A_43] : memref<32x25x40xi32, #tpu.memory_space<hbm>> -> memref<1x25x40xi32, #tpu.memory_space<hbm>>
      %dma_wait3A_45 = tpu.memref_squeeze %dma_wait3A_44 : memref<1x25x40xi32, #tpu.memory_space<hbm>> -> memref<25x40xi32, #tpu.memory_space<hbm>>
      %dma_wait3A_46 = arith.constant 0 : i32
      %dma_wait3A_47 = arith.constant 0 : i32
      %dma_wait3A_48 = tpu.memref_slice %arg3[%add3A, %dma_wait3A_46, %dma_wait3A_47] : memref<32x25x40xi32, #tpu.memory_space<hbm>> -> memref<1x25x40xi32, #tpu.memory_space<hbm>>
      %dma_wait3A_49 = tpu.memref_squeeze %dma_wait3A_48 : memref<1x25x40xi32, #tpu.memory_space<hbm>> -> memref<25x40xi32, #tpu.memory_space<hbm>>
      tpu.wait_dma2 semaphore(%run_scoped3A : memref<!tpu.dma_semaphore, #tpu.memory_space<semaphore_mem>>) src(%dma_wait3A_49 : memref<25x40xi32, #tpu.memory_space<hbm>>) dst(%arg5 : memref<25x40xi32, #tpu.memory_space<vmem>>)
      tpu.yield
    }) : () -> ()
    %dma_start3A = arith.constant 0 : i32
    %dma_start3A_3 = arith.constant 0 : i32
    %dma_start3A_4 = tpu.memref_slice %arg5[%dma_start3A, %dma_start3A_3] : memref<25x40xi32, #tpu.memory_space<vmem>> -> memref<1x40xi32, #tpu.memory_space<vmem>>
    %dma_start3A_5 = tpu.memref_squeeze %dma_start3A_4 : memref<1x40xi32, #tpu.memory_space<vmem>> -> memref<40xi32, #tpu.memory_space<vmem>>
    %dma_start3A_6 = arith.constant 0 : i32
    %dma_start3A_7 = arith.constant 0 : i32
    %dma_start3A_8 = tpu.memref_slice %arg2[%dma_start3A_6, %dma_start3A_7] : memref<10000x256xf32, #tpu.memory_space<hbm>> -> memref<10000x256xf32, #tpu.memory_space<hbm>>
    tpu.enqueue_indirect_dma source(%dma_start3A_8 : memref<10000x256xf32, #tpu.memory_space<hbm>>) target(%arg6 : memref<40x256xf32, #tpu.memory_space<vmem>>) offsets(%dma_start3A_5 : memref<40xi32, #tpu.memory_space<vmem>>) semaphore(%arg10 : memref<!tpu.dma_semaphore, #tpu.memory_space<semaphore_mem>>)
    %dma_start3A_9 = arith.constant 1 : i32
    %dma_start3A_10 = arith.constant 0 : i32
    %dma_start3A_11 = tpu.memref_slice %arg5[%dma_start3A_9, %dma_start3A_10] : memref<25x40xi32, #tpu.memory_space<vmem>> -> memref<1x40xi32, #tpu.memory_space<vmem>>
    %dma_start3A_12 = tpu.memref_squeeze %dma_start3A_11 : memref<1x40xi32, #tpu.memory_space<vmem>> -> memref<40xi32, #tpu.memory_space<vmem>>
    %dma_start3A_13 = arith.constant 0 : i32
    %dma_start3A_14 = arith.constant 0 : i32
    %dma_start3A_15 = tpu.memref_slice %arg2[%dma_start3A_13, %dma_start3A_14] : memref<10000x256xf32, #tpu.memory_space<hbm>> -> memref<10000x256xf32, #tpu.memory_space<hbm>>
    tpu.enqueue_indirect_dma source(%dma_start3A_15 : memref<10000x256xf32, #tpu.memory_space<hbm>>) target(%arg7 : memref<40x256xf32, #tpu.memory_space<vmem>>) offsets(%dma_start3A_12 : memref<40xi32, #tpu.memory_space<vmem>>) semaphore(%arg11 : memref<!tpu.dma_semaphore, #tpu.memory_space<semaphore_mem>>)
    %dma_start3A_16 = arith.constant 2 : i32
    %dma_start3A_17 = arith.constant 0 : i32
    %dma_start3A_18 = tpu.memref_slice %arg5[%dma_start3A_16, %dma_start3A_17] : memref<25x40xi32, #tpu.memory_space<vmem>> -> memref<1x40xi32, #tpu.memory_space<vmem>>
    %dma_start3A_19 = tpu.memref_squeeze %dma_start3A_18 : memref<1x40xi32, #tpu.memory_space<vmem>> -> memref<40xi32, #tpu.memory_space<vmem>>
    %dma_start3A_20 = arith.constant 0 : i32
    %dma_start3A_21 = arith.constant 0 : i32
    %dma_start3A_22 = tpu.memref_slice %arg2[%dma_start3A_20, %dma_start3A_21] : memref<10000x256xf32, #tpu.memory_space<hbm>> -> memref<10000x256xf32, #tpu.memory_space<hbm>>
    tpu.enqueue_indirect_dma source(%dma_start3A_22 : memref<10000x256xf32, #tpu.memory_space<hbm>>) target(%arg8 : memref<40x256xf32, #tpu.memory_space<vmem>>) offsets(%dma_start3A_19 : memref<40xi32, #tpu.memory_space<vmem>>) semaphore(%arg12 : memref<!tpu.dma_semaphore, #tpu.memory_space<semaphore_mem>>)
    %dma_start3A_23 = arith.constant 3 : i32
    %dma_start3A_24 = arith.constant 0 : i32
    %dma_start3A_25 = tpu.memref_slice %arg5[%dma_start3A_23, %dma_start3A_24] : memref<25x40xi32, #tpu.memory_space<vmem>> -> memref<1x40xi32, #tpu.memory_space<vmem>>
    %dma_start3A_26 = tpu.memref_squeeze %dma_start3A_25 : memref<1x40xi32, #tpu.memory_space<vmem>> -> memref<40xi32, #tpu.memory_space<vmem>>
    %dma_start3A_27 = arith.constant 0 : i32
    %dma_start3A_28 = arith.constant 0 : i32
    %dma_start3A_29 = tpu.memref_slice %arg2[%dma_start3A_27, %dma_start3A_28] : memref<10000x256xf32, #tpu.memory_space<hbm>> -> memref<10000x256xf32, #tpu.memory_space<hbm>>
    tpu.enqueue_indirect_dma source(%dma_start3A_29 : memref<10000x256xf32, #tpu.memory_space<hbm>>) target(%arg9 : memref<40x256xf32, #tpu.memory_space<vmem>>) offsets(%dma_start3A_26 : memref<40xi32, #tpu.memory_space<vmem>>) semaphore(%arg13 : memref<!tpu.dma_semaphore, #tpu.memory_space<semaphore_mem>>)
    %scan3A = arith.constant 0 : i32
    %scan3A_30 = arith.constant 0 : i32
    %scan3A_31 = arith.constant 7 : i32
    %scan3A_32 = arith.addi %scan3A_30, %scan3A_31 : i32
    %scan3A_33 = arith.constant 1 : i32
    scf.for %scan3A_35 = %scan3A_30 to %scan3A_32 step %scan3A_33  : i32 {
      %mul3A_36 = arith.constant 4 : i32
      %mul3A_37 = arith.muli %scan3A_35, %mul3A_36 : i32
      %add3A_38 = arith.constant 0 : i32
      %add3A_39 = arith.addi %mul3A_37, %add3A_38 : i32
      %lt3A = arith.constant 25 : i32
      %lt3A_40 = arith.cmpi slt, %add3A_39, %lt3A : i32
      %convert_element_type3A = arith.extui %lt3A_40 : i1 to i32
      %cond3A = arith.constant 0 : i32
      %cond3A_41 = arith.cmpi ne, %convert_element_type3A, %cond3A : i32
      scf.if %cond3A_41 {
        %dma_wait3A = arith.constant 0 : i32
        %dma_wait3A_97 = arith.constant 0 : i32
        %dma_wait3A_98 = tpu.memref_slice %arg4[%dma_wait3A, %dma_wait3A_97] : memref<32000x256xf32, #tpu.memory_space<hbm>> -> memref<40x256xf32, #tpu.memory_space<hbm>>
        %dma_wait3A_99 = arith.constant 0 : i32
        %dma_wait3A_100 = arith.constant 0 : i32
        %dma_wait3A_101 = tpu.memref_slice %arg4[%dma_wait3A_99, %dma_wait3A_100] : memref<32000x256xf32, #tpu.memory_space<hbm>> -> memref<40x256xf32, #tpu.memory_space<hbm>>
        tpu.wait_dma2 semaphore(%arg10 : memref<!tpu.dma_semaphore, #tpu.memory_space<semaphore_mem>>) src(%dma_wait3A_101 : memref<40x256xf32, #tpu.memory_space<hbm>>) dst(%arg6 : memref<40x256xf32, #tpu.memory_space<vmem>>)
        %mul3A_102 = arith.constant 40 : i32
        %mul3A_103 = arith.muli %add3A_39, %mul3A_102 : i32
        %add3A_104 = arith.addi %mul3A_2, %mul3A_103 : i32
        "tpu.region"() ({
          %run_scoped3A = tpu.sem_alloc : memref<!tpu.dma_semaphore, #tpu.memory_space<semaphore_mem>>
          %dma_start3A_105 = arith.constant 0 : i32
          %dma_start3A_106 = tpu.memref_slice %arg4[%add3A_104, %dma_start3A_105] : memref<32000x256xf32, #tpu.memory_space<hbm>> -> memref<40x256xf32, #tpu.memory_space<hbm>>
          %dma_start3A_107 = arith.constant 0 : i32
          %dma_start3A_108 = tpu.memref_slice %arg4[%add3A_104, %dma_start3A_107] : memref<32000x256xf32, #tpu.memory_space<hbm>> -> memref<40x256xf32, #tpu.memory_space<hbm>>
          tpu.enqueue_dma source(%arg6 : memref<40x256xf32, #tpu.memory_space<vmem>>) target(%dma_start3A_108 : memref<40x256xf32, #tpu.memory_space<hbm>>) target_semaphore(%run_scoped3A : memref<!tpu.dma_semaphore, #tpu.memory_space<semaphore_mem>>)
          %dma_wait3A_109 = arith.constant 0 : i32
          %dma_wait3A_110 = tpu.memref_slice %arg4[%add3A_104, %dma_wait3A_109] : memref<32000x256xf32, #tpu.memory_space<hbm>> -> memref<40x256xf32, #tpu.memory_space<hbm>>
          %dma_wait3A_111 = arith.constant 0 : i32
          %dma_wait3A_112 = tpu.memref_slice %arg4[%add3A_104, %dma_wait3A_111] : memref<32000x256xf32, #tpu.memory_space<hbm>> -> memref<40x256xf32, #tpu.memory_space<hbm>>
          tpu.wait_dma2 semaphore(%run_scoped3A : memref<!tpu.dma_semaphore, #tpu.memory_space<semaphore_mem>>) src(%arg6 : memref<40x256xf32, #tpu.memory_space<vmem>>) dst(%dma_wait3A_112 : memref<40x256xf32, #tpu.memory_space<hbm>>)
          tpu.yield
        }) : () -> ()
      } else {
      }
      %add3A_42 = arith.constant 4 : i32
      %add3A_43 = arith.addi %add3A_39, %add3A_42 : i32
      %lt3A_44 = arith.constant 25 : i32
      %lt3A_45 = arith.cmpi slt, %add3A_43, %lt3A_44 : i32
      %convert_element_type3A_46 = arith.extui %lt3A_45 : i1 to i32
      %cond3A_47 = arith.constant 0 : i32
      %cond3A_48 = arith.cmpi ne, %convert_element_type3A_46, %cond3A_47 : i32
      scf.if %cond3A_48 {
        %add3A_97 = arith.constant 4 : i32
        %add3A_98 = arith.addi %add3A_39, %add3A_97 : i32
        %dma_start3A_99 = arith.constant 0 : i32
        %dma_start3A_100 = tpu.memref_slice %arg5[%add3A_98, %dma_start3A_99] : memref<25x40xi32, #tpu.memory_space<vmem>> -> memref<1x40xi32, #tpu.memory_space<vmem>>
        %dma_start3A_101 = tpu.memref_squeeze %dma_start3A_100 : memref<1x40xi32, #tpu.memory_space<vmem>> -> memref<40xi32, #tpu.memory_space<vmem>>
        %dma_start3A_102 = arith.constant 0 : i32
        %dma_start3A_103 = arith.constant 0 : i32
        %dma_start3A_104 = tpu.memref_slice %arg2[%dma_start3A_102, %dma_start3A_103] : memref<10000x256xf32, #tpu.memory_space<hbm>> -> memref<10000x256xf32, #tpu.memory_space<hbm>>
        tpu.enqueue_indirect_dma source(%dma_start3A_104 : memref<10000x256xf32, #tpu.memory_space<hbm>>) target(%arg6 : memref<40x256xf32, #tpu.memory_space<vmem>>) offsets(%dma_start3A_101 : memref<40xi32, #tpu.memory_space<vmem>>) semaphore(%arg10 : memref<!tpu.dma_semaphore, #tpu.memory_space<semaphore_mem>>)
      } else {
      }
      %mul3A_49 = arith.constant 4 : i32
      %mul3A_50 = arith.muli %scan3A_35, %mul3A_49 : i32
      %add3A_51 = arith.constant 1 : i32
      %add3A_52 = arith.addi %mul3A_50, %add3A_51 : i32
      %lt3A_53 = arith.constant 25 : i32
      %lt3A_54 = arith.cmpi slt, %add3A_52, %lt3A_53 : i32
      %convert_element_type3A_55 = arith.extui %lt3A_54 : i1 to i32
      %cond3A_56 = arith.constant 0 : i32
      %cond3A_57 = arith.cmpi ne, %convert_element_type3A_55, %cond3A_56 : i32
      scf.if %cond3A_57 {
        %dma_wait3A = arith.constant 0 : i32
        %dma_wait3A_97 = arith.constant 0 : i32
        %dma_wait3A_98 = tpu.memref_slice %arg4[%dma_wait3A, %dma_wait3A_97] : memref<32000x256xf32, #tpu.memory_space<hbm>> -> memref<40x256xf32, #tpu.memory_space<hbm>>
        %dma_wait3A_99 = arith.constant 0 : i32
        %dma_wait3A_100 = arith.constant 0 : i32
        %dma_wait3A_101 = tpu.memref_slice %arg4[%dma_wait3A_99, %dma_wait3A_100] : memref<32000x256xf32, #tpu.memory_space<hbm>> -> memref<40x256xf32, #tpu.memory_space<hbm>>
        tpu.wait_dma2 semaphore(%arg11 : memref<!tpu.dma_semaphore, #tpu.memory_space<semaphore_mem>>) src(%dma_wait3A_101 : memref<40x256xf32, #tpu.memory_space<hbm>>) dst(%arg7 : memref<40x256xf32, #tpu.memory_space<vmem>>)
        %mul3A_102 = arith.constant 40 : i32
        %mul3A_103 = arith.muli %add3A_52, %mul3A_102 : i32
        %add3A_104 = arith.addi %mul3A_2, %mul3A_103 : i32
        "tpu.region"() ({
          %run_scoped3A = tpu.sem_alloc : memref<!tpu.dma_semaphore, #tpu.memory_space<semaphore_mem>>
          %dma_start3A_105 = arith.constant 0 : i32
          %dma_start3A_106 = tpu.memref_slice %arg4[%add3A_104, %dma_start3A_105] : memref<32000x256xf32, #tpu.memory_space<hbm>> -> memref<40x256xf32, #tpu.memory_space<hbm>>
          %dma_start3A_107 = arith.constant 0 : i32
          %dma_start3A_108 = tpu.memref_slice %arg4[%add3A_104, %dma_start3A_107] : memref<32000x256xf32, #tpu.memory_space<hbm>> -> memref<40x256xf32, #tpu.memory_space<hbm>>
          tpu.enqueue_dma source(%arg7 : memref<40x256xf32, #tpu.memory_space<vmem>>) target(%dma_start3A_108 : memref<40x256xf32, #tpu.memory_space<hbm>>) target_semaphore(%run_scoped3A : memref<!tpu.dma_semaphore, #tpu.memory_space<semaphore_mem>>)
          %dma_wait3A_109 = arith.constant 0 : i32
          %dma_wait3A_110 = tpu.memref_slice %arg4[%add3A_104, %dma_wait3A_109] : memref<32000x256xf32, #tpu.memory_space<hbm>> -> memref<40x256xf32, #tpu.memory_space<hbm>>
          %dma_wait3A_111 = arith.constant 0 : i32
          %dma_wait3A_112 = tpu.memref_slice %arg4[%add3A_104, %dma_wait3A_111] : memref<32000x256xf32, #tpu.memory_space<hbm>> -> memref<40x256xf32, #tpu.memory_space<hbm>>
          tpu.wait_dma2 semaphore(%run_scoped3A : memref<!tpu.dma_semaphore, #tpu.memory_space<semaphore_mem>>) src(%arg7 : memref<40x256xf32, #tpu.memory_space<vmem>>) dst(%dma_wait3A_112 : memref<40x256xf32, #tpu.memory_space<hbm>>)
          tpu.yield
        }) : () -> ()
      } else {
      }
      %add3A_58 = arith.constant 4 : i32
      %add3A_59 = arith.addi %add3A_52, %add3A_58 : i32
      %lt3A_60 = arith.constant 25 : i32
      %lt3A_61 = arith.cmpi slt, %add3A_59, %lt3A_60 : i32
      %convert_element_type3A_62 = arith.extui %lt3A_61 : i1 to i32
      %cond3A_63 = arith.constant 0 : i32
      %cond3A_64 = arith.cmpi ne, %convert_element_type3A_62, %cond3A_63 : i32
      scf.if %cond3A_64 {
        %add3A_97 = arith.constant 4 : i32
        %add3A_98 = arith.addi %add3A_52, %add3A_97 : i32
        %dma_start3A_99 = arith.constant 0 : i32
        %dma_start3A_100 = tpu.memref_slice %arg5[%add3A_98, %dma_start3A_99] : memref<25x40xi32, #tpu.memory_space<vmem>> -> memref<1x40xi32, #tpu.memory_space<vmem>>
        %dma_start3A_101 = tpu.memref_squeeze %dma_start3A_100 : memref<1x40xi32, #tpu.memory_space<vmem>> -> memref<40xi32, #tpu.memory_space<vmem>>
        %dma_start3A_102 = arith.constant 0 : i32
        %dma_start3A_103 = arith.constant 0 : i32
        %dma_start3A_104 = tpu.memref_slice %arg2[%dma_start3A_102, %dma_start3A_103] : memref<10000x256xf32, #tpu.memory_space<hbm>> -> memref<10000x256xf32, #tpu.memory_space<hbm>>
        tpu.enqueue_indirect_dma source(%dma_start3A_104 : memref<10000x256xf32, #tpu.memory_space<hbm>>) target(%arg7 : memref<40x256xf32, #tpu.memory_space<vmem>>) offsets(%dma_start3A_101 : memref<40xi32, #tpu.memory_space<vmem>>) semaphore(%arg11 : memref<!tpu.dma_semaphore, #tpu.memory_space<semaphore_mem>>)
      } else {
      }
      %mul3A_65 = arith.constant 4 : i32
      %mul3A_66 = arith.muli %scan3A_35, %mul3A_65 : i32
      %add3A_67 = arith.constant 2 : i32
      %add3A_68 = arith.addi %mul3A_66, %add3A_67 : i32
      %lt3A_69 = arith.constant 25 : i32
      %lt3A_70 = arith.cmpi slt, %add3A_68, %lt3A_69 : i32
      %convert_element_type3A_71 = arith.extui %lt3A_70 : i1 to i32
      %cond3A_72 = arith.constant 0 : i32
      %cond3A_73 = arith.cmpi ne, %convert_element_type3A_71, %cond3A_72 : i32
      scf.if %cond3A_73 {
        %dma_wait3A = arith.constant 0 : i32
        %dma_wait3A_97 = arith.constant 0 : i32
        %dma_wait3A_98 = tpu.memref_slice %arg4[%dma_wait3A, %dma_wait3A_97] : memref<32000x256xf32, #tpu.memory_space<hbm>> -> memref<40x256xf32, #tpu.memory_space<hbm>>
        %dma_wait3A_99 = arith.constant 0 : i32
        %dma_wait3A_100 = arith.constant 0 : i32
        %dma_wait3A_101 = tpu.memref_slice %arg4[%dma_wait3A_99, %dma_wait3A_100] : memref<32000x256xf32, #tpu.memory_space<hbm>> -> memref<40x256xf32, #tpu.memory_space<hbm>>
        tpu.wait_dma2 semaphore(%arg12 : memref<!tpu.dma_semaphore, #tpu.memory_space<semaphore_mem>>) src(%dma_wait3A_101 : memref<40x256xf32, #tpu.memory_space<hbm>>) dst(%arg8 : memref<40x256xf32, #tpu.memory_space<vmem>>)
        %mul3A_102 = arith.constant 40 : i32
        %mul3A_103 = arith.muli %add3A_68, %mul3A_102 : i32
        %add3A_104 = arith.addi %mul3A_2, %mul3A_103 : i32
        "tpu.region"() ({
          %run_scoped3A = tpu.sem_alloc : memref<!tpu.dma_semaphore, #tpu.memory_space<semaphore_mem>>
          %dma_start3A_105 = arith.constant 0 : i32
          %dma_start3A_106 = tpu.memref_slice %arg4[%add3A_104, %dma_start3A_105] : memref<32000x256xf32, #tpu.memory_space<hbm>> -> memref<40x256xf32, #tpu.memory_space<hbm>>
          %dma_start3A_107 = arith.constant 0 : i32
          %dma_start3A_108 = tpu.memref_slice %arg4[%add3A_104, %dma_start3A_107] : memref<32000x256xf32, #tpu.memory_space<hbm>> -> memref<40x256xf32, #tpu.memory_space<hbm>>
          tpu.enqueue_dma source(%arg8 : memref<40x256xf32, #tpu.memory_space<vmem>>) target(%dma_start3A_108 : memref<40x256xf32, #tpu.memory_space<hbm>>) target_semaphore(%run_scoped3A : memref<!tpu.dma_semaphore, #tpu.memory_space<semaphore_mem>>)
          %dma_wait3A_109 = arith.constant 0 : i32
          %dma_wait3A_110 = tpu.memref_slice %arg4[%add3A_104, %dma_wait3A_109] : memref<32000x256xf32, #tpu.memory_space<hbm>> -> memref<40x256xf32, #tpu.memory_space<hbm>>
          %dma_wait3A_111 = arith.constant 0 : i32
          %dma_wait3A_112 = tpu.memref_slice %arg4[%add3A_104, %dma_wait3A_111] : memref<32000x256xf32, #tpu.memory_space<hbm>> -> memref<40x256xf32, #tpu.memory_space<hbm>>
          tpu.wait_dma2 semaphore(%run_scoped3A : memref<!tpu.dma_semaphore, #tpu.memory_space<semaphore_mem>>) src(%arg8 : memref<40x256xf32, #tpu.memory_space<vmem>>) dst(%dma_wait3A_112 : memref<40x256xf32, #tpu.memory_space<hbm>>)
          tpu.yield
        }) : () -> ()
      } else {
      }
      %add3A_74 = arith.constant 4 : i32
      %add3A_75 = arith.addi %add3A_68, %add3A_74 : i32
      %lt3A_76 = arith.constant 25 : i32
      %lt3A_77 = arith.cmpi slt, %add3A_75, %lt3A_76 : i32
      %convert_element_type3A_78 = arith.extui %lt3A_77 : i1 to i32
      %cond3A_79 = arith.constant 0 : i32
      %cond3A_80 = arith.cmpi ne, %convert_element_type3A_78, %cond3A_79 : i32
      scf.if %cond3A_80 {
        %add3A_97 = arith.constant 4 : i32
        %add3A_98 = arith.addi %add3A_68, %add3A_97 : i32
        %dma_start3A_99 = arith.constant 0 : i32
        %dma_start3A_100 = tpu.memref_slice %arg5[%add3A_98, %dma_start3A_99] : memref<25x40xi32, #tpu.memory_space<vmem>> -> memref<1x40xi32, #tpu.memory_space<vmem>>
        %dma_start3A_101 = tpu.memref_squeeze %dma_start3A_100 : memref<1x40xi32, #tpu.memory_space<vmem>> -> memref<40xi32, #tpu.memory_space<vmem>>
        %dma_start3A_102 = arith.constant 0 : i32
        %dma_start3A_103 = arith.constant 0 : i32
        %dma_start3A_104 = tpu.memref_slice %arg2[%dma_start3A_102, %dma_start3A_103] : memref<10000x256xf32, #tpu.memory_space<hbm>> -> memref<10000x256xf32, #tpu.memory_space<hbm>>
        tpu.enqueue_indirect_dma source(%dma_start3A_104 : memref<10000x256xf32, #tpu.memory_space<hbm>>) target(%arg8 : memref<40x256xf32, #tpu.memory_space<vmem>>) offsets(%dma_start3A_101 : memref<40xi32, #tpu.memory_space<vmem>>) semaphore(%arg12 : memref<!tpu.dma_semaphore, #tpu.memory_space<semaphore_mem>>)
      } else {
      }
      %mul3A_81 = arith.constant 4 : i32
      %mul3A_82 = arith.muli %scan3A_35, %mul3A_81 : i32
      %add3A_83 = arith.constant 3 : i32
      %add3A_84 = arith.addi %mul3A_82, %add3A_83 : i32
      %lt3A_85 = arith.constant 25 : i32
      %lt3A_86 = arith.cmpi slt, %add3A_84, %lt3A_85 : i32
      %convert_element_type3A_87 = arith.extui %lt3A_86 : i1 to i32
      %cond3A_88 = arith.constant 0 : i32
      %cond3A_89 = arith.cmpi ne, %convert_element_type3A_87, %cond3A_88 : i32
      scf.if %cond3A_89 {
        %dma_wait3A = arith.constant 0 : i32
        %dma_wait3A_97 = arith.constant 0 : i32
        %dma_wait3A_98 = tpu.memref_slice %arg4[%dma_wait3A, %dma_wait3A_97] : memref<32000x256xf32, #tpu.memory_space<hbm>> -> memref<40x256xf32, #tpu.memory_space<hbm>>
        %dma_wait3A_99 = arith.constant 0 : i32
        %dma_wait3A_100 = arith.constant 0 : i32
        %dma_wait3A_101 = tpu.memref_slice %arg4[%dma_wait3A_99, %dma_wait3A_100] : memref<32000x256xf32, #tpu.memory_space<hbm>> -> memref<40x256xf32, #tpu.memory_space<hbm>>
        tpu.wait_dma2 semaphore(%arg13 : memref<!tpu.dma_semaphore, #tpu.memory_space<semaphore_mem>>) src(%dma_wait3A_101 : memref<40x256xf32, #tpu.memory_space<hbm>>) dst(%arg9 : memref<40x256xf32, #tpu.memory_space<vmem>>)
        %mul3A_102 = arith.constant 40 : i32
        %mul3A_103 = arith.muli %add3A_84, %mul3A_102 : i32
        %add3A_104 = arith.addi %mul3A_2, %mul3A_103 : i32
        "tpu.region"() ({
          %run_scoped3A = tpu.sem_alloc : memref<!tpu.dma_semaphore, #tpu.memory_space<semaphore_mem>>
          %dma_start3A_105 = arith.constant 0 : i32
          %dma_start3A_106 = tpu.memref_slice %arg4[%add3A_104, %dma_start3A_105] : memref<32000x256xf32, #tpu.memory_space<hbm>> -> memref<40x256xf32, #tpu.memory_space<hbm>>
          %dma_start3A_107 = arith.constant 0 : i32
          %dma_start3A_108 = tpu.memref_slice %arg4[%add3A_104, %dma_start3A_107] : memref<32000x256xf32, #tpu.memory_space<hbm>> -> memref<40x256xf32, #tpu.memory_space<hbm>>
          tpu.enqueue_dma source(%arg9 : memref<40x256xf32, #tpu.memory_space<vmem>>) target(%dma_start3A_108 : memref<40x256xf32, #tpu.memory_space<hbm>>) target_semaphore(%run_scoped3A : memref<!tpu.dma_semaphore, #tpu.memory_space<semaphore_mem>>)
          %dma_wait3A_109 = arith.constant 0 : i32
          %dma_wait3A_110 = tpu.memref_slice %arg4[%add3A_104, %dma_wait3A_109] : memref<32000x256xf32, #tpu.memory_space<hbm>> -> memref<40x256xf32, #tpu.memory_space<hbm>>
          %dma_wait3A_111 = arith.constant 0 : i32
          %dma_wait3A_112 = tpu.memref_slice %arg4[%add3A_104, %dma_wait3A_111] : memref<32000x256xf32, #tpu.memory_space<hbm>> -> memref<40x256xf32, #tpu.memory_space<hbm>>
          tpu.wait_dma2 semaphore(%run_scoped3A : memref<!tpu.dma_semaphore, #tpu.memory_space<semaphore_mem>>) src(%arg9 : memref<40x256xf32, #tpu.memory_space<vmem>>) dst(%dma_wait3A_112 : memref<40x256xf32, #tpu.memory_space<hbm>>)
          tpu.yield
        }) : () -> ()
      } else {
      }
      %add3A_90 = arith.constant 4 : i32
      %add3A_91 = arith.addi %add3A_84, %add3A_90 : i32
      %lt3A_92 = arith.constant 25 : i32
      %lt3A_93 = arith.cmpi slt, %add3A_91, %lt3A_92 : i32
      %convert_element_type3A_94 = arith.extui %lt3A_93 : i1 to i32
      %cond3A_95 = arith.constant 0 : i32
      %cond3A_96 = arith.cmpi ne, %convert_element_type3A_94, %cond3A_95 : i32
      scf.if %cond3A_96 {
        %add3A_97 = arith.constant 4 : i32
        %add3A_98 = arith.addi %add3A_84, %add3A_97 : i32
        %dma_start3A_99 = arith.constant 0 : i32
        %dma_start3A_100 = tpu.memref_slice %arg5[%add3A_98, %dma_start3A_99] : memref<25x40xi32, #tpu.memory_space<vmem>> -> memref<1x40xi32, #tpu.memory_space<vmem>>
        %dma_start3A_101 = tpu.memref_squeeze %dma_start3A_100 : memref<1x40xi32, #tpu.memory_space<vmem>> -> memref<40xi32, #tpu.memory_space<vmem>>
        %dma_start3A_102 = arith.constant 0 : i32
        %dma_start3A_103 = arith.constant 0 : i32
        %dma_start3A_104 = tpu.memref_slice %arg2[%dma_start3A_102, %dma_start3A_103] : memref<10000x256xf32, #tpu.memory_space<hbm>> -> memref<10000x256xf32, #tpu.memory_space<hbm>>
        tpu.enqueue_indirect_dma source(%dma_start3A_104 : memref<10000x256xf32, #tpu.memory_space<hbm>>) target(%arg9 : memref<40x256xf32, #tpu.memory_space<vmem>>) offsets(%dma_start3A_101 : memref<40xi32, #tpu.memory_space<vmem>>) semaphore(%arg13 : memref<!tpu.dma_semaphore, #tpu.memory_space<semaphore_mem>>)
      } else {
      }
    }
    %scan3A_34 = arith.constant 7 : i32
    return
  }
}

module attributes {stable_mosaic.version = 14 : i64} {
  func.func @_mlp_body(%arg0: i32, %arg1: memref<640x256xf32, #tpu.memory_space<vmem>>, %arg2: memref<640x16xf32, #tpu.memory_space<vmem>>, %arg3: memref<256x512xf32, #tpu.memory_space<vmem>>, %arg4: memref<16x512xf32, #tpu.memory_space<vmem>>, %arg5: memref<1x512xf32, #tpu.memory_space<vmem>>, %arg6: memref<512x256xf32, #tpu.memory_space<vmem>>, %arg7: memref<1x256xf32, #tpu.memory_space<vmem>>, %arg8: memref<640x256xf32, #tpu.memory_space<vmem>>) attributes {dimension_semantics = [#tpu.dimension_semantics<arbitrary>], iteration_bounds = array<i64: 50>, scalar_prefetch = 0 : i64, scratch_operands = 0 : i64, tpu.core_type = #tpu.core_type<tc>, window_params = [{transform_indices = @transform_0, window_bounds = array<i64: 640, 256>}, {transform_indices = @transform_1, window_bounds = array<i64: 640, 16>}, {pipeline_mode = #tpu.pipeline_mode<synchronous>, transform_indices = @transform_2, window_bounds = array<i64: 256, 512>}, {pipeline_mode = #tpu.pipeline_mode<synchronous>, transform_indices = @transform_3, window_bounds = array<i64: 16, 512>}, {pipeline_mode = #tpu.pipeline_mode<synchronous>, transform_indices = @transform_4, window_bounds = array<i64: 1, 512>}, {pipeline_mode = #tpu.pipeline_mode<synchronous>, transform_indices = @transform_5, window_bounds = array<i64: 512, 256>}, {pipeline_mode = #tpu.pipeline_mode<synchronous>, transform_indices = @transform_6, window_bounds = array<i64: 1, 256>}, {transform_indices = @transform_7, window_bounds = array<i64: 640, 256>}]} {
    %get3A = arith.constant 0 : index
    %get3A_0 = arith.constant 0 : index
    %get3A_1 = vector.load %arg1[%get3A, %get3A_0] : memref<640x256xf32, #tpu.memory_space<vmem>>, vector<640x256xf32>
    %convert_element_type3A = arith.truncf %get3A_1 : vector<640x256xf32> to vector<640x256xbf16>
    %get3A_2 = arith.constant 0 : index
    %get3A_3 = arith.constant 0 : index
    %get3A_4 = vector.load %arg3[%get3A_2, %get3A_3] : memref<256x512xf32, #tpu.memory_space<vmem>>, vector<256x512xf32>
    %convert_element_type3A_5 = arith.truncf %get3A_4 : vector<256x512xf32> to vector<256x512xbf16>
    %dot_general3A = arith.constant dense<0.000000e+00> : vector<640x512xf32>
    %dot_general3A_6 = tpu.matmul %convert_element_type3A, %convert_element_type3A_5, %dot_general3A {dimension_numbers = #tpu.dot_dimension_numbers<[1], [0], [0], [1], [0, 0, 1, 1], [], []>, transpose_lhs_hint = false} : vector<640x256xbf16>, vector<256x512xbf16>, vector<640x512xf32> -> vector<640x512xf32>
    %get3A_7 = arith.constant 0 : index
    %get3A_8 = arith.constant 0 : index
    %get3A_9 = vector.load %arg2[%get3A_7, %get3A_8] : memref<640x16xf32, #tpu.memory_space<vmem>>, vector<640x16xf32>
    %get3A_10 = arith.constant 0 : index
    %get3A_11 = arith.constant 0 : index
    %get3A_12 = vector.load %arg4[%get3A_10, %get3A_11] : memref<16x512xf32, #tpu.memory_space<vmem>>, vector<16x512xf32>
    %dot_general3A_13 = arith.constant dense<0.000000e+00> : vector<640x512xf32>
    %dot_general3A_14 = tpu.matmul %get3A_9, %get3A_12, %dot_general3A_13 {dimension_numbers = #tpu.dot_dimension_numbers<[1], [0], [0], [1], [0, 0, 1, 1], [], []>, transpose_lhs_hint = false} : vector<640x16xf32>, vector<16x512xf32>, vector<640x512xf32> -> vector<640x512xf32>
    %add3A = arith.addf %dot_general3A_6, %dot_general3A_14 : vector<640x512xf32>
    %get3A_15 = arith.constant 0 : index
    %get3A_16 = arith.constant 0 : index
    %get3A_17 = vector.load %arg5[%get3A_15, %get3A_16] : memref<1x512xf32, #tpu.memory_space<vmem>>, vector<1x512xf32>
    %add3A_18 = vector.broadcast %get3A_17 : vector<1x512xf32> to vector<640x512xf32>
    %add3A_19 = arith.addf %add3A, %add3A_18 : vector<640x512xf32>
    %max3A = arith.constant 0.000000e+00 : f32
    %max3A_20 = vector.broadcast %max3A : f32 to vector<640x512xf32>
    %max3A_21 = arith.maximumf %add3A_19, %max3A_20 : vector<640x512xf32>
    %convert_element_type3A_22 = arith.truncf %max3A_21 : vector<640x512xf32> to vector<640x512xbf16>
    %get3A_23 = arith.constant 0 : index
    %get3A_24 = arith.constant 0 : index
    %get3A_25 = vector.load %arg6[%get3A_23, %get3A_24] : memref<512x256xf32, #tpu.memory_space<vmem>>, vector<512x256xf32>
    %convert_element_type3A_26 = arith.truncf %get3A_25 : vector<512x256xf32> to vector<512x256xbf16>
    %dot_general3A_27 = arith.constant dense<0.000000e+00> : vector<640x256xf32>
    %dot_general3A_28 = tpu.matmul %convert_element_type3A_22, %convert_element_type3A_26, %dot_general3A_27 {dimension_numbers = #tpu.dot_dimension_numbers<[1], [0], [0], [1], [0, 0, 1, 1], [], []>, transpose_lhs_hint = false} : vector<640x512xbf16>, vector<512x256xbf16>, vector<640x256xf32> -> vector<640x256xf32>
    %get3A_29 = arith.constant 0 : index
    %get3A_30 = arith.constant 0 : index
    %get3A_31 = vector.load %arg7[%get3A_29, %get3A_30] : memref<1x256xf32, #tpu.memory_space<vmem>>, vector<1x256xf32>
    %add3A_32 = vector.broadcast %get3A_31 : vector<1x256xf32> to vector<640x256xf32>
    %add3A_33 = arith.addf %dot_general3A_28, %add3A_32 : vector<640x256xf32>
    %swap3A = arith.constant 0 : index
    %swap3A_34 = arith.constant 0 : index
    %swap3A_35 = vector.load %arg8[%swap3A, %swap3A_34] : memref<640x256xf32, #tpu.memory_space<vmem>>, vector<640x256xf32>
    tpu.vector_store %arg8[%swap3A, %swap3A_34], %add3A_33 {strides = array<i32>} : memref<640x256xf32, #tpu.memory_space<vmem>>, vector<640x256xf32>,
    return
  }
  func.func @transform_0(%arg0: i32) -> (i32, i32) {
    %c0_i32 = arith.constant 0 : i32
    %c0_i32_0 = arith.constant 0 : i32
    return %arg0, %c0_i32 : i32, i32
  }
  func.func @transform_1(%arg0: i32) -> (i32, i32) {
    %c0_i32 = arith.constant 0 : i32
    %c0_i32_0 = arith.constant 0 : i32
    return %arg0, %c0_i32 : i32, i32
  }
  func.func @transform_2(%arg0: i32) -> (i32, i32) {
    %c0_i32 = arith.constant 0 : i32
    %c0_i32_0 = arith.constant 0 : i32
    %c0_i32_1 = arith.constant 0 : i32
    return %c0_i32, %c0_i32_0 : i32, i32
  }
  func.func @transform_3(%arg0: i32) -> (i32, i32) {
    %c0_i32 = arith.constant 0 : i32
    %c0_i32_0 = arith.constant 0 : i32
    %c0_i32_1 = arith.constant 0 : i32
    return %c0_i32, %c0_i32_0 : i32, i32
  }
  func.func @transform_4(%arg0: i32) -> (i32, i32) {
    %c0_i32 = arith.constant 0 : i32
    %c0_i32_0 = arith.constant 0 : i32
    %c0_i32_1 = arith.constant 0 : i32
    return %c0_i32, %c0_i32_0 : i32, i32
  }
  func.func @transform_5(%arg0: i32) -> (i32, i32) {
    %c0_i32 = arith.constant 0 : i32
    %c0_i32_0 = arith.constant 0 : i32
    %c0_i32_1 = arith.constant 0 : i32
    return %c0_i32, %c0_i32_0 : i32, i32
  }
  func.func @transform_6(%arg0: i32) -> (i32, i32) {
    %c0_i32 = arith.constant 0 : i32
    %c0_i32_0 = arith.constant 0 : i32
    %c0_i32_1 = arith.constant 0 : i32
    return %c0_i32, %c0_i32_0 : i32, i32
  }
  func.func @transform_7(%arg0: i32) -> (i32, i32) {
    %c0_i32 = arith.constant 0 : i32
    %c0_i32_0 = arith.constant 0 : i32
    return %arg0, %c0_i32 : i32, i32
  }
}

module attributes {stable_mosaic.version = 14 : i64} {
  func.func @_smax_body(%arg0: i32, %arg1: memref<1x1x256xi32, #tpu.memory_space<smem>>, %arg2: memref<256x256xf32, #tpu.memory_space<vmem>>, %arg3: memref<10000x256xf32, #tpu.memory_space<vmem>>) attributes {dimension_semantics = [#tpu.dimension_semantics<arbitrary>], iteration_bounds = array<i64: 625>, scalar_prefetch = 0 : i64, scratch_operands = 0 : i64, tpu.core_type = #tpu.core_type<tc>, window_params = [{transform_indices = @transform_0, window_bounds = array<i64: 1, 1, 256>}, {transform_indices = @transform_1, window_bounds = array<i64: 256, 256>}, {pipeline_mode = #tpu.pipeline_mode<synchronous>, transform_indices = @transform_2, window_bounds = array<i64: 10000, 256>}]} {
    %eq3A = arith.constant 0 : i32
    %eq3A_0 = arith.cmpi eq, %arg0, %eq3A : i32
    %convert_element_type3A = arith.extui %eq3A_0 : i1 to i32
    %cond3A = arith.constant 0 : i32
    %cond3A_1 = arith.cmpi ne, %convert_element_type3A, %cond3A : i32
    scf.if %cond3A_1 {
      %broadcast_in_dim3A = arith.constant -3.40282347E+38 : f32
      %broadcast_in_dim3A_6 = vector.broadcast %broadcast_in_dim3A : f32 to vector<10000x256xf32>
      %swap3A = arith.constant 0 : index
      %swap3A_7 = arith.constant 0 : index
      %swap3A_8 = vector.load %arg3[%swap3A, %swap3A_7] : memref<10000x256xf32, #tpu.memory_space<vmem>>, vector<10000x256xf32>
      tpu.vector_store %arg3[%swap3A, %swap3A_7], %broadcast_in_dim3A_6 {strides = array<i32>} : memref<10000x256xf32, #tpu.memory_space<vmem>>, vector<10000x256xf32>,
    } else {
    }
    %scan3A = arith.constant 0 : i32
    %scan3A_2 = arith.constant 32 : i32
    %scan3A_3 = arith.addi %scan3A, %scan3A_2 : i32
    %scan3A_4 = arith.constant 1 : i32
    scf.for %scan3A_6 = %scan3A to %scan3A_3 step %scan3A_4  : i32 {
      %mul3A = arith.constant 8 : i32
      %mul3A_7 = arith.muli %scan3A_6, %mul3A : i32
      %add3A = arith.constant 0 : i32
      %add3A_8 = arith.addi %mul3A_7, %add3A : i32
      %get3A = arith.index_cast %add3A_8 : i32 to index
      %get3A_9 = arith.constant 0 : index
      %get3A_10 = vector.load %arg2[%get3A, %get3A_9] : memref<256x256xf32, #tpu.memory_space<vmem>>, vector<1x256xf32>
      %add3A_11 = arith.constant 1 : i32
      %add3A_12 = arith.addi %mul3A_7, %add3A_11 : i32
      %get3A_13 = arith.index_cast %add3A_12 : i32 to index
      %get3A_14 = arith.constant 0 : index
      %get3A_15 = vector.load %arg2[%get3A_13, %get3A_14] : memref<256x256xf32, #tpu.memory_space<vmem>>, vector<1x256xf32>
      %add3A_16 = arith.constant 2 : i32
      %add3A_17 = arith.addi %mul3A_7, %add3A_16 : i32
      %get3A_18 = arith.index_cast %add3A_17 : i32 to index
      %get3A_19 = arith.constant 0 : index
      %get3A_20 = vector.load %arg2[%get3A_18, %get3A_19] : memref<256x256xf32, #tpu.memory_space<vmem>>, vector<1x256xf32>
      %add3A_21 = arith.constant 3 : i32
      %add3A_22 = arith.addi %mul3A_7, %add3A_21 : i32
      %get3A_23 = arith.index_cast %add3A_22 : i32 to index
      %get3A_24 = arith.constant 0 : index
      %get3A_25 = vector.load %arg2[%get3A_23, %get3A_24] : memref<256x256xf32, #tpu.memory_space<vmem>>, vector<1x256xf32>
      %add3A_26 = arith.constant 4 : i32
      %add3A_27 = arith.addi %mul3A_7, %add3A_26 : i32
      %get3A_28 = arith.index_cast %add3A_27 : i32 to index
      %get3A_29 = arith.constant 0 : index
      %get3A_30 = vector.load %arg2[%get3A_28, %get3A_29] : memref<256x256xf32, #tpu.memory_space<vmem>>, vector<1x256xf32>
      %add3A_31 = arith.constant 5 : i32
      %add3A_32 = arith.addi %mul3A_7, %add3A_31 : i32
      %get3A_33 = arith.index_cast %add3A_32 : i32 to index
      %get3A_34 = arith.constant 0 : index
      %get3A_35 = vector.load %arg2[%get3A_33, %get3A_34] : memref<256x256xf32, #tpu.memory_space<vmem>>, vector<1x256xf32>
      %add3A_36 = arith.constant 6 : i32
      %add3A_37 = arith.addi %mul3A_7, %add3A_36 : i32
      %get3A_38 = arith.index_cast %add3A_37 : i32 to index
      %get3A_39 = arith.constant 0 : index
      %get3A_40 = vector.load %arg2[%get3A_38, %get3A_39] : memref<256x256xf32, #tpu.memory_space<vmem>>, vector<1x256xf32>
      %add3A_41 = arith.constant 7 : i32
      %add3A_42 = arith.addi %mul3A_7, %add3A_41 : i32
      %get3A_43 = arith.index_cast %add3A_42 : i32 to index
      %get3A_44 = arith.constant 0 : index
      %get3A_45 = vector.load %arg2[%get3A_43, %get3A_44] : memref<256x256xf32, #tpu.memory_space<vmem>>, vector<1x256xf32>
      %add3A_46 = arith.constant 0 : i32
      %add3A_47 = arith.addi %mul3A_7, %add3A_46 : i32
      %get3A_48 = arith.constant 0 : index
      %get3A_49 = arith.constant 0 : index
      %get3A_50 = arith.index_cast %add3A_47 : i32 to index
      %get3A_51 = memref.load %arg1[%get3A_48, %get3A_49, %get3A_50] : memref<1x1x256xi32, #tpu.memory_space<smem>>
      %get3A_52 = arith.index_cast %get3A_51 : i32 to index
      %get3A_53 = arith.constant 0 : index
      %get3A_54 = vector.load %arg3[%get3A_52, %get3A_53] : memref<10000x256xf32, #tpu.memory_space<vmem>>, vector<1x256xf32>
      %max3A = arith.maximumf %get3A_54, %get3A_10 : vector<1x256xf32>
      %swap3A = arith.index_cast %get3A_51 : i32 to index
      %swap3A_55 = arith.constant 0 : index
      %swap3A_56 = vector.load %arg3[%swap3A, %swap3A_55] : memref<10000x256xf32, #tpu.memory_space<vmem>>, vector<1x256xf32>
      tpu.vector_store %arg3[%swap3A, %swap3A_55], %max3A {strides = array<i32>} : memref<10000x256xf32, #tpu.memory_space<vmem>>, vector<1x256xf32>,
      %add3A_57 = arith.constant 1 : i32
      %add3A_58 = arith.addi %mul3A_7, %add3A_57 : i32
      %get3A_59 = arith.constant 0 : index
      %get3A_60 = arith.constant 0 : index
      %get3A_61 = arith.index_cast %add3A_58 : i32 to index
      %get3A_62 = memref.load %arg1[%get3A_59, %get3A_60, %get3A_61] : memref<1x1x256xi32, #tpu.memory_space<smem>>
      %get3A_63 = arith.index_cast %get3A_62 : i32 to index
      %get3A_64 = arith.constant 0 : index
      %get3A_65 = vector.load %arg3[%get3A_63, %get3A_64] : memref<10000x256xf32, #tpu.memory_space<vmem>>, vector<1x256xf32>
      %max3A_66 = arith.maximumf %get3A_65, %get3A_15 : vector<1x256xf32>
      %swap3A_67 = arith.index_cast %get3A_62 : i32 to index
      %swap3A_68 = arith.constant 0 : index
      %swap3A_69 = vector.load %arg3[%swap3A_67, %swap3A_68] : memref<10000x256xf32, #tpu.memory_space<vmem>>, vector<1x256xf32>
      tpu.vector_store %arg3[%swap3A_67, %swap3A_68], %max3A_66 {strides = array<i32>} : memref<10000x256xf32, #tpu.memory_space<vmem>>, vector<1x256xf32>,
      %add3A_70 = arith.constant 2 : i32
      %add3A_71 = arith.addi %mul3A_7, %add3A_70 : i32
      %get3A_72 = arith.constant 0 : index
      %get3A_73 = arith.constant 0 : index
      %get3A_74 = arith.index_cast %add3A_71 : i32 to index
      %get3A_75 = memref.load %arg1[%get3A_72, %get3A_73, %get3A_74] : memref<1x1x256xi32, #tpu.memory_space<smem>>
      %get3A_76 = arith.index_cast %get3A_75 : i32 to index
      %get3A_77 = arith.constant 0 : index
      %get3A_78 = vector.load %arg3[%get3A_76, %get3A_77] : memref<10000x256xf32, #tpu.memory_space<vmem>>, vector<1x256xf32>
      %max3A_79 = arith.maximumf %get3A_78, %get3A_20 : vector<1x256xf32>
      %swap3A_80 = arith.index_cast %get3A_75 : i32 to index
      %swap3A_81 = arith.constant 0 : index
      %swap3A_82 = vector.load %arg3[%swap3A_80, %swap3A_81] : memref<10000x256xf32, #tpu.memory_space<vmem>>, vector<1x256xf32>
      tpu.vector_store %arg3[%swap3A_80, %swap3A_81], %max3A_79 {strides = array<i32>} : memref<10000x256xf32, #tpu.memory_space<vmem>>, vector<1x256xf32>,
      %add3A_83 = arith.constant 3 : i32
      %add3A_84 = arith.addi %mul3A_7, %add3A_83 : i32
      %get3A_85 = arith.constant 0 : index
      %get3A_86 = arith.constant 0 : index
      %get3A_87 = arith.index_cast %add3A_84 : i32 to index
      %get3A_88 = memref.load %arg1[%get3A_85, %get3A_86, %get3A_87] : memref<1x1x256xi32, #tpu.memory_space<smem>>
      %get3A_89 = arith.index_cast %get3A_88 : i32 to index
      %get3A_90 = arith.constant 0 : index
      %get3A_91 = vector.load %arg3[%get3A_89, %get3A_90] : memref<10000x256xf32, #tpu.memory_space<vmem>>, vector<1x256xf32>
      %max3A_92 = arith.maximumf %get3A_91, %get3A_25 : vector<1x256xf32>
      %swap3A_93 = arith.index_cast %get3A_88 : i32 to index
      %swap3A_94 = arith.constant 0 : index
      %swap3A_95 = vector.load %arg3[%swap3A_93, %swap3A_94] : memref<10000x256xf32, #tpu.memory_space<vmem>>, vector<1x256xf32>
      tpu.vector_store %arg3[%swap3A_93, %swap3A_94], %max3A_92 {strides = array<i32>} : memref<10000x256xf32, #tpu.memory_space<vmem>>, vector<1x256xf32>,
      %add3A_96 = arith.constant 4 : i32
      %add3A_97 = arith.addi %mul3A_7, %add3A_96 : i32
      %get3A_98 = arith.constant 0 : index
      %get3A_99 = arith.constant 0 : index
      %get3A_100 = arith.index_cast %add3A_97 : i32 to index
      %get3A_101 = memref.load %arg1[%get3A_98, %get3A_99, %get3A_100] : memref<1x1x256xi32, #tpu.memory_space<smem>>
      %get3A_102 = arith.index_cast %get3A_101 : i32 to index
      %get3A_103 = arith.constant 0 : index
      %get3A_104 = vector.load %arg3[%get3A_102, %get3A_103] : memref<10000x256xf32, #tpu.memory_space<vmem>>, vector<1x256xf32>
      %max3A_105 = arith.maximumf %get3A_104, %get3A_30 : vector<1x256xf32>
      %swap3A_106 = arith.index_cast %get3A_101 : i32 to index
      %swap3A_107 = arith.constant 0 : index
      %swap3A_108 = vector.load %arg3[%swap3A_106, %swap3A_107] : memref<10000x256xf32, #tpu.memory_space<vmem>>, vector<1x256xf32>
      tpu.vector_store %arg3[%swap3A_106, %swap3A_107], %max3A_105 {strides = array<i32>} : memref<10000x256xf32, #tpu.memory_space<vmem>>, vector<1x256xf32>,
      %add3A_109 = arith.constant 5 : i32
      %add3A_110 = arith.addi %mul3A_7, %add3A_109 : i32
      %get3A_111 = arith.constant 0 : index
      %get3A_112 = arith.constant 0 : index
      %get3A_113 = arith.index_cast %add3A_110 : i32 to index
      %get3A_114 = memref.load %arg1[%get3A_111, %get3A_112, %get3A_113] : memref<1x1x256xi32, #tpu.memory_space<smem>>
      %get3A_115 = arith.index_cast %get3A_114 : i32 to index
      %get3A_116 = arith.constant 0 : index
      %get3A_117 = vector.load %arg3[%get3A_115, %get3A_116] : memref<10000x256xf32, #tpu.memory_space<vmem>>, vector<1x256xf32>
      %max3A_118 = arith.maximumf %get3A_117, %get3A_35 : vector<1x256xf32>
      %swap3A_119 = arith.index_cast %get3A_114 : i32 to index
      %swap3A_120 = arith.constant 0 : index
      %swap3A_121 = vector.load %arg3[%swap3A_119, %swap3A_120] : memref<10000x256xf32, #tpu.memory_space<vmem>>, vector<1x256xf32>
      tpu.vector_store %arg3[%swap3A_119, %swap3A_120], %max3A_118 {strides = array<i32>} : memref<10000x256xf32, #tpu.memory_space<vmem>>, vector<1x256xf32>,
      %add3A_122 = arith.constant 6 : i32
      %add3A_123 = arith.addi %mul3A_7, %add3A_122 : i32
      %get3A_124 = arith.constant 0 : index
      %get3A_125 = arith.constant 0 : index
      %get3A_126 = arith.index_cast %add3A_123 : i32 to index
      %get3A_127 = memref.load %arg1[%get3A_124, %get3A_125, %get3A_126] : memref<1x1x256xi32, #tpu.memory_space<smem>>
      %get3A_128 = arith.index_cast %get3A_127 : i32 to index
      %get3A_129 = arith.constant 0 : index
      %get3A_130 = vector.load %arg3[%get3A_128, %get3A_129] : memref<10000x256xf32, #tpu.memory_space<vmem>>, vector<1x256xf32>
      %max3A_131 = arith.maximumf %get3A_130, %get3A_40 : vector<1x256xf32>
      %swap3A_132 = arith.index_cast %get3A_127 : i32 to index
      %swap3A_133 = arith.constant 0 : index
      %swap3A_134 = vector.load %arg3[%swap3A_132, %swap3A_133] : memref<10000x256xf32, #tpu.memory_space<vmem>>, vector<1x256xf32>
      tpu.vector_store %arg3[%swap3A_132, %swap3A_133], %max3A_131 {strides = array<i32>} : memref<10000x256xf32, #tpu.memory_space<vmem>>, vector<1x256xf32>,
      %add3A_135 = arith.constant 7 : i32
      %add3A_136 = arith.addi %mul3A_7, %add3A_135 : i32
      %get3A_137 = arith.constant 0 : index
      %get3A_138 = arith.constant 0 : index
      %get3A_139 = arith.index_cast %add3A_136 : i32 to index
      %get3A_140 = memref.load %arg1[%get3A_137, %get3A_138, %get3A_139] : memref<1x1x256xi32, #tpu.memory_space<smem>>
      %get3A_141 = arith.index_cast %get3A_140 : i32 to index
      %get3A_142 = arith.constant 0 : index
      %get3A_143 = vector.load %arg3[%get3A_141, %get3A_142] : memref<10000x256xf32, #tpu.memory_space<vmem>>, vector<1x256xf32>
      %max3A_144 = arith.maximumf %get3A_143, %get3A_45 : vector<1x256xf32>
      %swap3A_145 = arith.index_cast %get3A_140 : i32 to index
      %swap3A_146 = arith.constant 0 : index
      %swap3A_147 = vector.load %arg3[%swap3A_145, %swap3A_146] : memref<10000x256xf32, #tpu.memory_space<vmem>>, vector<1x256xf32>
      tpu.vector_store %arg3[%swap3A_145, %swap3A_146], %max3A_144 {strides = array<i32>} : memref<10000x256xf32, #tpu.memory_space<vmem>>, vector<1x256xf32>,
    }
    %scan3A_5 = arith.constant 32 : i32
    return
  }
  func.func @transform_0(%arg0: i32) -> (i32, i32, i32) {
    %c0_i32 = arith.constant 0 : i32
    %c0_i32_0 = arith.constant 0 : i32
    %c0_i32_1 = arith.constant 0 : i32
    return %arg0, %c0_i32, %c0_i32_0 : i32, i32, i32
  }
  func.func @transform_1(%arg0: i32) -> (i32, i32) {
    %c0_i32 = arith.constant 0 : i32
    %c0_i32_0 = arith.constant 0 : i32
    return %arg0, %c0_i32 : i32, i32
  }
  func.func @transform_2(%arg0: i32) -> (i32, i32) {
    %c0_i32 = arith.constant 0 : i32
    %c0_i32_0 = arith.constant 0 : i32
    %c0_i32_1 = arith.constant 0 : i32
    return %c0_i32, %c0_i32_0 : i32, i32
  }
}

</mosaic_0001>

<sc_bundles>
// kernel: kernel.13.cloned.1.call-start
scs
__scs_entry_jumppad:
0x0: {  	(pc) =	sbr.rel $0x88, $3  }
0x1: {  	(tag) =	ssettag $0x0;
	lr =	simm.s32 $0x1  }
0x2: {  	[smem:$0x3F99] =	sst lr;
	_ =	strace $0xD0000000  }
0x3: {  	_ = 	snop  }
0x4: {  	_ = 	snop  }
0x5: {  	_ = 	snop  }
0x6: {  	_ = 	snop  }
0x7: {  	_ = 	snop  }
__scs_overlays_trampoline_lowered:
0x8: {  	[smem:$0x3FA8] =	sst s0  }
0x9: {  	[smem:$0x3FA9] =	sst s1  }
0xa: {  	[smem:$0x3FAA] =	sst s2  }
0xb: {  	[smem:$0x3FAB] =	sst s3  }
0xc: {  	[smem:$0x3FAC] =	sst s4  }
0xd: {  	[smem:$0x3FAD] =	sst s5  }
0xe: {  	[smem:$0x3FAE] =	sst s6  }
0xf: {  	[smem:$0x3FAF] =	sst s7  }
0x10: {  	[smem:$0x3FB0] =	sst s8  }
0x11: {  	[smem:$0x3FB1] =	sst s9;
	s0 =	simm.s32 @!p0 $0x0  }
0x12: {  	s1 =	sld [smem:$0x3F97];
	s0 =	simm.s32 @p0 $0x1  }
0x13: {  	[smem:$0x3FB2] =	sst s0;
	s0 =	simm.s32 @!p1 $0x0  }
0x14: {  	s2 =	sld [smem:$0x3F96];
	s0 =	simm.s32 @p1 $0x1  }
0x15: {  	[smem:$0x3FB3] =	sst s0;
	s0 =	simm.s32 @!p2 $0x0  }
0x16: {  	s3 =	sld [smem:$0x3FDB];
	s0 =	simm.s32 @p2 $0x1  }
0x17: {  	s4 =	simm.s32 $0x1BF5;
	[smem:$0x3FB5] =	sst s0  }
0x18: {  	s0 =	sld [smem:$0x3F98];
	_ =	swait.ge [sflag:s4], $0x0  }
0x19: {  	s7 =	sld [smem:$0x3F99]  }
0x1a: {  	s8 =	sadd.s32 $0xFFFFE003, lr  }
0x1b: {  	s9 =	sadd.s32 $0xFFFFFEF7, lr;
	s5 =	simm.s32 $0xFFFFFFFF;
	p2 =	slt.u32 s8, $0xFFFFF086  }
0x1c: {  	p1 =	slt.u32 s9, $0xF7A;
	s5 =	simm.s32 @!p2 $0x0  }
0x1d: {  	s5 =	simm.s32 @p1 $0x1;
	p0 =	seq.s32 s7, s2  }
0x1e: {  	s7 =	smul.u32 @!p0 $0xF7A, s2;
	p2 =	seq.s32 @!p0 s5, $0x0  }
0x1f: {  	s9 =	smul.u32 $0xF7A, s1;
	s8 =	simm.s32 @!p0 $0x1BF5;
	p2 =	por !p2, p0  }
0x20: {  	[sflag:s8] =	ssyncset.s32 @!p0 $0xFFFFF086;
	s6 =	sadd.s32 @!p0 s3, s7;
	s7 =	simm.s32 @!p0 $0x108  }
0x21: {  	s3 =	sadd.s32 s3, s9;
	s6 =	sadd.s32 @!p0 $0x88, s6;
	s7 =	simm.s32 @p2 $0x1082  }
0x22: {  	[simem:s7], [sflag:s8] =	dma.local @!p0 [hbm:s6], $0xF7A  }
0x23: {  	s9 =	sor.u32 $0xD0000000, s2;
	s6 =	simm.s32 $0x108;
	_ =	swait.ge @!p0 [sflag:s8], $0x0  }
0x24: {  	s3 =	sadd.s32 $0x88, s3;
	s6 =	simm.s32 @!p1 $0x1082;
	[sflag:s4] =	ssyncset.s32 $0xFFFFF086  }
0x25: {  	[simem:s6], [sflag:s4] =	dma.local [hbm:s3], $0xF7A  }
0x26: {  	[smem:$0x3F99] =	sst s1;
	(tag) =	ssettag s2;
	_ =	strace s9  }
0x27: {  	s1 =	sld [smem:$0x3FA9]  }
0x28: {  	s2 =	sld [smem:$0x3FAA]  }
0x29: {  	s4 =	sld [smem:$0x3FAC]  }
0x2a: {  	p0 =	seq.s32 s5, $0x0;
	s5 =	sld [smem:$0x3FAD]  }
0x2b: {  	s6 =	sld [smem:$0x3FAE]  }
0x2c: {  	s7 =	sld [smem:$0x3FAF]  }
0x2d: {  	s3 =	simm.s32 $0x108;
	s8 =	sld [smem:$0x3FB0]  }
0x2e: {  	s3 =	simm.s32 @!p0 $0x1082;
	s9 =	sld [smem:$0x3FB1]  }
0x2f: {  	lr =	sadd.s32 s0, s3;
	s0 =	sld [smem:$0x3FA8]  }
0x30: {  	s3 =	sld [smem:$0x3FAB]  }
0x31: {  	[smem:$0x3FB4] =	sst s10  }
0x32: {  	s10 =	sld [smem:$0x3FB2];
	_ =	sdelay $0x3  }
0x33: {  	p0 =	seq.s32 s10, $0x1;
	s10 =	sld [smem:$0x3FB4];
	_ =	sdelay $0x3  }
0x34: {  	[smem:$0x3FB4] =	sst s10  }
0x35: {  	s10 =	sld [smem:$0x3FB3];
	_ =	sdelay $0x3  }
0x36: {  	p1 =	seq.s32 s10, $0x1;
	s10 =	sld [smem:$0x3FB4];
	_ =	sdelay $0x3  }
0x37: {  	[smem:$0x3FB4] =	sst s10  }
0x38: {  	s10 =	sld [smem:$0x3FB5]  }
0x39: {  	_ = 	snop;
	(pc) =	sbr.ind lr, $3  }
0x3a: {  	_ = 	snop  }
0x3b: {  	_ = 	snop  }
0x3c: {  	p2 =	seq.s32 s10, $0x1;
	s10 =	sld [smem:$0x3FB4]  }
0x3d: {  	_ =	shalt  }
0x3e: {  	_ =	shalt  }
0x3f: {  	_ =	shalt  }
0x40: {  	_ =	shalt  }
0x41: {  	_ =	shalt  }
0x42: {  	_ =	shalt  }
0x43: {  	_ =	shalt  }
0x44: {  	_ =	shalt  }
0x45: {  	_ =	shalt  }
0x46: {  	_ =	shalt  }
0x47: {  	_ =	shalt  }
0x48: {  	_ =	shalt  }
0x49: {  	_ =	shalt  }
0x4a: {  	_ =	shalt  }
0x4b: {  	_ =	shalt  }
0x4c: {  	_ =	shalt  }
0x4d: {  	_ =	shalt  }
0x4e: {  	_ =	shalt  }
0x4f: {  	_ =	shalt  }
0x50: {  	_ =	shalt  }
0x51: {  	_ =	shalt  }
0x52: {  	_ =	shalt  }
0x53: {  	_ =	shalt  }
0x54: {  	_ =	shalt  }
0x55: {  	_ =	shalt  }
0x56: {  	_ =	shalt  }
0x57: {  	_ =	shalt  }
0x58: {  	_ =	shalt  }
0x59: {  	_ =	shalt  }
0x5a: {  	_ =	shalt  }
0x5b: {  	_ =	shalt  }
0x5c: {  	_ =	shalt  }
0x5d: {  	_ =	shalt  }
0x5e: {  	_ =	shalt  }
0x5f: {  	_ =	shalt  }
0x60: {  	_ =	shalt  }
0x61: {  	_ =	shalt  }
0x62: {  	_ =	shalt  }
0x63: {  	_ =	shalt  }
0x64: {  	_ =	shalt  }
0x65: {  	_ =	shalt  }
0x66: {  	_ =	shalt  }
0x67: {  	_ =	shalt  }
0x68: {  	_ =	shalt  }
0x69: {  	_ =	shalt  }
0x6a: {  	_ =	shalt  }
0x6b: {  	_ =	shalt  }
0x6c: {  	_ =	shalt  }
0x6d: {  	_ =	shalt  }
0x6e: {  	_ =	shalt  }
0x6f: {  	_ =	shalt  }
0x70: {  	_ =	shalt  }
0x71: {  	_ =	shalt  }
0x72: {  	_ =	shalt  }
0x73: {  	_ =	shalt  }
0x74: {  	_ =	shalt  }
0x75: {  	_ =	shalt  }
0x76: {  	_ =	shalt  }
0x77: {  	_ =	shalt  }
0x78: {  	_ =	shalt  }
0x79: {  	_ =	shalt  }
0x7a: {  	_ =	shalt  }
0x7b: {  	_ =	shalt  }
0x7c: {  	_ =	shalt  }
0x7d: {  	_ =	shalt  }
0x7e: {  	_ =	shalt  }
0x7f: {  	_ =	shalt  }
0x80: {  	_ =	shalt  }
0x81: {  	_ =	shalt  }
0x82: {  	_ =	shalt  }
0x83: {  	_ =	shalt  }
0x84: {  	_ =	shalt  }
0x85: {  	_ =	shalt  }
0x86: {  	_ =	shalt  }
0x87: {  	_ =	shalt  }
.Lfunc_end0:
.L_simem_size_0:
called_computation_lowered:
.L_overlay_start_0:
0x88: {  	s2 =	sld [smem:$0x3FD9]  }
0x89: {  	s3 =	sld [smem:$0x3FFE];
	_ =	sdelay $0x1  }
0x8a: {  	s1 =	srdreg.scid  }
0x8b: {  	s0 =	sand.u32 $0x1, s1  }
0x8c: {  	s17 =	sshll.u32 s0, $0xA;
	s2 =	sadd.s32 s3, s2  }
0x8d: {  	s2 =	sadd.s32 s2, s17  }
0x8e: {  	[smem:$0x3FC0] =	sst s2  }
0x8f: {  	_ = 	snop  }
0x90: {  	s2 =	sld [smem:$0x3FC9];
	(tm) =	ssettm $0x1  }
0x91: {  	s18 =	sld [smem:$0x3FFB];
	_ =	sdelay $0x3  }
0x92: {  	_ =	strace s18  }
0x93: {  	s3 =	sld [smem:$0x3FFC];
	_ =	sdelay $0x3  }
0x94: {  	_ =	strace s3  }
0x95: {  	s3 =	sld [smem:$0x3FFD];
	_ =	sdelay $0x3  }
0x96: {  	_ =	strace s3  }
0x97: {  	_ =	strace $0x8FFFFFFF  }
0x98: {  	s19 =	sld [smem:$0x3FDB];
	_ =	sdelay $0x1  }
0x99: {  	s4 =	simm.s32 $_scs_section_size  }
0x9a: {  	s5 =	simm.s32 $_size__tile_overlayer_lowered;
	s6 =	simm.s32 $_tile_overlayer_lowered  }
0x9b: {  	s22 =	simm.s32 $0x1BFF;
	s21 =	sshll.u32 s6, $0x1;
	s3 =	sadd.s32 s4, s19  }
0x9c: {  	s7 =	simm.s32 $0x0;
	s20 =	sshll.u32 s5, $0x1;
	s5 =	sadd.s32 s21, s3  }
0x9d: {  	[timem:s7], [sflag:s22] =	dma.local [hbm:s5], s20  }
0x9e: {  	_ =	swait.ge [sflag:s22], s20  }
0x9f: {  	s4 =	ssub.s32 $0x0, s20;
	[sflag:s22] =	ssyncset.done $0x0  }
0xa0: {  	[sflag:s22] =	ssyncadd.s32 s4;
	_ =	sdelay $0x1  }
0xa1: {  	s23 =	simm.s32 $0x1B8B  }
0xa2: {  	_ =	swait.ge [sflag:s23], $0x1  }
0xa3: {  	[sflag:s23] =	ssyncset.done $0x0  }
0xa4: {  	s25 =	simm.s32 $0x1B8E;
	s24 =	sld [smem:$0x3FFE];
	[sflag:s23] =	ssyncadd.s32 $0xFFFFFFFF  }
0xa5: {  	s26 =	simm.s32 $execute0_lowered;
	[smem:$0x3FD2] =	sst s25  }
0xa6: {  	s5 =	sshll.u32 s26, $0x1;
	_ =	strace $0x80000046;
	[dreg:$0x1] =	wrdreg $0xFFFFFFFF  }
0xa7: {  	s28 =	simm.s32 $_size_execute0_lowered;
	s3 =	sadd.s32 s3, s5;
	[dreg:$0x0] =	wrdreg $0x0  }
0xa8: {  	s5 =	sshll.u32 s28, $0x1;
	[dreg:$0x2] =	wrdreg s3  }
0xa9: {  	[dreg:$0x3] =	wrdreg s5  }
0xaa: {  	[dreg:$0x4] =	wrdreg $0xC0  }
0xab: {  	_ =	task [dreg:s7], $0x5FFFF  }
0xac: {  	[dreg:$0x1] =	wrdreg $0xFFFFFFFF  }
0xad: {  	[dreg:$0x0] =	wrdreg $0x60  }
0xae: {  	[dreg:$0x2] =	wrdreg s2  }
0xaf: {  	[dreg:$0x3] =	wrdreg s24  }
0xb0: {  	[dreg:$0x4] =	wrdreg $0x9  }
0xb1: {  	_ =	task.clear_ibuf [dreg:s7], $0x5FFFF;
	_ =	strace $0x90000046  }
0xb2: {  	s29 =	simm.s32 $0x9;
	_ =	strace $0x80000048  }
0xb3: {  	_ =	swait.ge [sflag:s29], $0x1  }
0xb4: {  	[sflag:s29] =	ssyncadd.s32 $0xFFFFFFFF  }
0xb5: {  	_ =	strace $0x90000048  }
0xb6: {  	_ =	sfence  }
0xb7: {  	s30 =	sld [smem:$0x0];
	_ =	sdelay $0x2  }
0xb8: {  	s31 =	sshll.u32 s1, $0xD;
	s1 =	sshrl.u32 s1, $0x2  }
0xb9: {  	s3 =	sand.u32 $0x4000, s31;
	s1 =	sadd.s32 s1, s30  }
0xba: {  	s0 =	sor.u32 s3, s0;
	s1 =	sshll.u32 s1, $0x11  }
0xbb: {  	s0 =	sor.u32 s1, s0  }
0xbc: {  	s0 =	sadd.s32 $0x8F2B, s0  }
0xbd: {  	[sflag:s0] =	ssyncadd.remote.s32 $0x1  }
0xbe: {  	_ =	sfence.sel $0xFFFF  }
0xbf: {  	[dreg:$0x0] =	wrdreg $0xFFFFFFFF;
	(pc) =	sbr.abs _section_cstart, $3  }
0xc0: {  	[dreg:$0x1] =	wrdreg $0xFFFFFFFF  }
0xc1: {  	_ =	task.clear_ibuf [dreg:s7], $0x2FFFF;
	_ =	strace $0x9FFFFFFF  }
0xc2: {  	(tm) =	ssettm $0x7FFFFFFF  }
0xc3: {  	_ =	shalt  }
tec
execute0_lowered:
.L_overlay_start_1:
0x0: {  	(tag) =	ssettag $0x1  }
0x1: {  	s1 =	rddreg [dreg:$0x0]  }
0x2: {  	s0 =	rddreg [dreg:$0x1]  }
0x3: {  	s3 =	simm.s32 $0x0;
	s2 =	srdreg.scid;
	s5 =	stileid.u32  }
0x4: {  	s8 =	simm.s32 $0x1000;
	s9 =	simm.s32 $0x1800;
	s10 =	simm.s32 $0x2000  }
0x5: {  	s11 =	simm.s32 $0x2800;
	s12 =	simm.s32 $0x3000;
	s18 =	simm.s32 $0x6000  }
0x6: {  	s19 =	simm.s32 $0x6800;
	s20 =	simm.s32 $0x7000;
	s21 =	simm.s32 $0x7800  }
0x7: {  	s22 =	simm.s32 $0x8000;
	s23 =	simm.s32 $0x8800;
	s25 =	simm.s32 $0x9800  }
0x8: {  	s28 =	simm.s32 $0xA800;
	s29 =	simm.s32 $0x1;
	s30 =	simm.s32 $0x4  }
0x9: {  	s31 =	simm.s32 $0x0;
	[smem:$0x7FF] =	sst s3;
	s2 =	sand.u32 $0x1, s2  }
0xa: {  	s4 =	sshll.u32 s5, $0xA;
	s5 =	smul.u32 $0xFA00, s5;
	_ =	strace $0x80000047  }
.Ltmp0:
0xb: {  	s6 =	sshll.u32 s2, $0x9;
	s7 =	ssub.s32 $0x2, s2;
	(pc) =	sbr.rel .LBB2_1-.Ltmp0, $4  }
0xc: {  	s2 =	smul.u32 $0x7D00, s2;
	s4 =	sor.u32 s6, s4;
	s26 =	sshrl.u32 s7, $0x1  }
0xd: {  	v2 =	vlaneseq.u32;
	s5 =	sadd.s32 s5, s0;
	s0 =	sadd.s32 s4, s0;
	s6 =	ssub.s32 s7, s26  }
0xe: {  	vm0 =	vmmov $0xffff;
	v1 =	vshrl.u32 v2, $0x3;
	s2 =	sadd.s32 s2, s5;
	s7 =	simm.s32 $0x5;
	s26 =	simm.s32 $0xA000  }
0xf: {  	v0 =	vand.u32 $0x7, v2;
	v2 =	vor.u32 $0x8, v2;
	v1 =	vmul.u32 $0x8, v1;
	s4 =	sadd.s32 $0x4800, s0;
	s5 =	smax.u32 s6, $0x1;
	s6 =	sadd.s32 $0x8800, s2  }
.LBB2_8:
0x10: {  	s31 =	sadd.s32 $0x1, s31  }
0x11: {  	p0 =	sne.s32 s31, s5  }
.Ltmp1:
0x12: {  	_ = 	snop;
	(pc) =	sbr.rel @!p0 .LBB2_9-.Ltmp1, $1  }
0x13: {  	_ =	sdelay $0x3  }
.LBB2_1:
0x14: {  	[tilespmem:s3], [sflag:$0x5] =	stream.linear.gather [hbm4b:s4+s3], $0xC80, $0x38;
	[tilespmem:$0xB000] =	vst v63  }
0x15: {  	_ =	swait.ge [sflag:s7], $0xC80  }
0x16: {  	[sflag:s7] =	ssyncset.done $0x0  }
0x17: {  	[sflag:s7] =	ssyncadd.s32 $0xFFFFF380  }
0x18: {  	v3 =	vld [tilespmem:$0x0];
	_ =	sdelay $0x4  }
0x19: {  	v4 =	vshll.u32 v3, $0x1  }
0x1a: {  	v3 =	vand.u32 $0x7, v3;
	v4 =	vand.u32 $0xFFFFFFF0, v4  }
0x1b: {  	v3 =	vor.u32 v3, v4  }
0x1c: {  	v4 =	vperm.xlane v3, v0;
	_ =	sdelay $0x1  }
0x1d: {  	v3 =	vperm.xlane v3, v2;
	v4 =	vadd.s32 v1, v4;
	_ =	sdelay $0x1  }
0x1e: {  	v3 =	vadd.s32 v1, v3;
	_ =	sdelay $0x2  }
0x1f: {  	[tilespmem:s8], [sflag:$0x1] =	stream.indirect_vreg.gather [hbm4b:s1+s3], $0x80, v4, vm0, $0xb8;
	[tilespmem:$0xB000] =	vst v63  }
0x20: {  	_ = 	snop  }
0x21: {  	[tilespmem:s9], [sflag:$0x1] =	stream.indirect_vreg.gather [hbm4b:s1+s3], $0x80, v3, vm0, $0xb8;
	[tilespmem:$0xB000] =	vst v63  }
0x22: {  	v3 =	vld [tilespmem:$0x10];
	_ =	sdelay $0x4  }
0x23: {  	v53 =	vshll.u32 v3, $0x1  }
0x24: {  	v3 =	vand.u32 $0x7, v3;
	v4 =	vand.u32 $0xFFFFFFF0, v53  }
0x25: {  	v3 =	vor.u32 v3, v4  }
0x26: {  	v4 =	vperm.xlane v3, v0;
	_ =	sdelay $0x1  }
0x27: {  	v3 =	vperm.xlane v3, v2;
	v4 =	vadd.s32 v1, v4;
	_ =	sdelay $0x1  }
0x28: {  	v3 =	vadd.s32 v1, v3;
	_ =	sdelay $0x2  }
0x29: {  	[tilespmem:s10], [sflag:$0x1] =	stream.indirect_vreg.gather [hbm4b:s1+s3], $0x80, v4, vm0, $0xb8;
	[tilespmem:$0xB000] =	vst v63  }
0x2a: {  	_ = 	snop  }
0x2b: {  	[tilespmem:s11], [sflag:$0x1] =	stream.indirect_vreg.gather [hbm4b:s1+s3], $0x80, v3, vm0, $0xb8;
	[tilespmem:$0xB000] =	vst v63  }
0x2c: {  	v3 =	vld.msk [tilespmem:$0x20], $0xff;
	_ =	sdelay $0x4  }
0x2d: {  	v54 =	vshll.u32 v3, $0x1  }
0x2e: {  	v3 =	vand.u32 $0x7, v3;
	v4 =	vand.u32 $0xFFFFFFF0, v54  }
0x2f: {  	v3 =	vor.u32 v3, v4  }
0x30: {  	v3 =	vperm.xlane v3, v0;
	_ =	sdelay $0x1  }
0x31: {  	v3 =	vadd.s32 v1, v3;
	_ =	sdelay $0x4  }
0x32: {  	[tilespmem:s12], [sflag:$0x1] =	stream.indirect_vreg.gather [hbm4b:s1+s3], $0x80, v3, vm0, $0xb8;
	[tilespmem:$0xB000] =	vst v63  }
0x33: {  	v3 =	vld [tilespmem:$0x80];
	_ =	sdelay $0x4  }
0x34: {  	v55 =	vshll.u32 v3, $0x1  }
0x35: {  	v3 =	vand.u32 $0x7, v3;
	v4 =	vand.u32 $0xFFFFFFF0, v55  }
0x36: {  	v3 =	vor.u32 v3, v4  }
0x37: {  	v4 =	vperm.xlane v3, v0;
	_ =	sdelay $0x1  }
0x38: {  	v3 =	vperm.xlane v3, v2;
	v4 =	vadd.s32 v1, v4;
	_ =	sdelay $0x1  }
0x39: {  	v3 =	vadd.s32 v1, v3;
	_ =	sdelay $0x1  }
0x3a: {  	s0 =	simm.s32 $0x3800  }
0x3b: {  	[tilespmem:s0], [sflag:$0x2] =	stream.indirect_vreg.gather [hbm4b:s1+s3], $0x80, v4, vm0, $0xb8;
	[tilespmem:$0xB000] =	vst v63  }
0x3c: {  	s14 =	simm.s32 $0x4000  }
0x3d: {  	[tilespmem:s14], [sflag:$0x2] =	stream.indirect_vreg.gather [hbm4b:s1+s3], $0x80, v3, vm0, $0xb8;
	[tilespmem:$0xB000] =	vst v63  }
0x3e: {  	v3 =	vld [tilespmem:$0x90];
	_ =	sdelay $0x4  }
0x3f: {  	v56 =	vshll.u32 v3, $0x1  }
0x40: {  	v3 =	vand.u32 $0x7, v3;
	v4 =	vand.u32 $0xFFFFFFF0, v56  }
0x41: {  	v3 =	vor.u32 v3, v4  }
0x42: {  	v4 =	vperm.xlane v3, v0;
	_ =	sdelay $0x1  }
0x43: {  	v3 =	vperm.xlane v3, v2;
	v4 =	vadd.s32 v1, v4;
	_ =	sdelay $0x1  }
0x44: {  	v3 =	vadd.s32 v1, v3;
	_ =	sdelay $0x1  }
0x45: {  	s15 =	simm.s32 $0x4800  }
0x46: {  	[tilespmem:s15], [sflag:$0x2] =	stream.indirect_vreg.gather [hbm4b:s1+s3], $0x80, v4, vm0, $0xb8;
	[tilespmem:$0xB000] =	vst v63  }
0x47: {  	s16 =	simm.s32 $0x5000  }
0x48: {  	[tilespmem:s16], [sflag:$0x2] =	stream.indirect_vreg.gather [hbm4b:s1+s3], $0x80, v3, vm0, $0xb8;
	[tilespmem:$0xB000] =	vst v63  }
0x49: {  	v3 =	vld.msk [tilespmem:$0xA0], $0xff;
	_ =	sdelay $0x4  }
0x4a: {  	v57 =	vshll.u32 v3, $0x1  }
0x4b: {  	v3 =	vand.u32 $0x7, v3;
	v4 =	vand.u32 $0xFFFFFFF0, v57  }
0x4c: {  	v3 =	vor.u32 v3, v4  }
0x4d: {  	v3 =	vperm.xlane v3, v0;
	_ =	sdelay $0x1  }
0x4e: {  	v3 =	vadd.s32 v1, v3;
	_ =	sdelay $0x3  }
0x4f: {  	s17 =	simm.s32 $0x5800  }
0x50: {  	[tilespmem:s17], [sflag:$0x2] =	stream.indirect_vreg.gather [hbm4b:s1+s3], $0x80, v3, vm0, $0xb8;
	[tilespmem:$0xB000] =	vst v63  }
0x51: {  	v3 =	vld [tilespmem:$0x100];
	_ =	sdelay $0x4  }
0x52: {  	v58 =	vshll.u32 v3, $0x1  }
0x53: {  	v3 =	vand.u32 $0x7, v3;
	v4 =	vand.u32 $0xFFFFFFF0, v58  }
0x54: {  	v3 =	vor.u32 v3, v4  }
0x55: {  	v4 =	vperm.xlane v3, v0;
	_ =	sdelay $0x1  }
0x56: {  	v3 =	vperm.xlane v3, v2;
	v4 =	vadd.s32 v1, v4;
	_ =	sdelay $0x1  }
0x57: {  	v3 =	vadd.s32 v1, v3;
	_ =	sdelay $0x2  }
0x58: {  	[tilespmem:s18], [sflag:$0x3] =	stream.indirect_vreg.gather [hbm4b:s1+s3], $0x80, v4, vm0, $0xb8;
	[tilespmem:$0xB000] =	vst v63  }
0x59: {  	_ = 	snop  }
0x5a: {  	[tilespmem:s19], [sflag:$0x3] =	stream.indirect_vreg.gather [hbm4b:s1+s3], $0x80, v3, vm0, $0xb8;
	[tilespmem:$0xB000] =	vst v63  }
0x5b: {  	v3 =	vld [tilespmem:$0x110];
	_ =	sdelay $0x4  }
0x5c: {  	v59 =	vshll.u32 v3, $0x1  }
0x5d: {  	v3 =	vand.u32 $0x7, v3;
	v4 =	vand.u32 $0xFFFFFFF0, v59  }
0x5e: {  	v3 =	vor.u32 v3, v4  }
0x5f: {  	v4 =	vperm.xlane v3, v0;
	_ =	sdelay $0x1  }
0x60: {  	v3 =	vperm.xlane v3, v2;
	v4 =	vadd.s32 v1, v4;
	_ =	sdelay $0x1  }
0x61: {  	v3 =	vadd.s32 v1, v3;
	_ =	sdelay $0x2  }
0x62: {  	[tilespmem:s20], [sflag:$0x3] =	stream.indirect_vreg.gather [hbm4b:s1+s3], $0x80, v4, vm0, $0xb8;
	[tilespmem:$0xB000] =	vst v63  }
0x63: {  	_ = 	snop  }
0x64: {  	[tilespmem:s21], [sflag:$0x3] =	stream.indirect_vreg.gather [hbm4b:s1+s3], $0x80, v3, vm0, $0xb8;
	[tilespmem:$0xB000] =	vst v63  }
0x65: {  	v3 =	vld.msk [tilespmem:$0x120], $0xff;
	_ =	sdelay $0x4  }
0x66: {  	v60 =	vshll.u32 v3, $0x1  }
0x67: {  	v3 =	vand.u32 $0x7, v3;
	v4 =	vand.u32 $0xFFFFFFF0, v60  }
0x68: {  	v3 =	vor.u32 v3, v4  }
0x69: {  	v3 =	vperm.xlane v3, v0;
	_ =	sdelay $0x1  }
0x6a: {  	v3 =	vadd.s32 v1, v3;
	_ =	sdelay $0x4  }
0x6b: {  	[tilespmem:s22], [sflag:$0x3] =	stream.indirect_vreg.gather [hbm4b:s1+s3], $0x80, v3, vm0, $0xb8;
	[tilespmem:$0xB000] =	vst v63  }
0x6c: {  	v3 =	vld [tilespmem:$0x180];
	_ =	sdelay $0x4  }
0x6d: {  	v61 =	vshll.u32 v3, $0x1  }
0x6e: {  	v3 =	vand.u32 $0x7, v3;
	v4 =	vand.u32 $0xFFFFFFF0, v61  }
0x6f: {  	v3 =	vor.u32 v3, v4  }
0x70: {  	v4 =	vperm.xlane v3, v0;
	_ =	sdelay $0x1  }
0x71: {  	v3 =	vperm.xlane v3, v2;
	v4 =	vadd.s32 v1, v4;
	_ =	sdelay $0x1  }
0x72: {  	v3 =	vadd.s32 v1, v3;
	_ =	sdelay $0x2  }
0x73: {  	[tilespmem:s23], [sflag:$0x4] =	stream.indirect_vreg.gather [hbm4b:s1+s3], $0x80, v4, vm0, $0xb8;
	[tilespmem:$0xB000] =	vst v63  }
0x74: {  	s24 =	simm.s32 $0x9000  }
0x75: {  	[tilespmem:s24], [sflag:$0x4] =	stream.indirect_vreg.gather [hbm4b:s1+s3], $0x80, v3, vm0, $0xb8;
	[tilespmem:$0xB000] =	vst v63  }
0x76: {  	v3 =	vld [tilespmem:$0x190];
	_ =	sdelay $0x4  }
0x77: {  	v62 =	vshll.u32 v3, $0x1  }
0x78: {  	v3 =	vand.u32 $0x7, v3;
	v4 =	vand.u32 $0xFFFFFFF0, v62  }
0x79: {  	v3 =	vor.u32 v3, v4  }
0x7a: {  	v4 =	vperm.xlane v3, v0;
	_ =	sdelay $0x1  }
0x7b: {  	v3 =	vperm.xlane v3, v2;
	v4 =	vadd.s32 v1, v4;
	_ =	sdelay $0x1  }
0x7c: {  	v3 =	vadd.s32 v1, v3;
	_ =	sdelay $0x2  }
0x7d: {  	[tilespmem:s25], [sflag:$0x4] =	stream.indirect_vreg.gather [hbm4b:s1+s3], $0x80, v4, vm0, $0xb8;
	[tilespmem:$0xB000] =	vst v63  }
0x7e: {  	_ = 	snop  }
0x7f: {  	[tilespmem:s26], [sflag:$0x4] =	stream.indirect_vreg.gather [hbm4b:s1+s3], $0x80, v3, vm0, $0xb8;
	[tilespmem:$0xB000] =	vst v63  }
0x80: {  	v3 =	vld.msk [tilespmem:$0x1A0], $0xff;
	_ =	sdelay $0x4  }
0x81: {  	v63 =	vshll.u32 v3, $0x1  }
0x82: {  	v3 =	vand.u32 $0x7, v3;
	v4 =	vand.u32 $0xFFFFFFF0, v63  }
0x83: {  	v3 =	vor.u32 v3, v4  }
0x84: {  	v3 =	vperm.xlane v3, v0;
	_ =	sdelay $0x1  }
0x85: {  	v3 =	vadd.s32 v1, v3  }
.Ltmp2:
0x86: {  	_ = 	snop;
	(pc) =	sbr.rel .LBB2_2-.Ltmp2, $4  }
0x87: {  	_ = 	snop  }
0x88: {  	s2 =	simm.s32 $0x3A0  }
0x89: {  	s13 =	simm.s32 $0x0;
	s0 =	simm.s32 $0x3;
	s14 =	simm.s32 $0x0  }
0x8a: {  	[tilespmem:s28], [sflag:$0x4] =	stream.indirect_vreg.gather [hbm4b:s1+s3], $0x80, v3, vm0, $0xb8;
	[tilespmem:$0xB000] =	vst v63  }
.LBB2_5:
0x8b: {  	v3 =	vld [tilespmem:s2+$0xFFFFFF60];
	_ =	sdelay $0x4  }
0x8c: {  	v4 =	vshll.u32 v3, $0x1  }
0x8d: {  	v3 =	vand.u32 $0x7, v3;
	v4 =	vand.u32 $0xFFFFFFF0, v4  }
0x8e: {  	v3 =	vor.u32 v3, v4  }
0x8f: {  	v4 =	vperm.xlane v3, v0;
	_ =	sdelay $0x1  }
0x90: {  	v3 =	vperm.xlane v3, v2;
	v4 =	vadd.s32 v1, v4;
	_ =	sdelay $0x1  }
0x91: {  	v3 =	vadd.s32 v1, v3;
	_ =	sdelay $0x2  }
0x92: {  	[tilespmem:s18], [sflag:$0x3] =	stream.indirect_vreg.gather [hbm4b:s1+s3], $0x80, v4, vm0, $0xb8;
	[tilespmem:$0xB000] =	vst v63  }
0x93: {  	_ = 	snop  }
0x94: {  	[tilespmem:s19], [sflag:$0x3] =	stream.indirect_vreg.gather [hbm4b:s1+s3], $0x80, v3, vm0, $0xb8;
	[tilespmem:$0xB000] =	vst v63  }
0x95: {  	v3 =	vld [tilespmem:s2+$0xFFFFFF70];
	_ =	sdelay $0x4  }
0x96: {  	v62 =	vshll.u32 v3, $0x1  }
0x97: {  	v3 =	vand.u32 $0x7, v3;
	v4 =	vand.u32 $0xFFFFFFF0, v62  }
0x98: {  	v3 =	vor.u32 v3, v4  }
0x99: {  	v4 =	vperm.xlane v3, v0;
	_ =	sdelay $0x1  }
0x9a: {  	v3 =	vperm.xlane v3, v2;
	v4 =	vadd.s32 v1, v4;
	_ =	sdelay $0x1  }
0x9b: {  	v3 =	vadd.s32 v1, v3;
	_ =	sdelay $0x2  }
0x9c: {  	[tilespmem:s20], [sflag:$0x3] =	stream.indirect_vreg.gather [hbm4b:s1+s3], $0x80, v4, vm0, $0xb8;
	[tilespmem:$0xB000] =	vst v63  }
0x9d: {  	_ = 	snop  }
0x9e: {  	[tilespmem:s21], [sflag:$0x3] =	stream.indirect_vreg.gather [hbm4b:s1+s3], $0x80, v3, vm0, $0xb8;
	[tilespmem:$0xB000] =	vst v63  }
0x9f: {  	v3 =	vld.msk [tilespmem:s2+$0xFFFFFF80], $0xff;
	_ =	sdelay $0x4  }
0xa0: {  	v63 =	vshll.u32 v3, $0x1  }
0xa1: {  	v3 =	vand.u32 $0x7, v3;
	v4 =	vand.u32 $0xFFFFFFF0, v63  }
0xa2: {  	v3 =	vor.u32 v3, v4  }
0xa3: {  	v3 =	vperm.xlane v3, v0;
	_ =	sdelay $0x1  }
0xa4: {  	v3 =	vadd.s32 v1, v3;
	_ =	sdelay $0x3  }
0xa5: {  	p0 =	por $0x1, $0x1  }
0xa6: {  	[tilespmem:s22], [sflag:$0x3] =	stream.indirect_vreg.gather [hbm4b:s1+s3], $0x80, v3, vm0, $0xb8;
	[tilespmem:$0xB000] =	vst v63  }
.LBB2_6:
0xa7: {  	_ =	swait.ge [sflag:s30], $0x2800  }
0xa8: {  	[sflag:s30] =	ssyncset.done $0x0  }
0xa9: {  	s15 =	sadd.s32 $0xF00, s15;
	[sflag:s30] =	ssyncadd.s32 $0xFFFFD800  }
0xaa: {  	[hbm4b:s15+s3] =	stream.linear.scatter [tilespmem:s23], [sflag:$0x5], $0x2800, $0x38;
	[tilespmem:$0xB000] =	vst v63  }
0xab: {  	_ =	swait.ge [sflag:s7], $0x2800  }
0xac: {  	[sflag:s7] =	ssyncset.done $0x0  }
0xad: {  	[sflag:s7] =	ssyncadd.s32 $0xFFFFD800  }
0xae: {  	v3 =	vld @p0 [tilespmem:s2+$0xFFFFFFE0];
	_ =	sdelay $0x4  }
0xaf: {  	v4 =	vshll.u32 @p0 v3, $0x1  }
0xb0: {  	v5 =	vlaneseq.u32 @p0;
	v3 =	vand.u32 @p0 $0x7, v3;
	v4 =	vand.u32 @p0 $0xFFFFFFF0, v4  }
0xb1: {  	v6 =	vshrl.u32 @p0 v5, $0x3;
	v3 =	vor.u32 @p0 v3, v4;
	v4 =	vand.u32 @p0 $0x7, v5  }
0xb2: {  	v6 =	vmul.u32 @p0 $0x8, v6;
	v7 =	vperm.xlane @p0 v3, v4  }
0xb3: {  	v5 =	vor.u32 @p0 $0x8, v5  }
0xb4: {  	v3 =	vperm.xlane @p0 v3, v5;
	v7 =	vadd.s32 @p0 v6, v7;
	_ =	sdelay $0x1  }
0xb5: {  	v3 =	vadd.s32 @p0 v6, v3;
	_ =	sdelay $0x1  }
0xb6: {  	vm1 =	vmmov @p0 $0xffff;
	s16 =	simm.s32 @p0 $0x8800;
	s15 =	simm.s32 @p0 $0x0  }
0xb7: {  	[tilespmem:s16], [sflag:$0x4] =	stream.indirect_vreg.gather @p0 [hbm4b:s1+s15], $0x80, v7, vm1, $0xb8;
	[tilespmem:$0xB000] =	vst v63  }
0xb8: {  	s16 =	simm.s32 @p0 $0x9000  }
0xb9: {  	[tilespmem:s16], [sflag:$0x4] =	stream.indirect_vreg.gather @p0 [hbm4b:s1+s15], $0x80, v3, vm1, $0xb8;
	[tilespmem:$0xB000] =	vst v63  }
0xba: {  	v3 =	vld @p0 [tilespmem:s2+$0xFFFFFFF0];
	_ =	sdelay $0x4  }
0xbb: {  	v7 =	vshll.u32 @p0 v3, $0x1  }
0xbc: {  	v3 =	vand.u32 @p0 $0x7, v3;
	v7 =	vand.u32 @p0 $0xFFFFFFF0, v7  }
0xbd: {  	v3 =	vor.u32 @p0 v3, v7  }
0xbe: {  	v7 =	vperm.xlane @p0 v3, v4;
	_ =	sdelay $0x1  }
0xbf: {  	v3 =	vperm.xlane @p0 v3, v5;
	v7 =	vadd.s32 @p0 v6, v7;
	_ =	sdelay $0x1  }
0xc0: {  	v3 =	vadd.s32 @p0 v6, v3;
	_ =	sdelay $0x1  }
0xc1: {  	s16 =	simm.s32 @p0 $0x9800  }
0xc2: {  	[tilespmem:s16], [sflag:$0x4] =	stream.indirect_vreg.gather @p0 [hbm4b:s1+s15], $0x80, v7, vm1, $0xb8;
	[tilespmem:$0xB000] =	vst v63  }
0xc3: {  	s16 =	simm.s32 @p0 $0xA000  }
0xc4: {  	[tilespmem:s16], [sflag:$0x4] =	stream.indirect_vreg.gather @p0 [hbm4b:s1+s15], $0x80, v3, vm1, $0xb8;
	[tilespmem:$0xB000] =	vst v63  }
0xc5: {  	v3 =	vld.msk @p0 [tilespmem:s2+$0x0], $0xff;
	_ =	sdelay $0x4  }
0xc6: {  	v5 =	vshll.u32 @p0 v3, $0x1  }
0xc7: {  	v3 =	vand.u32 @p0 $0x7, v3;
	v5 =	vand.u32 @p0 $0xFFFFFFF0, v5  }
0xc8: {  	v3 =	vor.u32 @p0 v3, v5  }
0xc9: {  	v3 =	vperm.xlane @p0 v3, v4;
	_ =	sdelay $0x1  }
0xca: {  	v3 =	vadd.s32 @p0 v6, v3;
	_ =	sdelay $0x3  }
0xcb: {  	s16 =	simm.s32 @p0 $0xA800  }
0xcc: {  	[tilespmem:s16], [sflag:$0x4] =	stream.indirect_vreg.gather @p0 [hbm4b:s1+s15], $0x80, v3, vm1, $0xb8;
	[tilespmem:$0xB000] =	vst v63  }
.LBB2_7:
0xcd: {  	s13 =	sadd.s32 $0x1400, s13  }
0xce: {  	p0 =	sne.s32 s13, $0x8C00  }
.Ltmp3:
0xcf: {  	_ = 	snop;
	(pc) =	sbr.rel @!p0 .LBB2_8-.Ltmp3, $2  }
0xd0: {  	_ =	sdelay $0x2  }
0xd1: {  	s14 =	sadd.s32 $0x1, s14;
	s0 =	sadd.s32 $0x4, s0;
	s2 =	sadd.s32 $0x200, s2  }
.LBB2_2:
0xd2: {  	_ =	swait.ge [sflag:s29], $0x2800  }
0xd3: {  	p0 =	seq.s32 s13, $0x7800;
	[sflag:s29] =	ssyncset.done $0x0  }
.Ltmp4:
0xd4: {  	s15 =	sadd.s32 s13, s6;
	[sflag:s29] =	ssyncadd.s32 $0xFFFFD800;
	(pc) =	sbr.rel @p0 .LBB2_8-.Ltmp4, $4  }
0xd5: {  	[hbm4b:s15+s3] =	stream.linear.scatter [tilespmem:s8], [sflag:$0x5], $0x2800, $0x38;
	[tilespmem:$0xB000] =	vst v63  }
0xd6: {  	_ =	swait.ge [sflag:s7], $0x2800  }
0xd7: {  	[sflag:s7] =	ssyncset.done $0x0  }
0xd8: {  	[sflag:s7] =	ssyncadd.s32 $0xFFFFD800  }
0xd9: {  	v3 =	vld [tilespmem:s2+$0xFFFFFE60];
	_ =	sdelay $0x4  }
0xda: {  	v4 =	vshll.u32 v3, $0x1  }
0xdb: {  	v3 =	vand.u32 $0x7, v3;
	v4 =	vand.u32 $0xFFFFFFF0, v4  }
0xdc: {  	v3 =	vor.u32 v3, v4  }
0xdd: {  	v4 =	vperm.xlane v3, v0;
	_ =	sdelay $0x1  }
0xde: {  	v3 =	vperm.xlane v3, v2;
	v4 =	vadd.s32 v1, v4;
	_ =	sdelay $0x1  }
0xdf: {  	v3 =	vadd.s32 v1, v3;
	_ =	sdelay $0x2  }
0xe0: {  	[tilespmem:s8], [sflag:$0x1] =	stream.indirect_vreg.gather [hbm4b:s1+s3], $0x80, v4, vm0, $0xb8;
	[tilespmem:$0xB000] =	vst v63  }
0xe1: {  	_ = 	snop  }
0xe2: {  	[tilespmem:s9], [sflag:$0x1] =	stream.indirect_vreg.gather [hbm4b:s1+s3], $0x80, v3, vm0, $0xb8;
	[tilespmem:$0xB000] =	vst v63  }
0xe3: {  	v3 =	vld [tilespmem:s2+$0xFFFFFE70];
	_ =	sdelay $0x4  }
0xe4: {  	v62 =	vshll.u32 v3, $0x1  }
0xe5: {  	v3 =	vand.u32 $0x7, v3;
	v4 =	vand.u32 $0xFFFFFFF0, v62  }
0xe6: {  	v3 =	vor.u32 v3, v4  }
0xe7: {  	v4 =	vperm.xlane v3, v0;
	_ =	sdelay $0x1  }
0xe8: {  	v3 =	vperm.xlane v3, v2;
	v4 =	vadd.s32 v1, v4;
	_ =	sdelay $0x1  }
0xe9: {  	v3 =	vadd.s32 v1, v3;
	_ =	sdelay $0x2  }
0xea: {  	[tilespmem:s10], [sflag:$0x1] =	stream.indirect_vreg.gather [hbm4b:s1+s3], $0x80, v4, vm0, $0xb8;
	[tilespmem:$0xB000] =	vst v63  }
0xeb: {  	_ = 	snop  }
0xec: {  	[tilespmem:s11], [sflag:$0x1] =	stream.indirect_vreg.gather [hbm4b:s1+s3], $0x80, v3, vm0, $0xb8;
	[tilespmem:$0xB000] =	vst v63  }
0xed: {  	v3 =	vld.msk [tilespmem:s2+$0xFFFFFE80], $0xff;
	_ =	sdelay $0x4  }
0xee: {  	v63 =	vshll.u32 v3, $0x1  }
0xef: {  	v3 =	vand.u32 $0x7, v3;
	v4 =	vand.u32 $0xFFFFFFF0, v63  }
0xf0: {  	v3 =	vor.u32 v3, v4  }
0xf1: {  	v3 =	vperm.xlane v3, v0;
	_ =	sdelay $0x1  }
0xf2: {  	v3 =	vadd.s32 v1, v3;
	_ =	sdelay $0x1  }
0xf3: {  	s16 =	sadd.s32 $0xFFFFFFFE, s0  }
0xf4: {  	p0 =	sgt.u32 s16, $0x18  }
0xf5: {  	s16 =	simm.s32 @!p0 $0x2  }
0xf6: {  	[tilespmem:s12], [sflag:$0x1] =	stream.indirect_vreg.gather [hbm4b:s1+s3], $0x80, v3, vm0, $0xb8;
	[tilespmem:$0xB000] =	vst v63  }
0xf7: {  	_ =	swait.ge @!p0 [sflag:s16], $0x2800  }
0xf8: {  	[sflag:s16] =	ssyncset.done @!p0 $0x0  }
0xf9: {  	[sflag:s16] =	ssyncadd.s32 @!p0 $0xFFFFD800;
	s16 =	sadd.s32 @!p0 s13, s6  }
0xfa: {  	s17 =	simm.s32 @!p0 $0x0;
	s24 =	simm.s32 @!p0 $0x3800;
	s16 =	sadd.s32 @!p0 $0x500, s16  }
0xfb: {  	[hbm4b:s16+s17] =	stream.linear.scatter @!p0 [tilespmem:s24], [sflag:$0x5], $0x2800, $0x38;
	[tilespmem:$0xB000] =	vst v63  }
0xfc: {  	s16 =	simm.s32 @!p0 $0x5  }
0xfd: {  	_ =	swait.ge @!p0 [sflag:s16], $0x2800  }
0xfe: {  	[sflag:s16] =	ssyncset.done @!p0 $0x0  }
0xff: {  	[sflag:s16] =	ssyncadd.s32 @!p0 $0xFFFFD800;
	p0 =	sgt.u32 s14, $0x4  }
0x100: {  	v3 =	vld @!p0 [tilespmem:s2+$0xFFFFFEE0];
	_ =	sdelay $0x4  }
0x101: {  	v4 =	vshll.u32 @!p0 v3, $0x1  }
0x102: {  	v5 =	vlaneseq.u32 @!p0;
	v3 =	vand.u32 @!p0 $0x7, v3;
	v4 =	vand.u32 @!p0 $0xFFFFFFF0, v4  }
0x103: {  	v6 =	vshrl.u32 @!p0 v5, $0x3;
	v3 =	vor.u32 @!p0 v3, v4;
	v4 =	vand.u32 @!p0 $0x7, v5  }
0x104: {  	v6 =	vmul.u32 @!p0 $0x8, v6;
	v7 =	vperm.xlane @!p0 v3, v4  }
0x105: {  	v5 =	vor.u32 @!p0 $0x8, v5  }
0x106: {  	v3 =	vperm.xlane @!p0 v3, v5;
	v7 =	vadd.s32 @!p0 v6, v7;
	_ =	sdelay $0x1  }
0x107: {  	v3 =	vadd.s32 @!p0 v6, v3;
	_ =	sdelay $0x1  }
0x108: {  	vm1 =	vmmov @!p0 $0xffff;
	s16 =	simm.s32 @!p0 $0x0;
	s17 =	simm.s32 @!p0 $0x3800  }
0x109: {  	[tilespmem:s17], [sflag:$0x2] =	stream.indirect_vreg.gather @!p0 [hbm4b:s1+s16], $0x80, v7, vm1, $0xb8;
	[tilespmem:$0xB000] =	vst v63  }
0x10a: {  	s17 =	simm.s32 @!p0 $0x4000  }
0x10b: {  	[tilespmem:s17], [sflag:$0x2] =	stream.indirect_vreg.gather @!p0 [hbm4b:s1+s16], $0x80, v3, vm1, $0xb8;
	[tilespmem:$0xB000] =	vst v63  }
0x10c: {  	v3 =	vld @!p0 [tilespmem:s2+$0xFFFFFEF0];
	_ =	sdelay $0x4  }
0x10d: {  	v7 =	vshll.u32 @!p0 v3, $0x1  }
0x10e: {  	v3 =	vand.u32 @!p0 $0x7, v3;
	v7 =	vand.u32 @!p0 $0xFFFFFFF0, v7  }
0x10f: {  	v3 =	vor.u32 @!p0 v3, v7  }
0x110: {  	v7 =	vperm.xlane @!p0 v3, v4;
	_ =	sdelay $0x1  }
0x111: {  	v3 =	vperm.xlane @!p0 v3, v5;
	v7 =	vadd.s32 @!p0 v6, v7;
	_ =	sdelay $0x1  }
0x112: {  	v3 =	vadd.s32 @!p0 v6, v3;
	_ =	sdelay $0x1  }
0x113: {  	s17 =	simm.s32 @!p0 $0x4800  }
0x114: {  	[tilespmem:s17], [sflag:$0x2] =	stream.indirect_vreg.gather @!p0 [hbm4b:s1+s16], $0x80, v7, vm1, $0xb8;
	[tilespmem:$0xB000] =	vst v63  }
0x115: {  	s17 =	simm.s32 @!p0 $0x5000  }
0x116: {  	[tilespmem:s17], [sflag:$0x2] =	stream.indirect_vreg.gather @!p0 [hbm4b:s1+s16], $0x80, v3, vm1, $0xb8;
	[tilespmem:$0xB000] =	vst v63  }
0x117: {  	v3 =	vld.msk @!p0 [tilespmem:s2+$0xFFFFFF00], $0xff;
	_ =	sdelay $0x4  }
0x118: {  	v5 =	vshll.u32 @!p0 v3, $0x1  }
0x119: {  	v3 =	vand.u32 @!p0 $0x7, v3;
	v5 =	vand.u32 @!p0 $0xFFFFFFF0, v5  }
0x11a: {  	v3 =	vor.u32 @!p0 v3, v5  }
0x11b: {  	v3 =	vperm.xlane @!p0 v3, v4;
	_ =	sdelay $0x1  }
0x11c: {  	v3 =	vadd.s32 @!p0 v6, v3;
	_ =	sdelay $0x3  }
0x11d: {  	s24 =	sadd.s32 $0xFFFFFFFF, s0;
	s17 =	simm.s32 @!p0 $0x5800  }
0x11e: {  	[tilespmem:s17], [sflag:$0x2] =	stream.indirect_vreg.gather @!p0 [hbm4b:s1+s16], $0x80, v3, vm1, $0xb8;
	[tilespmem:$0xB000] =	vst v63  }
0x11f: {  	p0 =	sgt.u32 s24, $0x18  }
0x120: {  	s16 =	simm.s32 @!p0 $0x3  }
0x121: {  	_ =	swait.ge @!p0 [sflag:s16], $0x2800  }
0x122: {  	s17 =	simm.s32 @!p0 $0x0;
	[sflag:s16] =	ssyncset.done @!p0 $0x0  }
0x123: {  	p1 =	slt.u32 @!p0 s14, $0x5;
	[sflag:s16] =	ssyncadd.s32 @!p0 $0xFFFFD800;
	s16 =	sadd.s32 @!p0 s13, s6  }
0x124: {  	s24 =	simm.s32 @!p0 $0x6000;
	p1 =	por p0, !p1;
	s16 =	sadd.s32 @!p0 $0xA00, s16  }
0x125: {  	[hbm4b:s16+s17] =	stream.linear.scatter @!p0 [tilespmem:s24], [sflag:$0x5], $0x2800, $0x38;
	[tilespmem:$0xB000] =	vst v63  }
.Ltmp5:
0x126: {  	_ = 	snop;
	(pc) =	sbr.rel @!p1 .LBB2_5-.Ltmp5, $4  }
0x127: {  	s16 =	simm.s32 @!p0 $0x5  }
0x128: {  	_ =	swait.ge @!p0 [sflag:s16], $0x2800  }
0x129: {  	[sflag:s16] =	ssyncset.done @!p0 $0x0  }
0x12a: {  	[sflag:s16] =	ssyncadd.s32 @!p0 $0xFFFFD800  }
0x12b: {  	p1 =	slt.u32 s0, $0x19  }
.Ltmp6:
0x12c: {  	_ = 	snop;
	(pc) =	sbr.rel @p1 .LBB2_6-.Ltmp6, $4  }
.Ltmp7:
0x12d: {  	_ = 	snop;
	(pc) =	sbr.rel @!p1 .LBB2_7-.Ltmp7, $4  }
0x12e: {  	_ = 	snop  }
0x12f: {  	_ = 	snop  }
0x130: {  	p0 =	por $0x0, $0x0  }
0x131: {  	_ = 	snop  }
.LBB2_9:
0x132: {  	_ =	sfence.sel $0x180000  }
0x133: {  	[bflag:$0x0] =	sbarrier.arrive $0xFFFF  }
0x134: {  	_ =	strace $0x90000047  }
0x135: {  	s0 =	stileid.u32;
	[bflag:$0x2] =	sbarrier.arrive $0xFFFF  }
0x136: {  	p0 =	sne.s32 s0, $0x0;
	s0 =	rddreg [dreg:$0x2]  }
0x137: {  	s0 =	sadd.s32 @!p0 $0x100000, s0  }
0x138: {  	[sflag:s0] =	ssyncadd.tile.s32 @!p0 $0x1;
	_ =	shalt  }
.Lfunc_end2:
_tile_overlayer_lowered:
.L_overlay_start_2:
0x139: {  	(tag) =	ssettag $0x2  }
0x13a: {  	s0 =	rddreg [dreg:$0x0];
	s2 =	stileid.u32  }
0x13b: {  	s1 =	rddreg [dreg:$0x1];
	p0 =	sne.s32 s2, $0x0  }
0x13c: {  	s3 =	rddreg [dreg:$0x2];
	[bflag:$0x3] =	sbarrier.arrive $0xFFFF;
	s2 =	simm.s32 @!p0 $0x1C05  }
0x13d: {  	[timem:s3], [sflag:s2] =	dma.local @!p0 [hbm:s0], s1  }
0x13e: {  	s0 =	simm.s32 @!p0 $0x5  }
0x13f: {  	_ =	swait.ge @!p0 [sflag:s0], s1  }
0x140: {  	s1 =	ssub.s32 @!p0 $0x0, s1;
	[sflag:s0] =	ssyncset.done @!p0 $0x0  }
0x141: {  	[sflag:s0] =	ssyncadd.s32 @!p0 s1  }
0x142: {  	[bflag:$0x3] =	sbarrier.arrive $0xFFFF  }
0x143: {  	_ =	shalt  }

// kernel: kernel.16.cloned.1.call-start
scs
__scs_entry_jumppad:
0x0: {  	(pc) =	sbr.rel $0x88, $3  }
0x1: {  	(tag) =	ssettag $0x0;
	lr =	simm.s32 $0x1  }
0x2: {  	[smem:$0x3F99] =	sst lr;
	_ =	strace $0xD0000000  }
0x3: {  	_ = 	snop  }
0x4: {  	_ = 	snop  }
0x5: {  	_ = 	snop  }
0x6: {  	_ = 	snop  }
0x7: {  	_ = 	snop  }
__scs_overlays_trampoline_lowered:
0x8: {  	[smem:$0x3FA8] =	sst s0  }
0x9: {  	[smem:$0x3FA9] =	sst s1  }
0xa: {  	[smem:$0x3FAA] =	sst s2  }
0xb: {  	[smem:$0x3FAB] =	sst s3  }
0xc: {  	[smem:$0x3FAC] =	sst s4  }
0xd: {  	[smem:$0x3FAD] =	sst s5  }
0xe: {  	[smem:$0x3FAE] =	sst s6  }
0xf: {  	[smem:$0x3FAF] =	sst s7  }
0x10: {  	[smem:$0x3FB0] =	sst s8  }
0x11: {  	[smem:$0x3FB1] =	sst s9;
	s0 =	simm.s32 @!p0 $0x0  }
0x12: {  	s1 =	sld [smem:$0x3F97];
	s0 =	simm.s32 @p0 $0x1  }
0x13: {  	[smem:$0x3FB2] =	sst s0;
	s0 =	simm.s32 @!p1 $0x0  }
0x14: {  	s2 =	sld [smem:$0x3F96];
	s0 =	simm.s32 @p1 $0x1  }
0x15: {  	[smem:$0x3FB3] =	sst s0;
	s0 =	simm.s32 @!p2 $0x0  }
0x16: {  	s3 =	sld [smem:$0x3FDB];
	s0 =	simm.s32 @p2 $0x1  }
0x17: {  	s4 =	simm.s32 $0x1BF5;
	[smem:$0x3FB5] =	sst s0  }
0x18: {  	s0 =	sld [smem:$0x3F98];
	_ =	swait.ge [sflag:s4], $0x0  }
0x19: {  	s7 =	sld [smem:$0x3F99]  }
0x1a: {  	s8 =	sadd.s32 $0xFFFFE003, lr  }
0x1b: {  	s9 =	sadd.s32 $0xFFFFFEF7, lr;
	s5 =	simm.s32 $0xFFFFFFFF;
	p2 =	slt.u32 s8, $0xFFFFF086  }
0x1c: {  	p1 =	slt.u32 s9, $0xF7A;
	s5 =	simm.s32 @!p2 $0x0  }
0x1d: {  	s5 =	simm.s32 @p1 $0x1;
	p0 =	seq.s32 s7, s2  }
0x1e: {  	s7 =	smul.u32 @!p0 $0xF7A, s2;
	p2 =	seq.s32 @!p0 s5, $0x0  }
0x1f: {  	s9 =	smul.u32 $0xF7A, s1;
	s8 =	simm.s32 @!p0 $0x1BF5;
	p2 =	por !p2, p0  }
0x20: {  	[sflag:s8] =	ssyncset.s32 @!p0 $0xFFFFF086;
	s6 =	sadd.s32 @!p0 s3, s7;
	s7 =	simm.s32 @!p0 $0x108  }
0x21: {  	s3 =	sadd.s32 s3, s9;
	s6 =	sadd.s32 @!p0 $0x88, s6;
	s7 =	simm.s32 @p2 $0x1082  }
0x22: {  	[simem:s7], [sflag:s8] =	dma.local @!p0 [hbm:s6], $0xF7A  }
0x23: {  	s9 =	sor.u32 $0xD0000000, s2;
	s6 =	simm.s32 $0x108;
	_ =	swait.ge @!p0 [sflag:s8], $0x0  }
0x24: {  	s3 =	sadd.s32 $0x88, s3;
	s6 =	simm.s32 @!p1 $0x1082;
	[sflag:s4] =	ssyncset.s32 $0xFFFFF086  }
0x25: {  	[simem:s6], [sflag:s4] =	dma.local [hbm:s3], $0xF7A  }
0x26: {  	[smem:$0x3F99] =	sst s1;
	(tag) =	ssettag s2;
	_ =	strace s9  }
0x27: {  	s1 =	sld [smem:$0x3FA9]  }
0x28: {  	s2 =	sld [smem:$0x3FAA]  }
0x29: {  	s4 =	sld [smem:$0x3FAC]  }
0x2a: {  	p0 =	seq.s32 s5, $0x0;
	s5 =	sld [smem:$0x3FAD]  }
0x2b: {  	s6 =	sld [smem:$0x3FAE]  }
0x2c: {  	s7 =	sld [smem:$0x3FAF]  }
0x2d: {  	s3 =	simm.s32 $0x108;
	s8 =	sld [smem:$0x3FB0]  }
0x2e: {  	s3 =	simm.s32 @!p0 $0x1082;
	s9 =	sld [smem:$0x3FB1]  }
0x2f: {  	lr =	sadd.s32 s0, s3;
	s0 =	sld [smem:$0x3FA8]  }
0x30: {  	s3 =	sld [smem:$0x3FAB]  }
0x31: {  	[smem:$0x3FB4] =	sst s10  }
0x32: {  	s10 =	sld [smem:$0x3FB2];
	_ =	sdelay $0x3  }
0x33: {  	p0 =	seq.s32 s10, $0x1;
	s10 =	sld [smem:$0x3FB4];
	_ =	sdelay $0x3  }
0x34: {  	[smem:$0x3FB4] =	sst s10  }
0x35: {  	s10 =	sld [smem:$0x3FB3];
	_ =	sdelay $0x3  }
0x36: {  	p1 =	seq.s32 s10, $0x1;
	s10 =	sld [smem:$0x3FB4];
	_ =	sdelay $0x3  }
0x37: {  	[smem:$0x3FB4] =	sst s10  }
0x38: {  	s10 =	sld [smem:$0x3FB5]  }
0x39: {  	_ = 	snop;
	(pc) =	sbr.ind lr, $3  }
0x3a: {  	_ = 	snop  }
0x3b: {  	_ = 	snop  }
0x3c: {  	p2 =	seq.s32 s10, $0x1;
	s10 =	sld [smem:$0x3FB4]  }
0x3d: {  	_ =	shalt  }
0x3e: {  	_ =	shalt  }
0x3f: {  	_ =	shalt  }
0x40: {  	_ =	shalt  }
0x41: {  	_ =	shalt  }
0x42: {  	_ =	shalt  }
0x43: {  	_ =	shalt  }
0x44: {  	_ =	shalt  }
0x45: {  	_ =	shalt  }
0x46: {  	_ =	shalt  }
0x47: {  	_ =	shalt  }
0x48: {  	_ =	shalt  }
0x49: {  	_ =	shalt  }
0x4a: {  	_ =	shalt  }
0x4b: {  	_ =	shalt  }
0x4c: {  	_ =	shalt  }
0x4d: {  	_ =	shalt  }
0x4e: {  	_ =	shalt  }
0x4f: {  	_ =	shalt  }
0x50: {  	_ =	shalt  }
0x51: {  	_ =	shalt  }
0x52: {  	_ =	shalt  }
0x53: {  	_ =	shalt  }
0x54: {  	_ =	shalt  }
0x55: {  	_ =	shalt  }
0x56: {  	_ =	shalt  }
0x57: {  	_ =	shalt  }
0x58: {  	_ =	shalt  }
0x59: {  	_ =	shalt  }
0x5a: {  	_ =	shalt  }
0x5b: {  	_ =	shalt  }
0x5c: {  	_ =	shalt  }
0x5d: {  	_ =	shalt  }
0x5e: {  	_ =	shalt  }
0x5f: {  	_ =	shalt  }
0x60: {  	_ =	shalt  }
0x61: {  	_ =	shalt  }
0x62: {  	_ =	shalt  }
0x63: {  	_ =	shalt  }
0x64: {  	_ =	shalt  }
0x65: {  	_ =	shalt  }
0x66: {  	_ =	shalt  }
0x67: {  	_ =	shalt  }
0x68: {  	_ =	shalt  }
0x69: {  	_ =	shalt  }
0x6a: {  	_ =	shalt  }
0x6b: {  	_ =	shalt  }
0x6c: {  	_ =	shalt  }
0x6d: {  	_ =	shalt  }
0x6e: {  	_ =	shalt  }
0x6f: {  	_ =	shalt  }
0x70: {  	_ =	shalt  }
0x71: {  	_ =	shalt  }
0x72: {  	_ =	shalt  }
0x73: {  	_ =	shalt  }
0x74: {  	_ =	shalt  }
0x75: {  	_ =	shalt  }
0x76: {  	_ =	shalt  }
0x77: {  	_ =	shalt  }
0x78: {  	_ =	shalt  }
0x79: {  	_ =	shalt  }
0x7a: {  	_ =	shalt  }
0x7b: {  	_ =	shalt  }
0x7c: {  	_ =	shalt  }
0x7d: {  	_ =	shalt  }
0x7e: {  	_ =	shalt  }
0x7f: {  	_ =	shalt  }
0x80: {  	_ =	shalt  }
0x81: {  	_ =	shalt  }
0x82: {  	_ =	shalt  }
0x83: {  	_ =	shalt  }
0x84: {  	_ =	shalt  }
0x85: {  	_ =	shalt  }
0x86: {  	_ =	shalt  }
0x87: {  	_ =	shalt  }
.Lfunc_end0:
.L_simem_size_0:
called_computation.1_lowered:
.L_overlay_start_0:
0x88: {  	s2 =	sld [smem:$0x3FD9]  }
0x89: {  	s3 =	sld [smem:$0x3FFE];
	_ =	sdelay $0x1  }
0x8a: {  	s1 =	srdreg.scid  }
0x8b: {  	s0 =	sand.u32 $0x1, s1  }
0x8c: {  	s17 =	sshll.u32 s0, $0xA;
	s2 =	sadd.s32 s3, s2  }
0x8d: {  	s2 =	sadd.s32 s2, s17  }
0x8e: {  	[smem:$0x3FC0] =	sst s2  }
0x8f: {  	_ = 	snop  }
0x90: {  	s18 =	sld [smem:$0x3FC9];
	(tm) =	ssettm $0x1  }
0x91: {  	s19 =	sld [smem:$0x3FFB];
	_ =	sdelay $0x3  }
0x92: {  	_ =	strace s19  }
0x93: {  	s2 =	sld [smem:$0x3FFC];
	_ =	sdelay $0x3  }
0x94: {  	_ =	strace s2  }
0x95: {  	s2 =	sld [smem:$0x3FFD];
	_ =	sdelay $0x3  }
0x96: {  	_ =	strace s2  }
0x97: {  	_ =	strace $0x8FFFFFFF  }
0x98: {  	s20 =	sld [smem:$0x3FDB];
	_ =	sdelay $0x1  }
0x99: {  	s4 =	simm.s32 $_scs_section_size  }
0x9a: {  	s5 =	simm.s32 $_size__tile_overlayer_lowered;
	s6 =	simm.s32 $_tile_overlayer_lowered  }
0x9b: {  	s7 =	simm.s32 $0x1BFF;
	s21 =	sshll.u32 s6, $0x1;
	s4 =	sadd.s32 s4, s20  }
0x9c: {  	s22 =	simm.s32 $0x0;
	s5 =	sshll.u32 s5, $0x1;
	s6 =	sadd.s32 s21, s4  }
0x9d: {  	[timem:s22], [sflag:s7] =	dma.local [hbm:s6], s5  }
0x9e: {  	_ =	swait.ge [sflag:s7], s5  }
0x9f: {  	s5 =	ssub.s32 $0x0, s5;
	[sflag:s7] =	ssyncset.done $0x0  }
0xa0: {  	[sflag:s7] =	ssyncadd.s32 s5;
	_ =	sdelay $0x1  }
0xa1: {  	s23 =	simm.s32 $0x1B8B  }
0xa2: {  	_ =	swait.ge [sflag:s23], $0x1  }
0xa3: {  	[sflag:s23] =	ssyncset.done $0x0  }
0xa4: {  	[sflag:s23] =	ssyncadd.s32 $0xFFFFFFFF  }
0xa5: {  	s5 =	sld [smem:$0x0]  }
0xa6: {  	s6 =	sand.u32 $0xFFFFFFFE, s1  }
0xa7: {  	p0 =	sne.s32 s1, s6  }
0xa8: {  	s6 =	sshll.u32 @p0 s6, $0xE  }
0xa9: {  	s6 =	sadd.s32 @p0 $0x11B8D, s6;
	s7 =	sshll.u32 @p0 s5, $0x11  }
0xaa: {  	s6 =	sor.u32 @p0 s7, s6  }
0xab: {  	[sflag:s6] =	ssyncadd.remote.s32 @p0 $0x1;
	_ =	sdelay $0x1  }
0xac: {  	s6 =	simm.s32 @p0 $0x1B8D  }
0xad: {  	_ =	swait.eq @p0 [sflag:s6], $0x1  }
0xae: {  	[sflag:s6] =	ssyncadd.s32 @p0 $0xFFFFFFFF  }
0xaf: {  	s7 =	sshll.u32 @!p0 s1, $0xE  }
0xb0: {  	s7 =	sor.u32 @!p0 $0x4000, s7;
	s6 =	simm.s32 @!p0 $0x1B8D  }
0xb1: {  	s5 =	sshll.u32 @!p0 s5, $0x11;
	s7 =	sadd.s32 @!p0 $0x11B8D, s7;
	_ =	swait.eq @!p0 [sflag:s6], $0x1  }
0xb2: {  	s5 =	sor.u32 @!p0 s5, s7;
	[sflag:s6] =	ssyncadd.s32 @!p0 $0xFFFFFFFF  }
0xb3: {  	s25 =	simm.s32 $0x1B8E;
	s24 =	sld [smem:$0x3FFE];
	[sflag:s5] =	ssyncadd.remote.s32 @!p0 $0x1  }
0xb4: {  	s26 =	simm.s32 $execute0_lowered;
	[smem:$0x3FD2] =	sst s25  }
0xb5: {  	s6 =	sshll.u32 s26, $0x1;
	_ =	strace $0x80000049;
	[dreg:$0x1] =	wrdreg $0xFFFFFFFF  }
0xb6: {  	s28 =	simm.s32 $_size_execute0_lowered;
	s4 =	sadd.s32 s4, s6;
	[dreg:$0x0] =	wrdreg $0x0  }
0xb7: {  	s6 =	sshll.u32 s28, $0x1;
	[dreg:$0x2] =	wrdreg s4  }
0xb8: {  	[dreg:$0x3] =	wrdreg s6  }
0xb9: {  	[dreg:$0x4] =	wrdreg $0xC0  }
0xba: {  	_ =	task [dreg:s22], $0x5FFFF  }
0xbb: {  	[dreg:$0x1] =	wrdreg $0xFFFFFFFF  }
0xbc: {  	[dreg:$0x0] =	wrdreg $0x60  }
0xbd: {  	[dreg:$0x2] =	wrdreg s18  }
0xbe: {  	[dreg:$0x3] =	wrdreg s24  }
0xbf: {  	[dreg:$0x4] =	wrdreg $0xA  }
0xc0: {  	_ =	task.clear_ibuf [dreg:s22], $0x5FFFF;
	_ =	strace $0x90000049  }
0xc1: {  	s29 =	simm.s32 $0xA;
	_ =	strace $0x8000004B  }
0xc2: {  	_ =	swait.ge [sflag:s29], $0x1  }
0xc3: {  	[sflag:s29] =	ssyncadd.s32 $0xFFFFFFFF  }
0xc4: {  	_ =	strace $0x9000004B  }
0xc5: {  	_ =	sfence  }
0xc6: {  	s30 =	sld [smem:$0x0];
	_ =	sdelay $0x2  }
0xc7: {  	s31 =	sshll.u32 s1, $0xD;
	s1 =	sshrl.u32 s1, $0x2  }
0xc8: {  	s4 =	sand.u32 $0x4000, s31;
	s1 =	sadd.s32 s1, s30  }
0xc9: {  	s0 =	sor.u32 s4, s0;
	s1 =	sshll.u32 s1, $0x11  }
0xca: {  	s0 =	sor.u32 s1, s0  }
0xcb: {  	s0 =	sadd.s32 $0x8F2B, s0  }
0xcc: {  	[sflag:s0] =	ssyncadd.remote.s32 $0x1  }
0xcd: {  	_ =	sfence.sel $0xFFFF  }
0xce: {  	[dreg:$0x0] =	wrdreg $0xFFFFFFFF;
	(pc) =	sbr.abs _section_cstart, $3  }
0xcf: {  	[dreg:$0x1] =	wrdreg $0xFFFFFFFF  }
0xd0: {  	_ =	task.clear_ibuf [dreg:s22], $0x2FFFF;
	_ =	strace $0x9FFFFFFF  }
0xd1: {  	(tm) =	ssettm $0x7FFFFFFF  }
tec
execute0_lowered:
.L_overlay_start_1:
0x0: {  	(tag) =	ssettag $0x1  }
0x1: {  	s1 =	rddreg [dreg:$0x0]  }
0x2: {  	s0 =	rddreg [dreg:$0x1]  }
0x3: {  	s3 =	simm.s32 $0x0;
	s2 =	srdreg.scid;
	s5 =	stileid.u32  }
0x4: {  	s8 =	simm.s32 $0x1000;
	s9 =	simm.s32 $0x1800;
	s10 =	simm.s32 $0x2000  }
0x5: {  	s11 =	simm.s32 $0x2800;
	s12 =	simm.s32 $0x3000;
	s18 =	simm.s32 $0x6000  }
0x6: {  	s19 =	simm.s32 $0x6800;
	s20 =	simm.s32 $0x7000;
	s21 =	simm.s32 $0x7800  }
0x7: {  	s22 =	simm.s32 $0x8000;
	s23 =	simm.s32 $0x8800;
	s25 =	simm.s32 $0x9800  }
0x8: {  	s28 =	simm.s32 $0xA800;
	s29 =	simm.s32 $0x1;
	s30 =	simm.s32 $0x4  }
0x9: {  	s31 =	simm.s32 $0x0;
	[smem:$0x7FF] =	sst s3;
	s2 =	sand.u32 $0x1, s2  }
0xa: {  	s4 =	sshll.u32 s5, $0xA;
	s5 =	smul.u32 $0xFA00, s5;
	_ =	strace $0x8000004A  }
.Ltmp0:
0xb: {  	s6 =	sshll.u32 s2, $0x9;
	s7 =	ssub.s32 $0x2, s2;
	(pc) =	sbr.rel .LBB2_1-.Ltmp0, $4  }
0xc: {  	s2 =	smul.u32 $0x7D00, s2;
	s4 =	sor.u32 s6, s4;
	s26 =	sshrl.u32 s7, $0x1  }
0xd: {  	v2 =	vlaneseq.u32;
	s5 =	sadd.s32 s5, s0;
	s0 =	sadd.s32 s4, s0;
	s6 =	ssub.s32 s7, s26  }
0xe: {  	vm0 =	vmmov $0xffff;
	v1 =	vshrl.u32 v2, $0x3;
	s2 =	sadd.s32 s2, s5;
	s7 =	simm.s32 $0x5;
	s26 =	simm.s32 $0xA000  }
0xf: {  	v0 =	vand.u32 $0x7, v2;
	v2 =	vor.u32 $0x8, v2;
	v1 =	vmul.u32 $0x8, v1;
	s4 =	sadd.s32 $0x102800, s0;
	s5 =	smax.u32 s6, $0x1;
	s6 =	sadd.s32 $0x106800, s2  }
.LBB2_8:
0x10: {  	s31 =	sadd.s32 $0x1, s31  }
0x11: {  	p0 =	sne.s32 s31, s5  }
.Ltmp1:
0x12: {  	_ = 	snop;
	(pc) =	sbr.rel @!p0 .LBB2_9-.Ltmp1, $1  }
0x13: {  	_ =	sdelay $0x3  }
.LBB2_1:
0x14: {  	[tilespmem:s3], [sflag:$0x5] =	stream.linear.gather [hbm4b:s4+s3], $0xC80, $0x38;
	[tilespmem:$0xB000] =	vst v63  }
0x15: {  	_ =	swait.ge [sflag:s7], $0xC80  }
0x16: {  	[sflag:s7] =	ssyncset.done $0x0  }
0x17: {  	[sflag:s7] =	ssyncadd.s32 $0xFFFFF380  }
0x18: {  	v3 =	vld [tilespmem:$0x0];
	_ =	sdelay $0x4  }
0x19: {  	v4 =	vshll.u32 v3, $0x1  }
0x1a: {  	v3 =	vand.u32 $0x7, v3;
	v4 =	vand.u32 $0xFFFFFFF0, v4  }
0x1b: {  	v3 =	vor.u32 v3, v4  }
0x1c: {  	v4 =	vperm.xlane v3, v0;
	_ =	sdelay $0x1  }
0x1d: {  	v3 =	vperm.xlane v3, v2;
	v4 =	vadd.s32 v1, v4;
	_ =	sdelay $0x1  }
0x1e: {  	v3 =	vadd.s32 v1, v3;
	_ =	sdelay $0x2  }
0x1f: {  	[tilespmem:s8], [sflag:$0x1] =	stream.indirect_vreg.gather [hbm4b:s1+s3], $0x80, v4, vm0, $0xb8;
	[tilespmem:$0xB000] =	vst v63  }
0x20: {  	_ = 	snop  }
0x21: {  	[tilespmem:s9], [sflag:$0x1] =	stream.indirect_vreg.gather [hbm4b:s1+s3], $0x80, v3, vm0, $0xb8;
	[tilespmem:$0xB000] =	vst v63  }
0x22: {  	v3 =	vld [tilespmem:$0x10];
	_ =	sdelay $0x4  }
0x23: {  	v53 =	vshll.u32 v3, $0x1  }
0x24: {  	v3 =	vand.u32 $0x7, v3;
	v4 =	vand.u32 $0xFFFFFFF0, v53  }
0x25: {  	v3 =	vor.u32 v3, v4  }
0x26: {  	v4 =	vperm.xlane v3, v0;
	_ =	sdelay $0x1  }
0x27: {  	v3 =	vperm.xlane v3, v2;
	v4 =	vadd.s32 v1, v4;
	_ =	sdelay $0x1  }
0x28: {  	v3 =	vadd.s32 v1, v3;
	_ =	sdelay $0x2  }
0x29: {  	[tilespmem:s10], [sflag:$0x1] =	stream.indirect_vreg.gather [hbm4b:s1+s3], $0x80, v4, vm0, $0xb8;
	[tilespmem:$0xB000] =	vst v63  }
0x2a: {  	_ = 	snop  }
0x2b: {  	[tilespmem:s11], [sflag:$0x1] =	stream.indirect_vreg.gather [hbm4b:s1+s3], $0x80, v3, vm0, $0xb8;
	[tilespmem:$0xB000] =	vst v63  }
0x2c: {  	v3 =	vld.msk [tilespmem:$0x20], $0xff;
	_ =	sdelay $0x4  }
0x2d: {  	v54 =	vshll.u32 v3, $0x1  }
0x2e: {  	v3 =	vand.u32 $0x7, v3;
	v4 =	vand.u32 $0xFFFFFFF0, v54  }
0x2f: {  	v3 =	vor.u32 v3, v4  }
0x30: {  	v3 =	vperm.xlane v3, v0;
	_ =	sdelay $0x1  }
0x31: {  	v3 =	vadd.s32 v1, v3;
	_ =	sdelay $0x4  }
0x32: {  	[tilespmem:s12], [sflag:$0x1] =	stream.indirect_vreg.gather [hbm4b:s1+s3], $0x80, v3, vm0, $0xb8;
	[tilespmem:$0xB000] =	vst v63  }
0x33: {  	v3 =	vld [tilespmem:$0x80];
	_ =	sdelay $0x4  }
0x34: {  	v55 =	vshll.u32 v3, $0x1  }
0x35: {  	v3 =	vand.u32 $0x7, v3;
	v4 =	vand.u32 $0xFFFFFFF0, v55  }
0x36: {  	v3 =	vor.u32 v3, v4  }
0x37: {  	v4 =	vperm.xlane v3, v0;
	_ =	sdelay $0x1  }
0x38: {  	v3 =	vperm.xlane v3, v2;
	v4 =	vadd.s32 v1, v4;
	_ =	sdelay $0x1  }
0x39: {  	v3 =	vadd.s32 v1, v3;
	_ =	sdelay $0x1  }
0x3a: {  	s0 =	simm.s32 $0x3800  }
0x3b: {  	[tilespmem:s0], [sflag:$0x2] =	stream.indirect_vreg.gather [hbm4b:s1+s3], $0x80, v4, vm0, $0xb8;
	[tilespmem:$0xB000] =	vst v63  }
0x3c: {  	s14 =	simm.s32 $0x4000  }
0x3d: {  	[tilespmem:s14], [sflag:$0x2] =	stream.indirect_vreg.gather [hbm4b:s1+s3], $0x80, v3, vm0, $0xb8;
	[tilespmem:$0xB000] =	vst v63  }
0x3e: {  	v3 =	vld [tilespmem:$0x90];
	_ =	sdelay $0x4  }
0x3f: {  	v56 =	vshll.u32 v3, $0x1  }
0x40: {  	v3 =	vand.u32 $0x7, v3;
	v4 =	vand.u32 $0xFFFFFFF0, v56  }
0x41: {  	v3 =	vor.u32 v3, v4  }
0x42: {  	v4 =	vperm.xlane v3, v0;
	_ =	sdelay $0x1  }
0x43: {  	v3 =	vperm.xlane v3, v2;
	v4 =	vadd.s32 v1, v4;
	_ =	sdelay $0x1  }
0x44: {  	v3 =	vadd.s32 v1, v3;
	_ =	sdelay $0x1  }
0x45: {  	s15 =	simm.s32 $0x4800  }
0x46: {  	[tilespmem:s15], [sflag:$0x2] =	stream.indirect_vreg.gather [hbm4b:s1+s3], $0x80, v4, vm0, $0xb8;
	[tilespmem:$0xB000] =	vst v63  }
0x47: {  	s16 =	simm.s32 $0x5000  }
0x48: {  	[tilespmem:s16], [sflag:$0x2] =	stream.indirect_vreg.gather [hbm4b:s1+s3], $0x80, v3, vm0, $0xb8;
	[tilespmem:$0xB000] =	vst v63  }
0x49: {  	v3 =	vld.msk [tilespmem:$0xA0], $0xff;
	_ =	sdelay $0x4  }
0x4a: {  	v57 =	vshll.u32 v3, $0x1  }
0x4b: {  	v3 =	vand.u32 $0x7, v3;
	v4 =	vand.u32 $0xFFFFFFF0, v57  }
0x4c: {  	v3 =	vor.u32 v3, v4  }
0x4d: {  	v3 =	vperm.xlane v3, v0;
	_ =	sdelay $0x1  }
0x4e: {  	v3 =	vadd.s32 v1, v3;
	_ =	sdelay $0x3  }
0x4f: {  	s17 =	simm.s32 $0x5800  }
0x50: {  	[tilespmem:s17], [sflag:$0x2] =	stream.indirect_vreg.gather [hbm4b:s1+s3], $0x80, v3, vm0, $0xb8;
	[tilespmem:$0xB000] =	vst v63  }
0x51: {  	v3 =	vld [tilespmem:$0x100];
	_ =	sdelay $0x4  }
0x52: {  	v58 =	vshll.u32 v3, $0x1  }
0x53: {  	v3 =	vand.u32 $0x7, v3;
	v4 =	vand.u32 $0xFFFFFFF0, v58  }
0x54: {  	v3 =	vor.u32 v3, v4  }
0x55: {  	v4 =	vperm.xlane v3, v0;
	_ =	sdelay $0x1  }
0x56: {  	v3 =	vperm.xlane v3, v2;
	v4 =	vadd.s32 v1, v4;
	_ =	sdelay $0x1  }
0x57: {  	v3 =	vadd.s32 v1, v3;
	_ =	sdelay $0x2  }
0x58: {  	[tilespmem:s18], [sflag:$0x3] =	stream.indirect_vreg.gather [hbm4b:s1+s3], $0x80, v4, vm0, $0xb8;
	[tilespmem:$0xB000] =	vst v63  }
0x59: {  	_ = 	snop  }
0x5a: {  	[tilespmem:s19], [sflag:$0x3] =	stream.indirect_vreg.gather [hbm4b:s1+s3], $0x80, v3, vm0, $0xb8;
	[tilespmem:$0xB000] =	vst v63  }
0x5b: {  	v3 =	vld [tilespmem:$0x110];
	_ =	sdelay $0x4  }
0x5c: {  	v59 =	vshll.u32 v3, $0x1  }
0x5d: {  	v3 =	vand.u32 $0x7, v3;
	v4 =	vand.u32 $0xFFFFFFF0, v59  }
0x5e: {  	v3 =	vor.u32 v3, v4  }
0x5f: {  	v4 =	vperm.xlane v3, v0;
	_ =	sdelay $0x1  }
0x60: {  	v3 =	vperm.xlane v3, v2;
	v4 =	vadd.s32 v1, v4;
	_ =	sdelay $0x1  }
0x61: {  	v3 =	vadd.s32 v1, v3;
	_ =	sdelay $0x2  }
0x62: {  	[tilespmem:s20], [sflag:$0x3] =	stream.indirect_vreg.gather [hbm4b:s1+s3], $0x80, v4, vm0, $0xb8;
	[tilespmem:$0xB000] =	vst v63  }
0x63: {  	_ = 	snop  }
0x64: {  	[tilespmem:s21], [sflag:$0x3] =	stream.indirect_vreg.gather [hbm4b:s1+s3], $0x80, v3, vm0, $0xb8;
	[tilespmem:$0xB000] =	vst v63  }
0x65: {  	v3 =	vld.msk [tilespmem:$0x120], $0xff;
	_ =	sdelay $0x4  }
0x66: {  	v60 =	vshll.u32 v3, $0x1  }
0x67: {  	v3 =	vand.u32 $0x7, v3;
	v4 =	vand.u32 $0xFFFFFFF0, v60  }
0x68: {  	v3 =	vor.u32 v3, v4  }
0x69: {  	v3 =	vperm.xlane v3, v0;
	_ =	sdelay $0x1  }
0x6a: {  	v3 =	vadd.s32 v1, v3;
	_ =	sdelay $0x4  }
0x6b: {  	[tilespmem:s22], [sflag:$0x3] =	stream.indirect_vreg.gather [hbm4b:s1+s3], $0x80, v3, vm0, $0xb8;
	[tilespmem:$0xB000] =	vst v63  }
0x6c: {  	v3 =	vld [tilespmem:$0x180];
	_ =	sdelay $0x4  }
0x6d: {  	v61 =	vshll.u32 v3, $0x1  }
0x6e: {  	v3 =	vand.u32 $0x7, v3;
	v4 =	vand.u32 $0xFFFFFFF0, v61  }
0x6f: {  	v3 =	vor.u32 v3, v4  }
0x70: {  	v4 =	vperm.xlane v3, v0;
	_ =	sdelay $0x1  }
0x71: {  	v3 =	vperm.xlane v3, v2;
	v4 =	vadd.s32 v1, v4;
	_ =	sdelay $0x1  }
0x72: {  	v3 =	vadd.s32 v1, v3;
	_ =	sdelay $0x2  }
0x73: {  	[tilespmem:s23], [sflag:$0x4] =	stream.indirect_vreg.gather [hbm4b:s1+s3], $0x80, v4, vm0, $0xb8;
	[tilespmem:$0xB000] =	vst v63  }
0x74: {  	s24 =	simm.s32 $0x9000  }
0x75: {  	[tilespmem:s24], [sflag:$0x4] =	stream.indirect_vreg.gather [hbm4b:s1+s3], $0x80, v3, vm0, $0xb8;
	[tilespmem:$0xB000] =	vst v63  }
0x76: {  	v3 =	vld [tilespmem:$0x190];
	_ =	sdelay $0x4  }
0x77: {  	v62 =	vshll.u32 v3, $0x1  }
0x78: {  	v3 =	vand.u32 $0x7, v3;
	v4 =	vand.u32 $0xFFFFFFF0, v62  }
0x79: {  	v3 =	vor.u32 v3, v4  }
0x7a: {  	v4 =	vperm.xlane v3, v0;
	_ =	sdelay $0x1  }
0x7b: {  	v3 =	vperm.xlane v3, v2;
	v4 =	vadd.s32 v1, v4;
	_ =	sdelay $0x1  }
0x7c: {  	v3 =	vadd.s32 v1, v3;
	_ =	sdelay $0x2  }
0x7d: {  	[tilespmem:s25], [sflag:$0x4] =	stream.indirect_vreg.gather [hbm4b:s1+s3], $0x80, v4, vm0, $0xb8;
	[tilespmem:$0xB000] =	vst v63  }
0x7e: {  	_ = 	snop  }
0x7f: {  	[tilespmem:s26], [sflag:$0x4] =	stream.indirect_vreg.gather [hbm4b:s1+s3], $0x80, v3, vm0, $0xb8;
	[tilespmem:$0xB000] =	vst v63  }
0x80: {  	v3 =	vld.msk [tilespmem:$0x1A0], $0xff;
	_ =	sdelay $0x4  }
0x81: {  	v63 =	vshll.u32 v3, $0x1  }
0x82: {  	v3 =	vand.u32 $0x7, v3;
	v4 =	vand.u32 $0xFFFFFFF0, v63  }
0x83: {  	v3 =	vor.u32 v3, v4  }
0x84: {  	v3 =	vperm.xlane v3, v0;
	_ =	sdelay $0x1  }
0x85: {  	v3 =	vadd.s32 v1, v3  }
.Ltmp2:
0x86: {  	_ = 	snop;
	(pc) =	sbr.rel .LBB2_2-.Ltmp2, $4  }
0x87: {  	_ = 	snop  }
0x88: {  	s2 =	simm.s32 $0x3A0  }
0x89: {  	s13 =	simm.s32 $0x0;
	s0 =	simm.s32 $0x3;
	s14 =	simm.s32 $0x0  }
0x8a: {  	[tilespmem:s28], [sflag:$0x4] =	stream.indirect_vreg.gather [hbm4b:s1+s3], $0x80, v3, vm0, $0xb8;
	[tilespmem:$0xB000] =	vst v63  }
.LBB2_5:
0x8b: {  	v3 =	vld [tilespmem:s2+$0xFFFFFF60];
	_ =	sdelay $0x4  }
0x8c: {  	v4 =	vshll.u32 v3, $0x1  }
0x8d: {  	v3 =	vand.u32 $0x7, v3;
	v4 =	vand.u32 $0xFFFFFFF0, v4  }
0x8e: {  	v3 =	vor.u32 v3, v4  }
0x8f: {  	v4 =	vperm.xlane v3, v0;
	_ =	sdelay $0x1  }
0x90: {  	v3 =	vperm.xlane v3, v2;
	v4 =	vadd.s32 v1, v4;
	_ =	sdelay $0x1  }
0x91: {  	v3 =	vadd.s32 v1, v3;
	_ =	sdelay $0x2  }
0x92: {  	[tilespmem:s18], [sflag:$0x3] =	stream.indirect_vreg.gather [hbm4b:s1+s3], $0x80, v4, vm0, $0xb8;
	[tilespmem:$0xB000] =	vst v63  }
0x93: {  	_ = 	snop  }
0x94: {  	[tilespmem:s19], [sflag:$0x3] =	stream.indirect_vreg.gather [hbm4b:s1+s3], $0x80, v3, vm0, $0xb8;
	[tilespmem:$0xB000] =	vst v63  }
0x95: {  	v3 =	vld [tilespmem:s2+$0xFFFFFF70];
	_ =	sdelay $0x4  }
0x96: {  	v62 =	vshll.u32 v3, $0x1  }
0x97: {  	v3 =	vand.u32 $0x7, v3;
	v4 =	vand.u32 $0xFFFFFFF0, v62  }
0x98: {  	v3 =	vor.u32 v3, v4  }
0x99: {  	v4 =	vperm.xlane v3, v0;
	_ =	sdelay $0x1  }
0x9a: {  	v3 =	vperm.xlane v3, v2;
	v4 =	vadd.s32 v1, v4;
	_ =	sdelay $0x1  }
0x9b: {  	v3 =	vadd.s32 v1, v3;
	_ =	sdelay $0x2  }
0x9c: {  	[tilespmem:s20], [sflag:$0x3] =	stream.indirect_vreg.gather [hbm4b:s1+s3], $0x80, v4, vm0, $0xb8;
	[tilespmem:$0xB000] =	vst v63  }
0x9d: {  	_ = 	snop  }
0x9e: {  	[tilespmem:s21], [sflag:$0x3] =	stream.indirect_vreg.gather [hbm4b:s1+s3], $0x80, v3, vm0, $0xb8;
	[tilespmem:$0xB000] =	vst v63  }
0x9f: {  	v3 =	vld.msk [tilespmem:s2+$0xFFFFFF80], $0xff;
	_ =	sdelay $0x4  }
0xa0: {  	v63 =	vshll.u32 v3, $0x1  }
0xa1: {  	v3 =	vand.u32 $0x7, v3;
	v4 =	vand.u32 $0xFFFFFFF0, v63  }
0xa2: {  	v3 =	vor.u32 v3, v4  }
0xa3: {  	v3 =	vperm.xlane v3, v0;
	_ =	sdelay $0x1  }
0xa4: {  	v3 =	vadd.s32 v1, v3;
	_ =	sdelay $0x3  }
0xa5: {  	p0 =	por $0x1, $0x1  }
0xa6: {  	[tilespmem:s22], [sflag:$0x3] =	stream.indirect_vreg.gather [hbm4b:s1+s3], $0x80, v3, vm0, $0xb8;
	[tilespmem:$0xB000] =	vst v63  }
.LBB2_6:
0xa7: {  	_ =	swait.ge [sflag:s30], $0x2800  }
0xa8: {  	[sflag:s30] =	ssyncset.done $0x0  }
0xa9: {  	s15 =	sadd.s32 $0xF00, s15;
	[sflag:s30] =	ssyncadd.s32 $0xFFFFD800  }
0xaa: {  	[hbm4b:s15+s3] =	stream.linear.scatter [tilespmem:s23], [sflag:$0x5], $0x2800, $0x38;
	[tilespmem:$0xB000] =	vst v63  }
0xab: {  	_ =	swait.ge [sflag:s7], $0x2800  }
0xac: {  	[sflag:s7] =	ssyncset.done $0x0  }
0xad: {  	[sflag:s7] =	ssyncadd.s32 $0xFFFFD800  }
0xae: {  	v3 =	vld @p0 [tilespmem:s2+$0xFFFFFFE0];
	_ =	sdelay $0x4  }
0xaf: {  	v4 =	vshll.u32 @p0 v3, $0x1  }
0xb0: {  	v5 =	vlaneseq.u32 @p0;
	v3 =	vand.u32 @p0 $0x7, v3;
	v4 =	vand.u32 @p0 $0xFFFFFFF0, v4  }
0xb1: {  	v6 =	vshrl.u32 @p0 v5, $0x3;
	v3 =	vor.u32 @p0 v3, v4;
	v4 =	vand.u32 @p0 $0x7, v5  }
0xb2: {  	v6 =	vmul.u32 @p0 $0x8, v6;
	v7 =	vperm.xlane @p0 v3, v4  }
0xb3: {  	v5 =	vor.u32 @p0 $0x8, v5  }
0xb4: {  	v3 =	vperm.xlane @p0 v3, v5;
	v7 =	vadd.s32 @p0 v6, v7;
	_ =	sdelay $0x1  }
0xb5: {  	v3 =	vadd.s32 @p0 v6, v3;
	_ =	sdelay $0x1  }
0xb6: {  	vm1 =	vmmov @p0 $0xffff;
	s16 =	simm.s32 @p0 $0x8800;
	s15 =	simm.s32 @p0 $0x0  }
0xb7: {  	[tilespmem:s16], [sflag:$0x4] =	stream.indirect_vreg.gather @p0 [hbm4b:s1+s15], $0x80, v7, vm1, $0xb8;
	[tilespmem:$0xB000] =	vst v63  }
0xb8: {  	s16 =	simm.s32 @p0 $0x9000  }
0xb9: {  	[tilespmem:s16], [sflag:$0x4] =	stream.indirect_vreg.gather @p0 [hbm4b:s1+s15], $0x80, v3, vm1, $0xb8;
	[tilespmem:$0xB000] =	vst v63  }
0xba: {  	v3 =	vld @p0 [tilespmem:s2+$0xFFFFFFF0];
	_ =	sdelay $0x4  }
0xbb: {  	v7 =	vshll.u32 @p0 v3, $0x1  }
0xbc: {  	v3 =	vand.u32 @p0 $0x7, v3;
	v7 =	vand.u32 @p0 $0xFFFFFFF0, v7  }
0xbd: {  	v3 =	vor.u32 @p0 v3, v7  }
0xbe: {  	v7 =	vperm.xlane @p0 v3, v4;
	_ =	sdelay $0x1  }
0xbf: {  	v3 =	vperm.xlane @p0 v3, v5;
	v7 =	vadd.s32 @p0 v6, v7;
	_ =	sdelay $0x1  }
0xc0: {  	v3 =	vadd.s32 @p0 v6, v3;
	_ =	sdelay $0x1  }
0xc1: {  	s16 =	simm.s32 @p0 $0x9800  }
0xc2: {  	[tilespmem:s16], [sflag:$0x4] =	stream.indirect_vreg.gather @p0 [hbm4b:s1+s15], $0x80, v7, vm1, $0xb8;
	[tilespmem:$0xB000] =	vst v63  }
0xc3: {  	s16 =	simm.s32 @p0 $0xA000  }
0xc4: {  	[tilespmem:s16], [sflag:$0x4] =	stream.indirect_vreg.gather @p0 [hbm4b:s1+s15], $0x80, v3, vm1, $0xb8;
	[tilespmem:$0xB000] =	vst v63  }
0xc5: {  	v3 =	vld.msk @p0 [tilespmem:s2+$0x0], $0xff;
	_ =	sdelay $0x4  }
0xc6: {  	v5 =	vshll.u32 @p0 v3, $0x1  }
0xc7: {  	v3 =	vand.u32 @p0 $0x7, v3;
	v5 =	vand.u32 @p0 $0xFFFFFFF0, v5  }
0xc8: {  	v3 =	vor.u32 @p0 v3, v5  }
0xc9: {  	v3 =	vperm.xlane @p0 v3, v4;
	_ =	sdelay $0x1  }
0xca: {  	v3 =	vadd.s32 @p0 v6, v3;
	_ =	sdelay $0x3  }
0xcb: {  	s16 =	simm.s32 @p0 $0xA800  }
0xcc: {  	[tilespmem:s16], [sflag:$0x4] =	stream.indirect_vreg.gather @p0 [hbm4b:s1+s15], $0x80, v3, vm1, $0xb8;
	[tilespmem:$0xB000] =	vst v63  }
.LBB2_7:
0xcd: {  	s13 =	sadd.s32 $0x1400, s13  }
0xce: {  	p0 =	sne.s32 s13, $0x8C00  }
.Ltmp3:
0xcf: {  	_ = 	snop;
	(pc) =	sbr.rel @!p0 .LBB2_8-.Ltmp3, $2  }
0xd0: {  	_ =	sdelay $0x2  }
0xd1: {  	s14 =	sadd.s32 $0x1, s14;
	s0 =	sadd.s32 $0x4, s0;
	s2 =	sadd.s32 $0x200, s2  }
.LBB2_2:
0xd2: {  	_ =	swait.ge [sflag:s29], $0x2800  }
0xd3: {  	p0 =	seq.s32 s13, $0x7800;
	[sflag:s29] =	ssyncset.done $0x0  }
.Ltmp4:
0xd4: {  	s15 =	sadd.s32 s13, s6;
	[sflag:s29] =	ssyncadd.s32 $0xFFFFD800;
	(pc) =	sbr.rel @p0 .LBB2_8-.Ltmp4, $4  }
0xd5: {  	[hbm4b:s15+s3] =	stream.linear.scatter [tilespmem:s8], [sflag:$0x5], $0x2800, $0x38;
	[tilespmem:$0xB000] =	vst v63  }
0xd6: {  	_ =	swait.ge [sflag:s7], $0x2800  }
0xd7: {  	[sflag:s7] =	ssyncset.done $0x0  }
0xd8: {  	[sflag:s7] =	ssyncadd.s32 $0xFFFFD800  }
0xd9: {  	v3 =	vld [tilespmem:s2+$0xFFFFFE60];
	_ =	sdelay $0x4  }
0xda: {  	v4 =	vshll.u32 v3, $0x1  }
0xdb: {  	v3 =	vand.u32 $0x7, v3;
	v4 =	vand.u32 $0xFFFFFFF0, v4  }
0xdc: {  	v3 =	vor.u32 v3, v4  }
0xdd: {  	v4 =	vperm.xlane v3, v0;
	_ =	sdelay $0x1  }
0xde: {  	v3 =	vperm.xlane v3, v2;
	v4 =	vadd.s32 v1, v4;
	_ =	sdelay $0x1  }
0xdf: {  	v3 =	vadd.s32 v1, v3;
	_ =	sdelay $0x2  }
0xe0: {  	[tilespmem:s8], [sflag:$0x1] =	stream.indirect_vreg.gather [hbm4b:s1+s3], $0x80, v4, vm0, $0xb8;
	[tilespmem:$0xB000] =	vst v63  }
0xe1: {  	_ = 	snop  }
0xe2: {  	[tilespmem:s9], [sflag:$0x1] =	stream.indirect_vreg.gather [hbm4b:s1+s3], $0x80, v3, vm0, $0xb8;
	[tilespmem:$0xB000] =	vst v63  }
0xe3: {  	v3 =	vld [tilespmem:s2+$0xFFFFFE70];
	_ =	sdelay $0x4  }
0xe4: {  	v62 =	vshll.u32 v3, $0x1  }
0xe5: {  	v3 =	vand.u32 $0x7, v3;
	v4 =	vand.u32 $0xFFFFFFF0, v62  }
0xe6: {  	v3 =	vor.u32 v3, v4  }
0xe7: {  	v4 =	vperm.xlane v3, v0;
	_ =	sdelay $0x1  }
0xe8: {  	v3 =	vperm.xlane v3, v2;
	v4 =	vadd.s32 v1, v4;
	_ =	sdelay $0x1  }
0xe9: {  	v3 =	vadd.s32 v1, v3;
	_ =	sdelay $0x2  }
0xea: {  	[tilespmem:s10], [sflag:$0x1] =	stream.indirect_vreg.gather [hbm4b:s1+s3], $0x80, v4, vm0, $0xb8;
	[tilespmem:$0xB000] =	vst v63  }
0xeb: {  	_ = 	snop  }
0xec: {  	[tilespmem:s11], [sflag:$0x1] =	stream.indirect_vreg.gather [hbm4b:s1+s3], $0x80, v3, vm0, $0xb8;
	[tilespmem:$0xB000] =	vst v63  }
0xed: {  	v3 =	vld.msk [tilespmem:s2+$0xFFFFFE80], $0xff;
	_ =	sdelay $0x4  }
0xee: {  	v63 =	vshll.u32 v3, $0x1  }
0xef: {  	v3 =	vand.u32 $0x7, v3;
	v4 =	vand.u32 $0xFFFFFFF0, v63  }
0xf0: {  	v3 =	vor.u32 v3, v4  }
0xf1: {  	v3 =	vperm.xlane v3, v0;
	_ =	sdelay $0x1  }
0xf2: {  	v3 =	vadd.s32 v1, v3;
	_ =	sdelay $0x1  }
0xf3: {  	s16 =	sadd.s32 $0xFFFFFFFE, s0  }
0xf4: {  	p0 =	sgt.u32 s16, $0x18  }
0xf5: {  	s16 =	simm.s32 @!p0 $0x2  }
0xf6: {  	[tilespmem:s12], [sflag:$0x1] =	stream.indirect_vreg.gather [hbm4b:s1+s3], $0x80, v3, vm0, $0xb8;
	[tilespmem:$0xB000] =	vst v63  }
0xf7: {  	_ =	swait.ge @!p0 [sflag:s16], $0x2800  }
0xf8: {  	[sflag:s16] =	ssyncset.done @!p0 $0x0  }
0xf9: {  	[sflag:s16] =	ssyncadd.s32 @!p0 $0xFFFFD800;
	s16 =	sadd.s32 @!p0 s13, s6  }
0xfa: {  	s17 =	simm.s32 @!p0 $0x0;
	s24 =	simm.s32 @!p0 $0x3800;
	s16 =	sadd.s32 @!p0 $0x500, s16  }
0xfb: {  	[hbm4b:s16+s17] =	stream.linear.scatter @!p0 [tilespmem:s24], [sflag:$0x5], $0x2800, $0x38;
	[tilespmem:$0xB000] =	vst v63  }
0xfc: {  	s16 =	simm.s32 @!p0 $0x5  }
0xfd: {  	_ =	swait.ge @!p0 [sflag:s16], $0x2800  }
0xfe: {  	[sflag:s16] =	ssyncset.done @!p0 $0x0  }
0xff: {  	[sflag:s16] =	ssyncadd.s32 @!p0 $0xFFFFD800;
	p0 =	sgt.u32 s14, $0x4  }
0x100: {  	v3 =	vld @!p0 [tilespmem:s2+$0xFFFFFEE0];
	_ =	sdelay $0x4  }
0x101: {  	v4 =	vshll.u32 @!p0 v3, $0x1  }
0x102: {  	v5 =	vlaneseq.u32 @!p0;
	v3 =	vand.u32 @!p0 $0x7, v3;
	v4 =	vand.u32 @!p0 $0xFFFFFFF0, v4  }
0x103: {  	v6 =	vshrl.u32 @!p0 v5, $0x3;
	v3 =	vor.u32 @!p0 v3, v4;
	v4 =	vand.u32 @!p0 $0x7, v5  }
0x104: {  	v6 =	vmul.u32 @!p0 $0x8, v6;
	v7 =	vperm.xlane @!p0 v3, v4  }
0x105: {  	v5 =	vor.u32 @!p0 $0x8, v5  }
0x106: {  	v3 =	vperm.xlane @!p0 v3, v5;
	v7 =	vadd.s32 @!p0 v6, v7;
	_ =	sdelay $0x1  }
0x107: {  	v3 =	vadd.s32 @!p0 v6, v3;
	_ =	sdelay $0x1  }
0x108: {  	vm1 =	vmmov @!p0 $0xffff;
	s16 =	simm.s32 @!p0 $0x0;
	s17 =	simm.s32 @!p0 $0x3800  }
0x109: {  	[tilespmem:s17], [sflag:$0x2] =	stream.indirect_vreg.gather @!p0 [hbm4b:s1+s16], $0x80, v7, vm1, $0xb8;
	[tilespmem:$0xB000] =	vst v63  }
0x10a: {  	s17 =	simm.s32 @!p0 $0x4000  }
0x10b: {  	[tilespmem:s17], [sflag:$0x2] =	stream.indirect_vreg.gather @!p0 [hbm4b:s1+s16], $0x80, v3, vm1, $0xb8;
	[tilespmem:$0xB000] =	vst v63  }
0x10c: {  	v3 =	vld @!p0 [tilespmem:s2+$0xFFFFFEF0];
	_ =	sdelay $0x4  }
0x10d: {  	v7 =	vshll.u32 @!p0 v3, $0x1  }
0x10e: {  	v3 =	vand.u32 @!p0 $0x7, v3;
	v7 =	vand.u32 @!p0 $0xFFFFFFF0, v7  }
0x10f: {  	v3 =	vor.u32 @!p0 v3, v7  }
0x110: {  	v7 =	vperm.xlane @!p0 v3, v4;
	_ =	sdelay $0x1  }
0x111: {  	v3 =	vperm.xlane @!p0 v3, v5;
	v7 =	vadd.s32 @!p0 v6, v7;
	_ =	sdelay $0x1  }
0x112: {  	v3 =	vadd.s32 @!p0 v6, v3;
	_ =	sdelay $0x1  }
0x113: {  	s17 =	simm.s32 @!p0 $0x4800  }
0x114: {  	[tilespmem:s17], [sflag:$0x2] =	stream.indirect_vreg.gather @!p0 [hbm4b:s1+s16], $0x80, v7, vm1, $0xb8;
	[tilespmem:$0xB000] =	vst v63  }
0x115: {  	s17 =	simm.s32 @!p0 $0x5000  }
0x116: {  	[tilespmem:s17], [sflag:$0x2] =	stream.indirect_vreg.gather @!p0 [hbm4b:s1+s16], $0x80, v3, vm1, $0xb8;
	[tilespmem:$0xB000] =	vst v63  }
0x117: {  	v3 =	vld.msk @!p0 [tilespmem:s2+$0xFFFFFF00], $0xff;
	_ =	sdelay $0x4  }
0x118: {  	v5 =	vshll.u32 @!p0 v3, $0x1  }
0x119: {  	v3 =	vand.u32 @!p0 $0x7, v3;
	v5 =	vand.u32 @!p0 $0xFFFFFFF0, v5  }
0x11a: {  	v3 =	vor.u32 @!p0 v3, v5  }
0x11b: {  	v3 =	vperm.xlane @!p0 v3, v4;
	_ =	sdelay $0x1  }
0x11c: {  	v3 =	vadd.s32 @!p0 v6, v3;
	_ =	sdelay $0x3  }
0x11d: {  	s24 =	sadd.s32 $0xFFFFFFFF, s0;
	s17 =	simm.s32 @!p0 $0x5800  }
0x11e: {  	[tilespmem:s17], [sflag:$0x2] =	stream.indirect_vreg.gather @!p0 [hbm4b:s1+s16], $0x80, v3, vm1, $0xb8;
	[tilespmem:$0xB000] =	vst v63  }
0x11f: {  	p0 =	sgt.u32 s24, $0x18  }
0x120: {  	s16 =	simm.s32 @!p0 $0x3  }
0x121: {  	_ =	swait.ge @!p0 [sflag:s16], $0x2800  }
0x122: {  	s17 =	simm.s32 @!p0 $0x0;
	[sflag:s16] =	ssyncset.done @!p0 $0x0  }
0x123: {  	p1 =	slt.u32 @!p0 s14, $0x5;
	[sflag:s16] =	ssyncadd.s32 @!p0 $0xFFFFD800;
	s16 =	sadd.s32 @!p0 s13, s6  }
0x124: {  	s24 =	simm.s32 @!p0 $0x6000;
	p1 =	por p0, !p1;
	s16 =	sadd.s32 @!p0 $0xA00, s16  }
0x125: {  	[hbm4b:s16+s17] =	stream.linear.scatter @!p0 [tilespmem:s24], [sflag:$0x5], $0x2800, $0x38;
	[tilespmem:$0xB000] =	vst v63  }
.Ltmp5:
0x126: {  	_ = 	snop;
	(pc) =	sbr.rel @!p1 .LBB2_5-.Ltmp5, $4  }
0x127: {  	s16 =	simm.s32 @!p0 $0x5  }
0x128: {  	_ =	swait.ge @!p0 [sflag:s16], $0x2800  }
0x129: {  	[sflag:s16] =	ssyncset.done @!p0 $0x0  }
0x12a: {  	[sflag:s16] =	ssyncadd.s32 @!p0 $0xFFFFD800  }
0x12b: {  	p1 =	slt.u32 s0, $0x19  }
.Ltmp6:
0x12c: {  	_ = 	snop;
	(pc) =	sbr.rel @p1 .LBB2_6-.Ltmp6, $4  }
.Ltmp7:
0x12d: {  	_ = 	snop;
	(pc) =	sbr.rel @!p1 .LBB2_7-.Ltmp7, $4  }
0x12e: {  	_ = 	snop  }
0x12f: {  	_ = 	snop  }
0x130: {  	p0 =	por $0x0, $0x0  }
0x131: {  	_ = 	snop  }
.LBB2_9:
0x132: {  	_ =	sfence.sel $0x180000  }
0x133: {  	[bflag:$0x0] =	sbarrier.arrive $0xFFFF  }
0x134: {  	_ =	strace $0x9000004A  }
0x135: {  	s0 =	stileid.u32;
	[bflag:$0x2] =	sbarrier.arrive $0xFFFF  }
0x136: {  	p0 =	sne.s32 s0, $0x0;
	s0 =	rddreg [dreg:$0x2]  }
0x137: {  	s0 =	sadd.s32 @!p0 $0x100000, s0  }
0x138: {  	[sflag:s0] =	ssyncadd.tile.s32 @!p0 $0x1;
	_ =	shalt  }
.Lfunc_end2:
_tile_overlayer_lowered:
.L_overlay_start_2:
0x139: {  	(tag) =	ssettag $0x2  }
0x13a: {  	s0 =	rddreg [dreg:$0x0];
	s2 =	stileid.u32  }
0x13b: {  	s1 =	rddreg [dreg:$0x1];
	p0 =	sne.s32 s2, $0x0  }
0x13c: {  	s3 =	rddreg [dreg:$0x2];
	[bflag:$0x3] =	sbarrier.arrive $0xFFFF;
	s2 =	simm.s32 @!p0 $0x1C05  }
0x13d: {  	[timem:s3], [sflag:s2] =	dma.local @!p0 [hbm:s0], s1  }
0x13e: {  	s0 =	simm.s32 @!p0 $0x5  }
0x13f: {  	_ =	swait.ge @!p0 [sflag:s0], s1  }
0x140: {  	s1 =	ssub.s32 @!p0 $0x0, s1;
	[sflag:s0] =	ssyncset.done @!p0 $0x0  }
0x141: {  	[sflag:s0] =	ssyncadd.s32 @!p0 s1  }
0x142: {  	[bflag:$0x3] =	sbarrier.arrive $0xFFFF  }
0x143: {  	_ =	shalt  }

// kernel: kernel.19.cloned.1.call-start
scs
__scs_entry_jumppad:
0x0: {  	(pc) =	sbr.rel $0x88, $3  }
0x1: {  	(tag) =	ssettag $0x0;
	lr =	simm.s32 $0x1  }
0x2: {  	[smem:$0x3F99] =	sst lr;
	_ =	strace $0xD0000000  }
0x3: {  	_ = 	snop  }
0x4: {  	_ = 	snop  }
0x5: {  	_ = 	snop  }
0x6: {  	_ = 	snop  }
0x7: {  	_ = 	snop  }
__scs_overlays_trampoline_lowered:
0x8: {  	[smem:$0x3FA8] =	sst s0  }
0x9: {  	[smem:$0x3FA9] =	sst s1  }
0xa: {  	[smem:$0x3FAA] =	sst s2  }
0xb: {  	[smem:$0x3FAB] =	sst s3  }
0xc: {  	[smem:$0x3FAC] =	sst s4  }
0xd: {  	[smem:$0x3FAD] =	sst s5  }
0xe: {  	[smem:$0x3FAE] =	sst s6  }
0xf: {  	[smem:$0x3FAF] =	sst s7  }
0x10: {  	[smem:$0x3FB0] =	sst s8  }
0x11: {  	[smem:$0x3FB1] =	sst s9;
	s0 =	simm.s32 @!p0 $0x0  }
0x12: {  	s1 =	sld [smem:$0x3F97];
	s0 =	simm.s32 @p0 $0x1  }
0x13: {  	[smem:$0x3FB2] =	sst s0;
	s0 =	simm.s32 @!p1 $0x0  }
0x14: {  	s2 =	sld [smem:$0x3F96];
	s0 =	simm.s32 @p1 $0x1  }
0x15: {  	[smem:$0x3FB3] =	sst s0;
	s0 =	simm.s32 @!p2 $0x0  }
0x16: {  	s3 =	sld [smem:$0x3FDB];
	s0 =	simm.s32 @p2 $0x1  }
0x17: {  	s4 =	simm.s32 $0x1BF5;
	[smem:$0x3FB5] =	sst s0  }
0x18: {  	s0 =	sld [smem:$0x3F98];
	_ =	swait.ge [sflag:s4], $0x0  }
0x19: {  	s7 =	sld [smem:$0x3F99]  }
0x1a: {  	s8 =	sadd.s32 $0xFFFFE003, lr  }
0x1b: {  	s9 =	sadd.s32 $0xFFFFFEF7, lr;
	s5 =	simm.s32 $0xFFFFFFFF;
	p2 =	slt.u32 s8, $0xFFFFF086  }
0x1c: {  	p1 =	slt.u32 s9, $0xF7A;
	s5 =	simm.s32 @!p2 $0x0  }
0x1d: {  	s5 =	simm.s32 @p1 $0x1;
	p0 =	seq.s32 s7, s2  }
0x1e: {  	s7 =	smul.u32 @!p0 $0xF7A, s2;
	p2 =	seq.s32 @!p0 s5, $0x0  }
0x1f: {  	s9 =	smul.u32 $0xF7A, s1;
	s8 =	simm.s32 @!p0 $0x1BF5;
	p2 =	por !p2, p0  }
0x20: {  	[sflag:s8] =	ssyncset.s32 @!p0 $0xFFFFF086;
	s6 =	sadd.s32 @!p0 s3, s7;
	s7 =	simm.s32 @!p0 $0x108  }
0x21: {  	s3 =	sadd.s32 s3, s9;
	s6 =	sadd.s32 @!p0 $0x88, s6;
	s7 =	simm.s32 @p2 $0x1082  }
0x22: {  	[simem:s7], [sflag:s8] =	dma.local @!p0 [hbm:s6], $0xF7A  }
0x23: {  	s9 =	sor.u32 $0xD0000000, s2;
	s6 =	simm.s32 $0x108;
	_ =	swait.ge @!p0 [sflag:s8], $0x0  }
0x24: {  	s3 =	sadd.s32 $0x88, s3;
	s6 =	simm.s32 @!p1 $0x1082;
	[sflag:s4] =	ssyncset.s32 $0xFFFFF086  }
0x25: {  	[simem:s6], [sflag:s4] =	dma.local [hbm:s3], $0xF7A  }
0x26: {  	[smem:$0x3F99] =	sst s1;
	(tag) =	ssettag s2;
	_ =	strace s9  }
0x27: {  	s1 =	sld [smem:$0x3FA9]  }
0x28: {  	s2 =	sld [smem:$0x3FAA]  }
0x29: {  	s4 =	sld [smem:$0x3FAC]  }
0x2a: {  	p0 =	seq.s32 s5, $0x0;
	s5 =	sld [smem:$0x3FAD]  }
0x2b: {  	s6 =	sld [smem:$0x3FAE]  }
0x2c: {  	s7 =	sld [smem:$0x3FAF]  }
0x2d: {  	s3 =	simm.s32 $0x108;
	s8 =	sld [smem:$0x3FB0]  }
0x2e: {  	s3 =	simm.s32 @!p0 $0x1082;
	s9 =	sld [smem:$0x3FB1]  }
0x2f: {  	lr =	sadd.s32 s0, s3;
	s0 =	sld [smem:$0x3FA8]  }
0x30: {  	s3 =	sld [smem:$0x3FAB]  }
0x31: {  	[smem:$0x3FB4] =	sst s10  }
0x32: {  	s10 =	sld [smem:$0x3FB2];
	_ =	sdelay $0x3  }
0x33: {  	p0 =	seq.s32 s10, $0x1;
	s10 =	sld [smem:$0x3FB4];
	_ =	sdelay $0x3  }
0x34: {  	[smem:$0x3FB4] =	sst s10  }
0x35: {  	s10 =	sld [smem:$0x3FB3];
	_ =	sdelay $0x3  }
0x36: {  	p1 =	seq.s32 s10, $0x1;
	s10 =	sld [smem:$0x3FB4];
	_ =	sdelay $0x3  }
0x37: {  	[smem:$0x3FB4] =	sst s10  }
0x38: {  	s10 =	sld [smem:$0x3FB5]  }
0x39: {  	_ = 	snop;
	(pc) =	sbr.ind lr, $3  }
0x3a: {  	_ = 	snop  }
0x3b: {  	_ = 	snop  }
0x3c: {  	p2 =	seq.s32 s10, $0x1;
	s10 =	sld [smem:$0x3FB4]  }
0x3d: {  	_ =	shalt  }
0x3e: {  	_ =	shalt  }
0x3f: {  	_ =	shalt  }
0x40: {  	_ =	shalt  }
0x41: {  	_ =	shalt  }
0x42: {  	_ =	shalt  }
0x43: {  	_ =	shalt  }
0x44: {  	_ =	shalt  }
0x45: {  	_ =	shalt  }
0x46: {  	_ =	shalt  }
0x47: {  	_ =	shalt  }
0x48: {  	_ =	shalt  }
0x49: {  	_ =	shalt  }
0x4a: {  	_ =	shalt  }
0x4b: {  	_ =	shalt  }
0x4c: {  	_ =	shalt  }
0x4d: {  	_ =	shalt  }
0x4e: {  	_ =	shalt  }
0x4f: {  	_ =	shalt  }
0x50: {  	_ =	shalt  }
0x51: {  	_ =	shalt  }
0x52: {  	_ =	shalt  }
0x53: {  	_ =	shalt  }
0x54: {  	_ =	shalt  }
0x55: {  	_ =	shalt  }
0x56: {  	_ =	shalt  }
0x57: {  	_ =	shalt  }
0x58: {  	_ =	shalt  }
0x59: {  	_ =	shalt  }
0x5a: {  	_ =	shalt  }
0x5b: {  	_ =	shalt  }
0x5c: {  	_ =	shalt  }
0x5d: {  	_ =	shalt  }
0x5e: {  	_ =	shalt  }
0x5f: {  	_ =	shalt  }
0x60: {  	_ =	shalt  }
0x61: {  	_ =	shalt  }
0x62: {  	_ =	shalt  }
0x63: {  	_ =	shalt  }
0x64: {  	_ =	shalt  }
0x65: {  	_ =	shalt  }
0x66: {  	_ =	shalt  }
0x67: {  	_ =	shalt  }
0x68: {  	_ =	shalt  }
0x69: {  	_ =	shalt  }
0x6a: {  	_ =	shalt  }
0x6b: {  	_ =	shalt  }
0x6c: {  	_ =	shalt  }
0x6d: {  	_ =	shalt  }
0x6e: {  	_ =	shalt  }
0x6f: {  	_ =	shalt  }
0x70: {  	_ =	shalt  }
0x71: {  	_ =	shalt  }
0x72: {  	_ =	shalt  }
0x73: {  	_ =	shalt  }
0x74: {  	_ =	shalt  }
0x75: {  	_ =	shalt  }
0x76: {  	_ =	shalt  }
0x77: {  	_ =	shalt  }
0x78: {  	_ =	shalt  }
0x79: {  	_ =	shalt  }
0x7a: {  	_ =	shalt  }
0x7b: {  	_ =	shalt  }
0x7c: {  	_ =	shalt  }
0x7d: {  	_ =	shalt  }
0x7e: {  	_ =	shalt  }
0x7f: {  	_ =	shalt  }
0x80: {  	_ =	shalt  }
0x81: {  	_ =	shalt  }
0x82: {  	_ =	shalt  }
0x83: {  	_ =	shalt  }
0x84: {  	_ =	shalt  }
0x85: {  	_ =	shalt  }
0x86: {  	_ =	shalt  }
0x87: {  	_ =	shalt  }
.Lfunc_end0:
.L_simem_size_0:
called_computation.2_lowered:
.L_overlay_start_0:
0x88: {  	s2 =	sld [smem:$0x3FD9]  }
0x89: {  	s3 =	sld [smem:$0x3FFE];
	_ =	sdelay $0x1  }
0x8a: {  	s1 =	srdreg.scid  }
0x8b: {  	s0 =	sand.u32 $0x1, s1  }
0x8c: {  	s17 =	sshll.u32 s0, $0xA;
	s2 =	sadd.s32 s3, s2  }
0x8d: {  	s2 =	sadd.s32 s2, s17  }
0x8e: {  	[smem:$0x3FC0] =	sst s2  }
0x8f: {  	_ = 	snop  }
0x90: {  	s18 =	sld [smem:$0x3FC9];
	(tm) =	ssettm $0x1  }
0x91: {  	s19 =	sld [smem:$0x3FFB];
	_ =	sdelay $0x3  }
0x92: {  	_ =	strace s19  }
0x93: {  	s2 =	sld [smem:$0x3FFC];
	_ =	sdelay $0x3  }
0x94: {  	_ =	strace s2  }
0x95: {  	s2 =	sld [smem:$0x3FFD];
	_ =	sdelay $0x3  }
0x96: {  	_ =	strace s2  }
0x97: {  	_ =	strace $0x8FFFFFFF  }
0x98: {  	s20 =	sld [smem:$0x3FDB];
	_ =	sdelay $0x1  }
0x99: {  	s4 =	simm.s32 $_scs_section_size  }
0x9a: {  	s5 =	simm.s32 $_size__tile_overlayer_lowered;
	s6 =	simm.s32 $_tile_overlayer_lowered  }
0x9b: {  	s7 =	simm.s32 $0x1BFF;
	s21 =	sshll.u32 s6, $0x1;
	s4 =	sadd.s32 s4, s20  }
0x9c: {  	s22 =	simm.s32 $0x0;
	s5 =	sshll.u32 s5, $0x1;
	s6 =	sadd.s32 s21, s4  }
0x9d: {  	[timem:s22], [sflag:s7] =	dma.local [hbm:s6], s5  }
0x9e: {  	_ =	swait.ge [sflag:s7], s5  }
0x9f: {  	s5 =	ssub.s32 $0x0, s5;
	[sflag:s7] =	ssyncset.done $0x0  }
0xa0: {  	[sflag:s7] =	ssyncadd.s32 s5;
	_ =	sdelay $0x1  }
0xa1: {  	s23 =	simm.s32 $0x1B8B  }
0xa2: {  	_ =	swait.ge [sflag:s23], $0x1  }
0xa3: {  	[sflag:s23] =	ssyncset.done $0x0  }
0xa4: {  	[sflag:s23] =	ssyncadd.s32 $0xFFFFFFFF  }
0xa5: {  	s5 =	sld [smem:$0x0]  }
0xa6: {  	s6 =	sand.u32 $0xFFFFFFFE, s1  }
0xa7: {  	p0 =	sne.s32 s1, s6  }
0xa8: {  	s6 =	sshll.u32 @p0 s6, $0xE  }
0xa9: {  	s6 =	sadd.s32 @p0 $0x11B8D, s6;
	s7 =	sshll.u32 @p0 s5, $0x11  }
0xaa: {  	s6 =	sor.u32 @p0 s7, s6  }
0xab: {  	[sflag:s6] =	ssyncadd.remote.s32 @p0 $0x1;
	_ =	sdelay $0x1  }
0xac: {  	s6 =	simm.s32 @p0 $0x1B8D  }
0xad: {  	_ =	swait.eq @p0 [sflag:s6], $0x1  }
0xae: {  	[sflag:s6] =	ssyncadd.s32 @p0 $0xFFFFFFFF  }
0xaf: {  	s7 =	sshll.u32 @!p0 s1, $0xE  }
0xb0: {  	s7 =	sor.u32 @!p0 $0x4000, s7;
	s6 =	simm.s32 @!p0 $0x1B8D  }
0xb1: {  	s5 =	sshll.u32 @!p0 s5, $0x11;
	s7 =	sadd.s32 @!p0 $0x11B8D, s7;
	_ =	swait.eq @!p0 [sflag:s6], $0x1  }
0xb2: {  	s5 =	sor.u32 @!p0 s5, s7;
	[sflag:s6] =	ssyncadd.s32 @!p0 $0xFFFFFFFF  }
0xb3: {  	s25 =	simm.s32 $0x1B8E;
	s24 =	sld [smem:$0x3FFE];
	[sflag:s5] =	ssyncadd.remote.s32 @!p0 $0x1  }
0xb4: {  	s26 =	simm.s32 $execute0_lowered;
	[smem:$0x3FD2] =	sst s25  }
0xb5: {  	s6 =	sshll.u32 s26, $0x1;
	_ =	strace $0x8000004C;
	[dreg:$0x1] =	wrdreg $0xFFFFFFFF  }
0xb6: {  	s28 =	simm.s32 $_size_execute0_lowered;
	s4 =	sadd.s32 s4, s6;
	[dreg:$0x0] =	wrdreg $0x0  }
0xb7: {  	s6 =	sshll.u32 s28, $0x1;
	[dreg:$0x2] =	wrdreg s4  }
0xb8: {  	[dreg:$0x3] =	wrdreg s6  }
0xb9: {  	[dreg:$0x4] =	wrdreg $0xC0  }
0xba: {  	_ =	task [dreg:s22], $0x5FFFF  }
0xbb: {  	[dreg:$0x1] =	wrdreg $0xFFFFFFFF  }
0xbc: {  	[dreg:$0x0] =	wrdreg $0x60  }
0xbd: {  	[dreg:$0x2] =	wrdreg s18  }
0xbe: {  	[dreg:$0x3] =	wrdreg s24  }
0xbf: {  	[dreg:$0x4] =	wrdreg $0xB  }
0xc0: {  	_ =	task.clear_ibuf [dreg:s22], $0x5FFFF;
	_ =	strace $0x9000004C  }
0xc1: {  	s29 =	simm.s32 $0xB;
	_ =	strace $0x8000004E  }
0xc2: {  	_ =	swait.ge [sflag:s29], $0x1  }
0xc3: {  	[sflag:s29] =	ssyncadd.s32 $0xFFFFFFFF  }
0xc4: {  	_ =	strace $0x9000004E  }
0xc5: {  	_ =	sfence  }
0xc6: {  	s30 =	sld [smem:$0x0];
	_ =	sdelay $0x2  }
0xc7: {  	s31 =	sshll.u32 s1, $0xD;
	s1 =	sshrl.u32 s1, $0x2  }
0xc8: {  	s4 =	sand.u32 $0x4000, s31;
	s1 =	sadd.s32 s1, s30  }
0xc9: {  	s0 =	sor.u32 s4, s0;
	s1 =	sshll.u32 s1, $0x11  }
0xca: {  	s0 =	sor.u32 s1, s0  }
0xcb: {  	s0 =	sadd.s32 $0x8F2B, s0  }
0xcc: {  	[sflag:s0] =	ssyncadd.remote.s32 $0x1  }
0xcd: {  	_ =	sfence.sel $0xFFFF  }
0xce: {  	[dreg:$0x0] =	wrdreg $0xFFFFFFFF;
	(pc) =	sbr.abs _section_cstart, $3  }
0xcf: {  	[dreg:$0x1] =	wrdreg $0xFFFFFFFF  }
0xd0: {  	_ =	task.clear_ibuf [dreg:s22], $0x2FFFF;
	_ =	strace $0x9FFFFFFF  }
0xd1: {  	(tm) =	ssettm $0x7FFFFFFF  }
tec
execute0_lowered:
.L_overlay_start_1:
0x0: {  	(tag) =	ssettag $0x1  }
0x1: {  	s1 =	rddreg [dreg:$0x0]  }
0x2: {  	s0 =	rddreg [dreg:$0x1]  }
0x3: {  	s3 =	simm.s32 $0x0;
	s2 =	srdreg.scid;
	s5 =	stileid.u32  }
0x4: {  	s8 =	simm.s32 $0x1000;
	s9 =	simm.s32 $0x1800;
	s10 =	simm.s32 $0x2000  }
0x5: {  	s11 =	simm.s32 $0x2800;
	s12 =	simm.s32 $0x3000;
	s18 =	simm.s32 $0x6000  }
0x6: {  	s19 =	simm.s32 $0x6800;
	s20 =	simm.s32 $0x7000;
	s21 =	simm.s32 $0x7800  }
0x7: {  	s22 =	simm.s32 $0x8000;
	s23 =	simm.s32 $0x8800;
	s25 =	simm.s32 $0x9800  }
0x8: {  	s28 =	simm.s32 $0xA800;
	s29 =	simm.s32 $0x1;
	s30 =	simm.s32 $0x4  }
0x9: {  	s31 =	simm.s32 $0x0;
	[smem:$0x7FF] =	sst s3;
	s2 =	sand.u32 $0x1, s2  }
0xa: {  	s4 =	sshll.u32 s5, $0xA;
	s5 =	smul.u32 $0xFA00, s5;
	_ =	strace $0x8000004D  }
.Ltmp0:
0xb: {  	s6 =	sshll.u32 s2, $0x9;
	s7 =	ssub.s32 $0x2, s2;
	(pc) =	sbr.rel .LBB2_1-.Ltmp0, $4  }
0xc: {  	s2 =	smul.u32 $0x7D00, s2;
	s4 =	sor.u32 s6, s4;
	s26 =	sshrl.u32 s7, $0x1  }
0xd: {  	v2 =	vlaneseq.u32;
	s5 =	sadd.s32 s5, s0;
	s0 =	sadd.s32 s4, s0;
	s6 =	ssub.s32 s7, s26  }
0xe: {  	vm0 =	vmmov $0xffff;
	v1 =	vshrl.u32 v2, $0x3;
	s2 =	sadd.s32 s2, s5;
	s7 =	simm.s32 $0x5;
	s26 =	simm.s32 $0xA000  }
0xf: {  	v0 =	vand.u32 $0x7, v2;
	v2 =	vor.u32 $0x8, v2;
	v1 =	vmul.u32 $0x8, v1;
	s4 =	sadd.s32 $0x200800, s0;
	s5 =	smax.u32 s6, $0x1;
	s6 =	sadd.s32 $0x204800, s2  }
.LBB2_8:
0x10: {  	s31 =	sadd.s32 $0x1, s31  }
0x11: {  	p0 =	sne.s32 s31, s5  }
.Ltmp1:
0x12: {  	_ = 	snop;
	(pc) =	sbr.rel @!p0 .LBB2_9-.Ltmp1, $1  }
0x13: {  	_ =	sdelay $0x3  }
.LBB2_1:
0x14: {  	[tilespmem:s3], [sflag:$0x5] =	stream.linear.gather [hbm4b:s4+s3], $0xC80, $0x38;
	[tilespmem:$0xB000] =	vst v63  }
0x15: {  	_ =	swait.ge [sflag:s7], $0xC80  }
0x16: {  	[sflag:s7] =	ssyncset.done $0x0  }
0x17: {  	[sflag:s7] =	ssyncadd.s32 $0xFFFFF380  }
0x18: {  	v3 =	vld [tilespmem:$0x0];
	_ =	sdelay $0x4  }
0x19: {  	v4 =	vshll.u32 v3, $0x1  }
0x1a: {  	v3 =	vand.u32 $0x7, v3;
	v4 =	vand.u32 $0xFFFFFFF0, v4  }
0x1b: {  	v3 =	vor.u32 v3, v4  }
0x1c: {  	v4 =	vperm.xlane v3, v0;
	_ =	sdelay $0x1  }
0x1d: {  	v3 =	vperm.xlane v3, v2;
	v4 =	vadd.s32 v1, v4;
	_ =	sdelay $0x1  }
0x1e: {  	v3 =	vadd.s32 v1, v3;
	_ =	sdelay $0x2  }
0x1f: {  	[tilespmem:s8], [sflag:$0x1] =	stream.indirect_vreg.gather [hbm4b:s1+s3], $0x80, v4, vm0, $0xb8;
	[tilespmem:$0xB000] =	vst v63  }
0x20: {  	_ = 	snop  }
0x21: {  	[tilespmem:s9], [sflag:$0x1] =	stream.indirect_vreg.gather [hbm4b:s1+s3], $0x80, v3, vm0, $0xb8;
	[tilespmem:$0xB000] =	vst v63  }
0x22: {  	v3 =	vld [tilespmem:$0x10];
	_ =	sdelay $0x4  }
0x23: {  	v53 =	vshll.u32 v3, $0x1  }
0x24: {  	v3 =	vand.u32 $0x7, v3;
	v4 =	vand.u32 $0xFFFFFFF0, v53  }
0x25: {  	v3 =	vor.u32 v3, v4  }
0x26: {  	v4 =	vperm.xlane v3, v0;
	_ =	sdelay $0x1  }
0x27: {  	v3 =	vperm.xlane v3, v2;
	v4 =	vadd.s32 v1, v4;
	_ =	sdelay $0x1  }
0x28: {  	v3 =	vadd.s32 v1, v3;
	_ =	sdelay $0x2  }
0x29: {  	[tilespmem:s10], [sflag:$0x1] =	stream.indirect_vreg.gather [hbm4b:s1+s3], $0x80, v4, vm0, $0xb8;
	[tilespmem:$0xB000] =	vst v63  }
0x2a: {  	_ = 	snop  }
0x2b: {  	[tilespmem:s11], [sflag:$0x1] =	stream.indirect_vreg.gather [hbm4b:s1+s3], $0x80, v3, vm0, $0xb8;
	[tilespmem:$0xB000] =	vst v63  }
0x2c: {  	v3 =	vld.msk [tilespmem:$0x20], $0xff;
	_ =	sdelay $0x4  }
0x2d: {  	v54 =	vshll.u32 v3, $0x1  }
0x2e: {  	v3 =	vand.u32 $0x7, v3;
	v4 =	vand.u32 $0xFFFFFFF0, v54  }
0x2f: {  	v3 =	vor.u32 v3, v4  }
0x30: {  	v3 =	vperm.xlane v3, v0;
	_ =	sdelay $0x1  }
0x31: {  	v3 =	vadd.s32 v1, v3;
	_ =	sdelay $0x4  }
0x32: {  	[tilespmem:s12], [sflag:$0x1] =	stream.indirect_vreg.gather [hbm4b:s1+s3], $0x80, v3, vm0, $0xb8;
	[tilespmem:$0xB000] =	vst v63  }
0x33: {  	v3 =	vld [tilespmem:$0x80];
	_ =	sdelay $0x4  }
0x34: {  	v55 =	vshll.u32 v3, $0x1  }
0x35: {  	v3 =	vand.u32 $0x7, v3;
	v4 =	vand.u32 $0xFFFFFFF0, v55  }
0x36: {  	v3 =	vor.u32 v3, v4  }
0x37: {  	v4 =	vperm.xlane v3, v0;
	_ =	sdelay $0x1  }
0x38: {  	v3 =	vperm.xlane v3, v2;
	v4 =	vadd.s32 v1, v4;
	_ =	sdelay $0x1  }
0x39: {  	v3 =	vadd.s32 v1, v3;
	_ =	sdelay $0x1  }
0x3a: {  	s0 =	simm.s32 $0x3800  }
0x3b: {  	[tilespmem:s0], [sflag:$0x2] =	stream.indirect_vreg.gather [hbm4b:s1+s3], $0x80, v4, vm0, $0xb8;
	[tilespmem:$0xB000] =	vst v63  }
0x3c: {  	s14 =	simm.s32 $0x4000  }
0x3d: {  	[tilespmem:s14], [sflag:$0x2] =	stream.indirect_vreg.gather [hbm4b:s1+s3], $0x80, v3, vm0, $0xb8;
	[tilespmem:$0xB000] =	vst v63  }
0x3e: {  	v3 =	vld [tilespmem:$0x90];
	_ =	sdelay $0x4  }
0x3f: {  	v56 =	vshll.u32 v3, $0x1  }
0x40: {  	v3 =	vand.u32 $0x7, v3;
	v4 =	vand.u32 $0xFFFFFFF0, v56  }
0x41: {  	v3 =	vor.u32 v3, v4  }
0x42: {  	v4 =	vperm.xlane v3, v0;
	_ =	sdelay $0x1  }
0x43: {  	v3 =	vperm.xlane v3, v2;
	v4 =	vadd.s32 v1, v4;
	_ =	sdelay $0x1  }
0x44: {  	v3 =	vadd.s32 v1, v3;
	_ =	sdelay $0x1  }
0x45: {  	s15 =	simm.s32 $0x4800  }
0x46: {  	[tilespmem:s15], [sflag:$0x2] =	stream.indirect_vreg.gather [hbm4b:s1+s3], $0x80, v4, vm0, $0xb8;
	[tilespmem:$0xB000] =	vst v63  }
0x47: {  	s16 =	simm.s32 $0x5000  }
0x48: {  	[tilespmem:s16], [sflag:$0x2] =	stream.indirect_vreg.gather [hbm4b:s1+s3], $0x80, v3, vm0, $0xb8;
	[tilespmem:$0xB000] =	vst v63  }
0x49: {  	v3 =	vld.msk [tilespmem:$0xA0], $0xff;
	_ =	sdelay $0x4  }
0x4a: {  	v57 =	vshll.u32 v3, $0x1  }
0x4b: {  	v3 =	vand.u32 $0x7, v3;
	v4 =	vand.u32 $0xFFFFFFF0, v57  }
0x4c: {  	v3 =	vor.u32 v3, v4  }
0x4d: {  	v3 =	vperm.xlane v3, v0;
	_ =	sdelay $0x1  }
0x4e: {  	v3 =	vadd.s32 v1, v3;
	_ =	sdelay $0x3  }
0x4f: {  	s17 =	simm.s32 $0x5800  }
0x50: {  	[tilespmem:s17], [sflag:$0x2] =	stream.indirect_vreg.gather [hbm4b:s1+s3], $0x80, v3, vm0, $0xb8;
	[tilespmem:$0xB000] =	vst v63  }
0x51: {  	v3 =	vld [tilespmem:$0x100];
	_ =	sdelay $0x4  }
0x52: {  	v58 =	vshll.u32 v3, $0x1  }
0x53: {  	v3 =	vand.u32 $0x7, v3;
	v4 =	vand.u32 $0xFFFFFFF0, v58  }
0x54: {  	v3 =	vor.u32 v3, v4  }
0x55: {  	v4 =	vperm.xlane v3, v0;
	_ =	sdelay $0x1  }
0x56: {  	v3 =	vperm.xlane v3, v2;
	v4 =	vadd.s32 v1, v4;
	_ =	sdelay $0x1  }
0x57: {  	v3 =	vadd.s32 v1, v3;
	_ =	sdelay $0x2  }
0x58: {  	[tilespmem:s18], [sflag:$0x3] =	stream.indirect_vreg.gather [hbm4b:s1+s3], $0x80, v4, vm0, $0xb8;
	[tilespmem:$0xB000] =	vst v63  }
0x59: {  	_ = 	snop  }
0x5a: {  	[tilespmem:s19], [sflag:$0x3] =	stream.indirect_vreg.gather [hbm4b:s1+s3], $0x80, v3, vm0, $0xb8;
	[tilespmem:$0xB000] =	vst v63  }
0x5b: {  	v3 =	vld [tilespmem:$0x110];
	_ =	sdelay $0x4  }
0x5c: {  	v59 =	vshll.u32 v3, $0x1  }
0x5d: {  	v3 =	vand.u32 $0x7, v3;
	v4 =	vand.u32 $0xFFFFFFF0, v59  }
0x5e: {  	v3 =	vor.u32 v3, v4  }
0x5f: {  	v4 =	vperm.xlane v3, v0;
	_ =	sdelay $0x1  }
0x60: {  	v3 =	vperm.xlane v3, v2;
	v4 =	vadd.s32 v1, v4;
	_ =	sdelay $0x1  }
0x61: {  	v3 =	vadd.s32 v1, v3;
	_ =	sdelay $0x2  }
0x62: {  	[tilespmem:s20], [sflag:$0x3] =	stream.indirect_vreg.gather [hbm4b:s1+s3], $0x80, v4, vm0, $0xb8;
	[tilespmem:$0xB000] =	vst v63  }
0x63: {  	_ = 	snop  }
0x64: {  	[tilespmem:s21], [sflag:$0x3] =	stream.indirect_vreg.gather [hbm4b:s1+s3], $0x80, v3, vm0, $0xb8;
	[tilespmem:$0xB000] =	vst v63  }
0x65: {  	v3 =	vld.msk [tilespmem:$0x120], $0xff;
	_ =	sdelay $0x4  }
0x66: {  	v60 =	vshll.u32 v3, $0x1  }
0x67: {  	v3 =	vand.u32 $0x7, v3;
	v4 =	vand.u32 $0xFFFFFFF0, v60  }
0x68: {  	v3 =	vor.u32 v3, v4  }
0x69: {  	v3 =	vperm.xlane v3, v0;
	_ =	sdelay $0x1  }
0x6a: {  	v3 =	vadd.s32 v1, v3;
	_ =	sdelay $0x4  }
0x6b: {  	[tilespmem:s22], [sflag:$0x3] =	stream.indirect_vreg.gather [hbm4b:s1+s3], $0x80, v3, vm0, $0xb8;
	[tilespmem:$0xB000] =	vst v63  }
0x6c: {  	v3 =	vld [tilespmem:$0x180];
	_ =	sdelay $0x4  }
0x6d: {  	v61 =	vshll.u32 v3, $0x1  }
0x6e: {  	v3 =	vand.u32 $0x7, v3;
	v4 =	vand.u32 $0xFFFFFFF0, v61  }
0x6f: {  	v3 =	vor.u32 v3, v4  }
0x70: {  	v4 =	vperm.xlane v3, v0;
	_ =	sdelay $0x1  }
0x71: {  	v3 =	vperm.xlane v3, v2;
	v4 =	vadd.s32 v1, v4;
	_ =	sdelay $0x1  }
0x72: {  	v3 =	vadd.s32 v1, v3;
	_ =	sdelay $0x2  }
0x73: {  	[tilespmem:s23], [sflag:$0x4] =	stream.indirect_vreg.gather [hbm4b:s1+s3], $0x80, v4, vm0, $0xb8;
	[tilespmem:$0xB000] =	vst v63  }
0x74: {  	s24 =	simm.s32 $0x9000  }
0x75: {  	[tilespmem:s24], [sflag:$0x4] =	stream.indirect_vreg.gather [hbm4b:s1+s3], $0x80, v3, vm0, $0xb8;
	[tilespmem:$0xB000] =	vst v63  }
0x76: {  	v3 =	vld [tilespmem:$0x190];
	_ =	sdelay $0x4  }
0x77: {  	v62 =	vshll.u32 v3, $0x1  }
0x78: {  	v3 =	vand.u32 $0x7, v3;
	v4 =	vand.u32 $0xFFFFFFF0, v62  }
0x79: {  	v3 =	vor.u32 v3, v4  }
0x7a: {  	v4 =	vperm.xlane v3, v0;
	_ =	sdelay $0x1  }
0x7b: {  	v3 =	vperm.xlane v3, v2;
	v4 =	vadd.s32 v1, v4;
	_ =	sdelay $0x1  }
0x7c: {  	v3 =	vadd.s32 v1, v3;
	_ =	sdelay $0x2  }
0x7d: {  	[tilespmem:s25], [sflag:$0x4] =	stream.indirect_vreg.gather [hbm4b:s1+s3], $0x80, v4, vm0, $0xb8;
	[tilespmem:$0xB000] =	vst v63  }
0x7e: {  	_ = 	snop  }
0x7f: {  	[tilespmem:s26], [sflag:$0x4] =	stream.indirect_vreg.gather [hbm4b:s1+s3], $0x80, v3, vm0, $0xb8;
	[tilespmem:$0xB000] =	vst v63  }
0x80: {  	v3 =	vld.msk [tilespmem:$0x1A0], $0xff;
	_ =	sdelay $0x4  }
0x81: {  	v63 =	vshll.u32 v3, $0x1  }
0x82: {  	v3 =	vand.u32 $0x7, v3;
	v4 =	vand.u32 $0xFFFFFFF0, v63  }
0x83: {  	v3 =	vor.u32 v3, v4  }
0x84: {  	v3 =	vperm.xlane v3, v0;
	_ =	sdelay $0x1  }
0x85: {  	v3 =	vadd.s32 v1, v3  }
.Ltmp2:
0x86: {  	_ = 	snop;
	(pc) =	sbr.rel .LBB2_2-.Ltmp2, $4  }
0x87: {  	_ = 	snop  }
0x88: {  	s2 =	simm.s32 $0x3A0  }
0x89: {  	s13 =	simm.s32 $0x0;
	s0 =	simm.s32 $0x3;
	s14 =	simm.s32 $0x0  }
0x8a: {  	[tilespmem:s28], [sflag:$0x4] =	stream.indirect_vreg.gather [hbm4b:s1+s3], $0x80, v3, vm0, $0xb8;
	[tilespmem:$0xB000] =	vst v63  }
.LBB2_5:
0x8b: {  	v3 =	vld [tilespmem:s2+$0xFFFFFF60];
	_ =	sdelay $0x4  }
0x8c: {  	v4 =	vshll.u32 v3, $0x1  }
0x8d: {  	v3 =	vand.u32 $0x7, v3;
	v4 =	vand.u32 $0xFFFFFFF0, v4  }
0x8e: {  	v3 =	vor.u32 v3, v4  }
0x8f: {  	v4 =	vperm.xlane v3, v0;
	_ =	sdelay $0x1  }
0x90: {  	v3 =	vperm.xlane v3, v2;
	v4 =	vadd.s32 v1, v4;
	_ =	sdelay $0x1  }
0x91: {  	v3 =	vadd.s32 v1, v3;
	_ =	sdelay $0x2  }
0x92: {  	[tilespmem:s18], [sflag:$0x3] =	stream.indirect_vreg.gather [hbm4b:s1+s3], $0x80, v4, vm0, $0xb8;
	[tilespmem:$0xB000] =	vst v63  }
0x93: {  	_ = 	snop  }
0x94: {  	[tilespmem:s19], [sflag:$0x3] =	stream.indirect_vreg.gather [hbm4b:s1+s3], $0x80, v3, vm0, $0xb8;
	[tilespmem:$0xB000] =	vst v63  }
0x95: {  	v3 =	vld [tilespmem:s2+$0xFFFFFF70];
	_ =	sdelay $0x4  }
0x96: {  	v62 =	vshll.u32 v3, $0x1  }
0x97: {  	v3 =	vand.u32 $0x7, v3;
	v4 =	vand.u32 $0xFFFFFFF0, v62  }
0x98: {  	v3 =	vor.u32 v3, v4  }
0x99: {  	v4 =	vperm.xlane v3, v0;
	_ =	sdelay $0x1  }
0x9a: {  	v3 =	vperm.xlane v3, v2;
	v4 =	vadd.s32 v1, v4;
	_ =	sdelay $0x1  }
0x9b: {  	v3 =	vadd.s32 v1, v3;
	_ =	sdelay $0x2  }
0x9c: {  	[tilespmem:s20], [sflag:$0x3] =	stream.indirect_vreg.gather [hbm4b:s1+s3], $0x80, v4, vm0, $0xb8;
	[tilespmem:$0xB000] =	vst v63  }
0x9d: {  	_ = 	snop  }
0x9e: {  	[tilespmem:s21], [sflag:$0x3] =	stream.indirect_vreg.gather [hbm4b:s1+s3], $0x80, v3, vm0, $0xb8;
	[tilespmem:$0xB000] =	vst v63  }
0x9f: {  	v3 =	vld.msk [tilespmem:s2+$0xFFFFFF80], $0xff;
	_ =	sdelay $0x4  }
0xa0: {  	v63 =	vshll.u32 v3, $0x1  }
0xa1: {  	v3 =	vand.u32 $0x7, v3;
	v4 =	vand.u32 $0xFFFFFFF0, v63  }
0xa2: {  	v3 =	vor.u32 v3, v4  }
0xa3: {  	v3 =	vperm.xlane v3, v0;
	_ =	sdelay $0x1  }
0xa4: {  	v3 =	vadd.s32 v1, v3;
	_ =	sdelay $0x3  }
0xa5: {  	p0 =	por $0x1, $0x1  }
0xa6: {  	[tilespmem:s22], [sflag:$0x3] =	stream.indirect_vreg.gather [hbm4b:s1+s3], $0x80, v3, vm0, $0xb8;
	[tilespmem:$0xB000] =	vst v63  }
.LBB2_6:
0xa7: {  	_ =	swait.ge [sflag:s30], $0x2800  }
0xa8: {  	[sflag:s30] =	ssyncset.done $0x0  }
0xa9: {  	s15 =	sadd.s32 $0xF00, s15;
	[sflag:s30] =	ssyncadd.s32 $0xFFFFD800  }
0xaa: {  	[hbm4b:s15+s3] =	stream.linear.scatter [tilespmem:s23], [sflag:$0x5], $0x2800, $0x38;
	[tilespmem:$0xB000] =	vst v63  }
0xab: {  	_ =	swait.ge [sflag:s7], $0x2800  }
0xac: {  	[sflag:s7] =	ssyncset.done $0x0  }
0xad: {  	[sflag:s7] =	ssyncadd.s32 $0xFFFFD800  }
0xae: {  	v3 =	vld @p0 [tilespmem:s2+$0xFFFFFFE0];
	_ =	sdelay $0x4  }
0xaf: {  	v4 =	vshll.u32 @p0 v3, $0x1  }
0xb0: {  	v5 =	vlaneseq.u32 @p0;
	v3 =	vand.u32 @p0 $0x7, v3;
	v4 =	vand.u32 @p0 $0xFFFFFFF0, v4  }
0xb1: {  	v6 =	vshrl.u32 @p0 v5, $0x3;
	v3 =	vor.u32 @p0 v3, v4;
	v4 =	vand.u32 @p0 $0x7, v5  }
0xb2: {  	v6 =	vmul.u32 @p0 $0x8, v6;
	v7 =	vperm.xlane @p0 v3, v4  }
0xb3: {  	v5 =	vor.u32 @p0 $0x8, v5  }
0xb4: {  	v3 =	vperm.xlane @p0 v3, v5;
	v7 =	vadd.s32 @p0 v6, v7;
	_ =	sdelay $0x1  }
0xb5: {  	v3 =	vadd.s32 @p0 v6, v3;
	_ =	sdelay $0x1  }
0xb6: {  	vm1 =	vmmov @p0 $0xffff;
	s16 =	simm.s32 @p0 $0x8800;
	s15 =	simm.s32 @p0 $0x0  }
0xb7: {  	[tilespmem:s16], [sflag:$0x4] =	stream.indirect_vreg.gather @p0 [hbm4b:s1+s15], $0x80, v7, vm1, $0xb8;
	[tilespmem:$0xB000] =	vst v63  }
0xb8: {  	s16 =	simm.s32 @p0 $0x9000  }
0xb9: {  	[tilespmem:s16], [sflag:$0x4] =	stream.indirect_vreg.gather @p0 [hbm4b:s1+s15], $0x80, v3, vm1, $0xb8;
	[tilespmem:$0xB000] =	vst v63  }
0xba: {  	v3 =	vld @p0 [tilespmem:s2+$0xFFFFFFF0];
	_ =	sdelay $0x4  }
0xbb: {  	v7 =	vshll.u32 @p0 v3, $0x1  }
0xbc: {  	v3 =	vand.u32 @p0 $0x7, v3;
	v7 =	vand.u32 @p0 $0xFFFFFFF0, v7  }
0xbd: {  	v3 =	vor.u32 @p0 v3, v7  }
0xbe: {  	v7 =	vperm.xlane @p0 v3, v4;
	_ =	sdelay $0x1  }
0xbf: {  	v3 =	vperm.xlane @p0 v3, v5;
	v7 =	vadd.s32 @p0 v6, v7;
	_ =	sdelay $0x1  }
0xc0: {  	v3 =	vadd.s32 @p0 v6, v3;
	_ =	sdelay $0x1  }
0xc1: {  	s16 =	simm.s32 @p0 $0x9800  }
0xc2: {  	[tilespmem:s16], [sflag:$0x4] =	stream.indirect_vreg.gather @p0 [hbm4b:s1+s15], $0x80, v7, vm1, $0xb8;
	[tilespmem:$0xB000] =	vst v63  }
0xc3: {  	s16 =	simm.s32 @p0 $0xA000  }
0xc4: {  	[tilespmem:s16], [sflag:$0x4] =	stream.indirect_vreg.gather @p0 [hbm4b:s1+s15], $0x80, v3, vm1, $0xb8;
	[tilespmem:$0xB000] =	vst v63  }
0xc5: {  	v3 =	vld.msk @p0 [tilespmem:s2+$0x0], $0xff;
	_ =	sdelay $0x4  }
0xc6: {  	v5 =	vshll.u32 @p0 v3, $0x1  }
0xc7: {  	v3 =	vand.u32 @p0 $0x7, v3;
	v5 =	vand.u32 @p0 $0xFFFFFFF0, v5  }
0xc8: {  	v3 =	vor.u32 @p0 v3, v5  }
0xc9: {  	v3 =	vperm.xlane @p0 v3, v4;
	_ =	sdelay $0x1  }
0xca: {  	v3 =	vadd.s32 @p0 v6, v3;
	_ =	sdelay $0x3  }
0xcb: {  	s16 =	simm.s32 @p0 $0xA800  }
0xcc: {  	[tilespmem:s16], [sflag:$0x4] =	stream.indirect_vreg.gather @p0 [hbm4b:s1+s15], $0x80, v3, vm1, $0xb8;
	[tilespmem:$0xB000] =	vst v63  }
.LBB2_7:
0xcd: {  	s13 =	sadd.s32 $0x1400, s13  }
0xce: {  	p0 =	sne.s32 s13, $0x8C00  }
.Ltmp3:
0xcf: {  	_ = 	snop;
	(pc) =	sbr.rel @!p0 .LBB2_8-.Ltmp3, $2  }
0xd0: {  	_ =	sdelay $0x2  }
0xd1: {  	s14 =	sadd.s32 $0x1, s14;
	s0 =	sadd.s32 $0x4, s0;
	s2 =	sadd.s32 $0x200, s2  }
.LBB2_2:
0xd2: {  	_ =	swait.ge [sflag:s29], $0x2800  }
0xd3: {  	p0 =	seq.s32 s13, $0x7800;
	[sflag:s29] =	ssyncset.done $0x0  }
.Ltmp4:
0xd4: {  	s15 =	sadd.s32 s13, s6;
	[sflag:s29] =	ssyncadd.s32 $0xFFFFD800;
	(pc) =	sbr.rel @p0 .LBB2_8-.Ltmp4, $4  }
0xd5: {  	[hbm4b:s15+s3] =	stream.linear.scatter [tilespmem:s8], [sflag:$0x5], $0x2800, $0x38;
	[tilespmem:$0xB000] =	vst v63  }
0xd6: {  	_ =	swait.ge [sflag:s7], $0x2800  }
0xd7: {  	[sflag:s7] =	ssyncset.done $0x0  }
0xd8: {  	[sflag:s7] =	ssyncadd.s32 $0xFFFFD800  }
0xd9: {  	v3 =	vld [tilespmem:s2+$0xFFFFFE60];
	_ =	sdelay $0x4  }
0xda: {  	v4 =	vshll.u32 v3, $0x1  }
0xdb: {  	v3 =	vand.u32 $0x7, v3;
	v4 =	vand.u32 $0xFFFFFFF0, v4  }
0xdc: {  	v3 =	vor.u32 v3, v4  }
0xdd: {  	v4 =	vperm.xlane v3, v0;
	_ =	sdelay $0x1  }
0xde: {  	v3 =	vperm.xlane v3, v2;
	v4 =	vadd.s32 v1, v4;
	_ =	sdelay $0x1  }
0xdf: {  	v3 =	vadd.s32 v1, v3;
	_ =	sdelay $0x2  }
0xe0: {  	[tilespmem:s8], [sflag:$0x1] =	stream.indirect_vreg.gather [hbm4b:s1+s3], $0x80, v4, vm0, $0xb8;
	[tilespmem:$0xB000] =	vst v63  }
0xe1: {  	_ = 	snop  }
0xe2: {  	[tilespmem:s9], [sflag:$0x1] =	stream.indirect_vreg.gather [hbm4b:s1+s3], $0x80, v3, vm0, $0xb8;
	[tilespmem:$0xB000] =	vst v63  }
0xe3: {  	v3 =	vld [tilespmem:s2+$0xFFFFFE70];
	_ =	sdelay $0x4  }
0xe4: {  	v62 =	vshll.u32 v3, $0x1  }
0xe5: {  	v3 =	vand.u32 $0x7, v3;
	v4 =	vand.u32 $0xFFFFFFF0, v62  }
0xe6: {  	v3 =	vor.u32 v3, v4  }
0xe7: {  	v4 =	vperm.xlane v3, v0;
	_ =	sdelay $0x1  }
0xe8: {  	v3 =	vperm.xlane v3, v2;
	v4 =	vadd.s32 v1, v4;
	_ =	sdelay $0x1  }
0xe9: {  	v3 =	vadd.s32 v1, v3;
	_ =	sdelay $0x2  }
0xea: {  	[tilespmem:s10], [sflag:$0x1] =	stream.indirect_vreg.gather [hbm4b:s1+s3], $0x80, v4, vm0, $0xb8;
	[tilespmem:$0xB000] =	vst v63  }
0xeb: {  	_ = 	snop  }
0xec: {  	[tilespmem:s11], [sflag:$0x1] =	stream.indirect_vreg.gather [hbm4b:s1+s3], $0x80, v3, vm0, $0xb8;
	[tilespmem:$0xB000] =	vst v63  }
0xed: {  	v3 =	vld.msk [tilespmem:s2+$0xFFFFFE80], $0xff;
	_ =	sdelay $0x4  }
0xee: {  	v63 =	vshll.u32 v3, $0x1  }
0xef: {  	v3 =	vand.u32 $0x7, v3;
	v4 =	vand.u32 $0xFFFFFFF0, v63  }
0xf0: {  	v3 =	vor.u32 v3, v4  }
0xf1: {  	v3 =	vperm.xlane v3, v0;
	_ =	sdelay $0x1  }
0xf2: {  	v3 =	vadd.s32 v1, v3;
	_ =	sdelay $0x1  }
0xf3: {  	s16 =	sadd.s32 $0xFFFFFFFE, s0  }
0xf4: {  	p0 =	sgt.u32 s16, $0x18  }
0xf5: {  	s16 =	simm.s32 @!p0 $0x2  }
0xf6: {  	[tilespmem:s12], [sflag:$0x1] =	stream.indirect_vreg.gather [hbm4b:s1+s3], $0x80, v3, vm0, $0xb8;
	[tilespmem:$0xB000] =	vst v63  }
0xf7: {  	_ =	swait.ge @!p0 [sflag:s16], $0x2800  }
0xf8: {  	[sflag:s16] =	ssyncset.done @!p0 $0x0  }
0xf9: {  	[sflag:s16] =	ssyncadd.s32 @!p0 $0xFFFFD800;
	s16 =	sadd.s32 @!p0 s13, s6  }
0xfa: {  	s17 =	simm.s32 @!p0 $0x0;
	s24 =	simm.s32 @!p0 $0x3800;
	s16 =	sadd.s32 @!p0 $0x500, s16  }
0xfb: {  	[hbm4b:s16+s17] =	stream.linear.scatter @!p0 [tilespmem:s24], [sflag:$0x5], $0x2800, $0x38;
	[tilespmem:$0xB000] =	vst v63  }
0xfc: {  	s16 =	simm.s32 @!p0 $0x5  }
0xfd: {  	_ =	swait.ge @!p0 [sflag:s16], $0x2800  }
0xfe: {  	[sflag:s16] =	ssyncset.done @!p0 $0x0  }
0xff: {  	[sflag:s16] =	ssyncadd.s32 @!p0 $0xFFFFD800;
	p0 =	sgt.u32 s14, $0x4  }
0x100: {  	v3 =	vld @!p0 [tilespmem:s2+$0xFFFFFEE0];
	_ =	sdelay $0x4  }
0x101: {  	v4 =	vshll.u32 @!p0 v3, $0x1  }
0x102: {  	v5 =	vlaneseq.u32 @!p0;
	v3 =	vand.u32 @!p0 $0x7, v3;
	v4 =	vand.u32 @!p0 $0xFFFFFFF0, v4  }
0x103: {  	v6 =	vshrl.u32 @!p0 v5, $0x3;
	v3 =	vor.u32 @!p0 v3, v4;
	v4 =	vand.u32 @!p0 $0x7, v5  }
0x104: {  	v6 =	vmul.u32 @!p0 $0x8, v6;
	v7 =	vperm.xlane @!p0 v3, v4  }
0x105: {  	v5 =	vor.u32 @!p0 $0x8, v5  }
0x106: {  	v3 =	vperm.xlane @!p0 v3, v5;
	v7 =	vadd.s32 @!p0 v6, v7;
	_ =	sdelay $0x1  }
0x107: {  	v3 =	vadd.s32 @!p0 v6, v3;
	_ =	sdelay $0x1  }
0x108: {  	vm1 =	vmmov @!p0 $0xffff;
	s16 =	simm.s32 @!p0 $0x0;
	s17 =	simm.s32 @!p0 $0x3800  }
0x109: {  	[tilespmem:s17], [sflag:$0x2] =	stream.indirect_vreg.gather @!p0 [hbm4b:s1+s16], $0x80, v7, vm1, $0xb8;
	[tilespmem:$0xB000] =	vst v63  }
0x10a: {  	s17 =	simm.s32 @!p0 $0x4000  }
0x10b: {  	[tilespmem:s17], [sflag:$0x2] =	stream.indirect_vreg.gather @!p0 [hbm4b:s1+s16], $0x80, v3, vm1, $0xb8;
	[tilespmem:$0xB000] =	vst v63  }
0x10c: {  	v3 =	vld @!p0 [tilespmem:s2+$0xFFFFFEF0];
	_ =	sdelay $0x4  }
0x10d: {  	v7 =	vshll.u32 @!p0 v3, $0x1  }
0x10e: {  	v3 =	vand.u32 @!p0 $0x7, v3;
	v7 =	vand.u32 @!p0 $0xFFFFFFF0, v7  }
0x10f: {  	v3 =	vor.u32 @!p0 v3, v7  }
0x110: {  	v7 =	vperm.xlane @!p0 v3, v4;
	_ =	sdelay $0x1  }
0x111: {  	v3 =	vperm.xlane @!p0 v3, v5;
	v7 =	vadd.s32 @!p0 v6, v7;
	_ =	sdelay $0x1  }
0x112: {  	v3 =	vadd.s32 @!p0 v6, v3;
	_ =	sdelay $0x1  }
0x113: {  	s17 =	simm.s32 @!p0 $0x4800  }
0x114: {  	[tilespmem:s17], [sflag:$0x2] =	stream.indirect_vreg.gather @!p0 [hbm4b:s1+s16], $0x80, v7, vm1, $0xb8;
	[tilespmem:$0xB000] =	vst v63  }
0x115: {  	s17 =	simm.s32 @!p0 $0x5000  }
0x116: {  	[tilespmem:s17], [sflag:$0x2] =	stream.indirect_vreg.gather @!p0 [hbm4b:s1+s16], $0x80, v3, vm1, $0xb8;
	[tilespmem:$0xB000] =	vst v63  }
0x117: {  	v3 =	vld.msk @!p0 [tilespmem:s2+$0xFFFFFF00], $0xff;
	_ =	sdelay $0x4  }
0x118: {  	v5 =	vshll.u32 @!p0 v3, $0x1  }
0x119: {  	v3 =	vand.u32 @!p0 $0x7, v3;
	v5 =	vand.u32 @!p0 $0xFFFFFFF0, v5  }
0x11a: {  	v3 =	vor.u32 @!p0 v3, v5  }
0x11b: {  	v3 =	vperm.xlane @!p0 v3, v4;
	_ =	sdelay $0x1  }
0x11c: {  	v3 =	vadd.s32 @!p0 v6, v3;
	_ =	sdelay $0x3  }
0x11d: {  	s24 =	sadd.s32 $0xFFFFFFFF, s0;
	s17 =	simm.s32 @!p0 $0x5800  }
0x11e: {  	[tilespmem:s17], [sflag:$0x2] =	stream.indirect_vreg.gather @!p0 [hbm4b:s1+s16], $0x80, v3, vm1, $0xb8;
	[tilespmem:$0xB000] =	vst v63  }
0x11f: {  	p0 =	sgt.u32 s24, $0x18  }
0x120: {  	s16 =	simm.s32 @!p0 $0x3  }
0x121: {  	_ =	swait.ge @!p0 [sflag:s16], $0x2800  }
0x122: {  	s17 =	simm.s32 @!p0 $0x0;
	[sflag:s16] =	ssyncset.done @!p0 $0x0  }
0x123: {  	p1 =	slt.u32 @!p0 s14, $0x5;
	[sflag:s16] =	ssyncadd.s32 @!p0 $0xFFFFD800;
	s16 =	sadd.s32 @!p0 s13, s6  }
0x124: {  	s24 =	simm.s32 @!p0 $0x6000;
	p1 =	por p0, !p1;
	s16 =	sadd.s32 @!p0 $0xA00, s16  }
0x125: {  	[hbm4b:s16+s17] =	stream.linear.scatter @!p0 [tilespmem:s24], [sflag:$0x5], $0x2800, $0x38;
	[tilespmem:$0xB000] =	vst v63  }
.Ltmp5:
0x126: {  	_ = 	snop;
	(pc) =	sbr.rel @!p1 .LBB2_5-.Ltmp5, $4  }
0x127: {  	s16 =	simm.s32 @!p0 $0x5  }
0x128: {  	_ =	swait.ge @!p0 [sflag:s16], $0x2800  }
0x129: {  	[sflag:s16] =	ssyncset.done @!p0 $0x0  }
0x12a: {  	[sflag:s16] =	ssyncadd.s32 @!p0 $0xFFFFD800  }
0x12b: {  	p1 =	slt.u32 s0, $0x19  }
.Ltmp6:
0x12c: {  	_ = 	snop;
	(pc) =	sbr.rel @p1 .LBB2_6-.Ltmp6, $4  }
.Ltmp7:
0x12d: {  	_ = 	snop;
	(pc) =	sbr.rel @!p1 .LBB2_7-.Ltmp7, $4  }
0x12e: {  	_ = 	snop  }
0x12f: {  	_ = 	snop  }
0x130: {  	p0 =	por $0x0, $0x0  }
0x131: {  	_ = 	snop  }
.LBB2_9:
0x132: {  	_ =	sfence.sel $0x180000  }
0x133: {  	[bflag:$0x0] =	sbarrier.arrive $0xFFFF  }
0x134: {  	_ =	strace $0x9000004D  }
0x135: {  	s0 =	stileid.u32;
	[bflag:$0x2] =	sbarrier.arrive $0xFFFF  }
0x136: {  	p0 =	sne.s32 s0, $0x0;
	s0 =	rddreg [dreg:$0x2]  }
0x137: {  	s0 =	sadd.s32 @!p0 $0x100000, s0  }
0x138: {  	[sflag:s0] =	ssyncadd.tile.s32 @!p0 $0x1;
	_ =	shalt  }
.Lfunc_end2:
_tile_overlayer_lowered:
.L_overlay_start_2:
0x139: {  	(tag) =	ssettag $0x2  }
0x13a: {  	s0 =	rddreg [dreg:$0x0];
	s2 =	stileid.u32  }
0x13b: {  	s1 =	rddreg [dreg:$0x1];
	p0 =	sne.s32 s2, $0x0  }
0x13c: {  	s3 =	rddreg [dreg:$0x2];
	[bflag:$0x3] =	sbarrier.arrive $0xFFFF;
	s2 =	simm.s32 @!p0 $0x1C05  }
0x13d: {  	[timem:s3], [sflag:s2] =	dma.local @!p0 [hbm:s0], s1  }
0x13e: {  	s0 =	simm.s32 @!p0 $0x5  }
0x13f: {  	_ =	swait.ge @!p0 [sflag:s0], s1  }
0x140: {  	s1 =	ssub.s32 @!p0 $0x0, s1;
	[sflag:s0] =	ssyncset.done @!p0 $0x0  }
0x141: {  	[sflag:s0] =	ssyncadd.s32 @!p0 s1  }
0x142: {  	[bflag:$0x3] =	sbarrier.arrive $0xFFFF  }
0x143: {  	_ =	shalt  }

// kernel: kernel.22.cloned.1.call-start
scs
__scs_entry_jumppad:
0x0: {  	(pc) =	sbr.rel $0x88, $3  }
0x1: {  	(tag) =	ssettag $0x0;
	lr =	simm.s32 $0x1  }
0x2: {  	[smem:$0x3F99] =	sst lr;
	_ =	strace $0xD0000000  }
0x3: {  	_ = 	snop  }
0x4: {  	_ = 	snop  }
0x5: {  	_ = 	snop  }
0x6: {  	_ = 	snop  }
0x7: {  	_ = 	snop  }
__scs_overlays_trampoline_lowered:
0x8: {  	[smem:$0x3FA8] =	sst s0  }
0x9: {  	[smem:$0x3FA9] =	sst s1  }
0xa: {  	[smem:$0x3FAA] =	sst s2  }
0xb: {  	[smem:$0x3FAB] =	sst s3  }
0xc: {  	[smem:$0x3FAC] =	sst s4  }
0xd: {  	[smem:$0x3FAD] =	sst s5  }
0xe: {  	[smem:$0x3FAE] =	sst s6  }
0xf: {  	[smem:$0x3FAF] =	sst s7  }
0x10: {  	[smem:$0x3FB0] =	sst s8  }
0x11: {  	[smem:$0x3FB1] =	sst s9;
	s0 =	simm.s32 @!p0 $0x0  }
0x12: {  	s1 =	sld [smem:$0x3F97];
	s0 =	simm.s32 @p0 $0x1  }
0x13: {  	[smem:$0x3FB2] =	sst s0;
	s0 =	simm.s32 @!p1 $0x0  }
0x14: {  	s2 =	sld [smem:$0x3F96];
	s0 =	simm.s32 @p1 $0x1  }
0x15: {  	[smem:$0x3FB3] =	sst s0;
	s0 =	simm.s32 @!p2 $0x0  }
0x16: {  	s3 =	sld [smem:$0x3FDB];
	s0 =	simm.s32 @p2 $0x1  }
0x17: {  	s4 =	simm.s32 $0x1BF5;
	[smem:$0x3FB5] =	sst s0  }
0x18: {  	s0 =	sld [smem:$0x3F98];
	_ =	swait.ge [sflag:s4], $0x0  }
0x19: {  	s7 =	sld [smem:$0x3F99]  }
0x1a: {  	s8 =	sadd.s32 $0xFFFFE003, lr  }
0x1b: {  	s9 =	sadd.s32 $0xFFFFFEF7, lr;
	s5 =	simm.s32 $0xFFFFFFFF;
	p2 =	slt.u32 s8, $0xFFFFF086  }
0x1c: {  	p1 =	slt.u32 s9, $0xF7A;
	s5 =	simm.s32 @!p2 $0x0  }
0x1d: {  	s5 =	simm.s32 @p1 $0x1;
	p0 =	seq.s32 s7, s2  }
0x1e: {  	s7 =	smul.u32 @!p0 $0xF7A, s2;
	p2 =	seq.s32 @!p0 s5, $0x0  }
0x1f: {  	s9 =	smul.u32 $0xF7A, s1;
	s8 =	simm.s32 @!p0 $0x1BF5;
	p2 =	por !p2, p0  }
0x20: {  	[sflag:s8] =	ssyncset.s32 @!p0 $0xFFFFF086;
	s6 =	sadd.s32 @!p0 s3, s7;
	s7 =	simm.s32 @!p0 $0x108  }
0x21: {  	s3 =	sadd.s32 s3, s9;
	s6 =	sadd.s32 @!p0 $0x88, s6;
	s7 =	simm.s32 @p2 $0x1082  }
0x22: {  	[simem:s7], [sflag:s8] =	dma.local @!p0 [hbm:s6], $0xF7A  }
0x23: {  	s9 =	sor.u32 $0xD0000000, s2;
	s6 =	simm.s32 $0x108;
	_ =	swait.ge @!p0 [sflag:s8], $0x0  }
0x24: {  	s3 =	sadd.s32 $0x88, s3;
	s6 =	simm.s32 @!p1 $0x1082;
	[sflag:s4] =	ssyncset.s32 $0xFFFFF086  }
0x25: {  	[simem:s6], [sflag:s4] =	dma.local [hbm:s3], $0xF7A  }
0x26: {  	[smem:$0x3F99] =	sst s1;
	(tag) =	ssettag s2;
	_ =	strace s9  }
0x27: {  	s1 =	sld [smem:$0x3FA9]  }
0x28: {  	s2 =	sld [smem:$0x3FAA]  }
0x29: {  	s4 =	sld [smem:$0x3FAC]  }
0x2a: {  	p0 =	seq.s32 s5, $0x0;
	s5 =	sld [smem:$0x3FAD]  }
0x2b: {  	s6 =	sld [smem:$0x3FAE]  }
0x2c: {  	s7 =	sld [smem:$0x3FAF]  }
0x2d: {  	s3 =	simm.s32 $0x108;
	s8 =	sld [smem:$0x3FB0]  }
0x2e: {  	s3 =	simm.s32 @!p0 $0x1082;
	s9 =	sld [smem:$0x3FB1]  }
0x2f: {  	lr =	sadd.s32 s0, s3;
	s0 =	sld [smem:$0x3FA8]  }
0x30: {  	s3 =	sld [smem:$0x3FAB]  }
0x31: {  	[smem:$0x3FB4] =	sst s10  }
0x32: {  	s10 =	sld [smem:$0x3FB2];
	_ =	sdelay $0x3  }
0x33: {  	p0 =	seq.s32 s10, $0x1;
	s10 =	sld [smem:$0x3FB4];
	_ =	sdelay $0x3  }
0x34: {  	[smem:$0x3FB4] =	sst s10  }
0x35: {  	s10 =	sld [smem:$0x3FB3];
	_ =	sdelay $0x3  }
0x36: {  	p1 =	seq.s32 s10, $0x1;
	s10 =	sld [smem:$0x3FB4];
	_ =	sdelay $0x3  }
0x37: {  	[smem:$0x3FB4] =	sst s10  }
0x38: {  	s10 =	sld [smem:$0x3FB5]  }
0x39: {  	_ = 	snop;
	(pc) =	sbr.ind lr, $3  }
0x3a: {  	_ = 	snop  }
0x3b: {  	_ = 	snop  }
0x3c: {  	p2 =	seq.s32 s10, $0x1;
	s10 =	sld [smem:$0x3FB4]  }
0x3d: {  	_ =	shalt  }
0x3e: {  	_ =	shalt  }
0x3f: {  	_ =	shalt  }
0x40: {  	_ =	shalt  }
0x41: {  	_ =	shalt  }
0x42: {  	_ =	shalt  }
0x43: {  	_ =	shalt  }
0x44: {  	_ =	shalt  }
0x45: {  	_ =	shalt  }
0x46: {  	_ =	shalt  }
0x47: {  	_ =	shalt  }
0x48: {  	_ =	shalt  }
0x49: {  	_ =	shalt  }
0x4a: {  	_ =	shalt  }
0x4b: {  	_ =	shalt  }
0x4c: {  	_ =	shalt  }
0x4d: {  	_ =	shalt  }
0x4e: {  	_ =	shalt  }
0x4f: {  	_ =	shalt  }
0x50: {  	_ =	shalt  }
0x51: {  	_ =	shalt  }
0x52: {  	_ =	shalt  }
0x53: {  	_ =	shalt  }
0x54: {  	_ =	shalt  }
0x55: {  	_ =	shalt  }
0x56: {  	_ =	shalt  }
0x57: {  	_ =	shalt  }
0x58: {  	_ =	shalt  }
0x59: {  	_ =	shalt  }
0x5a: {  	_ =	shalt  }
0x5b: {  	_ =	shalt  }
0x5c: {  	_ =	shalt  }
0x5d: {  	_ =	shalt  }
0x5e: {  	_ =	shalt  }
0x5f: {  	_ =	shalt  }
0x60: {  	_ =	shalt  }
0x61: {  	_ =	shalt  }
0x62: {  	_ =	shalt  }
0x63: {  	_ =	shalt  }
0x64: {  	_ =	shalt  }
0x65: {  	_ =	shalt  }
0x66: {  	_ =	shalt  }
0x67: {  	_ =	shalt  }
0x68: {  	_ =	shalt  }
0x69: {  	_ =	shalt  }
0x6a: {  	_ =	shalt  }
0x6b: {  	_ =	shalt  }
0x6c: {  	_ =	shalt  }
0x6d: {  	_ =	shalt  }
0x6e: {  	_ =	shalt  }
0x6f: {  	_ =	shalt  }
0x70: {  	_ =	shalt  }
0x71: {  	_ =	shalt  }
0x72: {  	_ =	shalt  }
0x73: {  	_ =	shalt  }
0x74: {  	_ =	shalt  }
0x75: {  	_ =	shalt  }
0x76: {  	_ =	shalt  }
0x77: {  	_ =	shalt  }
0x78: {  	_ =	shalt  }
0x79: {  	_ =	shalt  }
0x7a: {  	_ =	shalt  }
0x7b: {  	_ =	shalt  }
0x7c: {  	_ =	shalt  }
0x7d: {  	_ =	shalt  }
0x7e: {  	_ =	shalt  }
0x7f: {  	_ =	shalt  }
0x80: {  	_ =	shalt  }
0x81: {  	_ =	shalt  }
0x82: {  	_ =	shalt  }
0x83: {  	_ =	shalt  }
0x84: {  	_ =	shalt  }
0x85: {  	_ =	shalt  }
0x86: {  	_ =	shalt  }
0x87: {  	_ =	shalt  }
.Lfunc_end0:
.L_simem_size_0:
called_computation.3_lowered:
.L_overlay_start_0:
0x88: {  	s2 =	sld [smem:$0x3FD9]  }
0x89: {  	s3 =	sld [smem:$0x3FFE];
	_ =	sdelay $0x1  }
0x8a: {  	s1 =	srdreg.scid  }
0x8b: {  	s0 =	sand.u32 $0x1, s1  }
0x8c: {  	s17 =	sshll.u32 s0, $0xA;
	s2 =	sadd.s32 s3, s2  }
0x8d: {  	s2 =	sadd.s32 s2, s17  }
0x8e: {  	[smem:$0x3FC0] =	sst s2  }
0x8f: {  	_ = 	snop  }
0x90: {  	s18 =	sld [smem:$0x3FC9];
	(tm) =	ssettm $0x1  }
0x91: {  	s19 =	sld [smem:$0x3FFB];
	_ =	sdelay $0x3  }
0x92: {  	_ =	strace s19  }
0x93: {  	s2 =	sld [smem:$0x3FFC];
	_ =	sdelay $0x3  }
0x94: {  	_ =	strace s2  }
0x95: {  	s2 =	sld [smem:$0x3FFD];
	_ =	sdelay $0x3  }
0x96: {  	_ =	strace s2  }
0x97: {  	_ =	strace $0x8FFFFFFF  }
0x98: {  	s20 =	sld [smem:$0x3FDB];
	_ =	sdelay $0x1  }
0x99: {  	s4 =	simm.s32 $_scs_section_size  }
0x9a: {  	s5 =	simm.s32 $_size__tile_overlayer_lowered;
	s6 =	simm.s32 $_tile_overlayer_lowered  }
0x9b: {  	s7 =	simm.s32 $0x1BFF;
	s21 =	sshll.u32 s6, $0x1;
	s4 =	sadd.s32 s4, s20  }
0x9c: {  	s22 =	simm.s32 $0x0;
	s5 =	sshll.u32 s5, $0x1;
	s6 =	sadd.s32 s21, s4  }
0x9d: {  	[timem:s22], [sflag:s7] =	dma.local [hbm:s6], s5  }
0x9e: {  	_ =	swait.ge [sflag:s7], s5  }
0x9f: {  	s5 =	ssub.s32 $0x0, s5;
	[sflag:s7] =	ssyncset.done $0x0  }
0xa0: {  	[sflag:s7] =	ssyncadd.s32 s5;
	_ =	sdelay $0x1  }
0xa1: {  	s23 =	simm.s32 $0x1B8B  }
0xa2: {  	_ =	swait.ge [sflag:s23], $0x1  }
0xa3: {  	[sflag:s23] =	ssyncset.done $0x0  }
0xa4: {  	[sflag:s23] =	ssyncadd.s32 $0xFFFFFFFF  }
0xa5: {  	s5 =	sld [smem:$0x0]  }
0xa6: {  	s6 =	sand.u32 $0xFFFFFFFE, s1  }
0xa7: {  	p0 =	sne.s32 s1, s6  }
0xa8: {  	s6 =	sshll.u32 @p0 s6, $0xE  }
0xa9: {  	s6 =	sadd.s32 @p0 $0x11B8D, s6;
	s7 =	sshll.u32 @p0 s5, $0x11  }
0xaa: {  	s6 =	sor.u32 @p0 s7, s6  }
0xab: {  	[sflag:s6] =	ssyncadd.remote.s32 @p0 $0x1;
	_ =	sdelay $0x1  }
0xac: {  	s6 =	simm.s32 @p0 $0x1B8D  }
0xad: {  	_ =	swait.eq @p0 [sflag:s6], $0x1  }
0xae: {  	[sflag:s6] =	ssyncadd.s32 @p0 $0xFFFFFFFF  }
0xaf: {  	s7 =	sshll.u32 @!p0 s1, $0xE  }
0xb0: {  	s7 =	sor.u32 @!p0 $0x4000, s7;
	s6 =	simm.s32 @!p0 $0x1B8D  }
0xb1: {  	s5 =	sshll.u32 @!p0 s5, $0x11;
	s7 =	sadd.s32 @!p0 $0x11B8D, s7;
	_ =	swait.eq @!p0 [sflag:s6], $0x1  }
0xb2: {  	s5 =	sor.u32 @!p0 s5, s7;
	[sflag:s6] =	ssyncadd.s32 @!p0 $0xFFFFFFFF  }
0xb3: {  	s25 =	simm.s32 $0x1B8E;
	s24 =	sld [smem:$0x3FFE];
	[sflag:s5] =	ssyncadd.remote.s32 @!p0 $0x1  }
0xb4: {  	s26 =	simm.s32 $execute0_lowered;
	[smem:$0x3FD2] =	sst s25  }
0xb5: {  	s6 =	sshll.u32 s26, $0x1;
	_ =	strace $0x8000004F;
	[dreg:$0x1] =	wrdreg $0xFFFFFFFF  }
0xb6: {  	s28 =	simm.s32 $_size_execute0_lowered;
	s4 =	sadd.s32 s4, s6;
	[dreg:$0x0] =	wrdreg $0x0  }
0xb7: {  	s6 =	sshll.u32 s28, $0x1;
	[dreg:$0x2] =	wrdreg s4  }
0xb8: {  	[dreg:$0x3] =	wrdreg s6  }
0xb9: {  	[dreg:$0x4] =	wrdreg $0xC0  }
0xba: {  	_ =	task [dreg:s22], $0x5FFFF  }
0xbb: {  	[dreg:$0x1] =	wrdreg $0xFFFFFFFF  }
0xbc: {  	[dreg:$0x0] =	wrdreg $0x60  }
0xbd: {  	[dreg:$0x2] =	wrdreg s18  }
0xbe: {  	[dreg:$0x3] =	wrdreg s24  }
0xbf: {  	[dreg:$0x4] =	wrdreg $0xC  }
0xc0: {  	_ =	task.clear_ibuf [dreg:s22], $0x5FFFF;
	_ =	strace $0x9000004F  }
0xc1: {  	s29 =	simm.s32 $0xC;
	_ =	strace $0x80000051  }
0xc2: {  	_ =	swait.ge [sflag:s29], $0x1  }
0xc3: {  	[sflag:s29] =	ssyncadd.s32 $0xFFFFFFFF  }
0xc4: {  	_ =	strace $0x90000051  }
0xc5: {  	_ =	sfence  }
0xc6: {  	s30 =	sld [smem:$0x0];
	_ =	sdelay $0x2  }
0xc7: {  	s31 =	sshll.u32 s1, $0xD;
	s1 =	sshrl.u32 s1, $0x2  }
0xc8: {  	s4 =	sand.u32 $0x4000, s31;
	s1 =	sadd.s32 s1, s30  }
0xc9: {  	s0 =	sor.u32 s4, s0;
	s1 =	sshll.u32 s1, $0x11  }
0xca: {  	s0 =	sor.u32 s1, s0  }
0xcb: {  	s0 =	sadd.s32 $0x8F2B, s0  }
0xcc: {  	[sflag:s0] =	ssyncadd.remote.s32 $0x1  }
0xcd: {  	_ =	sfence.sel $0xFFFF  }
0xce: {  	[dreg:$0x0] =	wrdreg $0xFFFFFFFF;
	(pc) =	sbr.abs _section_cstart, $3  }
0xcf: {  	[dreg:$0x1] =	wrdreg $0xFFFFFFFF  }
0xd0: {  	_ =	task.clear_ibuf [dreg:s22], $0x2FFFF;
	_ =	strace $0x9FFFFFFF  }
0xd1: {  	(tm) =	ssettm $0x7FFFFFFF  }
tec
execute0_lowered:
.L_overlay_start_1:
0x0: {  	(tag) =	ssettag $0x1  }
0x1: {  	s1 =	rddreg [dreg:$0x0]  }
0x2: {  	s0 =	rddreg [dreg:$0x1]  }
0x3: {  	s3 =	simm.s32 $0x0;
	s2 =	srdreg.scid;
	s5 =	stileid.u32  }
0x4: {  	s8 =	simm.s32 $0x1000;
	s9 =	simm.s32 $0x1800;
	s10 =	simm.s32 $0x2000  }
0x5: {  	s11 =	simm.s32 $0x2800;
	s12 =	simm.s32 $0x3000;
	s18 =	simm.s32 $0x6000  }
0x6: {  	s19 =	simm.s32 $0x6800;
	s20 =	simm.s32 $0x7000;
	s21 =	simm.s32 $0x7800  }
0x7: {  	s22 =	simm.s32 $0x8000;
	s23 =	simm.s32 $0x8800;
	s25 =	simm.s32 $0x9800  }
0x8: {  	s28 =	simm.s32 $0xA800;
	s29 =	simm.s32 $0x1;
	s30 =	simm.s32 $0x4  }
0x9: {  	s31 =	simm.s32 $0x0;
	[smem:$0x7FF] =	sst s3;
	s2 =	sand.u32 $0x1, s2  }
0xa: {  	s4 =	sshll.u32 s5, $0xA;
	s5 =	smul.u32 $0xFA00, s5;
	_ =	strace $0x80000050  }
.Ltmp0:
0xb: {  	s6 =	sshll.u32 s2, $0x9;
	s7 =	ssub.s32 $0x2, s2;
	(pc) =	sbr.rel .LBB2_1-.Ltmp0, $4  }
0xc: {  	s2 =	smul.u32 $0x7D00, s2;
	s4 =	sor.u32 s6, s4;
	s26 =	sshrl.u32 s7, $0x1  }
0xd: {  	v2 =	vlaneseq.u32;
	s5 =	sadd.s32 s5, s0;
	s0 =	sadd.s32 s4, s0;
	s6 =	ssub.s32 s7, s26  }
0xe: {  	vm0 =	vmmov $0xffff;
	v1 =	vshrl.u32 v2, $0x3;
	s2 =	sadd.s32 s2, s5;
	s7 =	simm.s32 $0x5;
	s26 =	simm.s32 $0xA000  }
0xf: {  	v0 =	vand.u32 $0x7, v2;
	v2 =	vor.u32 $0x8, v2;
	v1 =	vmul.u32 $0x8, v1;
	s4 =	sadd.s32 $0x2FE800, s0;
	s5 =	smax.u32 s6, $0x1;
	s6 =	sadd.s32 $0x302800, s2  }
.LBB2_8:
0x10: {  	s31 =	sadd.s32 $0x1, s31  }
0x11: {  	p0 =	sne.s32 s31, s5  }
.Ltmp1:
0x12: {  	_ = 	snop;
	(pc) =	sbr.rel @!p0 .LBB2_9-.Ltmp1, $1  }
0x13: {  	_ =	sdelay $0x3  }
.LBB2_1:
0x14: {  	[tilespmem:s3], [sflag:$0x5] =	stream.linear.gather [hbm4b:s4+s3], $0xC80, $0x38;
	[tilespmem:$0xB000] =	vst v63  }
0x15: {  	_ =	swait.ge [sflag:s7], $0xC80  }
0x16: {  	[sflag:s7] =	ssyncset.done $0x0  }
0x17: {  	[sflag:s7] =	ssyncadd.s32 $0xFFFFF380  }
0x18: {  	v3 =	vld [tilespmem:$0x0];
	_ =	sdelay $0x4  }
0x19: {  	v4 =	vshll.u32 v3, $0x1  }
0x1a: {  	v3 =	vand.u32 $0x7, v3;
	v4 =	vand.u32 $0xFFFFFFF0, v4  }
0x1b: {  	v3 =	vor.u32 v3, v4  }
0x1c: {  	v4 =	vperm.xlane v3, v0;
	_ =	sdelay $0x1  }
0x1d: {  	v3 =	vperm.xlane v3, v2;
	v4 =	vadd.s32 v1, v4;
	_ =	sdelay $0x1  }
0x1e: {  	v3 =	vadd.s32 v1, v3;
	_ =	sdelay $0x2  }
0x1f: {  	[tilespmem:s8], [sflag:$0x1] =	stream.indirect_vreg.gather [hbm4b:s1+s3], $0x80, v4, vm0, $0xb8;
	[tilespmem:$0xB000] =	vst v63  }
0x20: {  	_ = 	snop  }
0x21: {  	[tilespmem:s9], [sflag:$0x1] =	stream.indirect_vreg.gather [hbm4b:s1+s3], $0x80, v3, vm0, $0xb8;
	[tilespmem:$0xB000] =	vst v63  }
0x22: {  	v3 =	vld [tilespmem:$0x10];
	_ =	sdelay $0x4  }
0x23: {  	v53 =	vshll.u32 v3, $0x1  }
0x24: {  	v3 =	vand.u32 $0x7, v3;
	v4 =	vand.u32 $0xFFFFFFF0, v53  }
0x25: {  	v3 =	vor.u32 v3, v4  }
0x26: {  	v4 =	vperm.xlane v3, v0;
	_ =	sdelay $0x1  }
0x27: {  	v3 =	vperm.xlane v3, v2;
	v4 =	vadd.s32 v1, v4;
	_ =	sdelay $0x1  }
0x28: {  	v3 =	vadd.s32 v1, v3;
	_ =	sdelay $0x2  }
0x29: {  	[tilespmem:s10], [sflag:$0x1] =	stream.indirect_vreg.gather [hbm4b:s1+s3], $0x80, v4, vm0, $0xb8;
	[tilespmem:$0xB000] =	vst v63  }
0x2a: {  	_ = 	snop  }
0x2b: {  	[tilespmem:s11], [sflag:$0x1] =	stream.indirect_vreg.gather [hbm4b:s1+s3], $0x80, v3, vm0, $0xb8;
	[tilespmem:$0xB000] =	vst v63  }
0x2c: {  	v3 =	vld.msk [tilespmem:$0x20], $0xff;
	_ =	sdelay $0x4  }
0x2d: {  	v54 =	vshll.u32 v3, $0x1  }
0x2e: {  	v3 =	vand.u32 $0x7, v3;
	v4 =	vand.u32 $0xFFFFFFF0, v54  }
0x2f: {  	v3 =	vor.u32 v3, v4  }
0x30: {  	v3 =	vperm.xlane v3, v0;
	_ =	sdelay $0x1  }
0x31: {  	v3 =	vadd.s32 v1, v3;
	_ =	sdelay $0x4  }
0x32: {  	[tilespmem:s12], [sflag:$0x1] =	stream.indirect_vreg.gather [hbm4b:s1+s3], $0x80, v3, vm0, $0xb8;
	[tilespmem:$0xB000] =	vst v63  }
0x33: {  	v3 =	vld [tilespmem:$0x80];
	_ =	sdelay $0x4  }
0x34: {  	v55 =	vshll.u32 v3, $0x1  }
0x35: {  	v3 =	vand.u32 $0x7, v3;
	v4 =	vand.u32 $0xFFFFFFF0, v55  }
0x36: {  	v3 =	vor.u32 v3, v4  }
0x37: {  	v4 =	vperm.xlane v3, v0;
	_ =	sdelay $0x1  }
0x38: {  	v3 =	vperm.xlane v3, v2;
	v4 =	vadd.s32 v1, v4;
	_ =	sdelay $0x1  }
0x39: {  	v3 =	vadd.s32 v1, v3;
	_ =	sdelay $0x1  }
0x3a: {  	s0 =	simm.s32 $0x3800  }
0x3b: {  	[tilespmem:s0], [sflag:$0x2] =	stream.indirect_vreg.gather [hbm4b:s1+s3], $0x80, v4, vm0, $0xb8;
	[tilespmem:$0xB000] =	vst v63  }
0x3c: {  	s14 =	simm.s32 $0x4000  }
0x3d: {  	[tilespmem:s14], [sflag:$0x2] =	stream.indirect_vreg.gather [hbm4b:s1+s3], $0x80, v3, vm0, $0xb8;
	[tilespmem:$0xB000] =	vst v63  }
0x3e: {  	v3 =	vld [tilespmem:$0x90];
	_ =	sdelay $0x4  }
0x3f: {  	v56 =	vshll.u32 v3, $0x1  }
0x40: {  	v3 =	vand.u32 $0x7, v3;
	v4 =	vand.u32 $0xFFFFFFF0, v56  }
0x41: {  	v3 =	vor.u32 v3, v4  }
0x42: {  	v4 =	vperm.xlane v3, v0;
	_ =	sdelay $0x1  }
0x43: {  	v3 =	vperm.xlane v3, v2;
	v4 =	vadd.s32 v1, v4;
	_ =	sdelay $0x1  }
0x44: {  	v3 =	vadd.s32 v1, v3;
	_ =	sdelay $0x1  }
0x45: {  	s15 =	simm.s32 $0x4800  }
0x46: {  	[tilespmem:s15], [sflag:$0x2] =	stream.indirect_vreg.gather [hbm4b:s1+s3], $0x80, v4, vm0, $0xb8;
	[tilespmem:$0xB000] =	vst v63  }
0x47: {  	s16 =	simm.s32 $0x5000  }
0x48: {  	[tilespmem:s16], [sflag:$0x2] =	stream.indirect_vreg.gather [hbm4b:s1+s3], $0x80, v3, vm0, $0xb8;
	[tilespmem:$0xB000] =	vst v63  }
0x49: {  	v3 =	vld.msk [tilespmem:$0xA0], $0xff;
	_ =	sdelay $0x4  }
0x4a: {  	v57 =	vshll.u32 v3, $0x1  }
0x4b: {  	v3 =	vand.u32 $0x7, v3;
	v4 =	vand.u32 $0xFFFFFFF0, v57  }
0x4c: {  	v3 =	vor.u32 v3, v4  }
0x4d: {  	v3 =	vperm.xlane v3, v0;
	_ =	sdelay $0x1  }
0x4e: {  	v3 =	vadd.s32 v1, v3;
	_ =	sdelay $0x3  }
0x4f: {  	s17 =	simm.s32 $0x5800  }
0x50: {  	[tilespmem:s17], [sflag:$0x2] =	stream.indirect_vreg.gather [hbm4b:s1+s3], $0x80, v3, vm0, $0xb8;
	[tilespmem:$0xB000] =	vst v63  }
0x51: {  	v3 =	vld [tilespmem:$0x100];
	_ =	sdelay $0x4  }
0x52: {  	v58 =	vshll.u32 v3, $0x1  }
0x53: {  	v3 =	vand.u32 $0x7, v3;
	v4 =	vand.u32 $0xFFFFFFF0, v58  }
0x54: {  	v3 =	vor.u32 v3, v4  }
0x55: {  	v4 =	vperm.xlane v3, v0;
	_ =	sdelay $0x1  }
0x56: {  	v3 =	vperm.xlane v3, v2;
	v4 =	vadd.s32 v1, v4;
	_ =	sdelay $0x1  }
0x57: {  	v3 =	vadd.s32 v1, v3;
	_ =	sdelay $0x2  }
0x58: {  	[tilespmem:s18], [sflag:$0x3] =	stream.indirect_vreg.gather [hbm4b:s1+s3], $0x80, v4, vm0, $0xb8;
	[tilespmem:$0xB000] =	vst v63  }
0x59: {  	_ = 	snop  }
0x5a: {  	[tilespmem:s19], [sflag:$0x3] =	stream.indirect_vreg.gather [hbm4b:s1+s3], $0x80, v3, vm0, $0xb8;
	[tilespmem:$0xB000] =	vst v63  }
0x5b: {  	v3 =	vld [tilespmem:$0x110];
	_ =	sdelay $0x4  }
0x5c: {  	v59 =	vshll.u32 v3, $0x1  }
0x5d: {  	v3 =	vand.u32 $0x7, v3;
	v4 =	vand.u32 $0xFFFFFFF0, v59  }
0x5e: {  	v3 =	vor.u32 v3, v4  }
0x5f: {  	v4 =	vperm.xlane v3, v0;
	_ =	sdelay $0x1  }
0x60: {  	v3 =	vperm.xlane v3, v2;
	v4 =	vadd.s32 v1, v4;
	_ =	sdelay $0x1  }
0x61: {  	v3 =	vadd.s32 v1, v3;
	_ =	sdelay $0x2  }
0x62: {  	[tilespmem:s20], [sflag:$0x3] =	stream.indirect_vreg.gather [hbm4b:s1+s3], $0x80, v4, vm0, $0xb8;
	[tilespmem:$0xB000] =	vst v63  }
0x63: {  	_ = 	snop  }
0x64: {  	[tilespmem:s21], [sflag:$0x3] =	stream.indirect_vreg.gather [hbm4b:s1+s3], $0x80, v3, vm0, $0xb8;
	[tilespmem:$0xB000] =	vst v63  }
0x65: {  	v3 =	vld.msk [tilespmem:$0x120], $0xff;
	_ =	sdelay $0x4  }
0x66: {  	v60 =	vshll.u32 v3, $0x1  }
0x67: {  	v3 =	vand.u32 $0x7, v3;
	v4 =	vand.u32 $0xFFFFFFF0, v60  }
0x68: {  	v3 =	vor.u32 v3, v4  }
0x69: {  	v3 =	vperm.xlane v3, v0;
	_ =	sdelay $0x1  }
0x6a: {  	v3 =	vadd.s32 v1, v3;
	_ =	sdelay $0x4  }
0x6b: {  	[tilespmem:s22], [sflag:$0x3] =	stream.indirect_vreg.gather [hbm4b:s1+s3], $0x80, v3, vm0, $0xb8;
	[tilespmem:$0xB000] =	vst v63  }
0x6c: {  	v3 =	vld [tilespmem:$0x180];
	_ =	sdelay $0x4  }
0x6d: {  	v61 =	vshll.u32 v3, $0x1  }
0x6e: {  	v3 =	vand.u32 $0x7, v3;
	v4 =	vand.u32 $0xFFFFFFF0, v61  }
0x6f: {  	v3 =	vor.u32 v3, v4  }
0x70: {  	v4 =	vperm.xlane v3, v0;
	_ =	sdelay $0x1  }
0x71: {  	v3 =	vperm.xlane v3, v2;
	v4 =	vadd.s32 v1, v4;
	_ =	sdelay $0x1  }
0x72: {  	v3 =	vadd.s32 v1, v3;
	_ =	sdelay $0x2  }
0x73: {  	[tilespmem:s23], [sflag:$0x4] =	stream.indirect_vreg.gather [hbm4b:s1+s3], $0x80, v4, vm0, $0xb8;
	[tilespmem:$0xB000] =	vst v63  }
0x74: {  	s24 =	simm.s32 $0x9000  }
0x75: {  	[tilespmem:s24], [sflag:$0x4] =	stream.indirect_vreg.gather [hbm4b:s1+s3], $0x80, v3, vm0, $0xb8;
	[tilespmem:$0xB000] =	vst v63  }
0x76: {  	v3 =	vld [tilespmem:$0x190];
	_ =	sdelay $0x4  }
0x77: {  	v62 =	vshll.u32 v3, $0x1  }
0x78: {  	v3 =	vand.u32 $0x7, v3;
	v4 =	vand.u32 $0xFFFFFFF0, v62  }
0x79: {  	v3 =	vor.u32 v3, v4  }
0x7a: {  	v4 =	vperm.xlane v3, v0;
	_ =	sdelay $0x1  }
0x7b: {  	v3 =	vperm.xlane v3, v2;
	v4 =	vadd.s32 v1, v4;
	_ =	sdelay $0x1  }
0x7c: {  	v3 =	vadd.s32 v1, v3;
	_ =	sdelay $0x2  }
0x7d: {  	[tilespmem:s25], [sflag:$0x4] =	stream.indirect_vreg.gather [hbm4b:s1+s3], $0x80, v4, vm0, $0xb8;
	[tilespmem:$0xB000] =	vst v63  }
0x7e: {  	_ = 	snop  }
0x7f: {  	[tilespmem:s26], [sflag:$0x4] =	stream.indirect_vreg.gather [hbm4b:s1+s3], $0x80, v3, vm0, $0xb8;
	[tilespmem:$0xB000] =	vst v63  }
0x80: {  	v3 =	vld.msk [tilespmem:$0x1A0], $0xff;
	_ =	sdelay $0x4  }
0x81: {  	v63 =	vshll.u32 v3, $0x1  }
0x82: {  	v3 =	vand.u32 $0x7, v3;
	v4 =	vand.u32 $0xFFFFFFF0, v63  }
0x83: {  	v3 =	vor.u32 v3, v4  }
0x84: {  	v3 =	vperm.xlane v3, v0;
	_ =	sdelay $0x1  }
0x85: {  	v3 =	vadd.s32 v1, v3  }
.Ltmp2:
0x86: {  	_ = 	snop;
	(pc) =	sbr.rel .LBB2_2-.Ltmp2, $4  }
0x87: {  	_ = 	snop  }
0x88: {  	s2 =	simm.s32 $0x3A0  }
0x89: {  	s13 =	simm.s32 $0x0;
	s0 =	simm.s32 $0x3;
	s14 =	simm.s32 $0x0  }
0x8a: {  	[tilespmem:s28], [sflag:$0x4] =	stream.indirect_vreg.gather [hbm4b:s1+s3], $0x80, v3, vm0, $0xb8;
	[tilespmem:$0xB000] =	vst v63  }
.LBB2_5:
0x8b: {  	v3 =	vld [tilespmem:s2+$0xFFFFFF60];
	_ =	sdelay $0x4  }
0x8c: {  	v4 =	vshll.u32 v3, $0x1  }
0x8d: {  	v3 =	vand.u32 $0x7, v3;
	v4 =	vand.u32 $0xFFFFFFF0, v4  }
0x8e: {  	v3 =	vor.u32 v3, v4  }
0x8f: {  	v4 =	vperm.xlane v3, v0;
	_ =	sdelay $0x1  }
0x90: {  	v3 =	vperm.xlane v3, v2;
	v4 =	vadd.s32 v1, v4;
	_ =	sdelay $0x1  }
0x91: {  	v3 =	vadd.s32 v1, v3;
	_ =	sdelay $0x2  }
0x92: {  	[tilespmem:s18], [sflag:$0x3] =	stream.indirect_vreg.gather [hbm4b:s1+s3], $0x80, v4, vm0, $0xb8;
	[tilespmem:$0xB000] =	vst v63  }
0x93: {  	_ = 	snop  }
0x94: {  	[tilespmem:s19], [sflag:$0x3] =	stream.indirect_vreg.gather [hbm4b:s1+s3], $0x80, v3, vm0, $0xb8;
	[tilespmem:$0xB000] =	vst v63  }
0x95: {  	v3 =	vld [tilespmem:s2+$0xFFFFFF70];
	_ =	sdelay $0x4  }
0x96: {  	v62 =	vshll.u32 v3, $0x1  }
0x97: {  	v3 =	vand.u32 $0x7, v3;
	v4 =	vand.u32 $0xFFFFFFF0, v62  }
0x98: {  	v3 =	vor.u32 v3, v4  }
0x99: {  	v4 =	vperm.xlane v3, v0;
	_ =	sdelay $0x1  }
0x9a: {  	v3 =	vperm.xlane v3, v2;
	v4 =	vadd.s32 v1, v4;
	_ =	sdelay $0x1  }
0x9b: {  	v3 =	vadd.s32 v1, v3;
	_ =	sdelay $0x2  }
0x9c: {  	[tilespmem:s20], [sflag:$0x3] =	stream.indirect_vreg.gather [hbm4b:s1+s3], $0x80, v4, vm0, $0xb8;
	[tilespmem:$0xB000] =	vst v63  }
0x9d: {  	_ = 	snop  }
0x9e: {  	[tilespmem:s21], [sflag:$0x3] =	stream.indirect_vreg.gather [hbm4b:s1+s3], $0x80, v3, vm0, $0xb8;
	[tilespmem:$0xB000] =	vst v63  }
0x9f: {  	v3 =	vld.msk [tilespmem:s2+$0xFFFFFF80], $0xff;
	_ =	sdelay $0x4  }
0xa0: {  	v63 =	vshll.u32 v3, $0x1  }
0xa1: {  	v3 =	vand.u32 $0x7, v3;
	v4 =	vand.u32 $0xFFFFFFF0, v63  }
0xa2: {  	v3 =	vor.u32 v3, v4  }
0xa3: {  	v3 =	vperm.xlane v3, v0;
	_ =	sdelay $0x1  }
0xa4: {  	v3 =	vadd.s32 v1, v3;
	_ =	sdelay $0x3  }
0xa5: {  	p0 =	por $0x1, $0x1  }
0xa6: {  	[tilespmem:s22], [sflag:$0x3] =	stream.indirect_vreg.gather [hbm4b:s1+s3], $0x80, v3, vm0, $0xb8;
	[tilespmem:$0xB000] =	vst v63  }
.LBB2_6:
0xa7: {  	_ =	swait.ge [sflag:s30], $0x2800  }
0xa8: {  	[sflag:s30] =	ssyncset.done $0x0  }
0xa9: {  	s15 =	sadd.s32 $0xF00, s15;
	[sflag:s30] =	ssyncadd.s32 $0xFFFFD800  }
0xaa: {  	[hbm4b:s15+s3] =	stream.linear.scatter [tilespmem:s23], [sflag:$0x5], $0x2800, $0x38;
	[tilespmem:$0xB000] =	vst v63  }
0xab: {  	_ =	swait.ge [sflag:s7], $0x2800  }
0xac: {  	[sflag:s7] =	ssyncset.done $0x0  }
0xad: {  	[sflag:s7] =	ssyncadd.s32 $0xFFFFD800  }
0xae: {  	v3 =	vld @p0 [tilespmem:s2+$0xFFFFFFE0];
	_ =	sdelay $0x4  }
0xaf: {  	v4 =	vshll.u32 @p0 v3, $0x1  }
0xb0: {  	v5 =	vlaneseq.u32 @p0;
	v3 =	vand.u32 @p0 $0x7, v3;
	v4 =	vand.u32 @p0 $0xFFFFFFF0, v4  }
0xb1: {  	v6 =	vshrl.u32 @p0 v5, $0x3;
	v3 =	vor.u32 @p0 v3, v4;
	v4 =	vand.u32 @p0 $0x7, v5  }
0xb2: {  	v6 =	vmul.u32 @p0 $0x8, v6;
	v7 =	vperm.xlane @p0 v3, v4  }
0xb3: {  	v5 =	vor.u32 @p0 $0x8, v5  }
0xb4: {  	v3 =	vperm.xlane @p0 v3, v5;
	v7 =	vadd.s32 @p0 v6, v7;
	_ =	sdelay $0x1  }
0xb5: {  	v3 =	vadd.s32 @p0 v6, v3;
	_ =	sdelay $0x1  }
0xb6: {  	vm1 =	vmmov @p0 $0xffff;
	s16 =	simm.s32 @p0 $0x8800;
	s15 =	simm.s32 @p0 $0x0  }
0xb7: {  	[tilespmem:s16], [sflag:$0x4] =	stream.indirect_vreg.gather @p0 [hbm4b:s1+s15], $0x80, v7, vm1, $0xb8;
	[tilespmem:$0xB000] =	vst v63  }
0xb8: {  	s16 =	simm.s32 @p0 $0x9000  }
0xb9: {  	[tilespmem:s16], [sflag:$0x4] =	stream.indirect_vreg.gather @p0 [hbm4b:s1+s15], $0x80, v3, vm1, $0xb8;
	[tilespmem:$0xB000] =	vst v63  }
0xba: {  	v3 =	vld @p0 [tilespmem:s2+$0xFFFFFFF0];
	_ =	sdelay $0x4  }
0xbb: {  	v7 =	vshll.u32 @p0 v3, $0x1  }
0xbc: {  	v3 =	vand.u32 @p0 $0x7, v3;
	v7 =	vand.u32 @p0 $0xFFFFFFF0, v7  }
0xbd: {  	v3 =	vor.u32 @p0 v3, v7  }
0xbe: {  	v7 =	vperm.xlane @p0 v3, v4;
	_ =	sdelay $0x1  }
0xbf: {  	v3 =	vperm.xlane @p0 v3, v5;
	v7 =	vadd.s32 @p0 v6, v7;
	_ =	sdelay $0x1  }
0xc0: {  	v3 =	vadd.s32 @p0 v6, v3;
	_ =	sdelay $0x1  }
0xc1: {  	s16 =	simm.s32 @p0 $0x9800  }
0xc2: {  	[tilespmem:s16], [sflag:$0x4] =	stream.indirect_vreg.gather @p0 [hbm4b:s1+s15], $0x80, v7, vm1, $0xb8;
	[tilespmem:$0xB000] =	vst v63  }
0xc3: {  	s16 =	simm.s32 @p0 $0xA000  }
0xc4: {  	[tilespmem:s16], [sflag:$0x4] =	stream.indirect_vreg.gather @p0 [hbm4b:s1+s15], $0x80, v3, vm1, $0xb8;
	[tilespmem:$0xB000] =	vst v63  }
0xc5: {  	v3 =	vld.msk @p0 [tilespmem:s2+$0x0], $0xff;
	_ =	sdelay $0x4  }
0xc6: {  	v5 =	vshll.u32 @p0 v3, $0x1  }
0xc7: {  	v3 =	vand.u32 @p0 $0x7, v3;
	v5 =	vand.u32 @p0 $0xFFFFFFF0, v5  }
0xc8: {  	v3 =	vor.u32 @p0 v3, v5  }
0xc9: {  	v3 =	vperm.xlane @p0 v3, v4;
	_ =	sdelay $0x1  }
0xca: {  	v3 =	vadd.s32 @p0 v6, v3;
	_ =	sdelay $0x3  }
0xcb: {  	s16 =	simm.s32 @p0 $0xA800  }
0xcc: {  	[tilespmem:s16], [sflag:$0x4] =	stream.indirect_vreg.gather @p0 [hbm4b:s1+s15], $0x80, v3, vm1, $0xb8;
	[tilespmem:$0xB000] =	vst v63  }
.LBB2_7:
0xcd: {  	s13 =	sadd.s32 $0x1400, s13  }
0xce: {  	p0 =	sne.s32 s13, $0x8C00  }
.Ltmp3:
0xcf: {  	_ = 	snop;
	(pc) =	sbr.rel @!p0 .LBB2_8-.Ltmp3, $2  }
0xd0: {  	_ =	sdelay $0x2  }
0xd1: {  	s14 =	sadd.s32 $0x1, s14;
	s0 =	sadd.s32 $0x4, s0;
	s2 =	sadd.s32 $0x200, s2  }
.LBB2_2:
0xd2: {  	_ =	swait.ge [sflag:s29], $0x2800  }
0xd3: {  	p0 =	seq.s32 s13, $0x7800;
	[sflag:s29] =	ssyncset.done $0x0  }
.Ltmp4:
0xd4: {  	s15 =	sadd.s32 s13, s6;
	[sflag:s29] =	ssyncadd.s32 $0xFFFFD800;
	(pc) =	sbr.rel @p0 .LBB2_8-.Ltmp4, $4  }
0xd5: {  	[hbm4b:s15+s3] =	stream.linear.scatter [tilespmem:s8], [sflag:$0x5], $0x2800, $0x38;
	[tilespmem:$0xB000] =	vst v63  }
0xd6: {  	_ =	swait.ge [sflag:s7], $0x2800  }
0xd7: {  	[sflag:s7] =	ssyncset.done $0x0  }
0xd8: {  	[sflag:s7] =	ssyncadd.s32 $0xFFFFD800  }
0xd9: {  	v3 =	vld [tilespmem:s2+$0xFFFFFE60];
	_ =	sdelay $0x4  }
0xda: {  	v4 =	vshll.u32 v3, $0x1  }
0xdb: {  	v3 =	vand.u32 $0x7, v3;
	v4 =	vand.u32 $0xFFFFFFF0, v4  }
0xdc: {  	v3 =	vor.u32 v3, v4  }
0xdd: {  	v4 =	vperm.xlane v3, v0;
	_ =	sdelay $0x1  }
0xde: {  	v3 =	vperm.xlane v3, v2;
	v4 =	vadd.s32 v1, v4;
	_ =	sdelay $0x1  }
0xdf: {  	v3 =	vadd.s32 v1, v3;
	_ =	sdelay $0x2  }
0xe0: {  	[tilespmem:s8], [sflag:$0x1] =	stream.indirect_vreg.gather [hbm4b:s1+s3], $0x80, v4, vm0, $0xb8;
	[tilespmem:$0xB000] =	vst v63  }
0xe1: {  	_ = 	snop  }
0xe2: {  	[tilespmem:s9], [sflag:$0x1] =	stream.indirect_vreg.gather [hbm4b:s1+s3], $0x80, v3, vm0, $0xb8;
	[tilespmem:$0xB000] =	vst v63  }
0xe3: {  	v3 =	vld [tilespmem:s2+$0xFFFFFE70];
	_ =	sdelay $0x4  }
0xe4: {  	v62 =	vshll.u32 v3, $0x1  }
0xe5: {  	v3 =	vand.u32 $0x7, v3;
	v4 =	vand.u32 $0xFFFFFFF0, v62  }
0xe6: {  	v3 =	vor.u32 v3, v4  }
0xe7: {  	v4 =	vperm.xlane v3, v0;
	_ =	sdelay $0x1  }
0xe8: {  	v3 =	vperm.xlane v3, v2;
	v4 =	vadd.s32 v1, v4;
	_ =	sdelay $0x1  }
0xe9: {  	v3 =	vadd.s32 v1, v3;
	_ =	sdelay $0x2  }
0xea: {  	[tilespmem:s10], [sflag:$0x1] =	stream.indirect_vreg.gather [hbm4b:s1+s3], $0x80, v4, vm0, $0xb8;
	[tilespmem:$0xB000] =	vst v63  }
0xeb: {  	_ = 	snop  }
0xec: {  	[tilespmem:s11], [sflag:$0x1] =	stream.indirect_vreg.gather [hbm4b:s1+s3], $0x80, v3, vm0, $0xb8;
	[tilespmem:$0xB000] =	vst v63  }
0xed: {  	v3 =	vld.msk [tilespmem:s2+$0xFFFFFE80], $0xff;
	_ =	sdelay $0x4  }
0xee: {  	v63 =	vshll.u32 v3, $0x1  }
0xef: {  	v3 =	vand.u32 $0x7, v3;
	v4 =	vand.u32 $0xFFFFFFF0, v63  }
0xf0: {  	v3 =	vor.u32 v3, v4  }
0xf1: {  	v3 =	vperm.xlane v3, v0;
	_ =	sdelay $0x1  }
0xf2: {  	v3 =	vadd.s32 v1, v3;
	_ =	sdelay $0x1  }
0xf3: {  	s16 =	sadd.s32 $0xFFFFFFFE, s0  }
0xf4: {  	p0 =	sgt.u32 s16, $0x18  }
0xf5: {  	s16 =	simm.s32 @!p0 $0x2  }
0xf6: {  	[tilespmem:s12], [sflag:$0x1] =	stream.indirect_vreg.gather [hbm4b:s1+s3], $0x80, v3, vm0, $0xb8;
	[tilespmem:$0xB000] =	vst v63  }
0xf7: {  	_ =	swait.ge @!p0 [sflag:s16], $0x2800  }
0xf8: {  	[sflag:s16] =	ssyncset.done @!p0 $0x0  }
0xf9: {  	[sflag:s16] =	ssyncadd.s32 @!p0 $0xFFFFD800;
	s16 =	sadd.s32 @!p0 s13, s6  }
0xfa: {  	s17 =	simm.s32 @!p0 $0x0;
	s24 =	simm.s32 @!p0 $0x3800;
	s16 =	sadd.s32 @!p0 $0x500, s16  }
0xfb: {  	[hbm4b:s16+s17] =	stream.linear.scatter @!p0 [tilespmem:s24], [sflag:$0x5], $0x2800, $0x38;
	[tilespmem:$0xB000] =	vst v63  }
0xfc: {  	s16 =	simm.s32 @!p0 $0x5  }
0xfd: {  	_ =	swait.ge @!p0 [sflag:s16], $0x2800  }
0xfe: {  	[sflag:s16] =	ssyncset.done @!p0 $0x0  }
0xff: {  	[sflag:s16] =	ssyncadd.s32 @!p0 $0xFFFFD800;
	p0 =	sgt.u32 s14, $0x4  }
0x100: {  	v3 =	vld @!p0 [tilespmem:s2+$0xFFFFFEE0];
	_ =	sdelay $0x4  }
0x101: {  	v4 =	vshll.u32 @!p0 v3, $0x1  }
0x102: {  	v5 =	vlaneseq.u32 @!p0;
	v3 =	vand.u32 @!p0 $0x7, v3;
	v4 =	vand.u32 @!p0 $0xFFFFFFF0, v4  }
0x103: {  	v6 =	vshrl.u32 @!p0 v5, $0x3;
	v3 =	vor.u32 @!p0 v3, v4;
	v4 =	vand.u32 @!p0 $0x7, v5  }
0x104: {  	v6 =	vmul.u32 @!p0 $0x8, v6;
	v7 =	vperm.xlane @!p0 v3, v4  }
0x105: {  	v5 =	vor.u32 @!p0 $0x8, v5  }
0x106: {  	v3 =	vperm.xlane @!p0 v3, v5;
	v7 =	vadd.s32 @!p0 v6, v7;
	_ =	sdelay $0x1  }
0x107: {  	v3 =	vadd.s32 @!p0 v6, v3;
	_ =	sdelay $0x1  }
0x108: {  	vm1 =	vmmov @!p0 $0xffff;
	s16 =	simm.s32 @!p0 $0x0;
	s17 =	simm.s32 @!p0 $0x3800  }
0x109: {  	[tilespmem:s17], [sflag:$0x2] =	stream.indirect_vreg.gather @!p0 [hbm4b:s1+s16], $0x80, v7, vm1, $0xb8;
	[tilespmem:$0xB000] =	vst v63  }
0x10a: {  	s17 =	simm.s32 @!p0 $0x4000  }
0x10b: {  	[tilespmem:s17], [sflag:$0x2] =	stream.indirect_vreg.gather @!p0 [hbm4b:s1+s16], $0x80, v3, vm1, $0xb8;
	[tilespmem:$0xB000] =	vst v63  }
0x10c: {  	v3 =	vld @!p0 [tilespmem:s2+$0xFFFFFEF0];
	_ =	sdelay $0x4  }
0x10d: {  	v7 =	vshll.u32 @!p0 v3, $0x1  }
0x10e: {  	v3 =	vand.u32 @!p0 $0x7, v3;
	v7 =	vand.u32 @!p0 $0xFFFFFFF0, v7  }
0x10f: {  	v3 =	vor.u32 @!p0 v3, v7  }
0x110: {  	v7 =	vperm.xlane @!p0 v3, v4;
	_ =	sdelay $0x1  }
0x111: {  	v3 =	vperm.xlane @!p0 v3, v5;
	v7 =	vadd.s32 @!p0 v6, v7;
	_ =	sdelay $0x1  }
0x112: {  	v3 =	vadd.s32 @!p0 v6, v3;
	_ =	sdelay $0x1  }
0x113: {  	s17 =	simm.s32 @!p0 $0x4800  }
0x114: {  	[tilespmem:s17], [sflag:$0x2] =	stream.indirect_vreg.gather @!p0 [hbm4b:s1+s16], $0x80, v7, vm1, $0xb8;
	[tilespmem:$0xB000] =	vst v63  }
0x115: {  	s17 =	simm.s32 @!p0 $0x5000  }
0x116: {  	[tilespmem:s17], [sflag:$0x2] =	stream.indirect_vreg.gather @!p0 [hbm4b:s1+s16], $0x80, v3, vm1, $0xb8;
	[tilespmem:$0xB000] =	vst v63  }
0x117: {  	v3 =	vld.msk @!p0 [tilespmem:s2+$0xFFFFFF00], $0xff;
	_ =	sdelay $0x4  }
0x118: {  	v5 =	vshll.u32 @!p0 v3, $0x1  }
0x119: {  	v3 =	vand.u32 @!p0 $0x7, v3;
	v5 =	vand.u32 @!p0 $0xFFFFFFF0, v5  }
0x11a: {  	v3 =	vor.u32 @!p0 v3, v5  }
0x11b: {  	v3 =	vperm.xlane @!p0 v3, v4;
	_ =	sdelay $0x1  }
0x11c: {  	v3 =	vadd.s32 @!p0 v6, v3;
	_ =	sdelay $0x3  }
0x11d: {  	s24 =	sadd.s32 $0xFFFFFFFF, s0;
	s17 =	simm.s32 @!p0 $0x5800  }
0x11e: {  	[tilespmem:s17], [sflag:$0x2] =	stream.indirect_vreg.gather @!p0 [hbm4b:s1+s16], $0x80, v3, vm1, $0xb8;
	[tilespmem:$0xB000] =	vst v63  }
0x11f: {  	p0 =	sgt.u32 s24, $0x18  }
0x120: {  	s16 =	simm.s32 @!p0 $0x3  }
0x121: {  	_ =	swait.ge @!p0 [sflag:s16], $0x2800  }
0x122: {  	s17 =	simm.s32 @!p0 $0x0;
	[sflag:s16] =	ssyncset.done @!p0 $0x0  }
0x123: {  	p1 =	slt.u32 @!p0 s14, $0x5;
	[sflag:s16] =	ssyncadd.s32 @!p0 $0xFFFFD800;
	s16 =	sadd.s32 @!p0 s13, s6  }
0x124: {  	s24 =	simm.s32 @!p0 $0x6000;
	p1 =	por p0, !p1;
	s16 =	sadd.s32 @!p0 $0xA00, s16  }
0x125: {  	[hbm4b:s16+s17] =	stream.linear.scatter @!p0 [tilespmem:s24], [sflag:$0x5], $0x2800, $0x38;
	[tilespmem:$0xB000] =	vst v63  }
.Ltmp5:
0x126: {  	_ = 	snop;
	(pc) =	sbr.rel @!p1 .LBB2_5-.Ltmp5, $4  }
0x127: {  	s16 =	simm.s32 @!p0 $0x5  }
0x128: {  	_ =	swait.ge @!p0 [sflag:s16], $0x2800  }
0x129: {  	[sflag:s16] =	ssyncset.done @!p0 $0x0  }
0x12a: {  	[sflag:s16] =	ssyncadd.s32 @!p0 $0xFFFFD800  }
0x12b: {  	p1 =	slt.u32 s0, $0x19  }
.Ltmp6:
0x12c: {  	_ = 	snop;
	(pc) =	sbr.rel @p1 .LBB2_6-.Ltmp6, $4  }
.Ltmp7:
0x12d: {  	_ = 	snop;
	(pc) =	sbr.rel @!p1 .LBB2_7-.Ltmp7, $4  }
0x12e: {  	_ = 	snop  }
0x12f: {  	_ = 	snop  }
0x130: {  	p0 =	por $0x0, $0x0  }
0x131: {  	_ = 	snop  }
.LBB2_9:
0x132: {  	_ =	sfence.sel $0x180000  }
0x133: {  	[bflag:$0x0] =	sbarrier.arrive $0xFFFF  }
0x134: {  	_ =	strace $0x90000050  }
0x135: {  	s0 =	stileid.u32;
	[bflag:$0x2] =	sbarrier.arrive $0xFFFF  }
0x136: {  	p0 =	sne.s32 s0, $0x0;
	s0 =	rddreg [dreg:$0x2]  }
0x137: {  	s0 =	sadd.s32 @!p0 $0x100000, s0  }
0x138: {  	[sflag:s0] =	ssyncadd.tile.s32 @!p0 $0x1;
	_ =	shalt  }
.Lfunc_end2:
_tile_overlayer_lowered:
.L_overlay_start_2:
0x139: {  	(tag) =	ssettag $0x2  }
0x13a: {  	s0 =	rddreg [dreg:$0x0];
	s2 =	stileid.u32  }
0x13b: {  	s1 =	rddreg [dreg:$0x1];
	p0 =	sne.s32 s2, $0x0  }
0x13c: {  	s3 =	rddreg [dreg:$0x2];
	[bflag:$0x3] =	sbarrier.arrive $0xFFFF;
	s2 =	simm.s32 @!p0 $0x1C05  }
0x13d: {  	[timem:s3], [sflag:s2] =	dma.local @!p0 [hbm:s0], s1  }
0x13e: {  	s0 =	simm.s32 @!p0 $0x5  }
0x13f: {  	_ =	swait.ge @!p0 [sflag:s0], s1  }
0x140: {  	s1 =	ssub.s32 @!p0 $0x0, s1;
	[sflag:s0] =	ssyncset.done @!p0 $0x0  }
0x141: {  	[sflag:s0] =	ssyncadd.s32 @!p0 s1  }
0x142: {  	[bflag:$0x3] =	sbarrier.arrive $0xFFFF  }
0x143: {  	_ =	shalt  }

// kernel: kernel.25.cloned.1.call-start
scs
__scs_entry_jumppad:
0x0: {  	(pc) =	sbr.rel $0x88, $3  }
0x1: {  	(tag) =	ssettag $0x0;
	lr =	simm.s32 $0x1  }
0x2: {  	[smem:$0x3F99] =	sst lr;
	_ =	strace $0xD0000000  }
0x3: {  	_ = 	snop  }
0x4: {  	_ = 	snop  }
0x5: {  	_ = 	snop  }
0x6: {  	_ = 	snop  }
0x7: {  	_ = 	snop  }
__scs_overlays_trampoline_lowered:
0x8: {  	[smem:$0x3FA8] =	sst s0  }
0x9: {  	[smem:$0x3FA9] =	sst s1  }
0xa: {  	[smem:$0x3FAA] =	sst s2  }
0xb: {  	[smem:$0x3FAB] =	sst s3  }
0xc: {  	[smem:$0x3FAC] =	sst s4  }
0xd: {  	[smem:$0x3FAD] =	sst s5  }
0xe: {  	[smem:$0x3FAE] =	sst s6  }
0xf: {  	[smem:$0x3FAF] =	sst s7  }
0x10: {  	[smem:$0x3FB0] =	sst s8  }
0x11: {  	[smem:$0x3FB1] =	sst s9;
	s0 =	simm.s32 @!p0 $0x0  }
0x12: {  	s1 =	sld [smem:$0x3F97];
	s0 =	simm.s32 @p0 $0x1  }
0x13: {  	[smem:$0x3FB2] =	sst s0;
	s0 =	simm.s32 @!p1 $0x0  }
0x14: {  	s2 =	sld [smem:$0x3F96];
	s0 =	simm.s32 @p1 $0x1  }
0x15: {  	[smem:$0x3FB3] =	sst s0;
	s0 =	simm.s32 @!p2 $0x0  }
0x16: {  	s3 =	sld [smem:$0x3FDB];
	s0 =	simm.s32 @p2 $0x1  }
0x17: {  	s4 =	simm.s32 $0x1BF5;
	[smem:$0x3FB5] =	sst s0  }
0x18: {  	s0 =	sld [smem:$0x3F98];
	_ =	swait.ge [sflag:s4], $0x0  }
0x19: {  	s7 =	sld [smem:$0x3F99]  }
0x1a: {  	s8 =	sadd.s32 $0xFFFFE003, lr  }
0x1b: {  	s9 =	sadd.s32 $0xFFFFFEF7, lr;
	s5 =	simm.s32 $0xFFFFFFFF;
	p2 =	slt.u32 s8, $0xFFFFF086  }
0x1c: {  	p1 =	slt.u32 s9, $0xF7A;
	s5 =	simm.s32 @!p2 $0x0  }
0x1d: {  	s5 =	simm.s32 @p1 $0x1;
	p0 =	seq.s32 s7, s2  }
0x1e: {  	s7 =	smul.u32 @!p0 $0xF7A, s2;
	p2 =	seq.s32 @!p0 s5, $0x0  }
0x1f: {  	s9 =	smul.u32 $0xF7A, s1;
	s8 =	simm.s32 @!p0 $0x1BF5;
	p2 =	por !p2, p0  }
0x20: {  	[sflag:s8] =	ssyncset.s32 @!p0 $0xFFFFF086;
	s6 =	sadd.s32 @!p0 s3, s7;
	s7 =	simm.s32 @!p0 $0x108  }
0x21: {  	s3 =	sadd.s32 s3, s9;
	s6 =	sadd.s32 @!p0 $0x88, s6;
	s7 =	simm.s32 @p2 $0x1082  }
0x22: {  	[simem:s7], [sflag:s8] =	dma.local @!p0 [hbm:s6], $0xF7A  }
0x23: {  	s9 =	sor.u32 $0xD0000000, s2;
	s6 =	simm.s32 $0x108;
	_ =	swait.ge @!p0 [sflag:s8], $0x0  }
0x24: {  	s3 =	sadd.s32 $0x88, s3;
	s6 =	simm.s32 @!p1 $0x1082;
	[sflag:s4] =	ssyncset.s32 $0xFFFFF086  }
0x25: {  	[simem:s6], [sflag:s4] =	dma.local [hbm:s3], $0xF7A  }
0x26: {  	[smem:$0x3F99] =	sst s1;
	(tag) =	ssettag s2;
	_ =	strace s9  }
0x27: {  	s1 =	sld [smem:$0x3FA9]  }
0x28: {  	s2 =	sld [smem:$0x3FAA]  }
0x29: {  	s4 =	sld [smem:$0x3FAC]  }
0x2a: {  	p0 =	seq.s32 s5, $0x0;
	s5 =	sld [smem:$0x3FAD]  }
0x2b: {  	s6 =	sld [smem:$0x3FAE]  }
0x2c: {  	s7 =	sld [smem:$0x3FAF]  }
0x2d: {  	s3 =	simm.s32 $0x108;
	s8 =	sld [smem:$0x3FB0]  }
0x2e: {  	s3 =	simm.s32 @!p0 $0x1082;
	s9 =	sld [smem:$0x3FB1]  }
0x2f: {  	lr =	sadd.s32 s0, s3;
	s0 =	sld [smem:$0x3FA8]  }
0x30: {  	s3 =	sld [smem:$0x3FAB]  }
0x31: {  	[smem:$0x3FB4] =	sst s10  }
0x32: {  	s10 =	sld [smem:$0x3FB2];
	_ =	sdelay $0x3  }
0x33: {  	p0 =	seq.s32 s10, $0x1;
	s10 =	sld [smem:$0x3FB4];
	_ =	sdelay $0x3  }
0x34: {  	[smem:$0x3FB4] =	sst s10  }
0x35: {  	s10 =	sld [smem:$0x3FB3];
	_ =	sdelay $0x3  }
0x36: {  	p1 =	seq.s32 s10, $0x1;
	s10 =	sld [smem:$0x3FB4];
	_ =	sdelay $0x3  }
0x37: {  	[smem:$0x3FB4] =	sst s10  }
0x38: {  	s10 =	sld [smem:$0x3FB5]  }
0x39: {  	_ = 	snop;
	(pc) =	sbr.ind lr, $3  }
0x3a: {  	_ = 	snop  }
0x3b: {  	_ = 	snop  }
0x3c: {  	p2 =	seq.s32 s10, $0x1;
	s10 =	sld [smem:$0x3FB4]  }
0x3d: {  	_ =	shalt  }
0x3e: {  	_ =	shalt  }
0x3f: {  	_ =	shalt  }
0x40: {  	_ =	shalt  }
0x41: {  	_ =	shalt  }
0x42: {  	_ =	shalt  }
0x43: {  	_ =	shalt  }
0x44: {  	_ =	shalt  }
0x45: {  	_ =	shalt  }
0x46: {  	_ =	shalt  }
0x47: {  	_ =	shalt  }
0x48: {  	_ =	shalt  }
0x49: {  	_ =	shalt  }
0x4a: {  	_ =	shalt  }
0x4b: {  	_ =	shalt  }
0x4c: {  	_ =	shalt  }
0x4d: {  	_ =	shalt  }
0x4e: {  	_ =	shalt  }
0x4f: {  	_ =	shalt  }
0x50: {  	_ =	shalt  }
0x51: {  	_ =	shalt  }
0x52: {  	_ =	shalt  }
0x53: {  	_ =	shalt  }
0x54: {  	_ =	shalt  }
0x55: {  	_ =	shalt  }
0x56: {  	_ =	shalt  }
0x57: {  	_ =	shalt  }
0x58: {  	_ =	shalt  }
0x59: {  	_ =	shalt  }
0x5a: {  	_ =	shalt  }
0x5b: {  	_ =	shalt  }
0x5c: {  	_ =	shalt  }
0x5d: {  	_ =	shalt  }
0x5e: {  	_ =	shalt  }
0x5f: {  	_ =	shalt  }
0x60: {  	_ =	shalt  }
0x61: {  	_ =	shalt  }
0x62: {  	_ =	shalt  }
0x63: {  	_ =	shalt  }
0x64: {  	_ =	shalt  }
0x65: {  	_ =	shalt  }
0x66: {  	_ =	shalt  }
0x67: {  	_ =	shalt  }
0x68: {  	_ =	shalt  }
0x69: {  	_ =	shalt  }
0x6a: {  	_ =	shalt  }
0x6b: {  	_ =	shalt  }
0x6c: {  	_ =	shalt  }
0x6d: {  	_ =	shalt  }
0x6e: {  	_ =	shalt  }
0x6f: {  	_ =	shalt  }
0x70: {  	_ =	shalt  }
0x71: {  	_ =	shalt  }
0x72: {  	_ =	shalt  }
0x73: {  	_ =	shalt  }
0x74: {  	_ =	shalt  }
0x75: {  	_ =	shalt  }
0x76: {  	_ =	shalt  }
0x77: {  	_ =	shalt  }
0x78: {  	_ =	shalt  }
0x79: {  	_ =	shalt  }
0x7a: {  	_ =	shalt  }
0x7b: {  	_ =	shalt  }
0x7c: {  	_ =	shalt  }
0x7d: {  	_ =	shalt  }
0x7e: {  	_ =	shalt  }
0x7f: {  	_ =	shalt  }
0x80: {  	_ =	shalt  }
0x81: {  	_ =	shalt  }
0x82: {  	_ =	shalt  }
0x83: {  	_ =	shalt  }
0x84: {  	_ =	shalt  }
0x85: {  	_ =	shalt  }
0x86: {  	_ =	shalt  }
0x87: {  	_ =	shalt  }
.Lfunc_end0:
.L_simem_size_0:
called_computation.4_lowered:
.L_overlay_start_0:
0x88: {  	s2 =	sld [smem:$0x3FD9]  }
0x89: {  	s3 =	sld [smem:$0x3FFE];
	_ =	sdelay $0x1  }
0x8a: {  	s1 =	srdreg.scid  }
0x8b: {  	s0 =	sand.u32 $0x1, s1  }
0x8c: {  	s17 =	sshll.u32 s0, $0xA;
	s2 =	sadd.s32 s3, s2  }
0x8d: {  	s2 =	sadd.s32 s2, s17  }
0x8e: {  	[smem:$0x3FC0] =	sst s2  }
0x8f: {  	_ = 	snop  }
0x90: {  	s18 =	sld [smem:$0x3FC9];
	(tm) =	ssettm $0x1  }
0x91: {  	s19 =	sld [smem:$0x3FFB];
	_ =	sdelay $0x3  }
0x92: {  	_ =	strace s19  }
0x93: {  	s2 =	sld [smem:$0x3FFC];
	_ =	sdelay $0x3  }
0x94: {  	_ =	strace s2  }
0x95: {  	s2 =	sld [smem:$0x3FFD];
	_ =	sdelay $0x3  }
0x96: {  	_ =	strace s2  }
0x97: {  	_ =	strace $0x8FFFFFFF  }
0x98: {  	s20 =	sld [smem:$0x3FDB];
	_ =	sdelay $0x1  }
0x99: {  	s4 =	simm.s32 $_scs_section_size  }
0x9a: {  	s5 =	simm.s32 $_size__tile_overlayer_lowered;
	s6 =	simm.s32 $_tile_overlayer_lowered  }
0x9b: {  	s7 =	simm.s32 $0x1BFF;
	s21 =	sshll.u32 s6, $0x1;
	s4 =	sadd.s32 s4, s20  }
0x9c: {  	s22 =	simm.s32 $0x0;
	s5 =	sshll.u32 s5, $0x1;
	s6 =	sadd.s32 s21, s4  }
0x9d: {  	[timem:s22], [sflag:s7] =	dma.local [hbm:s6], s5  }
0x9e: {  	_ =	swait.ge [sflag:s7], s5  }
0x9f: {  	s5 =	ssub.s32 $0x0, s5;
	[sflag:s7] =	ssyncset.done $0x0  }
0xa0: {  	[sflag:s7] =	ssyncadd.s32 s5;
	_ =	sdelay $0x1  }
0xa1: {  	s23 =	simm.s32 $0x1B8B  }
0xa2: {  	_ =	swait.ge [sflag:s23], $0x1  }
0xa3: {  	[sflag:s23] =	ssyncset.done $0x0  }
0xa4: {  	[sflag:s23] =	ssyncadd.s32 $0xFFFFFFFF  }
0xa5: {  	s5 =	sld [smem:$0x0]  }
0xa6: {  	s6 =	sand.u32 $0xFFFFFFFE, s1  }
0xa7: {  	p0 =	sne.s32 s1, s6  }
0xa8: {  	s6 =	sshll.u32 @p0 s6, $0xE  }
0xa9: {  	s6 =	sadd.s32 @p0 $0x11B8D, s6;
	s7 =	sshll.u32 @p0 s5, $0x11  }
0xaa: {  	s6 =	sor.u32 @p0 s7, s6  }
0xab: {  	[sflag:s6] =	ssyncadd.remote.s32 @p0 $0x1;
	_ =	sdelay $0x1  }
0xac: {  	s6 =	simm.s32 @p0 $0x1B8D  }
0xad: {  	_ =	swait.eq @p0 [sflag:s6], $0x1  }
0xae: {  	[sflag:s6] =	ssyncadd.s32 @p0 $0xFFFFFFFF  }
0xaf: {  	s7 =	sshll.u32 @!p0 s1, $0xE  }
0xb0: {  	s7 =	sor.u32 @!p0 $0x4000, s7;
	s6 =	simm.s32 @!p0 $0x1B8D  }
0xb1: {  	s5 =	sshll.u32 @!p0 s5, $0x11;
	s7 =	sadd.s32 @!p0 $0x11B8D, s7;
	_ =	swait.eq @!p0 [sflag:s6], $0x1  }
0xb2: {  	s5 =	sor.u32 @!p0 s5, s7;
	[sflag:s6] =	ssyncadd.s32 @!p0 $0xFFFFFFFF  }
0xb3: {  	s25 =	simm.s32 $0x1B8E;
	s24 =	sld [smem:$0x3FFE];
	[sflag:s5] =	ssyncadd.remote.s32 @!p0 $0x1  }
0xb4: {  	s26 =	simm.s32 $execute0_lowered;
	[smem:$0x3FD2] =	sst s25  }
0xb5: {  	s6 =	sshll.u32 s26, $0x1;
	_ =	strace $0x80000052;
	[dreg:$0x1] =	wrdreg $0xFFFFFFFF  }
0xb6: {  	s28 =	simm.s32 $_size_execute0_lowered;
	s4 =	sadd.s32 s4, s6;
	[dreg:$0x0] =	wrdreg $0x0  }
0xb7: {  	s6 =	sshll.u32 s28, $0x1;
	[dreg:$0x2] =	wrdreg s4  }
0xb8: {  	[dreg:$0x3] =	wrdreg s6  }
0xb9: {  	[dreg:$0x4] =	wrdreg $0xC0  }
0xba: {  	_ =	task [dreg:s22], $0x5FFFF  }
0xbb: {  	[dreg:$0x1] =	wrdreg $0xFFFFFFFF  }
0xbc: {  	[dreg:$0x0] =	wrdreg $0x60  }
0xbd: {  	[dreg:$0x2] =	wrdreg s18  }
0xbe: {  	[dreg:$0x3] =	wrdreg s24  }
0xbf: {  	[dreg:$0x4] =	wrdreg $0xD  }
0xc0: {  	_ =	task.clear_ibuf [dreg:s22], $0x5FFFF;
	_ =	strace $0x90000052  }
0xc1: {  	s29 =	simm.s32 $0xD;
	_ =	strace $0x80000054  }
0xc2: {  	_ =	swait.ge [sflag:s29], $0x1  }
0xc3: {  	[sflag:s29] =	ssyncadd.s32 $0xFFFFFFFF  }
0xc4: {  	_ =	strace $0x90000054  }
0xc5: {  	_ =	sfence  }
0xc6: {  	s30 =	sld [smem:$0x0];
	_ =	sdelay $0x2  }
0xc7: {  	s31 =	sshll.u32 s1, $0xD;
	s1 =	sshrl.u32 s1, $0x2  }
0xc8: {  	s4 =	sand.u32 $0x4000, s31;
	s1 =	sadd.s32 s1, s30  }
0xc9: {  	s0 =	sor.u32 s4, s0;
	s1 =	sshll.u32 s1, $0x11  }
0xca: {  	s0 =	sor.u32 s1, s0  }
0xcb: {  	s0 =	sadd.s32 $0x8F2B, s0  }
0xcc: {  	[sflag:s0] =	ssyncadd.remote.s32 $0x1  }
0xcd: {  	_ =	sfence.sel $0xFFFF  }
0xce: {  	[dreg:$0x0] =	wrdreg $0xFFFFFFFF;
	(pc) =	sbr.abs _section_cstart, $3  }
0xcf: {  	[dreg:$0x1] =	wrdreg $0xFFFFFFFF  }
0xd0: {  	_ =	task.clear_ibuf [dreg:s22], $0x2FFFF;
	_ =	strace $0x9FFFFFFF  }
0xd1: {  	(tm) =	ssettm $0x7FFFFFFF  }
tec
execute0_lowered:
.L_overlay_start_1:
0x0: {  	(tag) =	ssettag $0x1  }
0x1: {  	s1 =	rddreg [dreg:$0x0]  }
0x2: {  	s0 =	rddreg [dreg:$0x1]  }
0x3: {  	s3 =	simm.s32 $0x0;
	s2 =	srdreg.scid;
	s5 =	stileid.u32  }
0x4: {  	s8 =	simm.s32 $0x1000;
	s9 =	simm.s32 $0x1800;
	s10 =	simm.s32 $0x2000  }
0x5: {  	s11 =	simm.s32 $0x2800;
	s12 =	simm.s32 $0x3000;
	s18 =	simm.s32 $0x6000  }
0x6: {  	s19 =	simm.s32 $0x6800;
	s20 =	simm.s32 $0x7000;
	s21 =	simm.s32 $0x7800  }
0x7: {  	s22 =	simm.s32 $0x8000;
	s23 =	simm.s32 $0x8800;
	s25 =	simm.s32 $0x9800  }
0x8: {  	s28 =	simm.s32 $0xA800;
	s29 =	simm.s32 $0x1;
	s30 =	simm.s32 $0x4  }
0x9: {  	s31 =	simm.s32 $0x0;
	[smem:$0x7FF] =	sst s3;
	s2 =	sand.u32 $0x1, s2  }
0xa: {  	s4 =	sshll.u32 s5, $0xA;
	s5 =	smul.u32 $0xFA00, s5;
	_ =	strace $0x80000053  }
.Ltmp0:
0xb: {  	s6 =	sshll.u32 s2, $0x9;
	s7 =	ssub.s32 $0x2, s2;
	(pc) =	sbr.rel .LBB2_1-.Ltmp0, $4  }
0xc: {  	s2 =	smul.u32 $0x7D00, s2;
	s4 =	sor.u32 s6, s4;
	s26 =	sshrl.u32 s7, $0x1  }
0xd: {  	v2 =	vlaneseq.u32;
	s5 =	sadd.s32 s5, s0;
	s0 =	sadd.s32 s4, s0;
	s6 =	ssub.s32 s7, s26  }
0xe: {  	vm0 =	vmmov $0xffff;
	v1 =	vshrl.u32 v2, $0x3;
	s2 =	sadd.s32 s2, s5;
	s7 =	simm.s32 $0x5;
	s26 =	simm.s32 $0xA000  }
0xf: {  	v0 =	vand.u32 $0x7, v2;
	v2 =	vor.u32 $0x8, v2;
	v1 =	vmul.u32 $0x8, v1;
	s4 =	sadd.s32 $0x3FC800, s0;
	s5 =	smax.u32 s6, $0x1;
	s6 =	sadd.s32 $0x400800, s2  }
.LBB2_8:
0x10: {  	s31 =	sadd.s32 $0x1, s31  }
0x11: {  	p0 =	sne.s32 s31, s5  }
.Ltmp1:
0x12: {  	_ = 	snop;
	(pc) =	sbr.rel @!p0 .LBB2_9-.Ltmp1, $1  }
0x13: {  	_ =	sdelay $0x3  }
.LBB2_1:
0x14: {  	[tilespmem:s3], [sflag:$0x5] =	stream.linear.gather [hbm4b:s4+s3], $0xC80, $0x38;
	[tilespmem:$0xB000] =	vst v63  }
0x15: {  	_ =	swait.ge [sflag:s7], $0xC80  }
0x16: {  	[sflag:s7] =	ssyncset.done $0x0  }
0x17: {  	[sflag:s7] =	ssyncadd.s32 $0xFFFFF380  }
0x18: {  	v3 =	vld [tilespmem:$0x0];
	_ =	sdelay $0x4  }
0x19: {  	v4 =	vshll.u32 v3, $0x1  }
0x1a: {  	v3 =	vand.u32 $0x7, v3;
	v4 =	vand.u32 $0xFFFFFFF0, v4  }
0x1b: {  	v3 =	vor.u32 v3, v4  }
0x1c: {  	v4 =	vperm.xlane v3, v0;
	_ =	sdelay $0x1  }
0x1d: {  	v3 =	vperm.xlane v3, v2;
	v4 =	vadd.s32 v1, v4;
	_ =	sdelay $0x1  }
0x1e: {  	v3 =	vadd.s32 v1, v3;
	_ =	sdelay $0x2  }
0x1f: {  	[tilespmem:s8], [sflag:$0x1] =	stream.indirect_vreg.gather [hbm4b:s1+s3], $0x80, v4, vm0, $0xb8;
	[tilespmem:$0xB000] =	vst v63  }
0x20: {  	_ = 	snop  }
0x21: {  	[tilespmem:s9], [sflag:$0x1] =	stream.indirect_vreg.gather [hbm4b:s1+s3], $0x80, v3, vm0, $0xb8;
	[tilespmem:$0xB000] =	vst v63  }
0x22: {  	v3 =	vld [tilespmem:$0x10];
	_ =	sdelay $0x4  }
0x23: {  	v53 =	vshll.u32 v3, $0x1  }
0x24: {  	v3 =	vand.u32 $0x7, v3;
	v4 =	vand.u32 $0xFFFFFFF0, v53  }
0x25: {  	v3 =	vor.u32 v3, v4  }
0x26: {  	v4 =	vperm.xlane v3, v0;
	_ =	sdelay $0x1  }
0x27: {  	v3 =	vperm.xlane v3, v2;
	v4 =	vadd.s32 v1, v4;
	_ =	sdelay $0x1  }
0x28: {  	v3 =	vadd.s32 v1, v3;
	_ =	sdelay $0x2  }
0x29: {  	[tilespmem:s10], [sflag:$0x1] =	stream.indirect_vreg.gather [hbm4b:s1+s3], $0x80, v4, vm0, $0xb8;
	[tilespmem:$0xB000] =	vst v63  }
0x2a: {  	_ = 	snop  }
0x2b: {  	[tilespmem:s11], [sflag:$0x1] =	stream.indirect_vreg.gather [hbm4b:s1+s3], $0x80, v3, vm0, $0xb8;
	[tilespmem:$0xB000] =	vst v63  }
0x2c: {  	v3 =	vld.msk [tilespmem:$0x20], $0xff;
	_ =	sdelay $0x4  }
0x2d: {  	v54 =	vshll.u32 v3, $0x1  }
0x2e: {  	v3 =	vand.u32 $0x7, v3;
	v4 =	vand.u32 $0xFFFFFFF0, v54  }
0x2f: {  	v3 =	vor.u32 v3, v4  }
0x30: {  	v3 =	vperm.xlane v3, v0;
	_ =	sdelay $0x1  }
0x31: {  	v3 =	vadd.s32 v1, v3;
	_ =	sdelay $0x4  }
0x32: {  	[tilespmem:s12], [sflag:$0x1] =	stream.indirect_vreg.gather [hbm4b:s1+s3], $0x80, v3, vm0, $0xb8;
	[tilespmem:$0xB000] =	vst v63  }
0x33: {  	v3 =	vld [tilespmem:$0x80];
	_ =	sdelay $0x4  }
0x34: {  	v55 =	vshll.u32 v3, $0x1  }
0x35: {  	v3 =	vand.u32 $0x7, v3;
	v4 =	vand.u32 $0xFFFFFFF0, v55  }
0x36: {  	v3 =	vor.u32 v3, v4  }
0x37: {  	v4 =	vperm.xlane v3, v0;
	_ =	sdelay $0x1  }
0x38: {  	v3 =	vperm.xlane v3, v2;
	v4 =	vadd.s32 v1, v4;
	_ =	sdelay $0x1  }
0x39: {  	v3 =	vadd.s32 v1, v3;
	_ =	sdelay $0x1  }
0x3a: {  	s0 =	simm.s32 $0x3800  }
0x3b: {  	[tilespmem:s0], [sflag:$0x2] =	stream.indirect_vreg.gather [hbm4b:s1+s3], $0x80, v4, vm0, $0xb8;
	[tilespmem:$0xB000] =	vst v63  }
0x3c: {  	s14 =	simm.s32 $0x4000  }
0x3d: {  	[tilespmem:s14], [sflag:$0x2] =	stream.indirect_vreg.gather [hbm4b:s1+s3], $0x80, v3, vm0, $0xb8;
	[tilespmem:$0xB000] =	vst v63  }
0x3e: {  	v3 =	vld [tilespmem:$0x90];
	_ =	sdelay $0x4  }
0x3f: {  	v56 =	vshll.u32 v3, $0x1  }
0x40: {  	v3 =	vand.u32 $0x7, v3;
	v4 =	vand.u32 $0xFFFFFFF0, v56  }
0x41: {  	v3 =	vor.u32 v3, v4  }
0x42: {  	v4 =	vperm.xlane v3, v0;
	_ =	sdelay $0x1  }
0x43: {  	v3 =	vperm.xlane v3, v2;
	v4 =	vadd.s32 v1, v4;
	_ =	sdelay $0x1  }
0x44: {  	v3 =	vadd.s32 v1, v3;
	_ =	sdelay $0x1  }
0x45: {  	s15 =	simm.s32 $0x4800  }
0x46: {  	[tilespmem:s15], [sflag:$0x2] =	stream.indirect_vreg.gather [hbm4b:s1+s3], $0x80, v4, vm0, $0xb8;
	[tilespmem:$0xB000] =	vst v63  }
0x47: {  	s16 =	simm.s32 $0x5000  }
0x48: {  	[tilespmem:s16], [sflag:$0x2] =	stream.indirect_vreg.gather [hbm4b:s1+s3], $0x80, v3, vm0, $0xb8;
	[tilespmem:$0xB000] =	vst v63  }
0x49: {  	v3 =	vld.msk [tilespmem:$0xA0], $0xff;
	_ =	sdelay $0x4  }
0x4a: {  	v57 =	vshll.u32 v3, $0x1  }
0x4b: {  	v3 =	vand.u32 $0x7, v3;
	v4 =	vand.u32 $0xFFFFFFF0, v57  }
0x4c: {  	v3 =	vor.u32 v3, v4  }
0x4d: {  	v3 =	vperm.xlane v3, v0;
	_ =	sdelay $0x1  }
0x4e: {  	v3 =	vadd.s32 v1, v3;
	_ =	sdelay $0x3  }
0x4f: {  	s17 =	simm.s32 $0x5800  }
0x50: {  	[tilespmem:s17], [sflag:$0x2] =	stream.indirect_vreg.gather [hbm4b:s1+s3], $0x80, v3, vm0, $0xb8;
	[tilespmem:$0xB000] =	vst v63  }
0x51: {  	v3 =	vld [tilespmem:$0x100];
	_ =	sdelay $0x4  }
0x52: {  	v58 =	vshll.u32 v3, $0x1  }
0x53: {  	v3 =	vand.u32 $0x7, v3;
	v4 =	vand.u32 $0xFFFFFFF0, v58  }
0x54: {  	v3 =	vor.u32 v3, v4  }
0x55: {  	v4 =	vperm.xlane v3, v0;
	_ =	sdelay $0x1  }
0x56: {  	v3 =	vperm.xlane v3, v2;
	v4 =	vadd.s32 v1, v4;
	_ =	sdelay $0x1  }
0x57: {  	v3 =	vadd.s32 v1, v3;
	_ =	sdelay $0x2  }
0x58: {  	[tilespmem:s18], [sflag:$0x3] =	stream.indirect_vreg.gather [hbm4b:s1+s3], $0x80, v4, vm0, $0xb8;
	[tilespmem:$0xB000] =	vst v63  }
0x59: {  	_ = 	snop  }
0x5a: {  	[tilespmem:s19], [sflag:$0x3] =	stream.indirect_vreg.gather [hbm4b:s1+s3], $0x80, v3, vm0, $0xb8;
	[tilespmem:$0xB000] =	vst v63  }
0x5b: {  	v3 =	vld [tilespmem:$0x110];
	_ =	sdelay $0x4  }
0x5c: {  	v59 =	vshll.u32 v3, $0x1  }
0x5d: {  	v3 =	vand.u32 $0x7, v3;
	v4 =	vand.u32 $0xFFFFFFF0, v59  }
0x5e: {  	v3 =	vor.u32 v3, v4  }
0x5f: {  	v4 =	vperm.xlane v3, v0;
	_ =	sdelay $0x1  }
0x60: {  	v3 =	vperm.xlane v3, v2;
	v4 =	vadd.s32 v1, v4;
	_ =	sdelay $0x1  }
0x61: {  	v3 =	vadd.s32 v1, v3;
	_ =	sdelay $0x2  }
0x62: {  	[tilespmem:s20], [sflag:$0x3] =	stream.indirect_vreg.gather [hbm4b:s1+s3], $0x80, v4, vm0, $0xb8;
	[tilespmem:$0xB000] =	vst v63  }
0x63: {  	_ = 	snop  }
0x64: {  	[tilespmem:s21], [sflag:$0x3] =	stream.indirect_vreg.gather [hbm4b:s1+s3], $0x80, v3, vm0, $0xb8;
	[tilespmem:$0xB000] =	vst v63  }
0x65: {  	v3 =	vld.msk [tilespmem:$0x120], $0xff;
	_ =	sdelay $0x4  }
0x66: {  	v60 =	vshll.u32 v3, $0x1  }
0x67: {  	v3 =	vand.u32 $0x7, v3;
	v4 =	vand.u32 $0xFFFFFFF0, v60  }
0x68: {  	v3 =	vor.u32 v3, v4  }
0x69: {  	v3 =	vperm.xlane v3, v0;
	_ =	sdelay $0x1  }
0x6a: {  	v3 =	vadd.s32 v1, v3;
	_ =	sdelay $0x4  }
0x6b: {  	[tilespmem:s22], [sflag:$0x3] =	stream.indirect_vreg.gather [hbm4b:s1+s3], $0x80, v3, vm0, $0xb8;
	[tilespmem:$0xB000] =	vst v63  }
0x6c: {  	v3 =	vld [tilespmem:$0x180];
	_ =	sdelay $0x4  }
0x6d: {  	v61 =	vshll.u32 v3, $0x1  }
0x6e: {  	v3 =	vand.u32 $0x7, v3;
	v4 =	vand.u32 $0xFFFFFFF0, v61  }
0x6f: {  	v3 =	vor.u32 v3, v4  }
0x70: {  	v4 =	vperm.xlane v3, v0;
	_ =	sdelay $0x1  }
0x71: {  	v3 =	vperm.xlane v3, v2;
	v4 =	vadd.s32 v1, v4;
	_ =	sdelay $0x1  }
0x72: {  	v3 =	vadd.s32 v1, v3;
	_ =	sdelay $0x2  }
0x73: {  	[tilespmem:s23], [sflag:$0x4] =	stream.indirect_vreg.gather [hbm4b:s1+s3], $0x80, v4, vm0, $0xb8;
	[tilespmem:$0xB000] =	vst v63  }
0x74: {  	s24 =	simm.s32 $0x9000  }
0x75: {  	[tilespmem:s24], [sflag:$0x4] =	stream.indirect_vreg.gather [hbm4b:s1+s3], $0x80, v3, vm0, $0xb8;
	[tilespmem:$0xB000] =	vst v63  }
0x76: {  	v3 =	vld [tilespmem:$0x190];
	_ =	sdelay $0x4  }
0x77: {  	v62 =	vshll.u32 v3, $0x1  }
0x78: {  	v3 =	vand.u32 $0x7, v3;
	v4 =	vand.u32 $0xFFFFFFF0, v62  }
0x79: {  	v3 =	vor.u32 v3, v4  }
0x7a: {  	v4 =	vperm.xlane v3, v0;
	_ =	sdelay $0x1  }
0x7b: {  	v3 =	vperm.xlane v3, v2;
	v4 =	vadd.s32 v1, v4;
	_ =	sdelay $0x1  }
0x7c: {  	v3 =	vadd.s32 v1, v3;
	_ =	sdelay $0x2  }
0x7d: {  	[tilespmem:s25], [sflag:$0x4] =	stream.indirect_vreg.gather [hbm4b:s1+s3], $0x80, v4, vm0, $0xb8;
	[tilespmem:$0xB000] =	vst v63  }
0x7e: {  	_ = 	snop  }
0x7f: {  	[tilespmem:s26], [sflag:$0x4] =	stream.indirect_vreg.gather [hbm4b:s1+s3], $0x80, v3, vm0, $0xb8;
	[tilespmem:$0xB000] =	vst v63  }
0x80: {  	v3 =	vld.msk [tilespmem:$0x1A0], $0xff;
	_ =	sdelay $0x4  }
0x81: {  	v63 =	vshll.u32 v3, $0x1  }
0x82: {  	v3 =	vand.u32 $0x7, v3;
	v4 =	vand.u32 $0xFFFFFFF0, v63  }
0x83: {  	v3 =	vor.u32 v3, v4  }
0x84: {  	v3 =	vperm.xlane v3, v0;
	_ =	sdelay $0x1  }
0x85: {  	v3 =	vadd.s32 v1, v3  }
.Ltmp2:
0x86: {  	_ = 	snop;
	(pc) =	sbr.rel .LBB2_2-.Ltmp2, $4  }
0x87: {  	_ = 	snop  }
0x88: {  	s2 =	simm.s32 $0x3A0  }
0x89: {  	s13 =	simm.s32 $0x0;
	s0 =	simm.s32 $0x3;
	s14 =	simm.s32 $0x0  }
0x8a: {  	[tilespmem:s28], [sflag:$0x4] =	stream.indirect_vreg.gather [hbm4b:s1+s3], $0x80, v3, vm0, $0xb8;
	[tilespmem:$0xB000] =	vst v63  }
.LBB2_5:
0x8b: {  	v3 =	vld [tilespmem:s2+$0xFFFFFF60];
	_ =	sdelay $0x4  }
0x8c: {  	v4 =	vshll.u32 v3, $0x1  }
0x8d: {  	v3 =	vand.u32 $0x7, v3;
	v4 =	vand.u32 $0xFFFFFFF0, v4  }
0x8e: {  	v3 =	vor.u32 v3, v4  }
0x8f: {  	v4 =	vperm.xlane v3, v0;
	_ =	sdelay $0x1  }
0x90: {  	v3 =	vperm.xlane v3, v2;
	v4 =	vadd.s32 v1, v4;
	_ =	sdelay $0x1  }
0x91: {  	v3 =	vadd.s32 v1, v3;
	_ =	sdelay $0x2  }
0x92: {  	[tilespmem:s18], [sflag:$0x3] =	stream.indirect_vreg.gather [hbm4b:s1+s3], $0x80, v4, vm0, $0xb8;
	[tilespmem:$0xB000] =	vst v63  }
0x93: {  	_ = 	snop  }
0x94: {  	[tilespmem:s19], [sflag:$0x3] =	stream.indirect_vreg.gather [hbm4b:s1+s3], $0x80, v3, vm0, $0xb8;
	[tilespmem:$0xB000] =	vst v63  }
0x95: {  	v3 =	vld [tilespmem:s2+$0xFFFFFF70];
	_ =	sdelay $0x4  }
0x96: {  	v62 =	vshll.u32 v3, $0x1  }
0x97: {  	v3 =	vand.u32 $0x7, v3;
	v4 =	vand.u32 $0xFFFFFFF0, v62  }
0x98: {  	v3 =	vor.u32 v3, v4  }
0x99: {  	v4 =	vperm.xlane v3, v0;
	_ =	sdelay $0x1  }
0x9a: {  	v3 =	vperm.xlane v3, v2;
	v4 =	vadd.s32 v1, v4;
	_ =	sdelay $0x1  }
0x9b: {  	v3 =	vadd.s32 v1, v3;
	_ =	sdelay $0x2  }
0x9c: {  	[tilespmem:s20], [sflag:$0x3] =	stream.indirect_vreg.gather [hbm4b:s1+s3], $0x80, v4, vm0, $0xb8;
	[tilespmem:$0xB000] =	vst v63  }
0x9d: {  	_ = 	snop  }
0x9e: {  	[tilespmem:s21], [sflag:$0x3] =	stream.indirect_vreg.gather [hbm4b:s1+s3], $0x80, v3, vm0, $0xb8;
	[tilespmem:$0xB000] =	vst v63  }
0x9f: {  	v3 =	vld.msk [tilespmem:s2+$0xFFFFFF80], $0xff;
	_ =	sdelay $0x4  }
0xa0: {  	v63 =	vshll.u32 v3, $0x1  }
0xa1: {  	v3 =	vand.u32 $0x7, v3;
	v4 =	vand.u32 $0xFFFFFFF0, v63  }
0xa2: {  	v3 =	vor.u32 v3, v4  }
0xa3: {  	v3 =	vperm.xlane v3, v0;
	_ =	sdelay $0x1  }
0xa4: {  	v3 =	vadd.s32 v1, v3;
	_ =	sdelay $0x3  }
0xa5: {  	p0 =	por $0x1, $0x1  }
0xa6: {  	[tilespmem:s22], [sflag:$0x3] =	stream.indirect_vreg.gather [hbm4b:s1+s3], $0x80, v3, vm0, $0xb8;
	[tilespmem:$0xB000] =	vst v63  }
.LBB2_6:
0xa7: {  	_ =	swait.ge [sflag:s30], $0x2800  }
0xa8: {  	[sflag:s30] =	ssyncset.done $0x0  }
0xa9: {  	s15 =	sadd.s32 $0xF00, s15;
	[sflag:s30] =	ssyncadd.s32 $0xFFFFD800  }
0xaa: {  	[hbm4b:s15+s3] =	stream.linear.scatter [tilespmem:s23], [sflag:$0x5], $0x2800, $0x38;
	[tilespmem:$0xB000] =	vst v63  }
0xab: {  	_ =	swait.ge [sflag:s7], $0x2800  }
0xac: {  	[sflag:s7] =	ssyncset.done $0x0  }
0xad: {  	[sflag:s7] =	ssyncadd.s32 $0xFFFFD800  }
0xae: {  	v3 =	vld @p0 [tilespmem:s2+$0xFFFFFFE0];
	_ =	sdelay $0x4  }
0xaf: {  	v4 =	vshll.u32 @p0 v3, $0x1  }
0xb0: {  	v5 =	vlaneseq.u32 @p0;
	v3 =	vand.u32 @p0 $0x7, v3;
	v4 =	vand.u32 @p0 $0xFFFFFFF0, v4  }
0xb1: {  	v6 =	vshrl.u32 @p0 v5, $0x3;
	v3 =	vor.u32 @p0 v3, v4;
	v4 =	vand.u32 @p0 $0x7, v5  }
0xb2: {  	v6 =	vmul.u32 @p0 $0x8, v6;
	v7 =	vperm.xlane @p0 v3, v4  }
0xb3: {  	v5 =	vor.u32 @p0 $0x8, v5  }
0xb4: {  	v3 =	vperm.xlane @p0 v3, v5;
	v7 =	vadd.s32 @p0 v6, v7;
	_ =	sdelay $0x1  }
0xb5: {  	v3 =	vadd.s32 @p0 v6, v3;
	_ =	sdelay $0x1  }
0xb6: {  	vm1 =	vmmov @p0 $0xffff;
	s16 =	simm.s32 @p0 $0x8800;
	s15 =	simm.s32 @p0 $0x0  }
0xb7: {  	[tilespmem:s16], [sflag:$0x4] =	stream.indirect_vreg.gather @p0 [hbm4b:s1+s15], $0x80, v7, vm1, $0xb8;
	[tilespmem:$0xB000] =	vst v63  }
0xb8: {  	s16 =	simm.s32 @p0 $0x9000  }
0xb9: {  	[tilespmem:s16], [sflag:$0x4] =	stream.indirect_vreg.gather @p0 [hbm4b:s1+s15], $0x80, v3, vm1, $0xb8;
	[tilespmem:$0xB000] =	vst v63  }
0xba: {  	v3 =	vld @p0 [tilespmem:s2+$0xFFFFFFF0];
	_ =	sdelay $0x4  }
0xbb: {  	v7 =	vshll.u32 @p0 v3, $0x1  }
0xbc: {  	v3 =	vand.u32 @p0 $0x7, v3;
	v7 =	vand.u32 @p0 $0xFFFFFFF0, v7  }
0xbd: {  	v3 =	vor.u32 @p0 v3, v7  }
0xbe: {  	v7 =	vperm.xlane @p0 v3, v4;
	_ =	sdelay $0x1  }
0xbf: {  	v3 =	vperm.xlane @p0 v3, v5;
	v7 =	vadd.s32 @p0 v6, v7;
	_ =	sdelay $0x1  }
0xc0: {  	v3 =	vadd.s32 @p0 v6, v3;
	_ =	sdelay $0x1  }
0xc1: {  	s16 =	simm.s32 @p0 $0x9800  }
0xc2: {  	[tilespmem:s16], [sflag:$0x4] =	stream.indirect_vreg.gather @p0 [hbm4b:s1+s15], $0x80, v7, vm1, $0xb8;
	[tilespmem:$0xB000] =	vst v63  }
0xc3: {  	s16 =	simm.s32 @p0 $0xA000  }
0xc4: {  	[tilespmem:s16], [sflag:$0x4] =	stream.indirect_vreg.gather @p0 [hbm4b:s1+s15], $0x80, v3, vm1, $0xb8;
	[tilespmem:$0xB000] =	vst v63  }
0xc5: {  	v3 =	vld.msk @p0 [tilespmem:s2+$0x0], $0xff;
	_ =	sdelay $0x4  }
0xc6: {  	v5 =	vshll.u32 @p0 v3, $0x1  }
0xc7: {  	v3 =	vand.u32 @p0 $0x7, v3;
	v5 =	vand.u32 @p0 $0xFFFFFFF0, v5  }
0xc8: {  	v3 =	vor.u32 @p0 v3, v5  }
0xc9: {  	v3 =	vperm.xlane @p0 v3, v4;
	_ =	sdelay $0x1  }
0xca: {  	v3 =	vadd.s32 @p0 v6, v3;
	_ =	sdelay $0x3  }
0xcb: {  	s16 =	simm.s32 @p0 $0xA800  }
0xcc: {  	[tilespmem:s16], [sflag:$0x4] =	stream.indirect_vreg.gather @p0 [hbm4b:s1+s15], $0x80, v3, vm1, $0xb8;
	[tilespmem:$0xB000] =	vst v63  }
.LBB2_7:
0xcd: {  	s13 =	sadd.s32 $0x1400, s13  }
0xce: {  	p0 =	sne.s32 s13, $0x8C00  }
.Ltmp3:
0xcf: {  	_ = 	snop;
	(pc) =	sbr.rel @!p0 .LBB2_8-.Ltmp3, $2  }
0xd0: {  	_ =	sdelay $0x2  }
0xd1: {  	s14 =	sadd.s32 $0x1, s14;
	s0 =	sadd.s32 $0x4, s0;
	s2 =	sadd.s32 $0x200, s2  }
.LBB2_2:
0xd2: {  	_ =	swait.ge [sflag:s29], $0x2800  }
0xd3: {  	p0 =	seq.s32 s13, $0x7800;
	[sflag:s29] =	ssyncset.done $0x0  }
.Ltmp4:
0xd4: {  	s15 =	sadd.s32 s13, s6;
	[sflag:s29] =	ssyncadd.s32 $0xFFFFD800;
	(pc) =	sbr.rel @p0 .LBB2_8-.Ltmp4, $4  }
0xd5: {  	[hbm4b:s15+s3] =	stream.linear.scatter [tilespmem:s8], [sflag:$0x5], $0x2800, $0x38;
	[tilespmem:$0xB000] =	vst v63  }
0xd6: {  	_ =	swait.ge [sflag:s7], $0x2800  }
0xd7: {  	[sflag:s7] =	ssyncset.done $0x0  }
0xd8: {  	[sflag:s7] =	ssyncadd.s32 $0xFFFFD800  }
0xd9: {  	v3 =	vld [tilespmem:s2+$0xFFFFFE60];
	_ =	sdelay $0x4  }
0xda: {  	v4 =	vshll.u32 v3, $0x1  }
0xdb: {  	v3 =	vand.u32 $0x7, v3;
	v4 =	vand.u32 $0xFFFFFFF0, v4  }
0xdc: {  	v3 =	vor.u32 v3, v4  }
0xdd: {  	v4 =	vperm.xlane v3, v0;
	_ =	sdelay $0x1  }
0xde: {  	v3 =	vperm.xlane v3, v2;
	v4 =	vadd.s32 v1, v4;
	_ =	sdelay $0x1  }
0xdf: {  	v3 =	vadd.s32 v1, v3;
	_ =	sdelay $0x2  }
0xe0: {  	[tilespmem:s8], [sflag:$0x1] =	stream.indirect_vreg.gather [hbm4b:s1+s3], $0x80, v4, vm0, $0xb8;
	[tilespmem:$0xB000] =	vst v63  }
0xe1: {  	_ = 	snop  }
0xe2: {  	[tilespmem:s9], [sflag:$0x1] =	stream.indirect_vreg.gather [hbm4b:s1+s3], $0x80, v3, vm0, $0xb8;
	[tilespmem:$0xB000] =	vst v63  }
0xe3: {  	v3 =	vld [tilespmem:s2+$0xFFFFFE70];
	_ =	sdelay $0x4  }
0xe4: {  	v62 =	vshll.u32 v3, $0x1  }
0xe5: {  	v3 =	vand.u32 $0x7, v3;
	v4 =	vand.u32 $0xFFFFFFF0, v62  }
0xe6: {  	v3 =	vor.u32 v3, v4  }
0xe7: {  	v4 =	vperm.xlane v3, v0;
	_ =	sdelay $0x1  }
0xe8: {  	v3 =	vperm.xlane v3, v2;
	v4 =	vadd.s32 v1, v4;
	_ =	sdelay $0x1  }
0xe9: {  	v3 =	vadd.s32 v1, v3;
	_ =	sdelay $0x2  }
0xea: {  	[tilespmem:s10], [sflag:$0x1] =	stream.indirect_vreg.gather [hbm4b:s1+s3], $0x80, v4, vm0, $0xb8;
	[tilespmem:$0xB000] =	vst v63  }
0xeb: {  	_ = 	snop  }
0xec: {  	[tilespmem:s11], [sflag:$0x1] =	stream.indirect_vreg.gather [hbm4b:s1+s3], $0x80, v3, vm0, $0xb8;
	[tilespmem:$0xB000] =	vst v63  }
0xed: {  	v3 =	vld.msk [tilespmem:s2+$0xFFFFFE80], $0xff;
	_ =	sdelay $0x4  }
0xee: {  	v63 =	vshll.u32 v3, $0x1  }
0xef: {  	v3 =	vand.u32 $0x7, v3;
	v4 =	vand.u32 $0xFFFFFFF0, v63  }
0xf0: {  	v3 =	vor.u32 v3, v4  }
0xf1: {  	v3 =	vperm.xlane v3, v0;
	_ =	sdelay $0x1  }
0xf2: {  	v3 =	vadd.s32 v1, v3;
	_ =	sdelay $0x1  }
0xf3: {  	s16 =	sadd.s32 $0xFFFFFFFE, s0  }
0xf4: {  	p0 =	sgt.u32 s16, $0x18  }
0xf5: {  	s16 =	simm.s32 @!p0 $0x2  }
0xf6: {  	[tilespmem:s12], [sflag:$0x1] =	stream.indirect_vreg.gather [hbm4b:s1+s3], $0x80, v3, vm0, $0xb8;
	[tilespmem:$0xB000] =	vst v63  }
0xf7: {  	_ =	swait.ge @!p0 [sflag:s16], $0x2800  }
0xf8: {  	[sflag:s16] =	ssyncset.done @!p0 $0x0  }
0xf9: {  	[sflag:s16] =	ssyncadd.s32 @!p0 $0xFFFFD800;
	s16 =	sadd.s32 @!p0 s13, s6  }
0xfa: {  	s17 =	simm.s32 @!p0 $0x0;
	s24 =	simm.s32 @!p0 $0x3800;
	s16 =	sadd.s32 @!p0 $0x500, s16  }
0xfb: {  	[hbm4b:s16+s17] =	stream.linear.scatter @!p0 [tilespmem:s24], [sflag:$0x5], $0x2800, $0x38;
	[tilespmem:$0xB000] =	vst v63  }
0xfc: {  	s16 =	simm.s32 @!p0 $0x5  }
0xfd: {  	_ =	swait.ge @!p0 [sflag:s16], $0x2800  }
0xfe: {  	[sflag:s16] =	ssyncset.done @!p0 $0x0  }
0xff: {  	[sflag:s16] =	ssyncadd.s32 @!p0 $0xFFFFD800;
	p0 =	sgt.u32 s14, $0x4  }
0x100: {  	v3 =	vld @!p0 [tilespmem:s2+$0xFFFFFEE0];
	_ =	sdelay $0x4  }
0x101: {  	v4 =	vshll.u32 @!p0 v3, $0x1  }
0x102: {  	v5 =	vlaneseq.u32 @!p0;
	v3 =	vand.u32 @!p0 $0x7, v3;
	v4 =	vand.u32 @!p0 $0xFFFFFFF0, v4  }
0x103: {  	v6 =	vshrl.u32 @!p0 v5, $0x3;
	v3 =	vor.u32 @!p0 v3, v4;
	v4 =	vand.u32 @!p0 $0x7, v5  }
0x104: {  	v6 =	vmul.u32 @!p0 $0x8, v6;
	v7 =	vperm.xlane @!p0 v3, v4  }
0x105: {  	v5 =	vor.u32 @!p0 $0x8, v5  }
0x106: {  	v3 =	vperm.xlane @!p0 v3, v5;
	v7 =	vadd.s32 @!p0 v6, v7;
	_ =	sdelay $0x1  }
0x107: {  	v3 =	vadd.s32 @!p0 v6, v3;
	_ =	sdelay $0x1  }
0x108: {  	vm1 =	vmmov @!p0 $0xffff;
	s16 =	simm.s32 @!p0 $0x0;
	s17 =	simm.s32 @!p0 $0x3800  }
0x109: {  	[tilespmem:s17], [sflag:$0x2] =	stream.indirect_vreg.gather @!p0 [hbm4b:s1+s16], $0x80, v7, vm1, $0xb8;
	[tilespmem:$0xB000] =	vst v63  }
0x10a: {  	s17 =	simm.s32 @!p0 $0x4000  }
0x10b: {  	[tilespmem:s17], [sflag:$0x2] =	stream.indirect_vreg.gather @!p0 [hbm4b:s1+s16], $0x80, v3, vm1, $0xb8;
	[tilespmem:$0xB000] =	vst v63  }
0x10c: {  	v3 =	vld @!p0 [tilespmem:s2+$0xFFFFFEF0];
	_ =	sdelay $0x4  }
0x10d: {  	v7 =	vshll.u32 @!p0 v3, $0x1  }
0x10e: {  	v3 =	vand.u32 @!p0 $0x7, v3;
	v7 =	vand.u32 @!p0 $0xFFFFFFF0, v7  }
0x10f: {  	v3 =	vor.u32 @!p0 v3, v7  }
0x110: {  	v7 =	vperm.xlane @!p0 v3, v4;
	_ =	sdelay $0x1  }
0x111: {  	v3 =	vperm.xlane @!p0 v3, v5;
	v7 =	vadd.s32 @!p0 v6, v7;
	_ =	sdelay $0x1  }
0x112: {  	v3 =	vadd.s32 @!p0 v6, v3;
	_ =	sdelay $0x1  }
0x113: {  	s17 =	simm.s32 @!p0 $0x4800  }
0x114: {  	[tilespmem:s17], [sflag:$0x2] =	stream.indirect_vreg.gather @!p0 [hbm4b:s1+s16], $0x80, v7, vm1, $0xb8;
	[tilespmem:$0xB000] =	vst v63  }
0x115: {  	s17 =	simm.s32 @!p0 $0x5000  }
0x116: {  	[tilespmem:s17], [sflag:$0x2] =	stream.indirect_vreg.gather @!p0 [hbm4b:s1+s16], $0x80, v3, vm1, $0xb8;
	[tilespmem:$0xB000] =	vst v63  }
0x117: {  	v3 =	vld.msk @!p0 [tilespmem:s2+$0xFFFFFF00], $0xff;
	_ =	sdelay $0x4  }
0x118: {  	v5 =	vshll.u32 @!p0 v3, $0x1  }
0x119: {  	v3 =	vand.u32 @!p0 $0x7, v3;
	v5 =	vand.u32 @!p0 $0xFFFFFFF0, v5  }
0x11a: {  	v3 =	vor.u32 @!p0 v3, v5  }
0x11b: {  	v3 =	vperm.xlane @!p0 v3, v4;
	_ =	sdelay $0x1  }
0x11c: {  	v3 =	vadd.s32 @!p0 v6, v3;
	_ =	sdelay $0x3  }
0x11d: {  	s24 =	sadd.s32 $0xFFFFFFFF, s0;
	s17 =	simm.s32 @!p0 $0x5800  }
0x11e: {  	[tilespmem:s17], [sflag:$0x2] =	stream.indirect_vreg.gather @!p0 [hbm4b:s1+s16], $0x80, v3, vm1, $0xb8;
	[tilespmem:$0xB000] =	vst v63  }
0x11f: {  	p0 =	sgt.u32 s24, $0x18  }
0x120: {  	s16 =	simm.s32 @!p0 $0x3  }
0x121: {  	_ =	swait.ge @!p0 [sflag:s16], $0x2800  }
0x122: {  	s17 =	simm.s32 @!p0 $0x0;
	[sflag:s16] =	ssyncset.done @!p0 $0x0  }
0x123: {  	p1 =	slt.u32 @!p0 s14, $0x5;
	[sflag:s16] =	ssyncadd.s32 @!p0 $0xFFFFD800;
	s16 =	sadd.s32 @!p0 s13, s6  }
0x124: {  	s24 =	simm.s32 @!p0 $0x6000;
	p1 =	por p0, !p1;
	s16 =	sadd.s32 @!p0 $0xA00, s16  }
0x125: {  	[hbm4b:s16+s17] =	stream.linear.scatter @!p0 [tilespmem:s24], [sflag:$0x5], $0x2800, $0x38;
	[tilespmem:$0xB000] =	vst v63  }
.Ltmp5:
0x126: {  	_ = 	snop;
	(pc) =	sbr.rel @!p1 .LBB2_5-.Ltmp5, $4  }
0x127: {  	s16 =	simm.s32 @!p0 $0x5  }
0x128: {  	_ =	swait.ge @!p0 [sflag:s16], $0x2800  }
0x129: {  	[sflag:s16] =	ssyncset.done @!p0 $0x0  }
0x12a: {  	[sflag:s16] =	ssyncadd.s32 @!p0 $0xFFFFD800  }
0x12b: {  	p1 =	slt.u32 s0, $0x19  }
.Ltmp6:
0x12c: {  	_ = 	snop;
	(pc) =	sbr.rel @p1 .LBB2_6-.Ltmp6, $4  }
.Ltmp7:
0x12d: {  	_ = 	snop;
	(pc) =	sbr.rel @!p1 .LBB2_7-.Ltmp7, $4  }
0x12e: {  	_ = 	snop  }
0x12f: {  	_ = 	snop  }
0x130: {  	p0 =	por $0x0, $0x0  }
0x131: {  	_ = 	snop  }
.LBB2_9:
0x132: {  	_ =	sfence.sel $0x180000  }
0x133: {  	[bflag:$0x0] =	sbarrier.arrive $0xFFFF  }
0x134: {  	_ =	strace $0x90000053  }
0x135: {  	s0 =	stileid.u32;
	[bflag:$0x2] =	sbarrier.arrive $0xFFFF  }
0x136: {  	p0 =	sne.s32 s0, $0x0;
	s0 =	rddreg [dreg:$0x2]  }
0x137: {  	s0 =	sadd.s32 @!p0 $0x100000, s0  }
0x138: {  	[sflag:s0] =	ssyncadd.tile.s32 @!p0 $0x1;
	_ =	shalt  }
.Lfunc_end2:
_tile_overlayer_lowered:
.L_overlay_start_2:
0x139: {  	(tag) =	ssettag $0x2  }
0x13a: {  	s0 =	rddreg [dreg:$0x0];
	s2 =	stileid.u32  }
0x13b: {  	s1 =	rddreg [dreg:$0x1];
	p0 =	sne.s32 s2, $0x0  }
0x13c: {  	s3 =	rddreg [dreg:$0x2];
	[bflag:$0x3] =	sbarrier.arrive $0xFFFF;
	s2 =	simm.s32 @!p0 $0x1C05  }
0x13d: {  	[timem:s3], [sflag:s2] =	dma.local @!p0 [hbm:s0], s1  }
0x13e: {  	s0 =	simm.s32 @!p0 $0x5  }
0x13f: {  	_ =	swait.ge @!p0 [sflag:s0], s1  }
0x140: {  	s1 =	ssub.s32 @!p0 $0x0, s1;
	[sflag:s0] =	ssyncset.done @!p0 $0x0  }
0x141: {  	[sflag:s0] =	ssyncadd.s32 @!p0 s1  }
0x142: {  	[bflag:$0x3] =	sbarrier.arrive $0xFFFF  }
0x143: {  	_ =	shalt  }

</sc_bundles>
